<compile_context>
chip_gen: v7x
topology: tpu7x:2x2x1
jax: 0.10.2.dev20260603
libtpu: 0.0.44.dev20260713+nightly
codegen_flags: <defaults>
</compile_context>

<pallas_src>
import functools

import jax
import jax.numpy as jnp
from jax import lax
from jax.experimental import pallas as pl
from jax.experimental.pallas import tpu as pltpu
from jax.experimental.pallas import tpu_sc as plsc

B = 64
N = 20000
K = 1000
L = 16
NV = N // L
WINB = 1008
MIN32 = -0x80000000


def _iota():
  return lax.broadcasted_iota(jnp.int32, (L,), 0)


def _clear(hist, nvr):
  zero = jnp.zeros((L,), jnp.int32)

  def body(v, _):
    hist[pl.ds(v * L, L)] = zero
    return 0

  lax.fori_loop(0, nvr, body, 0, unroll=4)


def _find_bucket(hist, nvr, kk):
  iota = _iota()

  def body(v, carry):
    bb, cbelow, t0 = carry
    h = hist[pl.ds(v * L, L)]
    cs = plsc.cumsum(h)
    tot = jnp.sum(h)
    m = (t0 + cs) >= kk
    lane = jnp.min(jnp.where(m, iota, L))
    found = (lane < L) & (bb < 0)
    cb = t0 + jnp.sum(jnp.where(iota == lane, cs - h, jnp.int32(0)))
    bb = jnp.where(found, v * L + lane, bb)
    cbelow = jnp.where(found, cb, cbelow)
    return bb, cbelow, t0 + tot

  bb, cbelow, _ = lax.fori_loop(
      0, nvr, body, (jnp.int32(-1), jnp.int32(0), jnp.int32(0)), unroll=4)
  return bb, cbelow


def _sort_pass(hist, src_k, src_i, dst_k, dst_i, m_v, shift, dmask, nbins):
  _clear(hist, nbins // L)

  def count(v, _):
    sk = src_k[pl.ds(v * L, L)]
    u = sk ^ MIN32
    d = lax.shift_right_logical(u, shift) & dmask
    cnt, last = plsc.scan_count(d)
    plsc.addupdate_scatter(hist, [d], cnt, mask=last)
    return 0

  lax.fori_loop(0, m_v, count, 0)

  def prefix(v, t0):
    h = hist[pl.ds(v * L, L)]
    cs = plsc.cumsum(h)
    hist[pl.ds(v * L, L)] = t0 + cs - h
    return t0 + jnp.sum(h)

  lax.fori_loop(0, nbins // L, prefix, jnp.int32(0))

  def scatter(v, _):
    sk = src_k[pl.ds(v * L, L)]
    si = src_i[pl.ds(v * L, L)]
    u = sk ^ MIN32
    d = lax.shift_right_logical(u, shift) & dmask
    cnt, last = plsc.scan_count(d)
    base = plsc.load_gather(hist, [d])
    pos = base + cnt - 1
    plsc.store_scatter(dst_k, [pos], sk)
    plsc.store_scatter(dst_i, [pos], si)
    plsc.store_scatter(hist, [d], base + cnt, mask=last)
    return 0

  lax.fori_loop(0, m_v, scatter, 0)


def _body(score_hbm, roi_hbm, out_roi, out_score,
          stage, keys, hist, hist8, wka, wia, wkb, wib, eqi, fin1d, fsc,
          jbuf, gstage, sem):
  wid = lax.axis_index("s") * 2 + lax.axis_index("c")
  iota = _iota()
  maxvec = jnp.full((L,), jnp.int32(0x7FFFFFFF))
  zvec = jnp.zeros((L,), jnp.int32)

  NU = 8

  def _clear8(nb):
    def body(v, _):
      for u in range(NU):
        hist8[u, pl.ds(v * L, L)] = zvec
      return 0
    lax.fori_loop(0, nb // L, body, 0, unroll=2)

  def _fold8(nb):
    def body(v, _):
      s = hist8[0, pl.ds(v * L, L)]
      for u in range(1, NU):
        s = s + hist8[u, pl.ds(v * L, L)]
      hist[pl.ds(v * L, L)] = s
      return 0
    lax.fori_loop(0, nb // L, body, 0, unroll=2)

  def per_row(r, _):
    row = wid * 2 + r
    pltpu.sync_copy(score_hbm.at[row], stage)

    _clear8(2048)

    @plsc.parallel_loop(0, NV, unroll=NU)
    def pass_a(v):
      b = stage[pl.ds(v * L, L)]
      sk = jnp.where(b < 0, b & jnp.int32(0x7FFFFFFF), ~b)
      sk = jnp.where(sk == 0, jnp.int32(-1), sk)
      keys[pl.ds(v * L, L)] = sk
      u = sk ^ MIN32
      d = lax.shift_right_logical(u, 21)
      cnt, last = plsc.scan_count(d)
      ul = jnp.broadcast_to(v & (NU - 1), (L,))
      plsc.addupdate_scatter(hist8, [ul, d], cnt, mask=last)

    _fold8(2048)
    ba, cb_a = _find_bucket(hist, 128, jnp.int32(K))
    k2 = jnp.int32(K) - cb_a

    _clear8(2048)

    @plsc.parallel_loop(0, NV, unroll=NU)
    def pass_b(v):
      u = keys[pl.ds(v * L, L)] ^ MIN32
      m = lax.shift_right_logical(u, 21) == ba
      d = lax.shift_right_logical(u, 10) & jnp.int32(0x7FF)
      cnt, last = plsc.scan_count(d, mask=m)
      ul = jnp.broadcast_to(v & (NU - 1), (L,))
      plsc.addupdate_scatter(hist8, [ul, d], cnt, mask=last)

    _fold8(2048)
    bb, cb_b = _find_bucket(hist, 128, k2)
    k3 = k2 - cb_b
    bab = (ba << 11) | bb

    _clear8(1024)

    @plsc.parallel_loop(0, NV, unroll=NU)
    def pass_c(v):
      u = keys[pl.ds(v * L, L)] ^ MIN32
      m = lax.shift_right_logical(u, 10) == bab
      d = u & jnp.int32(0x3FF)
      cnt, last = plsc.scan_count(d, mask=m)
      ul = jnp.broadcast_to(v & (NU - 1), (L,))
      plsc.addupdate_scatter(hist8, [ul, d], cnt, mask=last)

    _fold8(1024)
    bc, cb_c = _find_bucket(hist, 64, k3)
    t_skey = ((bab << 10) | bc) ^ MIN32
    n_lt0 = cb_a + cb_b + cb_c

    def fill(v, _):
      wka[pl.ds(v * L, L)] = maxvec
      return 0

    lax.fori_loop(0, WINB // L, fill, 0, unroll=4)

    def compact(v, carry):
      n_lt, n_eq = carry
      sk = keys[pl.ds(v * L, L)]
      idxv = v * L + iota
      m_lt = sk < t_skey
      m_eq = sk == t_skey
      c_lt = plsc.cumsum(m_lt.astype(jnp.int32))
      c_eq = plsc.cumsum(m_eq.astype(jnp.int32))
      pos_lt = jnp.maximum(n_lt + c_lt - 1, 0)
      pos_eq = n_eq + c_eq - 1
      m_eq = m_eq & (pos_eq < WINB)
      pos_eq = jnp.clip(pos_eq, 0, WINB - 1)
      plsc.store_scatter(wka, [pos_lt], sk, mask=m_lt)
      plsc.store_scatter(wia, [pos_lt], idxv, mask=m_lt)
      plsc.store_scatter(eqi, [pos_eq], idxv, mask=m_eq)
      n_lt = n_lt + jnp.sum(m_lt.astype(jnp.int32))
      n_eq = jnp.minimum(n_eq + jnp.sum(m_eq.astype(jnp.int32)),
                         jnp.int32(WINB))
      return n_lt, n_eq

    n_lt, _ = plsc.parallel_loop(
        0, NV, unroll=8,
        carry=(jnp.int32(0), jnp.int32(0)))(compact)


    m_v = (n_lt + (L - 1)) // L
    _sort_pass(hist, wka, wia, wkb, wib, m_v, 0, jnp.int32(0x7FF), 2048)
    _sort_pass(hist, wkb, wib, wka, wia, m_v, 11, jnp.int32(0x7FF), 2048)
    _sort_pass(hist, wka, wia, wkb, wib, m_v, 22, jnp.int32(0x3FF), 1024)

    def assemble(v):
      p = v * L + iota
      bi = wib[pl.ds(v * L, L)]
      ei = plsc.load_gather(eqi, [jnp.clip(p - n_lt, 0, WINB - 1)])
      fidx = jnp.where(p < n_lt, bi, ei)
      fidx = jnp.where(p < K, fidx, 0)
      sc = plsc.load_gather(stage, [fidx])
      fsc[pl.ds(v * L, L)] = sc
      jbuf[pl.ds(v * L, L)] = fidx

    plsc.parallel_loop(0, 64, unroll=4)(assemble)

    def build_idx(v):
      ent = v * L + iota
      c = lax.shift_right_logical(ent, 10)
      p = ent & jnp.int32(1023)
      j = plsc.load_gather(jbuf, [p])
      addr = (row * 4 + c) * N + j
      addr = jnp.where(p < K, addr, ent)
      fin1d[pl.ds(v * L, L)] = addr

    plsc.parallel_loop(0, 256, unroll=4)(build_idx)

    descs = []
    for c in range(32):
      descs.append(pltpu.async_copy(
          roi_hbm.at[fin1d.at[pl.ds(c * 128, 128)]],
          gstage.at[pl.ds(c * 128, 128)], sem))
    for d in descs:
      d.wait()

    for c in range(4):
      pltpu.sync_copy(gstage.at[pl.ds(c * 1024, K)], out_roi.at[row, c])
    pltpu.sync_copy(fsc.at[pl.ds(0, K)], out_score.at[row])
    return 0

  lax.fori_loop(0, 2, per_row, 0)


@functools.partial(jax.jit, static_argnames=())
def kernel(score, roi):
  mesh = plsc.VectorSubcoreMesh(core_axis_name="c", subcore_axis_name="s")
  run = pl.kernel(
      _body,
      out_type=(
          jax.ShapeDtypeStruct((B, 4, K), jnp.float32),
          jax.ShapeDtypeStruct((B, K), jnp.int32),
      ),
      mesh=mesh,
      compiler_params=pltpu.CompilerParams(
          needs_layout_passes=False, use_tc_tiling_on_sc=False),
      scratch_types=[
          pltpu.VMEM((N,), jnp.int32),
          pltpu.VMEM((N,), jnp.int32),
          pltpu.VMEM((2048,), jnp.int32),
          pltpu.VMEM((8, 2048), jnp.int32),
          pltpu.VMEM((WINB,), jnp.int32),
          pltpu.VMEM((WINB,), jnp.int32),
          pltpu.VMEM((WINB,), jnp.int32),
          pltpu.VMEM((WINB,), jnp.int32),
          pltpu.VMEM((WINB,), jnp.int32),
          pltpu.VMEM((4096,), jnp.int32),
          pltpu.VMEM((1024,), jnp.int32),
          pltpu.VMEM((1024,), jnp.int32),
          pltpu.VMEM((4096,), jnp.float32),
          pltpu.SemaphoreType.DMA,
      ],
  )
  roi_t = jnp.transpose(roi, (0, 2, 1)).reshape(B * N * 4)
  score_bits = lax.bitcast_convert_type(score, jnp.int32)
  roi_sel_t, score_out_bits = run(score_bits, roi_t)
  return (jnp.transpose(roi_sel_t, (0, 2, 1)),
          lax.bitcast_convert_type(score_out_bits, jnp.float32))

# --- scband reference (transcript-rebuilt; emitter-appended) ---
"""Pipeline reference for scband-roiselect-38534446579958 (READ-ONLY COPY).

The authoritative reference and input builder live on the scoring server;
editing this copy changes nothing except your own understanding.
"""

import jax, jax.numpy as jnp
import numpy as np

K = 1000

def setup_inputs(seed: int = 0) -> dict:
    key = jax.random.key(seed)
    k1, k2 = jax.random.split(key)
    score = jax.random.normal(k1, (64, 20000), dtype=jnp.float32)
    roi = jax.random.uniform(k2, (64, 20000, 4), dtype=jnp.float32)
    return {"score": score, "roi": roi}

def reference(score, roi):
    # top-k over the proposal axis, sorted descending (matches tf.nn.top_k sorted=True)
    top_k_score, top_k_index = jax.lax.top_k(score, K)
    # gather the selected ROI boxes: equivalent to tf.gather_nd with (batch, index) pairs
    roi_selected = jnp.take_along_axis(roi, top_k_index[..., None], axis=1)
    roi_selected = jnp.reshape(roi_selected, (-1, K, 4))
    return (roi_selected, top_k_score)

if __name__ == "__main__":
    import jax
    _d = setup_inputs()
    print(jax.jit(kernel)(*tuple(_d.values())))

</pallas_src>

<mosaic_0001>
#map = affine_map<(d0, d1) -> (0, 0)>
#map1 = affine_map<(d0, d1) -> (0)>
#map2 = affine_map<(d0, d1) -> (0, 0, 0)>
module attributes {stable_mosaic.version = 14 : i64} {
  func.func @_body(%arg0: i32, %arg1: i32, %arg2: memref<64x20000xi32, #tpu.memory_space<hbm>>, %arg3: memref<5120000xf32, #tpu.memory_space<hbm>>, %arg4: memref<64x4x1000xf32, #tpu.memory_space<hbm>>, %arg5: memref<64x1000xi32, #tpu.memory_space<hbm>>, %arg6: memref<20000xi32, #tpu.memory_space<vmem>>, %arg7: memref<20000xi32, #tpu.memory_space<vmem>>, %arg8: memref<2048xi32, #tpu.memory_space<vmem>>, %arg9: memref<8x2048xi32, #tpu.memory_space<vmem>>, %arg10: memref<1008xi32, #tpu.memory_space<vmem>>, %arg11: memref<1008xi32, #tpu.memory_space<vmem>>, %arg12: memref<1008xi32, #tpu.memory_space<vmem>>, %arg13: memref<1008xi32, #tpu.memory_space<vmem>>, %arg14: memref<1008xi32, #tpu.memory_space<vmem>>, %arg15: memref<4096xi32, #tpu.memory_space<vmem>>, %arg16: memref<1024xi32, #tpu.memory_space<vmem>>, %arg17: memref<1024xi32, #tpu.memory_space<vmem>>, %arg18: memref<4096xf32, #tpu.memory_space<vmem>>, %arg19: memref<!tpu.dma_semaphore, #tpu.memory_space<semaphore_mem>>) attributes {dimension_semantics = [#tpu.dimension_semantics<core_parallel>, #tpu.dimension_semantics<subcore_parallel>], iteration_bounds = array<i64: 2, 16>, scalar_prefetch = 0 : i64, scratch_operands = 14 : i64, tpu.core_type = #tpu.core_type<sc_vector_subcore>, window_params = [{transform_indices = #map}, {transform_indices = #map1}, {transform_indices = #map2}, {transform_indices = #map}]} {
    %mul3A = arith.constant 2 : i32
    %mul3A_0 = arith.muli %arg1, %mul3A : i32
    %add3A = arith.addi %mul3A_0, %arg0 : i32
    %iota3A = tpu.iota {dimensions = array<i32: 0>} : vector<16xi32>
    %broadcast_in_dim3A = arith.constant 2147483647 : i32
    %broadcast_in_dim3A_1 = vector.broadcast %broadcast_in_dim3A : i32 to vector<16xi32>
    %broadcast_in_dim3A_2 = arith.constant 0 : i32
    %broadcast_in_dim3A_3 = vector.broadcast %broadcast_in_dim3A_2 : i32 to vector<16xi32>
    %scan3A = arith.constant 0 : i32
    %scan3A_4 = arith.constant 0 : i32
    %scan3A_5 = arith.constant 2 : i32
    %scan3A_6 = arith.addi %scan3A_4, %scan3A_5 : i32
    %scan3A_7 = arith.constant 1 : i32
    %scan3A_8 = scf.for %scan3A_10 = %scan3A_4 to %scan3A_6 step %scan3A_7 iter_args(%scan3A_11 = %scan3A) -> (i32)  : i32 {
      %mul3A_12 = arith.constant 2 : i32
      %mul3A_13 = arith.muli %add3A, %mul3A_12 : i32
      %add3A_14 = arith.addi %mul3A_13, %scan3A_10 : i32
      "tpu.region"() ({
        %run_scoped3A_674 = tpu.sem_alloc : memref<!tpu.dma_semaphore, #tpu.memory_space<semaphore_mem>>
        %dma_start3A_675 = arith.constant 0 : i32
        %dma_start3A_676 = tpu.memref_slice %arg2[%add3A_14, %dma_start3A_675] : memref<64x20000xi32, #tpu.memory_space<hbm>> -> memref<1x20000xi32, #tpu.memory_space<hbm>>
        %dma_start3A_677 = tpu.memref_squeeze %dma_start3A_676 : memref<1x20000xi32, #tpu.memory_space<hbm>> -> memref<20000xi32, #tpu.memory_space<hbm>>
        %dma_start3A_678 = arith.constant 0 : i32
        %dma_start3A_679 = tpu.memref_slice %arg2[%add3A_14, %dma_start3A_678] : memref<64x20000xi32, #tpu.memory_space<hbm>> -> memref<1x20000xi32, #tpu.memory_space<hbm>>
        %dma_start3A_680 = tpu.memref_squeeze %dma_start3A_679 : memref<1x20000xi32, #tpu.memory_space<hbm>> -> memref<20000xi32, #tpu.memory_space<hbm>>
        tpu.enqueue_dma source(%dma_start3A_680 : memref<20000xi32, #tpu.memory_space<hbm>>) target(%arg6 : memref<20000xi32, #tpu.memory_space<vmem>>) target_semaphore(%run_scoped3A_674 : memref<!tpu.dma_semaphore, #tpu.memory_space<semaphore_mem>>)
        %dma_wait3A_681 = arith.constant 0 : i32
        %dma_wait3A_682 = tpu.memref_slice %arg2[%add3A_14, %dma_wait3A_681] : memref<64x20000xi32, #tpu.memory_space<hbm>> -> memref<1x20000xi32, #tpu.memory_space<hbm>>
        %dma_wait3A_683 = tpu.memref_squeeze %dma_wait3A_682 : memref<1x20000xi32, #tpu.memory_space<hbm>> -> memref<20000xi32, #tpu.memory_space<hbm>>
        %dma_wait3A_684 = arith.constant 0 : i32
        %dma_wait3A_685 = tpu.memref_slice %arg2[%add3A_14, %dma_wait3A_684] : memref<64x20000xi32, #tpu.memory_space<hbm>> -> memref<1x20000xi32, #tpu.memory_space<hbm>>
        %dma_wait3A_686 = tpu.memref_squeeze %dma_wait3A_685 : memref<1x20000xi32, #tpu.memory_space<hbm>> -> memref<20000xi32, #tpu.memory_space<hbm>>
        tpu.wait_dma2 semaphore(%run_scoped3A_674 : memref<!tpu.dma_semaphore, #tpu.memory_space<semaphore_mem>>) src(%dma_wait3A_686 : memref<20000xi32, #tpu.memory_space<hbm>>) dst(%arg6 : memref<20000xi32, #tpu.memory_space<vmem>>)
        tpu.yield
      }) : () -> ()
      %scan3A_15 = arith.constant 0 : i32
      %scan3A_16 = arith.constant 0 : i32
      %scan3A_17 = arith.constant 128 : i32
      %scan3A_18 = arith.addi %scan3A_16, %scan3A_17 : i32
      %scan3A_19 = arith.constant 2 : i32
      %scan3A_20 = scf.for %scan3A_674 = %scan3A_16 to %scan3A_18 step %scan3A_19 iter_args(%scan3A_675 = %scan3A_15) -> (i32)  : i32 {
        %mul3A_676 = arith.constant 16 : i32
        %mul3A_677 = arith.muli %scan3A_674, %mul3A_676 : i32
        %swap3A_678 = arith.constant 0 : i32
        %swap3A_679 = arith.index_cast %swap3A_678 : i32 to index
        %swap3A_680 = arith.index_cast %mul3A_677 : i32 to index
        %swap3A_681 = tpu.vector_load %arg9[%swap3A_679, %swap3A_680] {strides = array<i32>} : memref<8x2048xi32, #tpu.memory_space<vmem>>, vector<16xi32>,
        tpu.vector_store %arg9[%swap3A_679, %swap3A_680], %broadcast_in_dim3A_3 {strides = array<i32>} : memref<8x2048xi32, #tpu.memory_space<vmem>>, vector<16xi32>,
        %mul3A_682 = arith.constant 16 : i32
        %mul3A_683 = arith.muli %scan3A_674, %mul3A_682 : i32
        %swap3A_684 = arith.constant 1 : i32
        %swap3A_685 = arith.index_cast %swap3A_684 : i32 to index
        %swap3A_686 = arith.index_cast %mul3A_683 : i32 to index
        %swap3A_687 = tpu.vector_load %arg9[%swap3A_685, %swap3A_686] {strides = array<i32>} : memref<8x2048xi32, #tpu.memory_space<vmem>>, vector<16xi32>,
        tpu.vector_store %arg9[%swap3A_685, %swap3A_686], %broadcast_in_dim3A_3 {strides = array<i32>} : memref<8x2048xi32, #tpu.memory_space<vmem>>, vector<16xi32>,
        %mul3A_688 = arith.constant 16 : i32
        %mul3A_689 = arith.muli %scan3A_674, %mul3A_688 : i32
        %swap3A_690 = arith.constant 2 : i32
        %swap3A_691 = arith.index_cast %swap3A_690 : i32 to index
        %swap3A_692 = arith.index_cast %mul3A_689 : i32 to index
        %swap3A_693 = tpu.vector_load %arg9[%swap3A_691, %swap3A_692] {strides = array<i32>} : memref<8x2048xi32, #tpu.memory_space<vmem>>, vector<16xi32>,
        tpu.vector_store %arg9[%swap3A_691, %swap3A_692], %broadcast_in_dim3A_3 {strides = array<i32>} : memref<8x2048xi32, #tpu.memory_space<vmem>>, vector<16xi32>,
        %mul3A_694 = arith.constant 16 : i32
        %mul3A_695 = arith.muli %scan3A_674, %mul3A_694 : i32
        %swap3A_696 = arith.constant 3 : i32
        %swap3A_697 = arith.index_cast %swap3A_696 : i32 to index
        %swap3A_698 = arith.index_cast %mul3A_695 : i32 to index
        %swap3A_699 = tpu.vector_load %arg9[%swap3A_697, %swap3A_698] {strides = array<i32>} : memref<8x2048xi32, #tpu.memory_space<vmem>>, vector<16xi32>,
        tpu.vector_store %arg9[%swap3A_697, %swap3A_698], %broadcast_in_dim3A_3 {strides = array<i32>} : memref<8x2048xi32, #tpu.memory_space<vmem>>, vector<16xi32>,
        %mul3A_700 = arith.constant 16 : i32
        %mul3A_701 = arith.muli %scan3A_674, %mul3A_700 : i32
        %swap3A_702 = arith.constant 4 : i32
        %swap3A_703 = arith.index_cast %swap3A_702 : i32 to index
        %swap3A_704 = arith.index_cast %mul3A_701 : i32 to index
        %swap3A_705 = tpu.vector_load %arg9[%swap3A_703, %swap3A_704] {strides = array<i32>} : memref<8x2048xi32, #tpu.memory_space<vmem>>, vector<16xi32>,
        tpu.vector_store %arg9[%swap3A_703, %swap3A_704], %broadcast_in_dim3A_3 {strides = array<i32>} : memref<8x2048xi32, #tpu.memory_space<vmem>>, vector<16xi32>,
        %mul3A_706 = arith.constant 16 : i32
        %mul3A_707 = arith.muli %scan3A_674, %mul3A_706 : i32
        %swap3A_708 = arith.constant 5 : i32
        %swap3A_709 = arith.index_cast %swap3A_708 : i32 to index
        %swap3A_710 = arith.index_cast %mul3A_707 : i32 to index
        %swap3A_711 = tpu.vector_load %arg9[%swap3A_709, %swap3A_710] {strides = array<i32>} : memref<8x2048xi32, #tpu.memory_space<vmem>>, vector<16xi32>,
        tpu.vector_store %arg9[%swap3A_709, %swap3A_710], %broadcast_in_dim3A_3 {strides = array<i32>} : memref<8x2048xi32, #tpu.memory_space<vmem>>, vector<16xi32>,
        %mul3A_712 = arith.constant 16 : i32
        %mul3A_713 = arith.muli %scan3A_674, %mul3A_712 : i32
        %swap3A_714 = arith.constant 6 : i32
        %swap3A_715 = arith.index_cast %swap3A_714 : i32 to index
        %swap3A_716 = arith.index_cast %mul3A_713 : i32 to index
        %swap3A_717 = tpu.vector_load %arg9[%swap3A_715, %swap3A_716] {strides = array<i32>} : memref<8x2048xi32, #tpu.memory_space<vmem>>, vector<16xi32>,
        tpu.vector_store %arg9[%swap3A_715, %swap3A_716], %broadcast_in_dim3A_3 {strides = array<i32>} : memref<8x2048xi32, #tpu.memory_space<vmem>>, vector<16xi32>,
        %mul3A_718 = arith.constant 16 : i32
        %mul3A_719 = arith.muli %scan3A_674, %mul3A_718 : i32
        %swap3A_720 = arith.constant 7 : i32
        %swap3A_721 = arith.index_cast %swap3A_720 : i32 to index
        %swap3A_722 = arith.index_cast %mul3A_719 : i32 to index
        %swap3A_723 = tpu.vector_load %arg9[%swap3A_721, %swap3A_722] {strides = array<i32>} : memref<8x2048xi32, #tpu.memory_space<vmem>>, vector<16xi32>,
        tpu.vector_store %arg9[%swap3A_721, %swap3A_722], %broadcast_in_dim3A_3 {strides = array<i32>} : memref<8x2048xi32, #tpu.memory_space<vmem>>, vector<16xi32>,
        %scan3A_724 = arith.constant 0 : i32
        %scan3A_725 = arith.constant 1 : i32
        %scan3A_726 = arith.addi %scan3A_674, %scan3A_725 : i32
        %mul3A_727 = arith.constant 16 : i32
        %mul3A_728 = arith.muli %scan3A_726, %mul3A_727 : i32
        %swap3A_729 = arith.constant 0 : i32
        %swap3A_730 = arith.index_cast %swap3A_729 : i32 to index
        %swap3A_731 = arith.index_cast %mul3A_728 : i32 to index
        %swap3A_732 = tpu.vector_load %arg9[%swap3A_730, %swap3A_731] {strides = array<i32>} : memref<8x2048xi32, #tpu.memory_space<vmem>>, vector<16xi32>,
        tpu.vector_store %arg9[%swap3A_730, %swap3A_731], %broadcast_in_dim3A_3 {strides = array<i32>} : memref<8x2048xi32, #tpu.memory_space<vmem>>, vector<16xi32>,
        %mul3A_733 = arith.constant 16 : i32
        %mul3A_734 = arith.muli %scan3A_726, %mul3A_733 : i32
        %swap3A_735 = arith.constant 1 : i32
        %swap3A_736 = arith.index_cast %swap3A_735 : i32 to index
        %swap3A_737 = arith.index_cast %mul3A_734 : i32 to index
        %swap3A_738 = tpu.vector_load %arg9[%swap3A_736, %swap3A_737] {strides = array<i32>} : memref<8x2048xi32, #tpu.memory_space<vmem>>, vector<16xi32>,
        tpu.vector_store %arg9[%swap3A_736, %swap3A_737], %broadcast_in_dim3A_3 {strides = array<i32>} : memref<8x2048xi32, #tpu.memory_space<vmem>>, vector<16xi32>,
        %mul3A_739 = arith.constant 16 : i32
        %mul3A_740 = arith.muli %scan3A_726, %mul3A_739 : i32
        %swap3A_741 = arith.constant 2 : i32
        %swap3A_742 = arith.index_cast %swap3A_741 : i32 to index
        %swap3A_743 = arith.index_cast %mul3A_740 : i32 to index
        %swap3A_744 = tpu.vector_load %arg9[%swap3A_742, %swap3A_743] {strides = array<i32>} : memref<8x2048xi32, #tpu.memory_space<vmem>>, vector<16xi32>,
        tpu.vector_store %arg9[%swap3A_742, %swap3A_743], %broadcast_in_dim3A_3 {strides = array<i32>} : memref<8x2048xi32, #tpu.memory_space<vmem>>, vector<16xi32>,
        %mul3A_745 = arith.constant 16 : i32
        %mul3A_746 = arith.muli %scan3A_726, %mul3A_745 : i32
        %swap3A_747 = arith.constant 3 : i32
        %swap3A_748 = arith.index_cast %swap3A_747 : i32 to index
        %swap3A_749 = arith.index_cast %mul3A_746 : i32 to index
        %swap3A_750 = tpu.vector_load %arg9[%swap3A_748, %swap3A_749] {strides = array<i32>} : memref<8x2048xi32, #tpu.memory_space<vmem>>, vector<16xi32>,
        tpu.vector_store %arg9[%swap3A_748, %swap3A_749], %broadcast_in_dim3A_3 {strides = array<i32>} : memref<8x2048xi32, #tpu.memory_space<vmem>>, vector<16xi32>,
        %mul3A_751 = arith.constant 16 : i32
        %mul3A_752 = arith.muli %scan3A_726, %mul3A_751 : i32
        %swap3A_753 = arith.constant 4 : i32
        %swap3A_754 = arith.index_cast %swap3A_753 : i32 to index
        %swap3A_755 = arith.index_cast %mul3A_752 : i32 to index
        %swap3A_756 = tpu.vector_load %arg9[%swap3A_754, %swap3A_755] {strides = array<i32>} : memref<8x2048xi32, #tpu.memory_space<vmem>>, vector<16xi32>,
        tpu.vector_store %arg9[%swap3A_754, %swap3A_755], %broadcast_in_dim3A_3 {strides = array<i32>} : memref<8x2048xi32, #tpu.memory_space<vmem>>, vector<16xi32>,
        %mul3A_757 = arith.constant 16 : i32
        %mul3A_758 = arith.muli %scan3A_726, %mul3A_757 : i32
        %swap3A_759 = arith.constant 5 : i32
        %swap3A_760 = arith.index_cast %swap3A_759 : i32 to index
        %swap3A_761 = arith.index_cast %mul3A_758 : i32 to index
        %swap3A_762 = tpu.vector_load %arg9[%swap3A_760, %swap3A_761] {strides = array<i32>} : memref<8x2048xi32, #tpu.memory_space<vmem>>, vector<16xi32>,
        tpu.vector_store %arg9[%swap3A_760, %swap3A_761], %broadcast_in_dim3A_3 {strides = array<i32>} : memref<8x2048xi32, #tpu.memory_space<vmem>>, vector<16xi32>,
        %mul3A_763 = arith.constant 16 : i32
        %mul3A_764 = arith.muli %scan3A_726, %mul3A_763 : i32
        %swap3A_765 = arith.constant 6 : i32
        %swap3A_766 = arith.index_cast %swap3A_765 : i32 to index
        %swap3A_767 = arith.index_cast %mul3A_764 : i32 to index
        %swap3A_768 = tpu.vector_load %arg9[%swap3A_766, %swap3A_767] {strides = array<i32>} : memref<8x2048xi32, #tpu.memory_space<vmem>>, vector<16xi32>,
        tpu.vector_store %arg9[%swap3A_766, %swap3A_767], %broadcast_in_dim3A_3 {strides = array<i32>} : memref<8x2048xi32, #tpu.memory_space<vmem>>, vector<16xi32>,
        %mul3A_769 = arith.constant 16 : i32
        %mul3A_770 = arith.muli %scan3A_726, %mul3A_769 : i32
        %swap3A_771 = arith.constant 7 : i32
        %swap3A_772 = arith.index_cast %swap3A_771 : i32 to index
        %swap3A_773 = arith.index_cast %mul3A_770 : i32 to index
        %swap3A_774 = tpu.vector_load %arg9[%swap3A_772, %swap3A_773] {strides = array<i32>} : memref<8x2048xi32, #tpu.memory_space<vmem>>, vector<16xi32>,
        tpu.vector_store %arg9[%swap3A_772, %swap3A_773], %broadcast_in_dim3A_3 {strides = array<i32>} : memref<8x2048xi32, #tpu.memory_space<vmem>>, vector<16xi32>,
        %scan3A_775 = arith.constant 0 : i32
        scf.yield %scan3A_775 : i32
      }
      %scan3A_21 = arith.constant 128 : i32
      %parallel_loop3A = arith.constant 0 : i32
      %parallel_loop3A_22 = arith.constant 1250 : i32
      %parallel_loop3A_23 = arith.constant 1 : i32
      scf.for %parallel_loop3A_674 = %parallel_loop3A to %parallel_loop3A_22 step %parallel_loop3A_23  : i32 {
        %parallel_loop3A_675 = arith.constant 16 : i32
        %parallel_loop3A_676 = arith.muli %parallel_loop3A_674, %parallel_loop3A_675 : i32
        %parallel_loop3A_677 = arith.index_cast %parallel_loop3A_676 : i32 to index
        %parallel_loop3A_678 = tpu.vector_load %arg6[%parallel_loop3A_677] {strides = array<i32>} : memref<20000xi32, #tpu.memory_space<vmem>>, vector<16xi32>,
        %parallel_loop3A_679 = arith.constant 0 : i32
        %parallel_loop3A_680 = vector.broadcast %parallel_loop3A_679 : i32 to vector<16xi32>
        %parallel_loop3A_681 = arith.cmpi slt, %parallel_loop3A_678, %parallel_loop3A_680 : vector<16xi32>
        %parallel_loop3A_682 = arith.constant 2147483647 : i32
        %parallel_loop3A_683 = vector.broadcast %parallel_loop3A_682 : i32 to vector<16xi32>
        %parallel_loop3A_684 = arith.andi %parallel_loop3A_678, %parallel_loop3A_683 : vector<16xi32>
        %parallel_loop3A_685 = arith.constant dense<-1> : vector<16xi32>
        %parallel_loop3A_686 = arith.xori %parallel_loop3A_678, %parallel_loop3A_685 : vector<16xi32>
        %parallel_loop3A_687 = arith.select %parallel_loop3A_681, %parallel_loop3A_684, %parallel_loop3A_686 : vector<16xi1>, vector<16xi32>
        %parallel_loop3A_688 = arith.constant 0 : i32
        %parallel_loop3A_689 = vector.broadcast %parallel_loop3A_688 : i32 to vector<16xi32>
        %parallel_loop3A_690 = arith.cmpi eq, %parallel_loop3A_687, %parallel_loop3A_689 : vector<16xi32>
        %parallel_loop3A_691 = arith.constant -1 : i32
        %parallel_loop3A_692 = vector.broadcast %parallel_loop3A_691 : i32 to vector<16xi32>
        %parallel_loop3A_693 = arith.select %parallel_loop3A_690, %parallel_loop3A_692, %parallel_loop3A_687 : vector<16xi1>, vector<16xi32>
        %parallel_loop3A_694 = arith.constant 16 : i32
        %parallel_loop3A_695 = arith.muli %parallel_loop3A_674, %parallel_loop3A_694 : i32
        %parallel_loop3A_696 = arith.index_cast %parallel_loop3A_695 : i32 to index
        %parallel_loop3A_697 = tpu.vector_load %arg7[%parallel_loop3A_696] {strides = array<i32>} : memref<20000xi32, #tpu.memory_space<vmem>>, vector<16xi32>,
        tpu.vector_store %arg7[%parallel_loop3A_696], %parallel_loop3A_693 {strides = array<i32>} : memref<20000xi32, #tpu.memory_space<vmem>>, vector<16xi32>,
        %parallel_loop3A_698 = arith.constant -2147483648 : i32
        %parallel_loop3A_699 = vector.broadcast %parallel_loop3A_698 : i32 to vector<16xi32>
        %parallel_loop3A_700 = arith.xori %parallel_loop3A_693, %parallel_loop3A_699 : vector<16xi32>
        %parallel_loop3A_701 = arith.constant 21 : i32
        %parallel_loop3A_702 = vector.broadcast %parallel_loop3A_701 : i32 to vector<16xi32>
        %parallel_loop3A_703 = arith.shrui %parallel_loop3A_700, %parallel_loop3A_702 : vector<16xi32>
        %parallel_loop3A_704 = arith.constant true
        %parallel_loop3A_705 = vector.broadcast %parallel_loop3A_704 : i1 to vector<16xi1>
        %parallel_loop3A_706, %parallel_loop3A_707 = tpu.scan_count mask(%parallel_loop3A_705 : vector<16xi1>) value(%parallel_loop3A_703 : vector<16xi32>) : vector<16xi1>, vector<16xi32>
        %parallel_loop3A_708 = arith.constant 7 : i32
        %parallel_loop3A_709 = arith.andi %parallel_loop3A_674, %parallel_loop3A_708 : i32
        %parallel_loop3A_710 = vector.broadcast %parallel_loop3A_709 : i32 to vector<16xi32>
        tpu.vector_store_idx %arg9[%parallel_loop3A_710, %parallel_loop3A_703], %parallel_loop3A_707 masked %parallel_loop3A_706 {add = true} : memref<8x2048xi32, #tpu.memory_space<vmem>>[vector<16xi32>, vector<16xi32>], vector<16xi32>, vector<16xi1>
      } {sc.loop_unroll_factor = 8 : i64, sc.parallel_access}
      %scan3A_24 = arith.constant 0 : i32
      %scan3A_25 = arith.constant 0 : i32
      %scan3A_26 = arith.constant 128 : i32
      %scan3A_27 = arith.addi %scan3A_25, %scan3A_26 : i32
      %scan3A_28 = arith.constant 2 : i32
      %scan3A_29 = scf.for %scan3A_674 = %scan3A_25 to %scan3A_27 step %scan3A_28 iter_args(%scan3A_675 = %scan3A_24) -> (i32)  : i32 {
        %mul3A_676 = arith.constant 16 : i32
        %mul3A_677 = arith.muli %scan3A_674, %mul3A_676 : i32
        %get3A = arith.constant 0 : i32
        %get3A_678 = arith.index_cast %get3A : i32 to index
        %get3A_679 = arith.index_cast %mul3A_677 : i32 to index
        %get3A_680 = tpu.vector_load %arg9[%get3A_678, %get3A_679] {strides = array<i32>} : memref<8x2048xi32, #tpu.memory_space<vmem>>, vector<16xi32>,
        %mul3A_681 = arith.constant 16 : i32
        %mul3A_682 = arith.muli %scan3A_674, %mul3A_681 : i32
        %get3A_683 = arith.constant 1 : i32
        %get3A_684 = arith.index_cast %get3A_683 : i32 to index
        %get3A_685 = arith.index_cast %mul3A_682 : i32 to index
        %get3A_686 = tpu.vector_load %arg9[%get3A_684, %get3A_685] {strides = array<i32>} : memref<8x2048xi32, #tpu.memory_space<vmem>>, vector<16xi32>,
        %add3A_687 = arith.addi %get3A_680, %get3A_686 : vector<16xi32>
        %mul3A_688 = arith.constant 16 : i32
        %mul3A_689 = arith.muli %scan3A_674, %mul3A_688 : i32
        %get3A_690 = arith.constant 2 : i32
        %get3A_691 = arith.index_cast %get3A_690 : i32 to index
        %get3A_692 = arith.index_cast %mul3A_689 : i32 to index
        %get3A_693 = tpu.vector_load %arg9[%get3A_691, %get3A_692] {strides = array<i32>} : memref<8x2048xi32, #tpu.memory_space<vmem>>, vector<16xi32>,
        %add3A_694 = arith.addi %add3A_687, %get3A_693 : vector<16xi32>
        %mul3A_695 = arith.constant 16 : i32
        %mul3A_696 = arith.muli %scan3A_674, %mul3A_695 : i32
        %get3A_697 = arith.constant 3 : i32
        %get3A_698 = arith.index_cast %get3A_697 : i32 to index
        %get3A_699 = arith.index_cast %mul3A_696 : i32 to index
        %get3A_700 = tpu.vector_load %arg9[%get3A_698, %get3A_699] {strides = array<i32>} : memref<8x2048xi32, #tpu.memory_space<vmem>>, vector<16xi32>,
        %add3A_701 = arith.addi %add3A_694, %get3A_700 : vector<16xi32>
        %mul3A_702 = arith.constant 16 : i32
        %mul3A_703 = arith.muli %scan3A_674, %mul3A_702 : i32
        %get3A_704 = arith.constant 4 : i32
        %get3A_705 = arith.index_cast %get3A_704 : i32 to index
        %get3A_706 = arith.index_cast %mul3A_703 : i32 to index
        %get3A_707 = tpu.vector_load %arg9[%get3A_705, %get3A_706] {strides = array<i32>} : memref<8x2048xi32, #tpu.memory_space<vmem>>, vector<16xi32>,
        %add3A_708 = arith.addi %add3A_701, %get3A_707 : vector<16xi32>
        %mul3A_709 = arith.constant 16 : i32
        %mul3A_710 = arith.muli %scan3A_674, %mul3A_709 : i32
        %get3A_711 = arith.constant 5 : i32
        %get3A_712 = arith.index_cast %get3A_711 : i32 to index
        %get3A_713 = arith.index_cast %mul3A_710 : i32 to index
        %get3A_714 = tpu.vector_load %arg9[%get3A_712, %get3A_713] {strides = array<i32>} : memref<8x2048xi32, #tpu.memory_space<vmem>>, vector<16xi32>,
        %add3A_715 = arith.addi %add3A_708, %get3A_714 : vector<16xi32>
        %mul3A_716 = arith.constant 16 : i32
        %mul3A_717 = arith.muli %scan3A_674, %mul3A_716 : i32
        %get3A_718 = arith.constant 6 : i32
        %get3A_719 = arith.index_cast %get3A_718 : i32 to index
        %get3A_720 = arith.index_cast %mul3A_717 : i32 to index
        %get3A_721 = tpu.vector_load %arg9[%get3A_719, %get3A_720] {strides = array<i32>} : memref<8x2048xi32, #tpu.memory_space<vmem>>, vector<16xi32>,
        %add3A_722 = arith.addi %add3A_715, %get3A_721 : vector<16xi32>
        %mul3A_723 = arith.constant 16 : i32
        %mul3A_724 = arith.muli %scan3A_674, %mul3A_723 : i32
        %get3A_725 = arith.constant 7 : i32
        %get3A_726 = arith.index_cast %get3A_725 : i32 to index
        %get3A_727 = arith.index_cast %mul3A_724 : i32 to index
        %get3A_728 = tpu.vector_load %arg9[%get3A_726, %get3A_727] {strides = array<i32>} : memref<8x2048xi32, #tpu.memory_space<vmem>>, vector<16xi32>,
        %add3A_729 = arith.addi %add3A_722, %get3A_728 : vector<16xi32>
        %mul3A_730 = arith.constant 16 : i32
        %mul3A_731 = arith.muli %scan3A_674, %mul3A_730 : i32
        %swap3A_732 = arith.index_cast %mul3A_731 : i32 to index
        %swap3A_733 = tpu.vector_load %arg8[%swap3A_732] {strides = array<i32>} : memref<2048xi32, #tpu.memory_space<vmem>>, vector<16xi32>,
        tpu.vector_store %arg8[%swap3A_732], %add3A_729 {strides = array<i32>} : memref<2048xi32, #tpu.memory_space<vmem>>, vector<16xi32>,
        %scan3A_734 = arith.constant 0 : i32
        %scan3A_735 = arith.constant 1 : i32
        %scan3A_736 = arith.addi %scan3A_674, %scan3A_735 : i32
        %mul3A_737 = arith.constant 16 : i32
        %mul3A_738 = arith.muli %scan3A_736, %mul3A_737 : i32
        %get3A_739 = arith.constant 0 : i32
        %get3A_740 = arith.index_cast %get3A_739 : i32 to index
        %get3A_741 = arith.index_cast %mul3A_738 : i32 to index
        %get3A_742 = tpu.vector_load %arg9[%get3A_740, %get3A_741] {strides = array<i32>} : memref<8x2048xi32, #tpu.memory_space<vmem>>, vector<16xi32>,
        %mul3A_743 = arith.constant 16 : i32
        %mul3A_744 = arith.muli %scan3A_736, %mul3A_743 : i32
        %get3A_745 = arith.constant 1 : i32
        %get3A_746 = arith.index_cast %get3A_745 : i32 to index
        %get3A_747 = arith.index_cast %mul3A_744 : i32 to index
        %get3A_748 = tpu.vector_load %arg9[%get3A_746, %get3A_747] {strides = array<i32>} : memref<8x2048xi32, #tpu.memory_space<vmem>>, vector<16xi32>,
        %add3A_749 = arith.addi %get3A_742, %get3A_748 : vector<16xi32>
        %mul3A_750 = arith.constant 16 : i32
        %mul3A_751 = arith.muli %scan3A_736, %mul3A_750 : i32
        %get3A_752 = arith.constant 2 : i32
        %get3A_753 = arith.index_cast %get3A_752 : i32 to index
        %get3A_754 = arith.index_cast %mul3A_751 : i32 to index
        %get3A_755 = tpu.vector_load %arg9[%get3A_753, %get3A_754] {strides = array<i32>} : memref<8x2048xi32, #tpu.memory_space<vmem>>, vector<16xi32>,
        %add3A_756 = arith.addi %add3A_749, %get3A_755 : vector<16xi32>
        %mul3A_757 = arith.constant 16 : i32
        %mul3A_758 = arith.muli %scan3A_736, %mul3A_757 : i32
        %get3A_759 = arith.constant 3 : i32
        %get3A_760 = arith.index_cast %get3A_759 : i32 to index
        %get3A_761 = arith.index_cast %mul3A_758 : i32 to index
        %get3A_762 = tpu.vector_load %arg9[%get3A_760, %get3A_761] {strides = array<i32>} : memref<8x2048xi32, #tpu.memory_space<vmem>>, vector<16xi32>,
        %add3A_763 = arith.addi %add3A_756, %get3A_762 : vector<16xi32>
        %mul3A_764 = arith.constant 16 : i32
        %mul3A_765 = arith.muli %scan3A_736, %mul3A_764 : i32
        %get3A_766 = arith.constant 4 : i32
        %get3A_767 = arith.index_cast %get3A_766 : i32 to index
        %get3A_768 = arith.index_cast %mul3A_765 : i32 to index
        %get3A_769 = tpu.vector_load %arg9[%get3A_767, %get3A_768] {strides = array<i32>} : memref<8x2048xi32, #tpu.memory_space<vmem>>, vector<16xi32>,
        %add3A_770 = arith.addi %add3A_763, %get3A_769 : vector<16xi32>
        %mul3A_771 = arith.constant 16 : i32
        %mul3A_772 = arith.muli %scan3A_736, %mul3A_771 : i32
        %get3A_773 = arith.constant 5 : i32
        %get3A_774 = arith.index_cast %get3A_773 : i32 to index
        %get3A_775 = arith.index_cast %mul3A_772 : i32 to index
        %get3A_776 = tpu.vector_load %arg9[%get3A_774, %get3A_775] {strides = array<i32>} : memref<8x2048xi32, #tpu.memory_space<vmem>>, vector<16xi32>,
        %add3A_777 = arith.addi %add3A_770, %get3A_776 : vector<16xi32>
        %mul3A_778 = arith.constant 16 : i32
        %mul3A_779 = arith.muli %scan3A_736, %mul3A_778 : i32
        %get3A_780 = arith.constant 6 : i32
        %get3A_781 = arith.index_cast %get3A_780 : i32 to index
        %get3A_782 = arith.index_cast %mul3A_779 : i32 to index
        %get3A_783 = tpu.vector_load %arg9[%get3A_781, %get3A_782] {strides = array<i32>} : memref<8x2048xi32, #tpu.memory_space<vmem>>, vector<16xi32>,
        %add3A_784 = arith.addi %add3A_777, %get3A_783 : vector<16xi32>
        %mul3A_785 = arith.constant 16 : i32
        %mul3A_786 = arith.muli %scan3A_736, %mul3A_785 : i32
        %get3A_787 = arith.constant 7 : i32
        %get3A_788 = arith.index_cast %get3A_787 : i32 to index
        %get3A_789 = arith.index_cast %mul3A_786 : i32 to index
        %get3A_790 = tpu.vector_load %arg9[%get3A_788, %get3A_789] {strides = array<i32>} : memref<8x2048xi32, #tpu.memory_space<vmem>>, vector<16xi32>,
        %add3A_791 = arith.addi %add3A_784, %get3A_790 : vector<16xi32>
        %mul3A_792 = arith.constant 16 : i32
        %mul3A_793 = arith.muli %scan3A_736, %mul3A_792 : i32
        %swap3A_794 = arith.index_cast %mul3A_793 : i32 to index
        %swap3A_795 = tpu.vector_load %arg8[%swap3A_794] {strides = array<i32>} : memref<2048xi32, #tpu.memory_space<vmem>>, vector<16xi32>,
        tpu.vector_store %arg8[%swap3A_794], %add3A_791 {strides = array<i32>} : memref<2048xi32, #tpu.memory_space<vmem>>, vector<16xi32>,
        %scan3A_796 = arith.constant 0 : i32
        scf.yield %scan3A_796 : i32
      }
      %scan3A_30 = arith.constant 128 : i32
      %iota3A_31 = tpu.iota {dimensions = array<i32: 0>} : vector<16xi32>
      %scan3A_32 = arith.constant 1000 : i32
      %scan3A_33 = arith.constant -1 : i32
      %scan3A_34 = arith.constant 0 : i32
      %scan3A_35 = arith.constant 0 : i32
      %scan3A_36 = arith.constant 0 : i32
      %scan3A_37 = arith.constant 128 : i32
      %scan3A_38 = arith.addi %scan3A_36, %scan3A_37 : i32
      %scan3A_39 = arith.constant 4 : i32
      %scan3A_40:3 = scf.for %scan3A_674 = %scan3A_36 to %scan3A_38 step %scan3A_39 iter_args(%scan3A_675 = %scan3A_33, %scan3A_676 = %scan3A_34, %scan3A_677 = %scan3A_35) -> (i32, i32, i32)  : i32 {
        %mul3A_678 = arith.constant 16 : i32
        %mul3A_679 = arith.muli %scan3A_674, %mul3A_678 : i32
        %get3A = arith.index_cast %mul3A_679 : i32 to index
        %get3A_680 = tpu.vector_load %arg8[%get3A] {strides = array<i32>} : memref<2048xi32, #tpu.memory_space<vmem>>, vector<16xi32>,
        %broadcast_in_dim3A_681 = arith.constant true
        %broadcast_in_dim3A_682 = vector.broadcast %broadcast_in_dim3A_681 : i1 to vector<16xi1>
        %masked_cumsum3A = tpu.scan <sum>, %get3A_680 masked %broadcast_in_dim3A_682 : vector<16xi32>, vector<16xi1> -> vector<16xi32>
        %reduce_sum3A = arith.constant true
        %reduce_sum3A_683 = vector.broadcast %reduce_sum3A : i1 to vector<16xi1>
        %reduce_sum3A_684 = tpu.scan <sum>, %get3A_680 masked %reduce_sum3A_683 : vector<16xi32>, vector<16xi1> -> vector<16xi32>
        %reduce_sum3A_685 = vector.extract %reduce_sum3A_684[15] : i32 from vector<16xi32>
        %add3A_686 = vector.broadcast %scan3A_677 : i32 to vector<16xi32>
        %add3A_687 = arith.addi %add3A_686, %masked_cumsum3A : vector<16xi32>
        %ge3A = vector.broadcast %scan3A_32 : i32 to vector<16xi32>
        %ge3A_688 = arith.cmpi sge, %add3A_687, %ge3A : vector<16xi32>
        %jit3A_689 = arith.constant 16 : i32
        %broadcast_in_dim3A_690 = vector.broadcast %jit3A_689 : i32 to vector<16xi32>
        %select_n3A_691 = arith.select %ge3A_688, %iota3A_31, %broadcast_in_dim3A_690 : vector<16xi1>, vector<16xi32>
        %reduce_min3A = arith.constant true
        %reduce_min3A_692 = vector.broadcast %reduce_min3A : i1 to vector<16xi1>
        %reduce_min3A_693 = arith.constant -2147483648 : i32
        %reduce_min3A_694 = vector.broadcast %reduce_min3A_693 : i32 to vector<16xi32>
        %reduce_min3A_695 = arith.xori %select_n3A_691, %reduce_min3A_694 : vector<16xi32>
        %reduce_min3A_696 = tpu.scan <min>, %reduce_min3A_695 masked %reduce_min3A_692 : vector<16xi32>, vector<16xi1> -> vector<16xi32>
        %reduce_min3A_697 = arith.xori %reduce_min3A_696, %reduce_min3A_694 : vector<16xi32>
        %reduce_min3A_698 = vector.extract %reduce_min3A_697[15] : i32 from vector<16xi32>
        %lt3A = arith.constant 16 : i32
        %lt3A_699 = arith.cmpi slt, %reduce_min3A_698, %lt3A : i32
        %lt3A_700 = arith.constant 0 : i32
        %lt3A_701 = arith.cmpi slt, %scan3A_675, %lt3A_700 : i32
        %and3A_702 = arith.andi %lt3A_699, %lt3A_701 : i1
        %eq3A = vector.broadcast %reduce_min3A_698 : i32 to vector<16xi32>
        %eq3A_703 = arith.cmpi eq, %iota3A_31, %eq3A : vector<16xi32>
        %sub3A_704 = arith.subi %masked_cumsum3A, %get3A_680 : vector<16xi32>
        %jit3A_705 = arith.constant 0 : i32
        %broadcast_in_dim3A_706 = vector.broadcast %jit3A_705 : i32 to vector<16xi32>
        %select_n3A_707 = arith.select %eq3A_703, %sub3A_704, %broadcast_in_dim3A_706 : vector<16xi1>, vector<16xi32>
        %reduce_sum3A_708 = arith.constant true
        %reduce_sum3A_709 = vector.broadcast %reduce_sum3A_708 : i1 to vector<16xi1>
        %reduce_sum3A_710 = tpu.scan <sum>, %select_n3A_707 masked %reduce_sum3A_709 : vector<16xi32>, vector<16xi1> -> vector<16xi32>
        %reduce_sum3A_711 = vector.extract %reduce_sum3A_710[15] : i32 from vector<16xi32>
        %add3A_712 = arith.addi %scan3A_677, %reduce_sum3A_711 : i32
        %mul3A_713 = arith.constant 16 : i32
        %mul3A_714 = arith.muli %scan3A_674, %mul3A_713 : i32
        %add3A_715 = arith.addi %mul3A_714, %reduce_min3A_698 : i32
        %select_n3A_716 = arith.select %and3A_702, %add3A_715, %scan3A_675 : i32
        %select_n3A_717 = arith.select %and3A_702, %add3A_712, %scan3A_676 : i32
        %add3A_718 = arith.addi %scan3A_677, %reduce_sum3A_685 : i32
        %scan3A_719 = arith.constant 1 : i32
        %scan3A_720 = arith.addi %scan3A_674, %scan3A_719 : i32
        %mul3A_721 = arith.constant 16 : i32
        %mul3A_722 = arith.muli %scan3A_720, %mul3A_721 : i32
        %get3A_723 = arith.index_cast %mul3A_722 : i32 to index
        %get3A_724 = tpu.vector_load %arg8[%get3A_723] {strides = array<i32>} : memref<2048xi32, #tpu.memory_space<vmem>>, vector<16xi32>,
        %broadcast_in_dim3A_725 = arith.constant true
        %broadcast_in_dim3A_726 = vector.broadcast %broadcast_in_dim3A_725 : i1 to vector<16xi1>
        %masked_cumsum3A_727 = tpu.scan <sum>, %get3A_724 masked %broadcast_in_dim3A_726 : vector<16xi32>, vector<16xi1> -> vector<16xi32>
        %reduce_sum3A_728 = arith.constant true
        %reduce_sum3A_729 = vector.broadcast %reduce_sum3A_728 : i1 to vector<16xi1>
        %reduce_sum3A_730 = tpu.scan <sum>, %get3A_724 masked %reduce_sum3A_729 : vector<16xi32>, vector<16xi1> -> vector<16xi32>
        %reduce_sum3A_731 = vector.extract %reduce_sum3A_730[15] : i32 from vector<16xi32>
        %add3A_732 = vector.broadcast %add3A_718 : i32 to vector<16xi32>
        %add3A_733 = arith.addi %add3A_732, %masked_cumsum3A_727 : vector<16xi32>
        %ge3A_734 = vector.broadcast %scan3A_32 : i32 to vector<16xi32>
        %ge3A_735 = arith.cmpi sge, %add3A_733, %ge3A_734 : vector<16xi32>
        %jit3A_736 = arith.constant 16 : i32
        %broadcast_in_dim3A_737 = vector.broadcast %jit3A_736 : i32 to vector<16xi32>
        %select_n3A_738 = arith.select %ge3A_735, %iota3A_31, %broadcast_in_dim3A_737 : vector<16xi1>, vector<16xi32>
        %reduce_min3A_739 = arith.constant true
        %reduce_min3A_740 = vector.broadcast %reduce_min3A_739 : i1 to vector<16xi1>
        %reduce_min3A_741 = arith.constant -2147483648 : i32
        %reduce_min3A_742 = vector.broadcast %reduce_min3A_741 : i32 to vector<16xi32>
        %reduce_min3A_743 = arith.xori %select_n3A_738, %reduce_min3A_742 : vector<16xi32>
        %reduce_min3A_744 = tpu.scan <min>, %reduce_min3A_743 masked %reduce_min3A_740 : vector<16xi32>, vector<16xi1> -> vector<16xi32>
        %reduce_min3A_745 = arith.xori %reduce_min3A_744, %reduce_min3A_742 : vector<16xi32>
        %reduce_min3A_746 = vector.extract %reduce_min3A_745[15] : i32 from vector<16xi32>
        %lt3A_747 = arith.constant 16 : i32
        %lt3A_748 = arith.cmpi slt, %reduce_min3A_746, %lt3A_747 : i32
        %lt3A_749 = arith.constant 0 : i32
        %lt3A_750 = arith.cmpi slt, %select_n3A_716, %lt3A_749 : i32
        %and3A_751 = arith.andi %lt3A_748, %lt3A_750 : i1
        %eq3A_752 = vector.broadcast %reduce_min3A_746 : i32 to vector<16xi32>
        %eq3A_753 = arith.cmpi eq, %iota3A_31, %eq3A_752 : vector<16xi32>
        %sub3A_754 = arith.subi %masked_cumsum3A_727, %get3A_724 : vector<16xi32>
        %jit3A_755 = arith.constant 0 : i32
        %broadcast_in_dim3A_756 = vector.broadcast %jit3A_755 : i32 to vector<16xi32>
        %select_n3A_757 = arith.select %eq3A_753, %sub3A_754, %broadcast_in_dim3A_756 : vector<16xi1>, vector<16xi32>
        %reduce_sum3A_758 = arith.constant true
        %reduce_sum3A_759 = vector.broadcast %reduce_sum3A_758 : i1 to vector<16xi1>
        %reduce_sum3A_760 = tpu.scan <sum>, %select_n3A_757 masked %reduce_sum3A_759 : vector<16xi32>, vector<16xi1> -> vector<16xi32>
        %reduce_sum3A_761 = vector.extract %reduce_sum3A_760[15] : i32 from vector<16xi32>
        %add3A_762 = arith.addi %add3A_718, %reduce_sum3A_761 : i32
        %mul3A_763 = arith.constant 16 : i32
        %mul3A_764 = arith.muli %scan3A_720, %mul3A_763 : i32
        %add3A_765 = arith.addi %mul3A_764, %reduce_min3A_746 : i32
        %select_n3A_766 = arith.select %and3A_751, %add3A_765, %select_n3A_716 : i32
        %select_n3A_767 = arith.select %and3A_751, %add3A_762, %select_n3A_717 : i32
        %add3A_768 = arith.addi %add3A_718, %reduce_sum3A_731 : i32
        %scan3A_769 = arith.constant 2 : i32
        %scan3A_770 = arith.addi %scan3A_674, %scan3A_769 : i32
        %mul3A_771 = arith.constant 16 : i32
        %mul3A_772 = arith.muli %scan3A_770, %mul3A_771 : i32
        %get3A_773 = arith.index_cast %mul3A_772 : i32 to index
        %get3A_774 = tpu.vector_load %arg8[%get3A_773] {strides = array<i32>} : memref<2048xi32, #tpu.memory_space<vmem>>, vector<16xi32>,
        %broadcast_in_dim3A_775 = arith.constant true
        %broadcast_in_dim3A_776 = vector.broadcast %broadcast_in_dim3A_775 : i1 to vector<16xi1>
        %masked_cumsum3A_777 = tpu.scan <sum>, %get3A_774 masked %broadcast_in_dim3A_776 : vector<16xi32>, vector<16xi1> -> vector<16xi32>
        %reduce_sum3A_778 = arith.constant true
        %reduce_sum3A_779 = vector.broadcast %reduce_sum3A_778 : i1 to vector<16xi1>
        %reduce_sum3A_780 = tpu.scan <sum>, %get3A_774 masked %reduce_sum3A_779 : vector<16xi32>, vector<16xi1> -> vector<16xi32>
        %reduce_sum3A_781 = vector.extract %reduce_sum3A_780[15] : i32 from vector<16xi32>
        %add3A_782 = vector.broadcast %add3A_768 : i32 to vector<16xi32>
        %add3A_783 = arith.addi %add3A_782, %masked_cumsum3A_777 : vector<16xi32>
        %ge3A_784 = vector.broadcast %scan3A_32 : i32 to vector<16xi32>
        %ge3A_785 = arith.cmpi sge, %add3A_783, %ge3A_784 : vector<16xi32>
        %jit3A_786 = arith.constant 16 : i32
        %broadcast_in_dim3A_787 = vector.broadcast %jit3A_786 : i32 to vector<16xi32>
        %select_n3A_788 = arith.select %ge3A_785, %iota3A_31, %broadcast_in_dim3A_787 : vector<16xi1>, vector<16xi32>
        %reduce_min3A_789 = arith.constant true
        %reduce_min3A_790 = vector.broadcast %reduce_min3A_789 : i1 to vector<16xi1>
        %reduce_min3A_791 = arith.constant -2147483648 : i32
        %reduce_min3A_792 = vector.broadcast %reduce_min3A_791 : i32 to vector<16xi32>
        %reduce_min3A_793 = arith.xori %select_n3A_788, %reduce_min3A_792 : vector<16xi32>
        %reduce_min3A_794 = tpu.scan <min>, %reduce_min3A_793 masked %reduce_min3A_790 : vector<16xi32>, vector<16xi1> -> vector<16xi32>
        %reduce_min3A_795 = arith.xori %reduce_min3A_794, %reduce_min3A_792 : vector<16xi32>
        %reduce_min3A_796 = vector.extract %reduce_min3A_795[15] : i32 from vector<16xi32>
        %lt3A_797 = arith.constant 16 : i32
        %lt3A_798 = arith.cmpi slt, %reduce_min3A_796, %lt3A_797 : i32
        %lt3A_799 = arith.constant 0 : i32
        %lt3A_800 = arith.cmpi slt, %select_n3A_766, %lt3A_799 : i32
        %and3A_801 = arith.andi %lt3A_798, %lt3A_800 : i1
        %eq3A_802 = vector.broadcast %reduce_min3A_796 : i32 to vector<16xi32>
        %eq3A_803 = arith.cmpi eq, %iota3A_31, %eq3A_802 : vector<16xi32>
        %sub3A_804 = arith.subi %masked_cumsum3A_777, %get3A_774 : vector<16xi32>
        %jit3A_805 = arith.constant 0 : i32
        %broadcast_in_dim3A_806 = vector.broadcast %jit3A_805 : i32 to vector<16xi32>
        %select_n3A_807 = arith.select %eq3A_803, %sub3A_804, %broadcast_in_dim3A_806 : vector<16xi1>, vector<16xi32>
        %reduce_sum3A_808 = arith.constant true
        %reduce_sum3A_809 = vector.broadcast %reduce_sum3A_808 : i1 to vector<16xi1>
        %reduce_sum3A_810 = tpu.scan <sum>, %select_n3A_807 masked %reduce_sum3A_809 : vector<16xi32>, vector<16xi1> -> vector<16xi32>
        %reduce_sum3A_811 = vector.extract %reduce_sum3A_810[15] : i32 from vector<16xi32>
        %add3A_812 = arith.addi %add3A_768, %reduce_sum3A_811 : i32
        %mul3A_813 = arith.constant 16 : i32
        %mul3A_814 = arith.muli %scan3A_770, %mul3A_813 : i32
        %add3A_815 = arith.addi %mul3A_814, %reduce_min3A_796 : i32
        %select_n3A_816 = arith.select %and3A_801, %add3A_815, %select_n3A_766 : i32
        %select_n3A_817 = arith.select %and3A_801, %add3A_812, %select_n3A_767 : i32
        %add3A_818 = arith.addi %add3A_768, %reduce_sum3A_781 : i32
        %scan3A_819 = arith.constant 3 : i32
        %scan3A_820 = arith.addi %scan3A_674, %scan3A_819 : i32
        %mul3A_821 = arith.constant 16 : i32
        %mul3A_822 = arith.muli %scan3A_820, %mul3A_821 : i32
        %get3A_823 = arith.index_cast %mul3A_822 : i32 to index
        %get3A_824 = tpu.vector_load %arg8[%get3A_823] {strides = array<i32>} : memref<2048xi32, #tpu.memory_space<vmem>>, vector<16xi32>,
        %broadcast_in_dim3A_825 = arith.constant true
        %broadcast_in_dim3A_826 = vector.broadcast %broadcast_in_dim3A_825 : i1 to vector<16xi1>
        %masked_cumsum3A_827 = tpu.scan <sum>, %get3A_824 masked %broadcast_in_dim3A_826 : vector<16xi32>, vector<16xi1> -> vector<16xi32>
        %reduce_sum3A_828 = arith.constant true
        %reduce_sum3A_829 = vector.broadcast %reduce_sum3A_828 : i1 to vector<16xi1>
        %reduce_sum3A_830 = tpu.scan <sum>, %get3A_824 masked %reduce_sum3A_829 : vector<16xi32>, vector<16xi1> -> vector<16xi32>
        %reduce_sum3A_831 = vector.extract %reduce_sum3A_830[15] : i32 from vector<16xi32>
        %add3A_832 = vector.broadcast %add3A_818 : i32 to vector<16xi32>
        %add3A_833 = arith.addi %add3A_832, %masked_cumsum3A_827 : vector<16xi32>
        %ge3A_834 = vector.broadcast %scan3A_32 : i32 to vector<16xi32>
        %ge3A_835 = arith.cmpi sge, %add3A_833, %ge3A_834 : vector<16xi32>
        %jit3A_836 = arith.constant 16 : i32
        %broadcast_in_dim3A_837 = vector.broadcast %jit3A_836 : i32 to vector<16xi32>
        %select_n3A_838 = arith.select %ge3A_835, %iota3A_31, %broadcast_in_dim3A_837 : vector<16xi1>, vector<16xi32>
        %reduce_min3A_839 = arith.constant true
        %reduce_min3A_840 = vector.broadcast %reduce_min3A_839 : i1 to vector<16xi1>
        %reduce_min3A_841 = arith.constant -2147483648 : i32
        %reduce_min3A_842 = vector.broadcast %reduce_min3A_841 : i32 to vector<16xi32>
        %reduce_min3A_843 = arith.xori %select_n3A_838, %reduce_min3A_842 : vector<16xi32>
        %reduce_min3A_844 = tpu.scan <min>, %reduce_min3A_843 masked %reduce_min3A_840 : vector<16xi32>, vector<16xi1> -> vector<16xi32>
        %reduce_min3A_845 = arith.xori %reduce_min3A_844, %reduce_min3A_842 : vector<16xi32>
        %reduce_min3A_846 = vector.extract %reduce_min3A_845[15] : i32 from vector<16xi32>
        %lt3A_847 = arith.constant 16 : i32
        %lt3A_848 = arith.cmpi slt, %reduce_min3A_846, %lt3A_847 : i32
        %lt3A_849 = arith.constant 0 : i32
        %lt3A_850 = arith.cmpi slt, %select_n3A_816, %lt3A_849 : i32
        %and3A_851 = arith.andi %lt3A_848, %lt3A_850 : i1
        %eq3A_852 = vector.broadcast %reduce_min3A_846 : i32 to vector<16xi32>
        %eq3A_853 = arith.cmpi eq, %iota3A_31, %eq3A_852 : vector<16xi32>
        %sub3A_854 = arith.subi %masked_cumsum3A_827, %get3A_824 : vector<16xi32>
        %jit3A_855 = arith.constant 0 : i32
        %broadcast_in_dim3A_856 = vector.broadcast %jit3A_855 : i32 to vector<16xi32>
        %select_n3A_857 = arith.select %eq3A_853, %sub3A_854, %broadcast_in_dim3A_856 : vector<16xi1>, vector<16xi32>
        %reduce_sum3A_858 = arith.constant true
        %reduce_sum3A_859 = vector.broadcast %reduce_sum3A_858 : i1 to vector<16xi1>
        %reduce_sum3A_860 = tpu.scan <sum>, %select_n3A_857 masked %reduce_sum3A_859 : vector<16xi32>, vector<16xi1> -> vector<16xi32>
        %reduce_sum3A_861 = vector.extract %reduce_sum3A_860[15] : i32 from vector<16xi32>
        %add3A_862 = arith.addi %add3A_818, %reduce_sum3A_861 : i32
        %mul3A_863 = arith.constant 16 : i32
        %mul3A_864 = arith.muli %scan3A_820, %mul3A_863 : i32
        %add3A_865 = arith.addi %mul3A_864, %reduce_min3A_846 : i32
        %select_n3A_866 = arith.select %and3A_851, %add3A_865, %select_n3A_816 : i32
        %select_n3A_867 = arith.select %and3A_851, %add3A_862, %select_n3A_817 : i32
        %add3A_868 = arith.addi %add3A_818, %reduce_sum3A_831 : i32
        scf.yield %select_n3A_866, %select_n3A_867, %add3A_868 : i32, i32, i32
      }
      %scan3A_41 = arith.constant 128 : i32
      %sub3A = arith.constant 1000 : i32
      %sub3A_42 = arith.subi %sub3A, %scan3A_40#1 : i32
      %scan3A_43 = arith.constant 0 : i32
      %scan3A_44 = arith.constant 0 : i32
      %scan3A_45 = arith.constant 128 : i32
      %scan3A_46 = arith.addi %scan3A_44, %scan3A_45 : i32
      %scan3A_47 = arith.constant 2 : i32
      %scan3A_48 = scf.for %scan3A_674 = %scan3A_44 to %scan3A_46 step %scan3A_47 iter_args(%scan3A_675 = %scan3A_43) -> (i32)  : i32 {
        %mul3A_676 = arith.constant 16 : i32
        %mul3A_677 = arith.muli %scan3A_674, %mul3A_676 : i32
        %swap3A_678 = arith.constant 0 : i32
        %swap3A_679 = arith.index_cast %swap3A_678 : i32 to index
        %swap3A_680 = arith.index_cast %mul3A_677 : i32 to index
        %swap3A_681 = tpu.vector_load %arg9[%swap3A_679, %swap3A_680] {strides = array<i32>} : memref<8x2048xi32, #tpu.memory_space<vmem>>, vector<16xi32>,
        tpu.vector_store %arg9[%swap3A_679, %swap3A_680], %broadcast_in_dim3A_3 {strides = array<i32>} : memref<8x2048xi32, #tpu.memory_space<vmem>>, vector<16xi32>,
        %mul3A_682 = arith.constant 16 : i32
        %mul3A_683 = arith.muli %scan3A_674, %mul3A_682 : i32
        %swap3A_684 = arith.constant 1 : i32
        %swap3A_685 = arith.index_cast %swap3A_684 : i32 to index
        %swap3A_686 = arith.index_cast %mul3A_683 : i32 to index
        %swap3A_687 = tpu.vector_load %arg9[%swap3A_685, %swap3A_686] {strides = array<i32>} : memref<8x2048xi32, #tpu.memory_space<vmem>>, vector<16xi32>,
        tpu.vector_store %arg9[%swap3A_685, %swap3A_686], %broadcast_in_dim3A_3 {strides = array<i32>} : memref<8x2048xi32, #tpu.memory_space<vmem>>, vector<16xi32>,
        %mul3A_688 = arith.constant 16 : i32
        %mul3A_689 = arith.muli %scan3A_674, %mul3A_688 : i32
        %swap3A_690 = arith.constant 2 : i32
        %swap3A_691 = arith.index_cast %swap3A_690 : i32 to index
        %swap3A_692 = arith.index_cast %mul3A_689 : i32 to index
        %swap3A_693 = tpu.vector_load %arg9[%swap3A_691, %swap3A_692] {strides = array<i32>} : memref<8x2048xi32, #tpu.memory_space<vmem>>, vector<16xi32>,
        tpu.vector_store %arg9[%swap3A_691, %swap3A_692], %broadcast_in_dim3A_3 {strides = array<i32>} : memref<8x2048xi32, #tpu.memory_space<vmem>>, vector<16xi32>,
        %mul3A_694 = arith.constant 16 : i32
        %mul3A_695 = arith.muli %scan3A_674, %mul3A_694 : i32
        %swap3A_696 = arith.constant 3 : i32
        %swap3A_697 = arith.index_cast %swap3A_696 : i32 to index
        %swap3A_698 = arith.index_cast %mul3A_695 : i32 to index
        %swap3A_699 = tpu.vector_load %arg9[%swap3A_697, %swap3A_698] {strides = array<i32>} : memref<8x2048xi32, #tpu.memory_space<vmem>>, vector<16xi32>,
        tpu.vector_store %arg9[%swap3A_697, %swap3A_698], %broadcast_in_dim3A_3 {strides = array<i32>} : memref<8x2048xi32, #tpu.memory_space<vmem>>, vector<16xi32>,
        %mul3A_700 = arith.constant 16 : i32
        %mul3A_701 = arith.muli %scan3A_674, %mul3A_700 : i32
        %swap3A_702 = arith.constant 4 : i32
        %swap3A_703 = arith.index_cast %swap3A_702 : i32 to index
        %swap3A_704 = arith.index_cast %mul3A_701 : i32 to index
        %swap3A_705 = tpu.vector_load %arg9[%swap3A_703, %swap3A_704] {strides = array<i32>} : memref<8x2048xi32, #tpu.memory_space<vmem>>, vector<16xi32>,
        tpu.vector_store %arg9[%swap3A_703, %swap3A_704], %broadcast_in_dim3A_3 {strides = array<i32>} : memref<8x2048xi32, #tpu.memory_space<vmem>>, vector<16xi32>,
        %mul3A_706 = arith.constant 16 : i32
        %mul3A_707 = arith.muli %scan3A_674, %mul3A_706 : i32
        %swap3A_708 = arith.constant 5 : i32
        %swap3A_709 = arith.index_cast %swap3A_708 : i32 to index
        %swap3A_710 = arith.index_cast %mul3A_707 : i32 to index
        %swap3A_711 = tpu.vector_load %arg9[%swap3A_709, %swap3A_710] {strides = array<i32>} : memref<8x2048xi32, #tpu.memory_space<vmem>>, vector<16xi32>,
        tpu.vector_store %arg9[%swap3A_709, %swap3A_710], %broadcast_in_dim3A_3 {strides = array<i32>} : memref<8x2048xi32, #tpu.memory_space<vmem>>, vector<16xi32>,
        %mul3A_712 = arith.constant 16 : i32
        %mul3A_713 = arith.muli %scan3A_674, %mul3A_712 : i32
        %swap3A_714 = arith.constant 6 : i32
        %swap3A_715 = arith.index_cast %swap3A_714 : i32 to index
        %swap3A_716 = arith.index_cast %mul3A_713 : i32 to index
        %swap3A_717 = tpu.vector_load %arg9[%swap3A_715, %swap3A_716] {strides = array<i32>} : memref<8x2048xi32, #tpu.memory_space<vmem>>, vector<16xi32>,
        tpu.vector_store %arg9[%swap3A_715, %swap3A_716], %broadcast_in_dim3A_3 {strides = array<i32>} : memref<8x2048xi32, #tpu.memory_space<vmem>>, vector<16xi32>,
        %mul3A_718 = arith.constant 16 : i32
        %mul3A_719 = arith.muli %scan3A_674, %mul3A_718 : i32
        %swap3A_720 = arith.constant 7 : i32
        %swap3A_721 = arith.index_cast %swap3A_720 : i32 to index
        %swap3A_722 = arith.index_cast %mul3A_719 : i32 to index
        %swap3A_723 = tpu.vector_load %arg9[%swap3A_721, %swap3A_722] {strides = array<i32>} : memref<8x2048xi32, #tpu.memory_space<vmem>>, vector<16xi32>,
        tpu.vector_store %arg9[%swap3A_721, %swap3A_722], %broadcast_in_dim3A_3 {strides = array<i32>} : memref<8x2048xi32, #tpu.memory_space<vmem>>, vector<16xi32>,
        %scan3A_724 = arith.constant 0 : i32
        %scan3A_725 = arith.constant 1 : i32
        %scan3A_726 = arith.addi %scan3A_674, %scan3A_725 : i32
        %mul3A_727 = arith.constant 16 : i32
        %mul3A_728 = arith.muli %scan3A_726, %mul3A_727 : i32
        %swap3A_729 = arith.constant 0 : i32
        %swap3A_730 = arith.index_cast %swap3A_729 : i32 to index
        %swap3A_731 = arith.index_cast %mul3A_728 : i32 to index
        %swap3A_732 = tpu.vector_load %arg9[%swap3A_730, %swap3A_731] {strides = array<i32>} : memref<8x2048xi32, #tpu.memory_space<vmem>>, vector<16xi32>,
        tpu.vector_store %arg9[%swap3A_730, %swap3A_731], %broadcast_in_dim3A_3 {strides = array<i32>} : memref<8x2048xi32, #tpu.memory_space<vmem>>, vector<16xi32>,
        %mul3A_733 = arith.constant 16 : i32
        %mul3A_734 = arith.muli %scan3A_726, %mul3A_733 : i32
        %swap3A_735 = arith.constant 1 : i32
        %swap3A_736 = arith.index_cast %swap3A_735 : i32 to index
        %swap3A_737 = arith.index_cast %mul3A_734 : i32 to index
        %swap3A_738 = tpu.vector_load %arg9[%swap3A_736, %swap3A_737] {strides = array<i32>} : memref<8x2048xi32, #tpu.memory_space<vmem>>, vector<16xi32>,
        tpu.vector_store %arg9[%swap3A_736, %swap3A_737], %broadcast_in_dim3A_3 {strides = array<i32>} : memref<8x2048xi32, #tpu.memory_space<vmem>>, vector<16xi32>,
        %mul3A_739 = arith.constant 16 : i32
        %mul3A_740 = arith.muli %scan3A_726, %mul3A_739 : i32
        %swap3A_741 = arith.constant 2 : i32
        %swap3A_742 = arith.index_cast %swap3A_741 : i32 to index
        %swap3A_743 = arith.index_cast %mul3A_740 : i32 to index
        %swap3A_744 = tpu.vector_load %arg9[%swap3A_742, %swap3A_743] {strides = array<i32>} : memref<8x2048xi32, #tpu.memory_space<vmem>>, vector<16xi32>,
        tpu.vector_store %arg9[%swap3A_742, %swap3A_743], %broadcast_in_dim3A_3 {strides = array<i32>} : memref<8x2048xi32, #tpu.memory_space<vmem>>, vector<16xi32>,
        %mul3A_745 = arith.constant 16 : i32
        %mul3A_746 = arith.muli %scan3A_726, %mul3A_745 : i32
        %swap3A_747 = arith.constant 3 : i32
        %swap3A_748 = arith.index_cast %swap3A_747 : i32 to index
        %swap3A_749 = arith.index_cast %mul3A_746 : i32 to index
        %swap3A_750 = tpu.vector_load %arg9[%swap3A_748, %swap3A_749] {strides = array<i32>} : memref<8x2048xi32, #tpu.memory_space<vmem>>, vector<16xi32>,
        tpu.vector_store %arg9[%swap3A_748, %swap3A_749], %broadcast_in_dim3A_3 {strides = array<i32>} : memref<8x2048xi32, #tpu.memory_space<vmem>>, vector<16xi32>,
        %mul3A_751 = arith.constant 16 : i32
        %mul3A_752 = arith.muli %scan3A_726, %mul3A_751 : i32
        %swap3A_753 = arith.constant 4 : i32
        %swap3A_754 = arith.index_cast %swap3A_753 : i32 to index
        %swap3A_755 = arith.index_cast %mul3A_752 : i32 to index
        %swap3A_756 = tpu.vector_load %arg9[%swap3A_754, %swap3A_755] {strides = array<i32>} : memref<8x2048xi32, #tpu.memory_space<vmem>>, vector<16xi32>,
        tpu.vector_store %arg9[%swap3A_754, %swap3A_755], %broadcast_in_dim3A_3 {strides = array<i32>} : memref<8x2048xi32, #tpu.memory_space<vmem>>, vector<16xi32>,
        %mul3A_757 = arith.constant 16 : i32
        %mul3A_758 = arith.muli %scan3A_726, %mul3A_757 : i32
        %swap3A_759 = arith.constant 5 : i32
        %swap3A_760 = arith.index_cast %swap3A_759 : i32 to index
        %swap3A_761 = arith.index_cast %mul3A_758 : i32 to index
        %swap3A_762 = tpu.vector_load %arg9[%swap3A_760, %swap3A_761] {strides = array<i32>} : memref<8x2048xi32, #tpu.memory_space<vmem>>, vector<16xi32>,
        tpu.vector_store %arg9[%swap3A_760, %swap3A_761], %broadcast_in_dim3A_3 {strides = array<i32>} : memref<8x2048xi32, #tpu.memory_space<vmem>>, vector<16xi32>,
        %mul3A_763 = arith.constant 16 : i32
        %mul3A_764 = arith.muli %scan3A_726, %mul3A_763 : i32
        %swap3A_765 = arith.constant 6 : i32
        %swap3A_766 = arith.index_cast %swap3A_765 : i32 to index
        %swap3A_767 = arith.index_cast %mul3A_764 : i32 to index
        %swap3A_768 = tpu.vector_load %arg9[%swap3A_766, %swap3A_767] {strides = array<i32>} : memref<8x2048xi32, #tpu.memory_space<vmem>>, vector<16xi32>,
        tpu.vector_store %arg9[%swap3A_766, %swap3A_767], %broadcast_in_dim3A_3 {strides = array<i32>} : memref<8x2048xi32, #tpu.memory_space<vmem>>, vector<16xi32>,
        %mul3A_769 = arith.constant 16 : i32
        %mul3A_770 = arith.muli %scan3A_726, %mul3A_769 : i32
        %swap3A_771 = arith.constant 7 : i32
        %swap3A_772 = arith.index_cast %swap3A_771 : i32 to index
        %swap3A_773 = arith.index_cast %mul3A_770 : i32 to index
        %swap3A_774 = tpu.vector_load %arg9[%swap3A_772, %swap3A_773] {strides = array<i32>} : memref<8x2048xi32, #tpu.memory_space<vmem>>, vector<16xi32>,
        tpu.vector_store %arg9[%swap3A_772, %swap3A_773], %broadcast_in_dim3A_3 {strides = array<i32>} : memref<8x2048xi32, #tpu.memory_space<vmem>>, vector<16xi32>,
        %scan3A_775 = arith.constant 0 : i32
        scf.yield %scan3A_775 : i32
      }
      %scan3A_49 = arith.constant 128 : i32
      %parallel_loop3A_50 = arith.constant 0 : i32
      %parallel_loop3A_51 = arith.constant 1250 : i32
      %parallel_loop3A_52 = arith.constant 1 : i32
      scf.for %parallel_loop3A_674 = %parallel_loop3A_50 to %parallel_loop3A_51 step %parallel_loop3A_52  : i32 {
        %parallel_loop3A_675 = arith.constant 16 : i32
        %parallel_loop3A_676 = arith.muli %parallel_loop3A_674, %parallel_loop3A_675 : i32
        %parallel_loop3A_677 = arith.index_cast %parallel_loop3A_676 : i32 to index
        %parallel_loop3A_678 = tpu.vector_load %arg7[%parallel_loop3A_677] {strides = array<i32>} : memref<20000xi32, #tpu.memory_space<vmem>>, vector<16xi32>,
        %parallel_loop3A_679 = arith.constant -2147483648 : i32
        %parallel_loop3A_680 = vector.broadcast %parallel_loop3A_679 : i32 to vector<16xi32>
        %parallel_loop3A_681 = arith.xori %parallel_loop3A_678, %parallel_loop3A_680 : vector<16xi32>
        %parallel_loop3A_682 = arith.constant 21 : i32
        %parallel_loop3A_683 = vector.broadcast %parallel_loop3A_682 : i32 to vector<16xi32>
        %parallel_loop3A_684 = arith.shrui %parallel_loop3A_681, %parallel_loop3A_683 : vector<16xi32>
        %parallel_loop3A_685 = vector.broadcast %scan3A_40#0 : i32 to vector<16xi32>
        %parallel_loop3A_686 = arith.cmpi eq, %parallel_loop3A_684, %parallel_loop3A_685 : vector<16xi32>
        %parallel_loop3A_687 = arith.constant 10 : i32
        %parallel_loop3A_688 = vector.broadcast %parallel_loop3A_687 : i32 to vector<16xi32>
        %parallel_loop3A_689 = arith.shrui %parallel_loop3A_681, %parallel_loop3A_688 : vector<16xi32>
        %parallel_loop3A_690 = arith.constant 2047 : i32
        %parallel_loop3A_691 = vector.broadcast %parallel_loop3A_690 : i32 to vector<16xi32>
        %parallel_loop3A_692 = arith.andi %parallel_loop3A_689, %parallel_loop3A_691 : vector<16xi32>
        %parallel_loop3A_693, %parallel_loop3A_694 = tpu.scan_count mask(%parallel_loop3A_686 : vector<16xi1>) value(%parallel_loop3A_692 : vector<16xi32>) : vector<16xi1>, vector<16xi32>
        %parallel_loop3A_695 = arith.constant 7 : i32
        %parallel_loop3A_696 = arith.andi %parallel_loop3A_674, %parallel_loop3A_695 : i32
        %parallel_loop3A_697 = vector.broadcast %parallel_loop3A_696 : i32 to vector<16xi32>
        tpu.vector_store_idx %arg9[%parallel_loop3A_697, %parallel_loop3A_692], %parallel_loop3A_694 masked %parallel_loop3A_693 {add = true} : memref<8x2048xi32, #tpu.memory_space<vmem>>[vector<16xi32>, vector<16xi32>], vector<16xi32>, vector<16xi1>
      } {sc.loop_unroll_factor = 8 : i64, sc.parallel_access}
      %scan3A_53 = arith.constant 0 : i32
      %scan3A_54 = arith.constant 0 : i32
      %scan3A_55 = arith.constant 128 : i32
      %scan3A_56 = arith.addi %scan3A_54, %scan3A_55 : i32
      %scan3A_57 = arith.constant 2 : i32
      %scan3A_58 = scf.for %scan3A_674 = %scan3A_54 to %scan3A_56 step %scan3A_57 iter_args(%scan3A_675 = %scan3A_53) -> (i32)  : i32 {
        %mul3A_676 = arith.constant 16 : i32
        %mul3A_677 = arith.muli %scan3A_674, %mul3A_676 : i32
        %get3A = arith.constant 0 : i32
        %get3A_678 = arith.index_cast %get3A : i32 to index
        %get3A_679 = arith.index_cast %mul3A_677 : i32 to index
        %get3A_680 = tpu.vector_load %arg9[%get3A_678, %get3A_679] {strides = array<i32>} : memref<8x2048xi32, #tpu.memory_space<vmem>>, vector<16xi32>,
        %mul3A_681 = arith.constant 16 : i32
        %mul3A_682 = arith.muli %scan3A_674, %mul3A_681 : i32
        %get3A_683 = arith.constant 1 : i32
        %get3A_684 = arith.index_cast %get3A_683 : i32 to index
        %get3A_685 = arith.index_cast %mul3A_682 : i32 to index
        %get3A_686 = tpu.vector_load %arg9[%get3A_684, %get3A_685] {strides = array<i32>} : memref<8x2048xi32, #tpu.memory_space<vmem>>, vector<16xi32>,
        %add3A_687 = arith.addi %get3A_680, %get3A_686 : vector<16xi32>
        %mul3A_688 = arith.constant 16 : i32
        %mul3A_689 = arith.muli %scan3A_674, %mul3A_688 : i32
        %get3A_690 = arith.constant 2 : i32
        %get3A_691 = arith.index_cast %get3A_690 : i32 to index
        %get3A_692 = arith.index_cast %mul3A_689 : i32 to index
        %get3A_693 = tpu.vector_load %arg9[%get3A_691, %get3A_692] {strides = array<i32>} : memref<8x2048xi32, #tpu.memory_space<vmem>>, vector<16xi32>,
        %add3A_694 = arith.addi %add3A_687, %get3A_693 : vector<16xi32>
        %mul3A_695 = arith.constant 16 : i32
        %mul3A_696 = arith.muli %scan3A_674, %mul3A_695 : i32
        %get3A_697 = arith.constant 3 : i32
        %get3A_698 = arith.index_cast %get3A_697 : i32 to index
        %get3A_699 = arith.index_cast %mul3A_696 : i32 to index
        %get3A_700 = tpu.vector_load %arg9[%get3A_698, %get3A_699] {strides = array<i32>} : memref<8x2048xi32, #tpu.memory_space<vmem>>, vector<16xi32>,
        %add3A_701 = arith.addi %add3A_694, %get3A_700 : vector<16xi32>
        %mul3A_702 = arith.constant 16 : i32
        %mul3A_703 = arith.muli %scan3A_674, %mul3A_702 : i32
        %get3A_704 = arith.constant 4 : i32
        %get3A_705 = arith.index_cast %get3A_704 : i32 to index
        %get3A_706 = arith.index_cast %mul3A_703 : i32 to index
        %get3A_707 = tpu.vector_load %arg9[%get3A_705, %get3A_706] {strides = array<i32>} : memref<8x2048xi32, #tpu.memory_space<vmem>>, vector<16xi32>,
        %add3A_708 = arith.addi %add3A_701, %get3A_707 : vector<16xi32>
        %mul3A_709 = arith.constant 16 : i32
        %mul3A_710 = arith.muli %scan3A_674, %mul3A_709 : i32
        %get3A_711 = arith.constant 5 : i32
        %get3A_712 = arith.index_cast %get3A_711 : i32 to index
        %get3A_713 = arith.index_cast %mul3A_710 : i32 to index
        %get3A_714 = tpu.vector_load %arg9[%get3A_712, %get3A_713] {strides = array<i32>} : memref<8x2048xi32, #tpu.memory_space<vmem>>, vector<16xi32>,
        %add3A_715 = arith.addi %add3A_708, %get3A_714 : vector<16xi32>
        %mul3A_716 = arith.constant 16 : i32
        %mul3A_717 = arith.muli %scan3A_674, %mul3A_716 : i32
        %get3A_718 = arith.constant 6 : i32
        %get3A_719 = arith.index_cast %get3A_718 : i32 to index
        %get3A_720 = arith.index_cast %mul3A_717 : i32 to index
        %get3A_721 = tpu.vector_load %arg9[%get3A_719, %get3A_720] {strides = array<i32>} : memref<8x2048xi32, #tpu.memory_space<vmem>>, vector<16xi32>,
        %add3A_722 = arith.addi %add3A_715, %get3A_721 : vector<16xi32>
        %mul3A_723 = arith.constant 16 : i32
        %mul3A_724 = arith.muli %scan3A_674, %mul3A_723 : i32
        %get3A_725 = arith.constant 7 : i32
        %get3A_726 = arith.index_cast %get3A_725 : i32 to index
        %get3A_727 = arith.index_cast %mul3A_724 : i32 to index
        %get3A_728 = tpu.vector_load %arg9[%get3A_726, %get3A_727] {strides = array<i32>} : memref<8x2048xi32, #tpu.memory_space<vmem>>, vector<16xi32>,
        %add3A_729 = arith.addi %add3A_722, %get3A_728 : vector<16xi32>
        %mul3A_730 = arith.constant 16 : i32
        %mul3A_731 = arith.muli %scan3A_674, %mul3A_730 : i32
        %swap3A_732 = arith.index_cast %mul3A_731 : i32 to index
        %swap3A_733 = tpu.vector_load %arg8[%swap3A_732] {strides = array<i32>} : memref<2048xi32, #tpu.memory_space<vmem>>, vector<16xi32>,
        tpu.vector_store %arg8[%swap3A_732], %add3A_729 {strides = array<i32>} : memref<2048xi32, #tpu.memory_space<vmem>>, vector<16xi32>,
        %scan3A_734 = arith.constant 0 : i32
        %scan3A_735 = arith.constant 1 : i32
        %scan3A_736 = arith.addi %scan3A_674, %scan3A_735 : i32
        %mul3A_737 = arith.constant 16 : i32
        %mul3A_738 = arith.muli %scan3A_736, %mul3A_737 : i32
        %get3A_739 = arith.constant 0 : i32
        %get3A_740 = arith.index_cast %get3A_739 : i32 to index
        %get3A_741 = arith.index_cast %mul3A_738 : i32 to index
        %get3A_742 = tpu.vector_load %arg9[%get3A_740, %get3A_741] {strides = array<i32>} : memref<8x2048xi32, #tpu.memory_space<vmem>>, vector<16xi32>,
        %mul3A_743 = arith.constant 16 : i32
        %mul3A_744 = arith.muli %scan3A_736, %mul3A_743 : i32
        %get3A_745 = arith.constant 1 : i32
        %get3A_746 = arith.index_cast %get3A_745 : i32 to index
        %get3A_747 = arith.index_cast %mul3A_744 : i32 to index
        %get3A_748 = tpu.vector_load %arg9[%get3A_746, %get3A_747] {strides = array<i32>} : memref<8x2048xi32, #tpu.memory_space<vmem>>, vector<16xi32>,
        %add3A_749 = arith.addi %get3A_742, %get3A_748 : vector<16xi32>
        %mul3A_750 = arith.constant 16 : i32
        %mul3A_751 = arith.muli %scan3A_736, %mul3A_750 : i32
        %get3A_752 = arith.constant 2 : i32
        %get3A_753 = arith.index_cast %get3A_752 : i32 to index
        %get3A_754 = arith.index_cast %mul3A_751 : i32 to index
        %get3A_755 = tpu.vector_load %arg9[%get3A_753, %get3A_754] {strides = array<i32>} : memref<8x2048xi32, #tpu.memory_space<vmem>>, vector<16xi32>,
        %add3A_756 = arith.addi %add3A_749, %get3A_755 : vector<16xi32>
        %mul3A_757 = arith.constant 16 : i32
        %mul3A_758 = arith.muli %scan3A_736, %mul3A_757 : i32
        %get3A_759 = arith.constant 3 : i32
        %get3A_760 = arith.index_cast %get3A_759 : i32 to index
        %get3A_761 = arith.index_cast %mul3A_758 : i32 to index
        %get3A_762 = tpu.vector_load %arg9[%get3A_760, %get3A_761] {strides = array<i32>} : memref<8x2048xi32, #tpu.memory_space<vmem>>, vector<16xi32>,
        %add3A_763 = arith.addi %add3A_756, %get3A_762 : vector<16xi32>
        %mul3A_764 = arith.constant 16 : i32
        %mul3A_765 = arith.muli %scan3A_736, %mul3A_764 : i32
        %get3A_766 = arith.constant 4 : i32
        %get3A_767 = arith.index_cast %get3A_766 : i32 to index
        %get3A_768 = arith.index_cast %mul3A_765 : i32 to index
        %get3A_769 = tpu.vector_load %arg9[%get3A_767, %get3A_768] {strides = array<i32>} : memref<8x2048xi32, #tpu.memory_space<vmem>>, vector<16xi32>,
        %add3A_770 = arith.addi %add3A_763, %get3A_769 : vector<16xi32>
        %mul3A_771 = arith.constant 16 : i32
        %mul3A_772 = arith.muli %scan3A_736, %mul3A_771 : i32
        %get3A_773 = arith.constant 5 : i32
        %get3A_774 = arith.index_cast %get3A_773 : i32 to index
        %get3A_775 = arith.index_cast %mul3A_772 : i32 to index
        %get3A_776 = tpu.vector_load %arg9[%get3A_774, %get3A_775] {strides = array<i32>} : memref<8x2048xi32, #tpu.memory_space<vmem>>, vector<16xi32>,
        %add3A_777 = arith.addi %add3A_770, %get3A_776 : vector<16xi32>
        %mul3A_778 = arith.constant 16 : i32
        %mul3A_779 = arith.muli %scan3A_736, %mul3A_778 : i32
        %get3A_780 = arith.constant 6 : i32
        %get3A_781 = arith.index_cast %get3A_780 : i32 to index
        %get3A_782 = arith.index_cast %mul3A_779 : i32 to index
        %get3A_783 = tpu.vector_load %arg9[%get3A_781, %get3A_782] {strides = array<i32>} : memref<8x2048xi32, #tpu.memory_space<vmem>>, vector<16xi32>,
        %add3A_784 = arith.addi %add3A_777, %get3A_783 : vector<16xi32>
        %mul3A_785 = arith.constant 16 : i32
        %mul3A_786 = arith.muli %scan3A_736, %mul3A_785 : i32
        %get3A_787 = arith.constant 7 : i32
        %get3A_788 = arith.index_cast %get3A_787 : i32 to index
        %get3A_789 = arith.index_cast %mul3A_786 : i32 to index
        %get3A_790 = tpu.vector_load %arg9[%get3A_788, %get3A_789] {strides = array<i32>} : memref<8x2048xi32, #tpu.memory_space<vmem>>, vector<16xi32>,
        %add3A_791 = arith.addi %add3A_784, %get3A_790 : vector<16xi32>
        %mul3A_792 = arith.constant 16 : i32
        %mul3A_793 = arith.muli %scan3A_736, %mul3A_792 : i32
        %swap3A_794 = arith.index_cast %mul3A_793 : i32 to index
        %swap3A_795 = tpu.vector_load %arg8[%swap3A_794] {strides = array<i32>} : memref<2048xi32, #tpu.memory_space<vmem>>, vector<16xi32>,
        tpu.vector_store %arg8[%swap3A_794], %add3A_791 {strides = array<i32>} : memref<2048xi32, #tpu.memory_space<vmem>>, vector<16xi32>,
        %scan3A_796 = arith.constant 0 : i32
        scf.yield %scan3A_796 : i32
      }
      %scan3A_59 = arith.constant 128 : i32
      %iota3A_60 = tpu.iota {dimensions = array<i32: 0>} : vector<16xi32>
      %scan3A_61 = arith.constant -1 : i32
      %scan3A_62 = arith.constant 0 : i32
      %scan3A_63 = arith.constant 0 : i32
      %scan3A_64 = arith.constant 0 : i32
      %scan3A_65 = arith.constant 128 : i32
      %scan3A_66 = arith.addi %scan3A_64, %scan3A_65 : i32
      %scan3A_67 = arith.constant 4 : i32
      %scan3A_68:3 = scf.for %scan3A_674 = %scan3A_64 to %scan3A_66 step %scan3A_67 iter_args(%scan3A_675 = %scan3A_61, %scan3A_676 = %scan3A_62, %scan3A_677 = %scan3A_63) -> (i32, i32, i32)  : i32 {
        %mul3A_678 = arith.constant 16 : i32
        %mul3A_679 = arith.muli %scan3A_674, %mul3A_678 : i32
        %get3A = arith.index_cast %mul3A_679 : i32 to index
        %get3A_680 = tpu.vector_load %arg8[%get3A] {strides = array<i32>} : memref<2048xi32, #tpu.memory_space<vmem>>, vector<16xi32>,
        %broadcast_in_dim3A_681 = arith.constant true
        %broadcast_in_dim3A_682 = vector.broadcast %broadcast_in_dim3A_681 : i1 to vector<16xi1>
        %masked_cumsum3A = tpu.scan <sum>, %get3A_680 masked %broadcast_in_dim3A_682 : vector<16xi32>, vector<16xi1> -> vector<16xi32>
        %reduce_sum3A = arith.constant true
        %reduce_sum3A_683 = vector.broadcast %reduce_sum3A : i1 to vector<16xi1>
        %reduce_sum3A_684 = tpu.scan <sum>, %get3A_680 masked %reduce_sum3A_683 : vector<16xi32>, vector<16xi1> -> vector<16xi32>
        %reduce_sum3A_685 = vector.extract %reduce_sum3A_684[15] : i32 from vector<16xi32>
        %add3A_686 = vector.broadcast %scan3A_677 : i32 to vector<16xi32>
        %add3A_687 = arith.addi %add3A_686, %masked_cumsum3A : vector<16xi32>
        %ge3A = vector.broadcast %sub3A_42 : i32 to vector<16xi32>
        %ge3A_688 = arith.cmpi sge, %add3A_687, %ge3A : vector<16xi32>
        %jit3A_689 = arith.constant 16 : i32
        %broadcast_in_dim3A_690 = vector.broadcast %jit3A_689 : i32 to vector<16xi32>
        %select_n3A_691 = arith.select %ge3A_688, %iota3A_60, %broadcast_in_dim3A_690 : vector<16xi1>, vector<16xi32>
        %reduce_min3A = arith.constant true
        %reduce_min3A_692 = vector.broadcast %reduce_min3A : i1 to vector<16xi1>
        %reduce_min3A_693 = arith.constant -2147483648 : i32
        %reduce_min3A_694 = vector.broadcast %reduce_min3A_693 : i32 to vector<16xi32>
        %reduce_min3A_695 = arith.xori %select_n3A_691, %reduce_min3A_694 : vector<16xi32>
        %reduce_min3A_696 = tpu.scan <min>, %reduce_min3A_695 masked %reduce_min3A_692 : vector<16xi32>, vector<16xi1> -> vector<16xi32>
        %reduce_min3A_697 = arith.xori %reduce_min3A_696, %reduce_min3A_694 : vector<16xi32>
        %reduce_min3A_698 = vector.extract %reduce_min3A_697[15] : i32 from vector<16xi32>
        %lt3A = arith.constant 16 : i32
        %lt3A_699 = arith.cmpi slt, %reduce_min3A_698, %lt3A : i32
        %lt3A_700 = arith.constant 0 : i32
        %lt3A_701 = arith.cmpi slt, %scan3A_675, %lt3A_700 : i32
        %and3A_702 = arith.andi %lt3A_699, %lt3A_701 : i1
        %eq3A = vector.broadcast %reduce_min3A_698 : i32 to vector<16xi32>
        %eq3A_703 = arith.cmpi eq, %iota3A_60, %eq3A : vector<16xi32>
        %sub3A_704 = arith.subi %masked_cumsum3A, %get3A_680 : vector<16xi32>
        %jit3A_705 = arith.constant 0 : i32
        %broadcast_in_dim3A_706 = vector.broadcast %jit3A_705 : i32 to vector<16xi32>
        %select_n3A_707 = arith.select %eq3A_703, %sub3A_704, %broadcast_in_dim3A_706 : vector<16xi1>, vector<16xi32>
        %reduce_sum3A_708 = arith.constant true
        %reduce_sum3A_709 = vector.broadcast %reduce_sum3A_708 : i1 to vector<16xi1>
        %reduce_sum3A_710 = tpu.scan <sum>, %select_n3A_707 masked %reduce_sum3A_709 : vector<16xi32>, vector<16xi1> -> vector<16xi32>
        %reduce_sum3A_711 = vector.extract %reduce_sum3A_710[15] : i32 from vector<16xi32>
        %add3A_712 = arith.addi %scan3A_677, %reduce_sum3A_711 : i32
        %mul3A_713 = arith.constant 16 : i32
        %mul3A_714 = arith.muli %scan3A_674, %mul3A_713 : i32
        %add3A_715 = arith.addi %mul3A_714, %reduce_min3A_698 : i32
        %select_n3A_716 = arith.select %and3A_702, %add3A_715, %scan3A_675 : i32
        %select_n3A_717 = arith.select %and3A_702, %add3A_712, %scan3A_676 : i32
        %add3A_718 = arith.addi %scan3A_677, %reduce_sum3A_685 : i32
        %scan3A_719 = arith.constant 1 : i32
        %scan3A_720 = arith.addi %scan3A_674, %scan3A_719 : i32
        %mul3A_721 = arith.constant 16 : i32
        %mul3A_722 = arith.muli %scan3A_720, %mul3A_721 : i32
        %get3A_723 = arith.index_cast %mul3A_722 : i32 to index
        %get3A_724 = tpu.vector_load %arg8[%get3A_723] {strides = array<i32>} : memref<2048xi32, #tpu.memory_space<vmem>>, vector<16xi32>,
        %broadcast_in_dim3A_725 = arith.constant true
        %broadcast_in_dim3A_726 = vector.broadcast %broadcast_in_dim3A_725 : i1 to vector<16xi1>
        %masked_cumsum3A_727 = tpu.scan <sum>, %get3A_724 masked %broadcast_in_dim3A_726 : vector<16xi32>, vector<16xi1> -> vector<16xi32>
        %reduce_sum3A_728 = arith.constant true
        %reduce_sum3A_729 = vector.broadcast %reduce_sum3A_728 : i1 to vector<16xi1>
        %reduce_sum3A_730 = tpu.scan <sum>, %get3A_724 masked %reduce_sum3A_729 : vector<16xi32>, vector<16xi1> -> vector<16xi32>
        %reduce_sum3A_731 = vector.extract %reduce_sum3A_730[15] : i32 from vector<16xi32>
        %add3A_732 = vector.broadcast %add3A_718 : i32 to vector<16xi32>
        %add3A_733 = arith.addi %add3A_732, %masked_cumsum3A_727 : vector<16xi32>
        %ge3A_734 = vector.broadcast %sub3A_42 : i32 to vector<16xi32>
        %ge3A_735 = arith.cmpi sge, %add3A_733, %ge3A_734 : vector<16xi32>
        %jit3A_736 = arith.constant 16 : i32
        %broadcast_in_dim3A_737 = vector.broadcast %jit3A_736 : i32 to vector<16xi32>
        %select_n3A_738 = arith.select %ge3A_735, %iota3A_60, %broadcast_in_dim3A_737 : vector<16xi1>, vector<16xi32>
        %reduce_min3A_739 = arith.constant true
        %reduce_min3A_740 = vector.broadcast %reduce_min3A_739 : i1 to vector<16xi1>
        %reduce_min3A_741 = arith.constant -2147483648 : i32
        %reduce_min3A_742 = vector.broadcast %reduce_min3A_741 : i32 to vector<16xi32>
        %reduce_min3A_743 = arith.xori %select_n3A_738, %reduce_min3A_742 : vector<16xi32>
        %reduce_min3A_744 = tpu.scan <min>, %reduce_min3A_743 masked %reduce_min3A_740 : vector<16xi32>, vector<16xi1> -> vector<16xi32>
        %reduce_min3A_745 = arith.xori %reduce_min3A_744, %reduce_min3A_742 : vector<16xi32>
        %reduce_min3A_746 = vector.extract %reduce_min3A_745[15] : i32 from vector<16xi32>
        %lt3A_747 = arith.constant 16 : i32
        %lt3A_748 = arith.cmpi slt, %reduce_min3A_746, %lt3A_747 : i32
        %lt3A_749 = arith.constant 0 : i32
        %lt3A_750 = arith.cmpi slt, %select_n3A_716, %lt3A_749 : i32
        %and3A_751 = arith.andi %lt3A_748, %lt3A_750 : i1
        %eq3A_752 = vector.broadcast %reduce_min3A_746 : i32 to vector<16xi32>
        %eq3A_753 = arith.cmpi eq, %iota3A_60, %eq3A_752 : vector<16xi32>
        %sub3A_754 = arith.subi %masked_cumsum3A_727, %get3A_724 : vector<16xi32>
        %jit3A_755 = arith.constant 0 : i32
        %broadcast_in_dim3A_756 = vector.broadcast %jit3A_755 : i32 to vector<16xi32>
        %select_n3A_757 = arith.select %eq3A_753, %sub3A_754, %broadcast_in_dim3A_756 : vector<16xi1>, vector<16xi32>
        %reduce_sum3A_758 = arith.constant true
        %reduce_sum3A_759 = vector.broadcast %reduce_sum3A_758 : i1 to vector<16xi1>
        %reduce_sum3A_760 = tpu.scan <sum>, %select_n3A_757 masked %reduce_sum3A_759 : vector<16xi32>, vector<16xi1> -> vector<16xi32>
        %reduce_sum3A_761 = vector.extract %reduce_sum3A_760[15] : i32 from vector<16xi32>
        %add3A_762 = arith.addi %add3A_718, %reduce_sum3A_761 : i32
        %mul3A_763 = arith.constant 16 : i32
        %mul3A_764 = arith.muli %scan3A_720, %mul3A_763 : i32
        %add3A_765 = arith.addi %mul3A_764, %reduce_min3A_746 : i32
        %select_n3A_766 = arith.select %and3A_751, %add3A_765, %select_n3A_716 : i32
        %select_n3A_767 = arith.select %and3A_751, %add3A_762, %select_n3A_717 : i32
        %add3A_768 = arith.addi %add3A_718, %reduce_sum3A_731 : i32
        %scan3A_769 = arith.constant 2 : i32
        %scan3A_770 = arith.addi %scan3A_674, %scan3A_769 : i32
        %mul3A_771 = arith.constant 16 : i32
        %mul3A_772 = arith.muli %scan3A_770, %mul3A_771 : i32
        %get3A_773 = arith.index_cast %mul3A_772 : i32 to index
        %get3A_774 = tpu.vector_load %arg8[%get3A_773] {strides = array<i32>} : memref<2048xi32, #tpu.memory_space<vmem>>, vector<16xi32>,
        %broadcast_in_dim3A_775 = arith.constant true
        %broadcast_in_dim3A_776 = vector.broadcast %broadcast_in_dim3A_775 : i1 to vector<16xi1>
        %masked_cumsum3A_777 = tpu.scan <sum>, %get3A_774 masked %broadcast_in_dim3A_776 : vector<16xi32>, vector<16xi1> -> vector<16xi32>
        %reduce_sum3A_778 = arith.constant true
        %reduce_sum3A_779 = vector.broadcast %reduce_sum3A_778 : i1 to vector<16xi1>
        %reduce_sum3A_780 = tpu.scan <sum>, %get3A_774 masked %reduce_sum3A_779 : vector<16xi32>, vector<16xi1> -> vector<16xi32>
        %reduce_sum3A_781 = vector.extract %reduce_sum3A_780[15] : i32 from vector<16xi32>
        %add3A_782 = vector.broadcast %add3A_768 : i32 to vector<16xi32>
        %add3A_783 = arith.addi %add3A_782, %masked_cumsum3A_777 : vector<16xi32>
        %ge3A_784 = vector.broadcast %sub3A_42 : i32 to vector<16xi32>
        %ge3A_785 = arith.cmpi sge, %add3A_783, %ge3A_784 : vector<16xi32>
        %jit3A_786 = arith.constant 16 : i32
        %broadcast_in_dim3A_787 = vector.broadcast %jit3A_786 : i32 to vector<16xi32>
        %select_n3A_788 = arith.select %ge3A_785, %iota3A_60, %broadcast_in_dim3A_787 : vector<16xi1>, vector<16xi32>
        %reduce_min3A_789 = arith.constant true
        %reduce_min3A_790 = vector.broadcast %reduce_min3A_789 : i1 to vector<16xi1>
        %reduce_min3A_791 = arith.constant -2147483648 : i32
        %reduce_min3A_792 = vector.broadcast %reduce_min3A_791 : i32 to vector<16xi32>
        %reduce_min3A_793 = arith.xori %select_n3A_788, %reduce_min3A_792 : vector<16xi32>
        %reduce_min3A_794 = tpu.scan <min>, %reduce_min3A_793 masked %reduce_min3A_790 : vector<16xi32>, vector<16xi1> -> vector<16xi32>
        %reduce_min3A_795 = arith.xori %reduce_min3A_794, %reduce_min3A_792 : vector<16xi32>
        %reduce_min3A_796 = vector.extract %reduce_min3A_795[15] : i32 from vector<16xi32>
        %lt3A_797 = arith.constant 16 : i32
        %lt3A_798 = arith.cmpi slt, %reduce_min3A_796, %lt3A_797 : i32
        %lt3A_799 = arith.constant 0 : i32
        %lt3A_800 = arith.cmpi slt, %select_n3A_766, %lt3A_799 : i32
        %and3A_801 = arith.andi %lt3A_798, %lt3A_800 : i1
        %eq3A_802 = vector.broadcast %reduce_min3A_796 : i32 to vector<16xi32>
        %eq3A_803 = arith.cmpi eq, %iota3A_60, %eq3A_802 : vector<16xi32>
        %sub3A_804 = arith.subi %masked_cumsum3A_777, %get3A_774 : vector<16xi32>
        %jit3A_805 = arith.constant 0 : i32
        %broadcast_in_dim3A_806 = vector.broadcast %jit3A_805 : i32 to vector<16xi32>
        %select_n3A_807 = arith.select %eq3A_803, %sub3A_804, %broadcast_in_dim3A_806 : vector<16xi1>, vector<16xi32>
        %reduce_sum3A_808 = arith.constant true
        %reduce_sum3A_809 = vector.broadcast %reduce_sum3A_808 : i1 to vector<16xi1>
        %reduce_sum3A_810 = tpu.scan <sum>, %select_n3A_807 masked %reduce_sum3A_809 : vector<16xi32>, vector<16xi1> -> vector<16xi32>
        %reduce_sum3A_811 = vector.extract %reduce_sum3A_810[15] : i32 from vector<16xi32>
        %add3A_812 = arith.addi %add3A_768, %reduce_sum3A_811 : i32
        %mul3A_813 = arith.constant 16 : i32
        %mul3A_814 = arith.muli %scan3A_770, %mul3A_813 : i32
        %add3A_815 = arith.addi %mul3A_814, %reduce_min3A_796 : i32
        %select_n3A_816 = arith.select %and3A_801, %add3A_815, %select_n3A_766 : i32
        %select_n3A_817 = arith.select %and3A_801, %add3A_812, %select_n3A_767 : i32
        %add3A_818 = arith.addi %add3A_768, %reduce_sum3A_781 : i32
        %scan3A_819 = arith.constant 3 : i32
        %scan3A_820 = arith.addi %scan3A_674, %scan3A_819 : i32
        %mul3A_821 = arith.constant 16 : i32
        %mul3A_822 = arith.muli %scan3A_820, %mul3A_821 : i32
        %get3A_823 = arith.index_cast %mul3A_822 : i32 to index
        %get3A_824 = tpu.vector_load %arg8[%get3A_823] {strides = array<i32>} : memref<2048xi32, #tpu.memory_space<vmem>>, vector<16xi32>,
        %broadcast_in_dim3A_825 = arith.constant true
        %broadcast_in_dim3A_826 = vector.broadcast %broadcast_in_dim3A_825 : i1 to vector<16xi1>
        %masked_cumsum3A_827 = tpu.scan <sum>, %get3A_824 masked %broadcast_in_dim3A_826 : vector<16xi32>, vector<16xi1> -> vector<16xi32>
        %reduce_sum3A_828 = arith.constant true
        %reduce_sum3A_829 = vector.broadcast %reduce_sum3A_828 : i1 to vector<16xi1>
        %reduce_sum3A_830 = tpu.scan <sum>, %get3A_824 masked %reduce_sum3A_829 : vector<16xi32>, vector<16xi1> -> vector<16xi32>
        %reduce_sum3A_831 = vector.extract %reduce_sum3A_830[15] : i32 from vector<16xi32>
        %add3A_832 = vector.broadcast %add3A_818 : i32 to vector<16xi32>
        %add3A_833 = arith.addi %add3A_832, %masked_cumsum3A_827 : vector<16xi32>
        %ge3A_834 = vector.broadcast %sub3A_42 : i32 to vector<16xi32>
        %ge3A_835 = arith.cmpi sge, %add3A_833, %ge3A_834 : vector<16xi32>
        %jit3A_836 = arith.constant 16 : i32
        %broadcast_in_dim3A_837 = vector.broadcast %jit3A_836 : i32 to vector<16xi32>
        %select_n3A_838 = arith.select %ge3A_835, %iota3A_60, %broadcast_in_dim3A_837 : vector<16xi1>, vector<16xi32>
        %reduce_min3A_839 = arith.constant true
        %reduce_min3A_840 = vector.broadcast %reduce_min3A_839 : i1 to vector<16xi1>
        %reduce_min3A_841 = arith.constant -2147483648 : i32
        %reduce_min3A_842 = vector.broadcast %reduce_min3A_841 : i32 to vector<16xi32>
        %reduce_min3A_843 = arith.xori %select_n3A_838, %reduce_min3A_842 : vector<16xi32>
        %reduce_min3A_844 = tpu.scan <min>, %reduce_min3A_843 masked %reduce_min3A_840 : vector<16xi32>, vector<16xi1> -> vector<16xi32>
        %reduce_min3A_845 = arith.xori %reduce_min3A_844, %reduce_min3A_842 : vector<16xi32>
        %reduce_min3A_846 = vector.extract %reduce_min3A_845[15] : i32 from vector<16xi32>
        %lt3A_847 = arith.constant 16 : i32
        %lt3A_848 = arith.cmpi slt, %reduce_min3A_846, %lt3A_847 : i32
        %lt3A_849 = arith.constant 0 : i32
        %lt3A_850 = arith.cmpi slt, %select_n3A_816, %lt3A_849 : i32
        %and3A_851 = arith.andi %lt3A_848, %lt3A_850 : i1
        %eq3A_852 = vector.broadcast %reduce_min3A_846 : i32 to vector<16xi32>
        %eq3A_853 = arith.cmpi eq, %iota3A_60, %eq3A_852 : vector<16xi32>
        %sub3A_854 = arith.subi %masked_cumsum3A_827, %get3A_824 : vector<16xi32>
        %jit3A_855 = arith.constant 0 : i32
        %broadcast_in_dim3A_856 = vector.broadcast %jit3A_855 : i32 to vector<16xi32>
        %select_n3A_857 = arith.select %eq3A_853, %sub3A_854, %broadcast_in_dim3A_856 : vector<16xi1>, vector<16xi32>
        %reduce_sum3A_858 = arith.constant true
        %reduce_sum3A_859 = vector.broadcast %reduce_sum3A_858 : i1 to vector<16xi1>
        %reduce_sum3A_860 = tpu.scan <sum>, %select_n3A_857 masked %reduce_sum3A_859 : vector<16xi32>, vector<16xi1> -> vector<16xi32>
        %reduce_sum3A_861 = vector.extract %reduce_sum3A_860[15] : i32 from vector<16xi32>
        %add3A_862 = arith.addi %add3A_818, %reduce_sum3A_861 : i32
        %mul3A_863 = arith.constant 16 : i32
        %mul3A_864 = arith.muli %scan3A_820, %mul3A_863 : i32
        %add3A_865 = arith.addi %mul3A_864, %reduce_min3A_846 : i32
        %select_n3A_866 = arith.select %and3A_851, %add3A_865, %select_n3A_816 : i32
        %select_n3A_867 = arith.select %and3A_851, %add3A_862, %select_n3A_817 : i32
        %add3A_868 = arith.addi %add3A_818, %reduce_sum3A_831 : i32
        scf.yield %select_n3A_866, %select_n3A_867, %add3A_868 : i32, i32, i32
      }
      %scan3A_69 = arith.constant 128 : i32
      %sub3A_70 = arith.subi %sub3A_42, %scan3A_68#1 : i32
      %shift_left3A = arith.constant 11 : i32
      %shift_left3A_71 = arith.shli %scan3A_40#0, %shift_left3A : i32
      %or3A = arith.ori %shift_left3A_71, %scan3A_68#0 : i32
      %scan3A_72 = arith.constant 0 : i32
      %scan3A_73 = arith.constant 0 : i32
      %scan3A_74 = arith.constant 64 : i32
      %scan3A_75 = arith.addi %scan3A_73, %scan3A_74 : i32
      %scan3A_76 = arith.constant 2 : i32
      %scan3A_77 = scf.for %scan3A_674 = %scan3A_73 to %scan3A_75 step %scan3A_76 iter_args(%scan3A_675 = %scan3A_72) -> (i32)  : i32 {
        %mul3A_676 = arith.constant 16 : i32
        %mul3A_677 = arith.muli %scan3A_674, %mul3A_676 : i32
        %swap3A_678 = arith.constant 0 : i32
        %swap3A_679 = arith.index_cast %swap3A_678 : i32 to index
        %swap3A_680 = arith.index_cast %mul3A_677 : i32 to index
        %swap3A_681 = tpu.vector_load %arg9[%swap3A_679, %swap3A_680] {strides = array<i32>} : memref<8x2048xi32, #tpu.memory_space<vmem>>, vector<16xi32>,
        tpu.vector_store %arg9[%swap3A_679, %swap3A_680], %broadcast_in_dim3A_3 {strides = array<i32>} : memref<8x2048xi32, #tpu.memory_space<vmem>>, vector<16xi32>,
        %mul3A_682 = arith.constant 16 : i32
        %mul3A_683 = arith.muli %scan3A_674, %mul3A_682 : i32
        %swap3A_684 = arith.constant 1 : i32
        %swap3A_685 = arith.index_cast %swap3A_684 : i32 to index
        %swap3A_686 = arith.index_cast %mul3A_683 : i32 to index
        %swap3A_687 = tpu.vector_load %arg9[%swap3A_685, %swap3A_686] {strides = array<i32>} : memref<8x2048xi32, #tpu.memory_space<vmem>>, vector<16xi32>,
        tpu.vector_store %arg9[%swap3A_685, %swap3A_686], %broadcast_in_dim3A_3 {strides = array<i32>} : memref<8x2048xi32, #tpu.memory_space<vmem>>, vector<16xi32>,
        %mul3A_688 = arith.constant 16 : i32
        %mul3A_689 = arith.muli %scan3A_674, %mul3A_688 : i32
        %swap3A_690 = arith.constant 2 : i32
        %swap3A_691 = arith.index_cast %swap3A_690 : i32 to index
        %swap3A_692 = arith.index_cast %mul3A_689 : i32 to index
        %swap3A_693 = tpu.vector_load %arg9[%swap3A_691, %swap3A_692] {strides = array<i32>} : memref<8x2048xi32, #tpu.memory_space<vmem>>, vector<16xi32>,
        tpu.vector_store %arg9[%swap3A_691, %swap3A_692], %broadcast_in_dim3A_3 {strides = array<i32>} : memref<8x2048xi32, #tpu.memory_space<vmem>>, vector<16xi32>,
        %mul3A_694 = arith.constant 16 : i32
        %mul3A_695 = arith.muli %scan3A_674, %mul3A_694 : i32
        %swap3A_696 = arith.constant 3 : i32
        %swap3A_697 = arith.index_cast %swap3A_696 : i32 to index
        %swap3A_698 = arith.index_cast %mul3A_695 : i32 to index
        %swap3A_699 = tpu.vector_load %arg9[%swap3A_697, %swap3A_698] {strides = array<i32>} : memref<8x2048xi32, #tpu.memory_space<vmem>>, vector<16xi32>,
        tpu.vector_store %arg9[%swap3A_697, %swap3A_698], %broadcast_in_dim3A_3 {strides = array<i32>} : memref<8x2048xi32, #tpu.memory_space<vmem>>, vector<16xi32>,
        %mul3A_700 = arith.constant 16 : i32
        %mul3A_701 = arith.muli %scan3A_674, %mul3A_700 : i32
        %swap3A_702 = arith.constant 4 : i32
        %swap3A_703 = arith.index_cast %swap3A_702 : i32 to index
        %swap3A_704 = arith.index_cast %mul3A_701 : i32 to index
        %swap3A_705 = tpu.vector_load %arg9[%swap3A_703, %swap3A_704] {strides = array<i32>} : memref<8x2048xi32, #tpu.memory_space<vmem>>, vector<16xi32>,
        tpu.vector_store %arg9[%swap3A_703, %swap3A_704], %broadcast_in_dim3A_3 {strides = array<i32>} : memref<8x2048xi32, #tpu.memory_space<vmem>>, vector<16xi32>,
        %mul3A_706 = arith.constant 16 : i32
        %mul3A_707 = arith.muli %scan3A_674, %mul3A_706 : i32
        %swap3A_708 = arith.constant 5 : i32
        %swap3A_709 = arith.index_cast %swap3A_708 : i32 to index
        %swap3A_710 = arith.index_cast %mul3A_707 : i32 to index
        %swap3A_711 = tpu.vector_load %arg9[%swap3A_709, %swap3A_710] {strides = array<i32>} : memref<8x2048xi32, #tpu.memory_space<vmem>>, vector<16xi32>,
        tpu.vector_store %arg9[%swap3A_709, %swap3A_710], %broadcast_in_dim3A_3 {strides = array<i32>} : memref<8x2048xi32, #tpu.memory_space<vmem>>, vector<16xi32>,
        %mul3A_712 = arith.constant 16 : i32
        %mul3A_713 = arith.muli %scan3A_674, %mul3A_712 : i32
        %swap3A_714 = arith.constant 6 : i32
        %swap3A_715 = arith.index_cast %swap3A_714 : i32 to index
        %swap3A_716 = arith.index_cast %mul3A_713 : i32 to index
        %swap3A_717 = tpu.vector_load %arg9[%swap3A_715, %swap3A_716] {strides = array<i32>} : memref<8x2048xi32, #tpu.memory_space<vmem>>, vector<16xi32>,
        tpu.vector_store %arg9[%swap3A_715, %swap3A_716], %broadcast_in_dim3A_3 {strides = array<i32>} : memref<8x2048xi32, #tpu.memory_space<vmem>>, vector<16xi32>,
        %mul3A_718 = arith.constant 16 : i32
        %mul3A_719 = arith.muli %scan3A_674, %mul3A_718 : i32
        %swap3A_720 = arith.constant 7 : i32
        %swap3A_721 = arith.index_cast %swap3A_720 : i32 to index
        %swap3A_722 = arith.index_cast %mul3A_719 : i32 to index
        %swap3A_723 = tpu.vector_load %arg9[%swap3A_721, %swap3A_722] {strides = array<i32>} : memref<8x2048xi32, #tpu.memory_space<vmem>>, vector<16xi32>,
        tpu.vector_store %arg9[%swap3A_721, %swap3A_722], %broadcast_in_dim3A_3 {strides = array<i32>} : memref<8x2048xi32, #tpu.memory_space<vmem>>, vector<16xi32>,
        %scan3A_724 = arith.constant 0 : i32
        %scan3A_725 = arith.constant 1 : i32
        %scan3A_726 = arith.addi %scan3A_674, %scan3A_725 : i32
        %mul3A_727 = arith.constant 16 : i32
        %mul3A_728 = arith.muli %scan3A_726, %mul3A_727 : i32
        %swap3A_729 = arith.constant 0 : i32
        %swap3A_730 = arith.index_cast %swap3A_729 : i32 to index
        %swap3A_731 = arith.index_cast %mul3A_728 : i32 to index
        %swap3A_732 = tpu.vector_load %arg9[%swap3A_730, %swap3A_731] {strides = array<i32>} : memref<8x2048xi32, #tpu.memory_space<vmem>>, vector<16xi32>,
        tpu.vector_store %arg9[%swap3A_730, %swap3A_731], %broadcast_in_dim3A_3 {strides = array<i32>} : memref<8x2048xi32, #tpu.memory_space<vmem>>, vector<16xi32>,
        %mul3A_733 = arith.constant 16 : i32
        %mul3A_734 = arith.muli %scan3A_726, %mul3A_733 : i32
        %swap3A_735 = arith.constant 1 : i32
        %swap3A_736 = arith.index_cast %swap3A_735 : i32 to index
        %swap3A_737 = arith.index_cast %mul3A_734 : i32 to index
        %swap3A_738 = tpu.vector_load %arg9[%swap3A_736, %swap3A_737] {strides = array<i32>} : memref<8x2048xi32, #tpu.memory_space<vmem>>, vector<16xi32>,
        tpu.vector_store %arg9[%swap3A_736, %swap3A_737], %broadcast_in_dim3A_3 {strides = array<i32>} : memref<8x2048xi32, #tpu.memory_space<vmem>>, vector<16xi32>,
        %mul3A_739 = arith.constant 16 : i32
        %mul3A_740 = arith.muli %scan3A_726, %mul3A_739 : i32
        %swap3A_741 = arith.constant 2 : i32
        %swap3A_742 = arith.index_cast %swap3A_741 : i32 to index
        %swap3A_743 = arith.index_cast %mul3A_740 : i32 to index
        %swap3A_744 = tpu.vector_load %arg9[%swap3A_742, %swap3A_743] {strides = array<i32>} : memref<8x2048xi32, #tpu.memory_space<vmem>>, vector<16xi32>,
        tpu.vector_store %arg9[%swap3A_742, %swap3A_743], %broadcast_in_dim3A_3 {strides = array<i32>} : memref<8x2048xi32, #tpu.memory_space<vmem>>, vector<16xi32>,
        %mul3A_745 = arith.constant 16 : i32
        %mul3A_746 = arith.muli %scan3A_726, %mul3A_745 : i32
        %swap3A_747 = arith.constant 3 : i32
        %swap3A_748 = arith.index_cast %swap3A_747 : i32 to index
        %swap3A_749 = arith.index_cast %mul3A_746 : i32 to index
        %swap3A_750 = tpu.vector_load %arg9[%swap3A_748, %swap3A_749] {strides = array<i32>} : memref<8x2048xi32, #tpu.memory_space<vmem>>, vector<16xi32>,
        tpu.vector_store %arg9[%swap3A_748, %swap3A_749], %broadcast_in_dim3A_3 {strides = array<i32>} : memref<8x2048xi32, #tpu.memory_space<vmem>>, vector<16xi32>,
        %mul3A_751 = arith.constant 16 : i32
        %mul3A_752 = arith.muli %scan3A_726, %mul3A_751 : i32
        %swap3A_753 = arith.constant 4 : i32
        %swap3A_754 = arith.index_cast %swap3A_753 : i32 to index
        %swap3A_755 = arith.index_cast %mul3A_752 : i32 to index
        %swap3A_756 = tpu.vector_load %arg9[%swap3A_754, %swap3A_755] {strides = array<i32>} : memref<8x2048xi32, #tpu.memory_space<vmem>>, vector<16xi32>,
        tpu.vector_store %arg9[%swap3A_754, %swap3A_755], %broadcast_in_dim3A_3 {strides = array<i32>} : memref<8x2048xi32, #tpu.memory_space<vmem>>, vector<16xi32>,
        %mul3A_757 = arith.constant 16 : i32
        %mul3A_758 = arith.muli %scan3A_726, %mul3A_757 : i32
        %swap3A_759 = arith.constant 5 : i32
        %swap3A_760 = arith.index_cast %swap3A_759 : i32 to index
        %swap3A_761 = arith.index_cast %mul3A_758 : i32 to index
        %swap3A_762 = tpu.vector_load %arg9[%swap3A_760, %swap3A_761] {strides = array<i32>} : memref<8x2048xi32, #tpu.memory_space<vmem>>, vector<16xi32>,
        tpu.vector_store %arg9[%swap3A_760, %swap3A_761], %broadcast_in_dim3A_3 {strides = array<i32>} : memref<8x2048xi32, #tpu.memory_space<vmem>>, vector<16xi32>,
        %mul3A_763 = arith.constant 16 : i32
        %mul3A_764 = arith.muli %scan3A_726, %mul3A_763 : i32
        %swap3A_765 = arith.constant 6 : i32
        %swap3A_766 = arith.index_cast %swap3A_765 : i32 to index
        %swap3A_767 = arith.index_cast %mul3A_764 : i32 to index
        %swap3A_768 = tpu.vector_load %arg9[%swap3A_766, %swap3A_767] {strides = array<i32>} : memref<8x2048xi32, #tpu.memory_space<vmem>>, vector<16xi32>,
        tpu.vector_store %arg9[%swap3A_766, %swap3A_767], %broadcast_in_dim3A_3 {strides = array<i32>} : memref<8x2048xi32, #tpu.memory_space<vmem>>, vector<16xi32>,
        %mul3A_769 = arith.constant 16 : i32
        %mul3A_770 = arith.muli %scan3A_726, %mul3A_769 : i32
        %swap3A_771 = arith.constant 7 : i32
        %swap3A_772 = arith.index_cast %swap3A_771 : i32 to index
        %swap3A_773 = arith.index_cast %mul3A_770 : i32 to index
        %swap3A_774 = tpu.vector_load %arg9[%swap3A_772, %swap3A_773] {strides = array<i32>} : memref<8x2048xi32, #tpu.memory_space<vmem>>, vector<16xi32>,
        tpu.vector_store %arg9[%swap3A_772, %swap3A_773], %broadcast_in_dim3A_3 {strides = array<i32>} : memref<8x2048xi32, #tpu.memory_space<vmem>>, vector<16xi32>,
        %scan3A_775 = arith.constant 0 : i32
        scf.yield %scan3A_775 : i32
      }
      %scan3A_78 = arith.constant 64 : i32
      %parallel_loop3A_79 = arith.constant 0 : i32
      %parallel_loop3A_80 = arith.constant 1250 : i32
      %parallel_loop3A_81 = arith.constant 1 : i32
      scf.for %parallel_loop3A_674 = %parallel_loop3A_79 to %parallel_loop3A_80 step %parallel_loop3A_81  : i32 {
        %parallel_loop3A_675 = arith.constant 16 : i32
        %parallel_loop3A_676 = arith.muli %parallel_loop3A_674, %parallel_loop3A_675 : i32
        %parallel_loop3A_677 = arith.index_cast %parallel_loop3A_676 : i32 to index
        %parallel_loop3A_678 = tpu.vector_load %arg7[%parallel_loop3A_677] {strides = array<i32>} : memref<20000xi32, #tpu.memory_space<vmem>>, vector<16xi32>,
        %parallel_loop3A_679 = arith.constant -2147483648 : i32
        %parallel_loop3A_680 = vector.broadcast %parallel_loop3A_679 : i32 to vector<16xi32>
        %parallel_loop3A_681 = arith.xori %parallel_loop3A_678, %parallel_loop3A_680 : vector<16xi32>
        %parallel_loop3A_682 = arith.constant 10 : i32
        %parallel_loop3A_683 = vector.broadcast %parallel_loop3A_682 : i32 to vector<16xi32>
        %parallel_loop3A_684 = arith.shrui %parallel_loop3A_681, %parallel_loop3A_683 : vector<16xi32>
        %parallel_loop3A_685 = vector.broadcast %or3A : i32 to vector<16xi32>
        %parallel_loop3A_686 = arith.cmpi eq, %parallel_loop3A_684, %parallel_loop3A_685 : vector<16xi32>
        %parallel_loop3A_687 = arith.constant 1023 : i32
        %parallel_loop3A_688 = vector.broadcast %parallel_loop3A_687 : i32 to vector<16xi32>
        %parallel_loop3A_689 = arith.andi %parallel_loop3A_681, %parallel_loop3A_688 : vector<16xi32>
        %parallel_loop3A_690, %parallel_loop3A_691 = tpu.scan_count mask(%parallel_loop3A_686 : vector<16xi1>) value(%parallel_loop3A_689 : vector<16xi32>) : vector<16xi1>, vector<16xi32>
        %parallel_loop3A_692 = arith.constant 7 : i32
        %parallel_loop3A_693 = arith.andi %parallel_loop3A_674, %parallel_loop3A_692 : i32
        %parallel_loop3A_694 = vector.broadcast %parallel_loop3A_693 : i32 to vector<16xi32>
        tpu.vector_store_idx %arg9[%parallel_loop3A_694, %parallel_loop3A_689], %parallel_loop3A_691 masked %parallel_loop3A_690 {add = true} : memref<8x2048xi32, #tpu.memory_space<vmem>>[vector<16xi32>, vector<16xi32>], vector<16xi32>, vector<16xi1>
      } {sc.loop_unroll_factor = 8 : i64, sc.parallel_access}
      %scan3A_82 = arith.constant 0 : i32
      %scan3A_83 = arith.constant 0 : i32
      %scan3A_84 = arith.constant 64 : i32
      %scan3A_85 = arith.addi %scan3A_83, %scan3A_84 : i32
      %scan3A_86 = arith.constant 2 : i32
      %scan3A_87 = scf.for %scan3A_674 = %scan3A_83 to %scan3A_85 step %scan3A_86 iter_args(%scan3A_675 = %scan3A_82) -> (i32)  : i32 {
        %mul3A_676 = arith.constant 16 : i32
        %mul3A_677 = arith.muli %scan3A_674, %mul3A_676 : i32
        %get3A = arith.constant 0 : i32
        %get3A_678 = arith.index_cast %get3A : i32 to index
        %get3A_679 = arith.index_cast %mul3A_677 : i32 to index
        %get3A_680 = tpu.vector_load %arg9[%get3A_678, %get3A_679] {strides = array<i32>} : memref<8x2048xi32, #tpu.memory_space<vmem>>, vector<16xi32>,
        %mul3A_681 = arith.constant 16 : i32
        %mul3A_682 = arith.muli %scan3A_674, %mul3A_681 : i32
        %get3A_683 = arith.constant 1 : i32
        %get3A_684 = arith.index_cast %get3A_683 : i32 to index
        %get3A_685 = arith.index_cast %mul3A_682 : i32 to index
        %get3A_686 = tpu.vector_load %arg9[%get3A_684, %get3A_685] {strides = array<i32>} : memref<8x2048xi32, #tpu.memory_space<vmem>>, vector<16xi32>,
        %add3A_687 = arith.addi %get3A_680, %get3A_686 : vector<16xi32>
        %mul3A_688 = arith.constant 16 : i32
        %mul3A_689 = arith.muli %scan3A_674, %mul3A_688 : i32
        %get3A_690 = arith.constant 2 : i32
        %get3A_691 = arith.index_cast %get3A_690 : i32 to index
        %get3A_692 = arith.index_cast %mul3A_689 : i32 to index
        %get3A_693 = tpu.vector_load %arg9[%get3A_691, %get3A_692] {strides = array<i32>} : memref<8x2048xi32, #tpu.memory_space<vmem>>, vector<16xi32>,
        %add3A_694 = arith.addi %add3A_687, %get3A_693 : vector<16xi32>
        %mul3A_695 = arith.constant 16 : i32
        %mul3A_696 = arith.muli %scan3A_674, %mul3A_695 : i32
        %get3A_697 = arith.constant 3 : i32
        %get3A_698 = arith.index_cast %get3A_697 : i32 to index
        %get3A_699 = arith.index_cast %mul3A_696 : i32 to index
        %get3A_700 = tpu.vector_load %arg9[%get3A_698, %get3A_699] {strides = array<i32>} : memref<8x2048xi32, #tpu.memory_space<vmem>>, vector<16xi32>,
        %add3A_701 = arith.addi %add3A_694, %get3A_700 : vector<16xi32>
        %mul3A_702 = arith.constant 16 : i32
        %mul3A_703 = arith.muli %scan3A_674, %mul3A_702 : i32
        %get3A_704 = arith.constant 4 : i32
        %get3A_705 = arith.index_cast %get3A_704 : i32 to index
        %get3A_706 = arith.index_cast %mul3A_703 : i32 to index
        %get3A_707 = tpu.vector_load %arg9[%get3A_705, %get3A_706] {strides = array<i32>} : memref<8x2048xi32, #tpu.memory_space<vmem>>, vector<16xi32>,
        %add3A_708 = arith.addi %add3A_701, %get3A_707 : vector<16xi32>
        %mul3A_709 = arith.constant 16 : i32
        %mul3A_710 = arith.muli %scan3A_674, %mul3A_709 : i32
        %get3A_711 = arith.constant 5 : i32
        %get3A_712 = arith.index_cast %get3A_711 : i32 to index
        %get3A_713 = arith.index_cast %mul3A_710 : i32 to index
        %get3A_714 = tpu.vector_load %arg9[%get3A_712, %get3A_713] {strides = array<i32>} : memref<8x2048xi32, #tpu.memory_space<vmem>>, vector<16xi32>,
        %add3A_715 = arith.addi %add3A_708, %get3A_714 : vector<16xi32>
        %mul3A_716 = arith.constant 16 : i32
        %mul3A_717 = arith.muli %scan3A_674, %mul3A_716 : i32
        %get3A_718 = arith.constant 6 : i32
        %get3A_719 = arith.index_cast %get3A_718 : i32 to index
        %get3A_720 = arith.index_cast %mul3A_717 : i32 to index
        %get3A_721 = tpu.vector_load %arg9[%get3A_719, %get3A_720] {strides = array<i32>} : memref<8x2048xi32, #tpu.memory_space<vmem>>, vector<16xi32>,
        %add3A_722 = arith.addi %add3A_715, %get3A_721 : vector<16xi32>
        %mul3A_723 = arith.constant 16 : i32
        %mul3A_724 = arith.muli %scan3A_674, %mul3A_723 : i32
        %get3A_725 = arith.constant 7 : i32
        %get3A_726 = arith.index_cast %get3A_725 : i32 to index
        %get3A_727 = arith.index_cast %mul3A_724 : i32 to index
        %get3A_728 = tpu.vector_load %arg9[%get3A_726, %get3A_727] {strides = array<i32>} : memref<8x2048xi32, #tpu.memory_space<vmem>>, vector<16xi32>,
        %add3A_729 = arith.addi %add3A_722, %get3A_728 : vector<16xi32>
        %mul3A_730 = arith.constant 16 : i32
        %mul3A_731 = arith.muli %scan3A_674, %mul3A_730 : i32
        %swap3A_732 = arith.index_cast %mul3A_731 : i32 to index
        %swap3A_733 = tpu.vector_load %arg8[%swap3A_732] {strides = array<i32>} : memref<2048xi32, #tpu.memory_space<vmem>>, vector<16xi32>,
        tpu.vector_store %arg8[%swap3A_732], %add3A_729 {strides = array<i32>} : memref<2048xi32, #tpu.memory_space<vmem>>, vector<16xi32>,
        %scan3A_734 = arith.constant 0 : i32
        %scan3A_735 = arith.constant 1 : i32
        %scan3A_736 = arith.addi %scan3A_674, %scan3A_735 : i32
        %mul3A_737 = arith.constant 16 : i32
        %mul3A_738 = arith.muli %scan3A_736, %mul3A_737 : i32
        %get3A_739 = arith.constant 0 : i32
        %get3A_740 = arith.index_cast %get3A_739 : i32 to index
        %get3A_741 = arith.index_cast %mul3A_738 : i32 to index
        %get3A_742 = tpu.vector_load %arg9[%get3A_740, %get3A_741] {strides = array<i32>} : memref<8x2048xi32, #tpu.memory_space<vmem>>, vector<16xi32>,
        %mul3A_743 = arith.constant 16 : i32
        %mul3A_744 = arith.muli %scan3A_736, %mul3A_743 : i32
        %get3A_745 = arith.constant 1 : i32
        %get3A_746 = arith.index_cast %get3A_745 : i32 to index
        %get3A_747 = arith.index_cast %mul3A_744 : i32 to index
        %get3A_748 = tpu.vector_load %arg9[%get3A_746, %get3A_747] {strides = array<i32>} : memref<8x2048xi32, #tpu.memory_space<vmem>>, vector<16xi32>,
        %add3A_749 = arith.addi %get3A_742, %get3A_748 : vector<16xi32>
        %mul3A_750 = arith.constant 16 : i32
        %mul3A_751 = arith.muli %scan3A_736, %mul3A_750 : i32
        %get3A_752 = arith.constant 2 : i32
        %get3A_753 = arith.index_cast %get3A_752 : i32 to index
        %get3A_754 = arith.index_cast %mul3A_751 : i32 to index
        %get3A_755 = tpu.vector_load %arg9[%get3A_753, %get3A_754] {strides = array<i32>} : memref<8x2048xi32, #tpu.memory_space<vmem>>, vector<16xi32>,
        %add3A_756 = arith.addi %add3A_749, %get3A_755 : vector<16xi32>
        %mul3A_757 = arith.constant 16 : i32
        %mul3A_758 = arith.muli %scan3A_736, %mul3A_757 : i32
        %get3A_759 = arith.constant 3 : i32
        %get3A_760 = arith.index_cast %get3A_759 : i32 to index
        %get3A_761 = arith.index_cast %mul3A_758 : i32 to index
        %get3A_762 = tpu.vector_load %arg9[%get3A_760, %get3A_761] {strides = array<i32>} : memref<8x2048xi32, #tpu.memory_space<vmem>>, vector<16xi32>,
        %add3A_763 = arith.addi %add3A_756, %get3A_762 : vector<16xi32>
        %mul3A_764 = arith.constant 16 : i32
        %mul3A_765 = arith.muli %scan3A_736, %mul3A_764 : i32
        %get3A_766 = arith.constant 4 : i32
        %get3A_767 = arith.index_cast %get3A_766 : i32 to index
        %get3A_768 = arith.index_cast %mul3A_765 : i32 to index
        %get3A_769 = tpu.vector_load %arg9[%get3A_767, %get3A_768] {strides = array<i32>} : memref<8x2048xi32, #tpu.memory_space<vmem>>, vector<16xi32>,
        %add3A_770 = arith.addi %add3A_763, %get3A_769 : vector<16xi32>
        %mul3A_771 = arith.constant 16 : i32
        %mul3A_772 = arith.muli %scan3A_736, %mul3A_771 : i32
        %get3A_773 = arith.constant 5 : i32
        %get3A_774 = arith.index_cast %get3A_773 : i32 to index
        %get3A_775 = arith.index_cast %mul3A_772 : i32 to index
        %get3A_776 = tpu.vector_load %arg9[%get3A_774, %get3A_775] {strides = array<i32>} : memref<8x2048xi32, #tpu.memory_space<vmem>>, vector<16xi32>,
        %add3A_777 = arith.addi %add3A_770, %get3A_776 : vector<16xi32>
        %mul3A_778 = arith.constant 16 : i32
        %mul3A_779 = arith.muli %scan3A_736, %mul3A_778 : i32
        %get3A_780 = arith.constant 6 : i32
        %get3A_781 = arith.index_cast %get3A_780 : i32 to index
        %get3A_782 = arith.index_cast %mul3A_779 : i32 to index
        %get3A_783 = tpu.vector_load %arg9[%get3A_781, %get3A_782] {strides = array<i32>} : memref<8x2048xi32, #tpu.memory_space<vmem>>, vector<16xi32>,
        %add3A_784 = arith.addi %add3A_777, %get3A_783 : vector<16xi32>
        %mul3A_785 = arith.constant 16 : i32
        %mul3A_786 = arith.muli %scan3A_736, %mul3A_785 : i32
        %get3A_787 = arith.constant 7 : i32
        %get3A_788 = arith.index_cast %get3A_787 : i32 to index
        %get3A_789 = arith.index_cast %mul3A_786 : i32 to index
        %get3A_790 = tpu.vector_load %arg9[%get3A_788, %get3A_789] {strides = array<i32>} : memref<8x2048xi32, #tpu.memory_space<vmem>>, vector<16xi32>,
        %add3A_791 = arith.addi %add3A_784, %get3A_790 : vector<16xi32>
        %mul3A_792 = arith.constant 16 : i32
        %mul3A_793 = arith.muli %scan3A_736, %mul3A_792 : i32
        %swap3A_794 = arith.index_cast %mul3A_793 : i32 to index
        %swap3A_795 = tpu.vector_load %arg8[%swap3A_794] {strides = array<i32>} : memref<2048xi32, #tpu.memory_space<vmem>>, vector<16xi32>,
        tpu.vector_store %arg8[%swap3A_794], %add3A_791 {strides = array<i32>} : memref<2048xi32, #tpu.memory_space<vmem>>, vector<16xi32>,
        %scan3A_796 = arith.constant 0 : i32
        scf.yield %scan3A_796 : i32
      }
      %scan3A_88 = arith.constant 64 : i32
      %iota3A_89 = tpu.iota {dimensions = array<i32: 0>} : vector<16xi32>
      %scan3A_90 = arith.constant -1 : i32
      %scan3A_91 = arith.constant 0 : i32
      %scan3A_92 = arith.constant 0 : i32
      %scan3A_93 = arith.constant 0 : i32
      %scan3A_94 = arith.constant 64 : i32
      %scan3A_95 = arith.addi %scan3A_93, %scan3A_94 : i32
      %scan3A_96 = arith.constant 4 : i32
      %scan3A_97:3 = scf.for %scan3A_674 = %scan3A_93 to %scan3A_95 step %scan3A_96 iter_args(%scan3A_675 = %scan3A_90, %scan3A_676 = %scan3A_91, %scan3A_677 = %scan3A_92) -> (i32, i32, i32)  : i32 {
        %mul3A_678 = arith.constant 16 : i32
        %mul3A_679 = arith.muli %scan3A_674, %mul3A_678 : i32
        %get3A = arith.index_cast %mul3A_679 : i32 to index
        %get3A_680 = tpu.vector_load %arg8[%get3A] {strides = array<i32>} : memref<2048xi32, #tpu.memory_space<vmem>>, vector<16xi32>,
        %broadcast_in_dim3A_681 = arith.constant true
        %broadcast_in_dim3A_682 = vector.broadcast %broadcast_in_dim3A_681 : i1 to vector<16xi1>
        %masked_cumsum3A = tpu.scan <sum>, %get3A_680 masked %broadcast_in_dim3A_682 : vector<16xi32>, vector<16xi1> -> vector<16xi32>
        %reduce_sum3A = arith.constant true
        %reduce_sum3A_683 = vector.broadcast %reduce_sum3A : i1 to vector<16xi1>
        %reduce_sum3A_684 = tpu.scan <sum>, %get3A_680 masked %reduce_sum3A_683 : vector<16xi32>, vector<16xi1> -> vector<16xi32>
        %reduce_sum3A_685 = vector.extract %reduce_sum3A_684[15] : i32 from vector<16xi32>
        %add3A_686 = vector.broadcast %scan3A_677 : i32 to vector<16xi32>
        %add3A_687 = arith.addi %add3A_686, %masked_cumsum3A : vector<16xi32>
        %ge3A = vector.broadcast %sub3A_70 : i32 to vector<16xi32>
        %ge3A_688 = arith.cmpi sge, %add3A_687, %ge3A : vector<16xi32>
        %jit3A_689 = arith.constant 16 : i32
        %broadcast_in_dim3A_690 = vector.broadcast %jit3A_689 : i32 to vector<16xi32>
        %select_n3A_691 = arith.select %ge3A_688, %iota3A_89, %broadcast_in_dim3A_690 : vector<16xi1>, vector<16xi32>
        %reduce_min3A = arith.constant true
        %reduce_min3A_692 = vector.broadcast %reduce_min3A : i1 to vector<16xi1>
        %reduce_min3A_693 = arith.constant -2147483648 : i32
        %reduce_min3A_694 = vector.broadcast %reduce_min3A_693 : i32 to vector<16xi32>
        %reduce_min3A_695 = arith.xori %select_n3A_691, %reduce_min3A_694 : vector<16xi32>
        %reduce_min3A_696 = tpu.scan <min>, %reduce_min3A_695 masked %reduce_min3A_692 : vector<16xi32>, vector<16xi1> -> vector<16xi32>
        %reduce_min3A_697 = arith.xori %reduce_min3A_696, %reduce_min3A_694 : vector<16xi32>
        %reduce_min3A_698 = vector.extract %reduce_min3A_697[15] : i32 from vector<16xi32>
        %lt3A = arith.constant 16 : i32
        %lt3A_699 = arith.cmpi slt, %reduce_min3A_698, %lt3A : i32
        %lt3A_700 = arith.constant 0 : i32
        %lt3A_701 = arith.cmpi slt, %scan3A_675, %lt3A_700 : i32
        %and3A_702 = arith.andi %lt3A_699, %lt3A_701 : i1
        %eq3A = vector.broadcast %reduce_min3A_698 : i32 to vector<16xi32>
        %eq3A_703 = arith.cmpi eq, %iota3A_89, %eq3A : vector<16xi32>
        %sub3A_704 = arith.subi %masked_cumsum3A, %get3A_680 : vector<16xi32>
        %jit3A_705 = arith.constant 0 : i32
        %broadcast_in_dim3A_706 = vector.broadcast %jit3A_705 : i32 to vector<16xi32>
        %select_n3A_707 = arith.select %eq3A_703, %sub3A_704, %broadcast_in_dim3A_706 : vector<16xi1>, vector<16xi32>
        %reduce_sum3A_708 = arith.constant true
        %reduce_sum3A_709 = vector.broadcast %reduce_sum3A_708 : i1 to vector<16xi1>
        %reduce_sum3A_710 = tpu.scan <sum>, %select_n3A_707 masked %reduce_sum3A_709 : vector<16xi32>, vector<16xi1> -> vector<16xi32>
        %reduce_sum3A_711 = vector.extract %reduce_sum3A_710[15] : i32 from vector<16xi32>
        %add3A_712 = arith.addi %scan3A_677, %reduce_sum3A_711 : i32
        %mul3A_713 = arith.constant 16 : i32
        %mul3A_714 = arith.muli %scan3A_674, %mul3A_713 : i32
        %add3A_715 = arith.addi %mul3A_714, %reduce_min3A_698 : i32
        %select_n3A_716 = arith.select %and3A_702, %add3A_715, %scan3A_675 : i32
        %select_n3A_717 = arith.select %and3A_702, %add3A_712, %scan3A_676 : i32
        %add3A_718 = arith.addi %scan3A_677, %reduce_sum3A_685 : i32
        %scan3A_719 = arith.constant 1 : i32
        %scan3A_720 = arith.addi %scan3A_674, %scan3A_719 : i32
        %mul3A_721 = arith.constant 16 : i32
        %mul3A_722 = arith.muli %scan3A_720, %mul3A_721 : i32
        %get3A_723 = arith.index_cast %mul3A_722 : i32 to index
        %get3A_724 = tpu.vector_load %arg8[%get3A_723] {strides = array<i32>} : memref<2048xi32, #tpu.memory_space<vmem>>, vector<16xi32>,
        %broadcast_in_dim3A_725 = arith.constant true
        %broadcast_in_dim3A_726 = vector.broadcast %broadcast_in_dim3A_725 : i1 to vector<16xi1>
        %masked_cumsum3A_727 = tpu.scan <sum>, %get3A_724 masked %broadcast_in_dim3A_726 : vector<16xi32>, vector<16xi1> -> vector<16xi32>
        %reduce_sum3A_728 = arith.constant true
        %reduce_sum3A_729 = vector.broadcast %reduce_sum3A_728 : i1 to vector<16xi1>
        %reduce_sum3A_730 = tpu.scan <sum>, %get3A_724 masked %reduce_sum3A_729 : vector<16xi32>, vector<16xi1> -> vector<16xi32>
        %reduce_sum3A_731 = vector.extract %reduce_sum3A_730[15] : i32 from vector<16xi32>
        %add3A_732 = vector.broadcast %add3A_718 : i32 to vector<16xi32>
        %add3A_733 = arith.addi %add3A_732, %masked_cumsum3A_727 : vector<16xi32>
        %ge3A_734 = vector.broadcast %sub3A_70 : i32 to vector<16xi32>
        %ge3A_735 = arith.cmpi sge, %add3A_733, %ge3A_734 : vector<16xi32>
        %jit3A_736 = arith.constant 16 : i32
        %broadcast_in_dim3A_737 = vector.broadcast %jit3A_736 : i32 to vector<16xi32>
        %select_n3A_738 = arith.select %ge3A_735, %iota3A_89, %broadcast_in_dim3A_737 : vector<16xi1>, vector<16xi32>
        %reduce_min3A_739 = arith.constant true
        %reduce_min3A_740 = vector.broadcast %reduce_min3A_739 : i1 to vector<16xi1>
        %reduce_min3A_741 = arith.constant -2147483648 : i32
        %reduce_min3A_742 = vector.broadcast %reduce_min3A_741 : i32 to vector<16xi32>
        %reduce_min3A_743 = arith.xori %select_n3A_738, %reduce_min3A_742 : vector<16xi32>
        %reduce_min3A_744 = tpu.scan <min>, %reduce_min3A_743 masked %reduce_min3A_740 : vector<16xi32>, vector<16xi1> -> vector<16xi32>
        %reduce_min3A_745 = arith.xori %reduce_min3A_744, %reduce_min3A_742 : vector<16xi32>
        %reduce_min3A_746 = vector.extract %reduce_min3A_745[15] : i32 from vector<16xi32>
        %lt3A_747 = arith.constant 16 : i32
        %lt3A_748 = arith.cmpi slt, %reduce_min3A_746, %lt3A_747 : i32
        %lt3A_749 = arith.constant 0 : i32
        %lt3A_750 = arith.cmpi slt, %select_n3A_716, %lt3A_749 : i32
        %and3A_751 = arith.andi %lt3A_748, %lt3A_750 : i1
        %eq3A_752 = vector.broadcast %reduce_min3A_746 : i32 to vector<16xi32>
        %eq3A_753 = arith.cmpi eq, %iota3A_89, %eq3A_752 : vector<16xi32>
        %sub3A_754 = arith.subi %masked_cumsum3A_727, %get3A_724 : vector<16xi32>
        %jit3A_755 = arith.constant 0 : i32
        %broadcast_in_dim3A_756 = vector.broadcast %jit3A_755 : i32 to vector<16xi32>
        %select_n3A_757 = arith.select %eq3A_753, %sub3A_754, %broadcast_in_dim3A_756 : vector<16xi1>, vector<16xi32>
        %reduce_sum3A_758 = arith.constant true
        %reduce_sum3A_759 = vector.broadcast %reduce_sum3A_758 : i1 to vector<16xi1>
        %reduce_sum3A_760 = tpu.scan <sum>, %select_n3A_757 masked %reduce_sum3A_759 : vector<16xi32>, vector<16xi1> -> vector<16xi32>
        %reduce_sum3A_761 = vector.extract %reduce_sum3A_760[15] : i32 from vector<16xi32>
        %add3A_762 = arith.addi %add3A_718, %reduce_sum3A_761 : i32
        %mul3A_763 = arith.constant 16 : i32
        %mul3A_764 = arith.muli %scan3A_720, %mul3A_763 : i32
        %add3A_765 = arith.addi %mul3A_764, %reduce_min3A_746 : i32
        %select_n3A_766 = arith.select %and3A_751, %add3A_765, %select_n3A_716 : i32
        %select_n3A_767 = arith.select %and3A_751, %add3A_762, %select_n3A_717 : i32
        %add3A_768 = arith.addi %add3A_718, %reduce_sum3A_731 : i32
        %scan3A_769 = arith.constant 2 : i32
        %scan3A_770 = arith.addi %scan3A_674, %scan3A_769 : i32
        %mul3A_771 = arith.constant 16 : i32
        %mul3A_772 = arith.muli %scan3A_770, %mul3A_771 : i32
        %get3A_773 = arith.index_cast %mul3A_772 : i32 to index
        %get3A_774 = tpu.vector_load %arg8[%get3A_773] {strides = array<i32>} : memref<2048xi32, #tpu.memory_space<vmem>>, vector<16xi32>,
        %broadcast_in_dim3A_775 = arith.constant true
        %broadcast_in_dim3A_776 = vector.broadcast %broadcast_in_dim3A_775 : i1 to vector<16xi1>
        %masked_cumsum3A_777 = tpu.scan <sum>, %get3A_774 masked %broadcast_in_dim3A_776 : vector<16xi32>, vector<16xi1> -> vector<16xi32>
        %reduce_sum3A_778 = arith.constant true
        %reduce_sum3A_779 = vector.broadcast %reduce_sum3A_778 : i1 to vector<16xi1>
        %reduce_sum3A_780 = tpu.scan <sum>, %get3A_774 masked %reduce_sum3A_779 : vector<16xi32>, vector<16xi1> -> vector<16xi32>
        %reduce_sum3A_781 = vector.extract %reduce_sum3A_780[15] : i32 from vector<16xi32>
        %add3A_782 = vector.broadcast %add3A_768 : i32 to vector<16xi32>
        %add3A_783 = arith.addi %add3A_782, %masked_cumsum3A_777 : vector<16xi32>
        %ge3A_784 = vector.broadcast %sub3A_70 : i32 to vector<16xi32>
        %ge3A_785 = arith.cmpi sge, %add3A_783, %ge3A_784 : vector<16xi32>
        %jit3A_786 = arith.constant 16 : i32
        %broadcast_in_dim3A_787 = vector.broadcast %jit3A_786 : i32 to vector<16xi32>
        %select_n3A_788 = arith.select %ge3A_785, %iota3A_89, %broadcast_in_dim3A_787 : vector<16xi1>, vector<16xi32>
        %reduce_min3A_789 = arith.constant true
        %reduce_min3A_790 = vector.broadcast %reduce_min3A_789 : i1 to vector<16xi1>
        %reduce_min3A_791 = arith.constant -2147483648 : i32
        %reduce_min3A_792 = vector.broadcast %reduce_min3A_791 : i32 to vector<16xi32>
        %reduce_min3A_793 = arith.xori %select_n3A_788, %reduce_min3A_792 : vector<16xi32>
        %reduce_min3A_794 = tpu.scan <min>, %reduce_min3A_793 masked %reduce_min3A_790 : vector<16xi32>, vector<16xi1> -> vector<16xi32>
        %reduce_min3A_795 = arith.xori %reduce_min3A_794, %reduce_min3A_792 : vector<16xi32>
        %reduce_min3A_796 = vector.extract %reduce_min3A_795[15] : i32 from vector<16xi32>
        %lt3A_797 = arith.constant 16 : i32
        %lt3A_798 = arith.cmpi slt, %reduce_min3A_796, %lt3A_797 : i32
        %lt3A_799 = arith.constant 0 : i32
        %lt3A_800 = arith.cmpi slt, %select_n3A_766, %lt3A_799 : i32
        %and3A_801 = arith.andi %lt3A_798, %lt3A_800 : i1
        %eq3A_802 = vector.broadcast %reduce_min3A_796 : i32 to vector<16xi32>
        %eq3A_803 = arith.cmpi eq, %iota3A_89, %eq3A_802 : vector<16xi32>
        %sub3A_804 = arith.subi %masked_cumsum3A_777, %get3A_774 : vector<16xi32>
        %jit3A_805 = arith.constant 0 : i32
        %broadcast_in_dim3A_806 = vector.broadcast %jit3A_805 : i32 to vector<16xi32>
        %select_n3A_807 = arith.select %eq3A_803, %sub3A_804, %broadcast_in_dim3A_806 : vector<16xi1>, vector<16xi32>
        %reduce_sum3A_808 = arith.constant true
        %reduce_sum3A_809 = vector.broadcast %reduce_sum3A_808 : i1 to vector<16xi1>
        %reduce_sum3A_810 = tpu.scan <sum>, %select_n3A_807 masked %reduce_sum3A_809 : vector<16xi32>, vector<16xi1> -> vector<16xi32>
        %reduce_sum3A_811 = vector.extract %reduce_sum3A_810[15] : i32 from vector<16xi32>
        %add3A_812 = arith.addi %add3A_768, %reduce_sum3A_811 : i32
        %mul3A_813 = arith.constant 16 : i32
        %mul3A_814 = arith.muli %scan3A_770, %mul3A_813 : i32
        %add3A_815 = arith.addi %mul3A_814, %reduce_min3A_796 : i32
        %select_n3A_816 = arith.select %and3A_801, %add3A_815, %select_n3A_766 : i32
        %select_n3A_817 = arith.select %and3A_801, %add3A_812, %select_n3A_767 : i32
        %add3A_818 = arith.addi %add3A_768, %reduce_sum3A_781 : i32
        %scan3A_819 = arith.constant 3 : i32
        %scan3A_820 = arith.addi %scan3A_674, %scan3A_819 : i32
        %mul3A_821 = arith.constant 16 : i32
        %mul3A_822 = arith.muli %scan3A_820, %mul3A_821 : i32
        %get3A_823 = arith.index_cast %mul3A_822 : i32 to index
        %get3A_824 = tpu.vector_load %arg8[%get3A_823] {strides = array<i32>} : memref<2048xi32, #tpu.memory_space<vmem>>, vector<16xi32>,
        %broadcast_in_dim3A_825 = arith.constant true
        %broadcast_in_dim3A_826 = vector.broadcast %broadcast_in_dim3A_825 : i1 to vector<16xi1>
        %masked_cumsum3A_827 = tpu.scan <sum>, %get3A_824 masked %broadcast_in_dim3A_826 : vector<16xi32>, vector<16xi1> -> vector<16xi32>
        %reduce_sum3A_828 = arith.constant true
        %reduce_sum3A_829 = vector.broadcast %reduce_sum3A_828 : i1 to vector<16xi1>
        %reduce_sum3A_830 = tpu.scan <sum>, %get3A_824 masked %reduce_sum3A_829 : vector<16xi32>, vector<16xi1> -> vector<16xi32>
        %reduce_sum3A_831 = vector.extract %reduce_sum3A_830[15] : i32 from vector<16xi32>
        %add3A_832 = vector.broadcast %add3A_818 : i32 to vector<16xi32>
        %add3A_833 = arith.addi %add3A_832, %masked_cumsum3A_827 : vector<16xi32>
        %ge3A_834 = vector.broadcast %sub3A_70 : i32 to vector<16xi32>
        %ge3A_835 = arith.cmpi sge, %add3A_833, %ge3A_834 : vector<16xi32>
        %jit3A_836 = arith.constant 16 : i32
        %broadcast_in_dim3A_837 = vector.broadcast %jit3A_836 : i32 to vector<16xi32>
        %select_n3A_838 = arith.select %ge3A_835, %iota3A_89, %broadcast_in_dim3A_837 : vector<16xi1>, vector<16xi32>
        %reduce_min3A_839 = arith.constant true
        %reduce_min3A_840 = vector.broadcast %reduce_min3A_839 : i1 to vector<16xi1>
        %reduce_min3A_841 = arith.constant -2147483648 : i32
        %reduce_min3A_842 = vector.broadcast %reduce_min3A_841 : i32 to vector<16xi32>
        %reduce_min3A_843 = arith.xori %select_n3A_838, %reduce_min3A_842 : vector<16xi32>
        %reduce_min3A_844 = tpu.scan <min>, %reduce_min3A_843 masked %reduce_min3A_840 : vector<16xi32>, vector<16xi1> -> vector<16xi32>
        %reduce_min3A_845 = arith.xori %reduce_min3A_844, %reduce_min3A_842 : vector<16xi32>
        %reduce_min3A_846 = vector.extract %reduce_min3A_845[15] : i32 from vector<16xi32>
        %lt3A_847 = arith.constant 16 : i32
        %lt3A_848 = arith.cmpi slt, %reduce_min3A_846, %lt3A_847 : i32
        %lt3A_849 = arith.constant 0 : i32
        %lt3A_850 = arith.cmpi slt, %select_n3A_816, %lt3A_849 : i32
        %and3A_851 = arith.andi %lt3A_848, %lt3A_850 : i1
        %eq3A_852 = vector.broadcast %reduce_min3A_846 : i32 to vector<16xi32>
        %eq3A_853 = arith.cmpi eq, %iota3A_89, %eq3A_852 : vector<16xi32>
        %sub3A_854 = arith.subi %masked_cumsum3A_827, %get3A_824 : vector<16xi32>
        %jit3A_855 = arith.constant 0 : i32
        %broadcast_in_dim3A_856 = vector.broadcast %jit3A_855 : i32 to vector<16xi32>
        %select_n3A_857 = arith.select %eq3A_853, %sub3A_854, %broadcast_in_dim3A_856 : vector<16xi1>, vector<16xi32>
        %reduce_sum3A_858 = arith.constant true
        %reduce_sum3A_859 = vector.broadcast %reduce_sum3A_858 : i1 to vector<16xi1>
        %reduce_sum3A_860 = tpu.scan <sum>, %select_n3A_857 masked %reduce_sum3A_859 : vector<16xi32>, vector<16xi1> -> vector<16xi32>
        %reduce_sum3A_861 = vector.extract %reduce_sum3A_860[15] : i32 from vector<16xi32>
        %add3A_862 = arith.addi %add3A_818, %reduce_sum3A_861 : i32
        %mul3A_863 = arith.constant 16 : i32
        %mul3A_864 = arith.muli %scan3A_820, %mul3A_863 : i32
        %add3A_865 = arith.addi %mul3A_864, %reduce_min3A_846 : i32
        %select_n3A_866 = arith.select %and3A_851, %add3A_865, %select_n3A_816 : i32
        %select_n3A_867 = arith.select %and3A_851, %add3A_862, %select_n3A_817 : i32
        %add3A_868 = arith.addi %add3A_818, %reduce_sum3A_831 : i32
        scf.yield %select_n3A_866, %select_n3A_867, %add3A_868 : i32, i32, i32
      }
      %scan3A_98 = arith.constant 64 : i32
      %shift_left3A_99 = arith.constant 10 : i32
      %shift_left3A_100 = arith.shli %or3A, %shift_left3A_99 : i32
      %or3A_101 = arith.ori %shift_left3A_100, %scan3A_97#0 : i32
      %xor3A = arith.constant -2147483648 : i32
      %xor3A_102 = arith.xori %or3A_101, %xor3A : i32
      %add3A_103 = arith.addi %scan3A_40#1, %scan3A_68#1 : i32
      %add3A_104 = arith.addi %add3A_103, %scan3A_97#1 : i32
      %scan3A_105 = arith.constant 0 : i32
      %scan3A_106 = arith.constant 0 : i32
      %scan3A_107 = arith.constant 60 : i32
      %scan3A_108 = arith.addi %scan3A_106, %scan3A_107 : i32
      %scan3A_109 = arith.constant 4 : i32
      %scan3A_110 = scf.for %scan3A_674 = %scan3A_106 to %scan3A_108 step %scan3A_109 iter_args(%scan3A_675 = %scan3A_105) -> (i32)  : i32 {
        %mul3A_676 = arith.constant 16 : i32
        %mul3A_677 = arith.muli %scan3A_674, %mul3A_676 : i32
        %swap3A_678 = arith.index_cast %mul3A_677 : i32 to index
        %swap3A_679 = tpu.vector_load %arg10[%swap3A_678] {strides = array<i32>} : memref<1008xi32, #tpu.memory_space<vmem>>, vector<16xi32>,
        tpu.vector_store %arg10[%swap3A_678], %broadcast_in_dim3A_1 {strides = array<i32>} : memref<1008xi32, #tpu.memory_space<vmem>>, vector<16xi32>,
        %scan3A_680 = arith.constant 0 : i32
        %scan3A_681 = arith.constant 1 : i32
        %scan3A_682 = arith.addi %scan3A_674, %scan3A_681 : i32
        %mul3A_683 = arith.constant 16 : i32
        %mul3A_684 = arith.muli %scan3A_682, %mul3A_683 : i32
        %swap3A_685 = arith.index_cast %mul3A_684 : i32 to index
        %swap3A_686 = tpu.vector_load %arg10[%swap3A_685] {strides = array<i32>} : memref<1008xi32, #tpu.memory_space<vmem>>, vector<16xi32>,
        tpu.vector_store %arg10[%swap3A_685], %broadcast_in_dim3A_1 {strides = array<i32>} : memref<1008xi32, #tpu.memory_space<vmem>>, vector<16xi32>,
        %scan3A_687 = arith.constant 0 : i32
        %scan3A_688 = arith.constant 2 : i32
        %scan3A_689 = arith.addi %scan3A_674, %scan3A_688 : i32
        %mul3A_690 = arith.constant 16 : i32
        %mul3A_691 = arith.muli %scan3A_689, %mul3A_690 : i32
        %swap3A_692 = arith.index_cast %mul3A_691 : i32 to index
        %swap3A_693 = tpu.vector_load %arg10[%swap3A_692] {strides = array<i32>} : memref<1008xi32, #tpu.memory_space<vmem>>, vector<16xi32>,
        tpu.vector_store %arg10[%swap3A_692], %broadcast_in_dim3A_1 {strides = array<i32>} : memref<1008xi32, #tpu.memory_space<vmem>>, vector<16xi32>,
        %scan3A_694 = arith.constant 0 : i32
        %scan3A_695 = arith.constant 3 : i32
        %scan3A_696 = arith.addi %scan3A_674, %scan3A_695 : i32
        %mul3A_697 = arith.constant 16 : i32
        %mul3A_698 = arith.muli %scan3A_696, %mul3A_697 : i32
        %swap3A_699 = arith.index_cast %mul3A_698 : i32 to index
        %swap3A_700 = tpu.vector_load %arg10[%swap3A_699] {strides = array<i32>} : memref<1008xi32, #tpu.memory_space<vmem>>, vector<16xi32>,
        tpu.vector_store %arg10[%swap3A_699], %broadcast_in_dim3A_1 {strides = array<i32>} : memref<1008xi32, #tpu.memory_space<vmem>>, vector<16xi32>,
        %scan3A_701 = arith.constant 0 : i32
        scf.yield %scan3A_701 : i32
      }
      %scan3A_111 = arith.constant 60 : i32
      %scan3A_112 = arith.addi %scan3A_106, %scan3A_111 : i32
      %mul3A_113 = arith.constant 16 : i32
      %mul3A_114 = arith.muli %scan3A_112, %mul3A_113 : i32
      %swap3A = arith.index_cast %mul3A_114 : i32 to index
      %swap3A_115 = tpu.vector_load %arg10[%swap3A] {strides = array<i32>} : memref<1008xi32, #tpu.memory_space<vmem>>, vector<16xi32>,
      tpu.vector_store %arg10[%swap3A], %broadcast_in_dim3A_1 {strides = array<i32>} : memref<1008xi32, #tpu.memory_space<vmem>>, vector<16xi32>,
      %scan3A_116 = arith.constant 0 : i32
      %scan3A_117 = arith.constant 61 : i32
      %scan3A_118 = arith.addi %scan3A_106, %scan3A_117 : i32
      %mul3A_119 = arith.constant 16 : i32
      %mul3A_120 = arith.muli %scan3A_118, %mul3A_119 : i32
      %swap3A_121 = arith.index_cast %mul3A_120 : i32 to index
      %swap3A_122 = tpu.vector_load %arg10[%swap3A_121] {strides = array<i32>} : memref<1008xi32, #tpu.memory_space<vmem>>, vector<16xi32>,
      tpu.vector_store %arg10[%swap3A_121], %broadcast_in_dim3A_1 {strides = array<i32>} : memref<1008xi32, #tpu.memory_space<vmem>>, vector<16xi32>,
      %scan3A_123 = arith.constant 0 : i32
      %scan3A_124 = arith.constant 62 : i32
      %scan3A_125 = arith.addi %scan3A_106, %scan3A_124 : i32
      %mul3A_126 = arith.constant 16 : i32
      %mul3A_127 = arith.muli %scan3A_125, %mul3A_126 : i32
      %swap3A_128 = arith.index_cast %mul3A_127 : i32 to index
      %swap3A_129 = tpu.vector_load %arg10[%swap3A_128] {strides = array<i32>} : memref<1008xi32, #tpu.memory_space<vmem>>, vector<16xi32>,
      tpu.vector_store %arg10[%swap3A_128], %broadcast_in_dim3A_1 {strides = array<i32>} : memref<1008xi32, #tpu.memory_space<vmem>>, vector<16xi32>,
      %scan3A_130 = arith.constant 0 : i32
      %scan3A_131 = arith.constant 63 : i32
      %parallel_loop3A_132 = arith.constant 0 : i32
      %parallel_loop3A_133 = arith.constant 1250 : i32
      %parallel_loop3A_134 = arith.constant 1 : i32
      %parallel_loop3A_135 = arith.constant 0 : i32
      %parallel_loop3A_136 = arith.constant 0 : i32
      %parallel_loop3A_137:2 = scf.for %parallel_loop3A_674 = %parallel_loop3A_132 to %parallel_loop3A_133 step %parallel_loop3A_134 iter_args(%parallel_loop3A_675 = %parallel_loop3A_135, %parallel_loop3A_676 = %parallel_loop3A_136) -> (i32, i32)  : i32 {
        %parallel_loop3A_677 = arith.constant 16 : i32
        %parallel_loop3A_678 = arith.muli %parallel_loop3A_674, %parallel_loop3A_677 : i32
        %parallel_loop3A_679 = arith.index_cast %parallel_loop3A_678 : i32 to index
        %parallel_loop3A_680 = tpu.vector_load %arg7[%parallel_loop3A_679] {strides = array<i32>} : memref<20000xi32, #tpu.memory_space<vmem>>, vector<16xi32>,
        %parallel_loop3A_681 = arith.constant 16 : i32
        %parallel_loop3A_682 = arith.muli %parallel_loop3A_674, %parallel_loop3A_681 : i32
        %parallel_loop3A_683 = vector.broadcast %parallel_loop3A_682 : i32 to vector<16xi32>
        %parallel_loop3A_684 = arith.addi %parallel_loop3A_683, %iota3A : vector<16xi32>
        %parallel_loop3A_685 = vector.broadcast %xor3A_102 : i32 to vector<16xi32>
        %parallel_loop3A_686 = arith.cmpi slt, %parallel_loop3A_680, %parallel_loop3A_685 : vector<16xi32>
        %parallel_loop3A_687 = vector.broadcast %xor3A_102 : i32 to vector<16xi32>
        %parallel_loop3A_688 = arith.cmpi eq, %parallel_loop3A_680, %parallel_loop3A_687 : vector<16xi32>
        %parallel_loop3A_689 = arith.extui %parallel_loop3A_686 : vector<16xi1> to vector<16xi32>
        %parallel_loop3A_690 = arith.constant true
        %parallel_loop3A_691 = vector.broadcast %parallel_loop3A_690 : i1 to vector<16xi1>
        %parallel_loop3A_692 = tpu.scan <sum>, %parallel_loop3A_689 masked %parallel_loop3A_691 : vector<16xi32>, vector<16xi1> -> vector<16xi32>
        %parallel_loop3A_693 = arith.extui %parallel_loop3A_688 : vector<16xi1> to vector<16xi32>
        %parallel_loop3A_694 = arith.constant true
        %parallel_loop3A_695 = vector.broadcast %parallel_loop3A_694 : i1 to vector<16xi1>
        %parallel_loop3A_696 = tpu.scan <sum>, %parallel_loop3A_693 masked %parallel_loop3A_695 : vector<16xi32>, vector<16xi1> -> vector<16xi32>
        %parallel_loop3A_697 = vector.broadcast %parallel_loop3A_675 : i32 to vector<16xi32>
        %parallel_loop3A_698 = arith.addi %parallel_loop3A_697, %parallel_loop3A_692 : vector<16xi32>
        %parallel_loop3A_699 = arith.constant 1 : i32
        %parallel_loop3A_700 = vector.broadcast %parallel_loop3A_699 : i32 to vector<16xi32>
        %parallel_loop3A_701 = arith.subi %parallel_loop3A_698, %parallel_loop3A_700 : vector<16xi32>
        %parallel_loop3A_702 = arith.constant 0 : i32
        %parallel_loop3A_703 = vector.broadcast %parallel_loop3A_702 : i32 to vector<16xi32>
        %parallel_loop3A_704 = arith.maxsi %parallel_loop3A_701, %parallel_loop3A_703 : vector<16xi32>
        %parallel_loop3A_705 = vector.broadcast %parallel_loop3A_676 : i32 to vector<16xi32>
        %parallel_loop3A_706 = arith.addi %parallel_loop3A_705, %parallel_loop3A_696 : vector<16xi32>
        %parallel_loop3A_707 = arith.constant 1 : i32
        %parallel_loop3A_708 = vector.broadcast %parallel_loop3A_707 : i32 to vector<16xi32>
        %parallel_loop3A_709 = arith.subi %parallel_loop3A_706, %parallel_loop3A_708 : vector<16xi32>
        %parallel_loop3A_710 = arith.constant 1008 : i32
        %parallel_loop3A_711 = vector.broadcast %parallel_loop3A_710 : i32 to vector<16xi32>
        %parallel_loop3A_712 = arith.cmpi slt, %parallel_loop3A_709, %parallel_loop3A_711 : vector<16xi32>
        %parallel_loop3A_713 = arith.andi %parallel_loop3A_688, %parallel_loop3A_712 : vector<16xi1>
        %parallel_loop3A_714 = arith.constant 0 : i32
        %parallel_loop3A_715 = arith.constant 1007 : i32
        %parallel_loop3A_716 = vector.broadcast %parallel_loop3A_714 : i32 to vector<16xi32>
        %parallel_loop3A_717 = arith.maxsi %parallel_loop3A_716, %parallel_loop3A_709 : vector<16xi32>
        %parallel_loop3A_718 = vector.broadcast %parallel_loop3A_715 : i32 to vector<16xi32>
        %parallel_loop3A_719 = arith.minsi %parallel_loop3A_718, %parallel_loop3A_717 : vector<16xi32>
        tpu.vector_store_idx %arg10[%parallel_loop3A_704], %parallel_loop3A_680 masked %parallel_loop3A_686 : memref<1008xi32, #tpu.memory_space<vmem>>[vector<16xi32>], vector<16xi32>, vector<16xi1>
        tpu.vector_store_idx %arg11[%parallel_loop3A_704], %parallel_loop3A_684 masked %parallel_loop3A_686 : memref<1008xi32, #tpu.memory_space<vmem>>[vector<16xi32>], vector<16xi32>, vector<16xi1>
        tpu.vector_store_idx %arg14[%parallel_loop3A_719], %parallel_loop3A_684 masked %parallel_loop3A_713 : memref<1008xi32, #tpu.memory_space<vmem>>[vector<16xi32>], vector<16xi32>, vector<16xi1>
        %parallel_loop3A_720 = arith.extui %parallel_loop3A_686 : vector<16xi1> to vector<16xi32>
        %parallel_loop3A_721 = arith.constant true
        %parallel_loop3A_722 = vector.broadcast %parallel_loop3A_721 : i1 to vector<16xi1>
        %parallel_loop3A_723 = tpu.scan <sum>, %parallel_loop3A_720 masked %parallel_loop3A_722 : vector<16xi32>, vector<16xi1> -> vector<16xi32>
        %parallel_loop3A_724 = vector.extract %parallel_loop3A_723[15] : i32 from vector<16xi32>
        %parallel_loop3A_725 = arith.addi %parallel_loop3A_675, %parallel_loop3A_724 : i32
        %parallel_loop3A_726 = arith.extui %parallel_loop3A_713 : vector<16xi1> to vector<16xi32>
        %parallel_loop3A_727 = arith.constant true
        %parallel_loop3A_728 = vector.broadcast %parallel_loop3A_727 : i1 to vector<16xi1>
        %parallel_loop3A_729 = tpu.scan <sum>, %parallel_loop3A_726 masked %parallel_loop3A_728 : vector<16xi32>, vector<16xi1> -> vector<16xi32>
        %parallel_loop3A_730 = vector.extract %parallel_loop3A_729[15] : i32 from vector<16xi32>
        %parallel_loop3A_731 = arith.addi %parallel_loop3A_676, %parallel_loop3A_730 : i32
        %parallel_loop3A_732 = arith.constant 1008 : i32
        %parallel_loop3A_733 = arith.minsi %parallel_loop3A_731, %parallel_loop3A_732 : i32
        scf.yield %parallel_loop3A_725, %parallel_loop3A_733 : i32, i32
      } {sc.loop_unroll_factor = 8 : i64, sc.parallel_access}
      %add3A_138 = arith.constant 15 : i32
      %add3A_139 = arith.addi %parallel_loop3A_137#0, %add3A_138 : i32
      %jit3A = arith.constant 16 : i32
      %div3A = arith.divsi %add3A_139, %jit3A : i32
      %sign3A = arith.constant 0 : i32
      %sign3A_140 = arith.cmpi sgt, %add3A_139, %sign3A : i32
      %sign3A_141 = arith.extui %sign3A_140 : i1 to i32
      %sign3A_142 = arith.constant 0 : i32
      %sign3A_143 = arith.cmpi slt, %add3A_139, %sign3A_142 : i32
      %sign3A_144 = arith.extui %sign3A_143 : i1 to i32
      %sign3A_145 = arith.subi %sign3A_141, %sign3A_144 : i32
      %sign3A_146 = arith.constant 0 : i32
      %sign3A_147 = arith.cmpi sgt, %jit3A, %sign3A_146 : i32
      %sign3A_148 = arith.extui %sign3A_147 : i1 to i32
      %sign3A_149 = arith.constant 0 : i32
      %sign3A_150 = arith.cmpi slt, %jit3A, %sign3A_149 : i32
      %sign3A_151 = arith.extui %sign3A_150 : i1 to i32
      %sign3A_152 = arith.subi %sign3A_148, %sign3A_151 : i32
      %ne3A = arith.cmpi ne, %sign3A_145, %sign3A_152 : i32
      %rem3A = arith.remsi %add3A_139, %jit3A : i32
      %ne3A_153 = arith.constant 0 : i32
      %ne3A_154 = arith.cmpi ne, %rem3A, %ne3A_153 : i32
      %and3A = arith.andi %ne3A, %ne3A_154 : i1
      %sub3A_155 = arith.constant 1 : i32
      %sub3A_156 = arith.subi %div3A, %sub3A_155 : i32
      %select_n3A = arith.select %and3A, %sub3A_156, %div3A : i32
      %broadcast_in_dim3A_157 = arith.constant 0 : i32
      %broadcast_in_dim3A_158 = vector.broadcast %broadcast_in_dim3A_157 : i32 to vector<16xi32>
      %scan3A_159 = arith.constant 0 : i32
      %scan3A_160 = arith.constant 0 : i32
      %scan3A_161 = arith.constant 128 : i32
      %scan3A_162 = arith.addi %scan3A_160, %scan3A_161 : i32
      %scan3A_163 = arith.constant 4 : i32
      %scan3A_164 = scf.for %scan3A_674 = %scan3A_160 to %scan3A_162 step %scan3A_163 iter_args(%scan3A_675 = %scan3A_159) -> (i32)  : i32 {
        %mul3A_676 = arith.constant 16 : i32
        %mul3A_677 = arith.muli %scan3A_674, %mul3A_676 : i32
        %swap3A_678 = arith.index_cast %mul3A_677 : i32 to index
        %swap3A_679 = tpu.vector_load %arg8[%swap3A_678] {strides = array<i32>} : memref<2048xi32, #tpu.memory_space<vmem>>, vector<16xi32>,
        tpu.vector_store %arg8[%swap3A_678], %broadcast_in_dim3A_158 {strides = array<i32>} : memref<2048xi32, #tpu.memory_space<vmem>>, vector<16xi32>,
        %scan3A_680 = arith.constant 0 : i32
        %scan3A_681 = arith.constant 1 : i32
        %scan3A_682 = arith.addi %scan3A_674, %scan3A_681 : i32
        %mul3A_683 = arith.constant 16 : i32
        %mul3A_684 = arith.muli %scan3A_682, %mul3A_683 : i32
        %swap3A_685 = arith.index_cast %mul3A_684 : i32 to index
        %swap3A_686 = tpu.vector_load %arg8[%swap3A_685] {strides = array<i32>} : memref<2048xi32, #tpu.memory_space<vmem>>, vector<16xi32>,
        tpu.vector_store %arg8[%swap3A_685], %broadcast_in_dim3A_158 {strides = array<i32>} : memref<2048xi32, #tpu.memory_space<vmem>>, vector<16xi32>,
        %scan3A_687 = arith.constant 0 : i32
        %scan3A_688 = arith.constant 2 : i32
        %scan3A_689 = arith.addi %scan3A_674, %scan3A_688 : i32
        %mul3A_690 = arith.constant 16 : i32
        %mul3A_691 = arith.muli %scan3A_689, %mul3A_690 : i32
        %swap3A_692 = arith.index_cast %mul3A_691 : i32 to index
        %swap3A_693 = tpu.vector_load %arg8[%swap3A_692] {strides = array<i32>} : memref<2048xi32, #tpu.memory_space<vmem>>, vector<16xi32>,
        tpu.vector_store %arg8[%swap3A_692], %broadcast_in_dim3A_158 {strides = array<i32>} : memref<2048xi32, #tpu.memory_space<vmem>>, vector<16xi32>,
        %scan3A_694 = arith.constant 0 : i32
        %scan3A_695 = arith.constant 3 : i32
        %scan3A_696 = arith.addi %scan3A_674, %scan3A_695 : i32
        %mul3A_697 = arith.constant 16 : i32
        %mul3A_698 = arith.muli %scan3A_696, %mul3A_697 : i32
        %swap3A_699 = arith.index_cast %mul3A_698 : i32 to index
        %swap3A_700 = tpu.vector_load %arg8[%swap3A_699] {strides = array<i32>} : memref<2048xi32, #tpu.memory_space<vmem>>, vector<16xi32>,
        tpu.vector_store %arg8[%swap3A_699], %broadcast_in_dim3A_158 {strides = array<i32>} : memref<2048xi32, #tpu.memory_space<vmem>>, vector<16xi32>,
        %scan3A_701 = arith.constant 0 : i32
        scf.yield %scan3A_701 : i32
      }
      %scan3A_165 = arith.constant 128 : i32
      %while3A = arith.constant 2047 : i32
      %while3A_166 = arith.constant 0 : i32
      %while3A_167 = arith.constant 0 : i32
      %while3A_168 = arith.subi %select_n3A, %while3A_166 : i32
      %while3A_169 = arith.addi %while3A_166, %while3A_168 : i32
      %while3A_170 = arith.constant 1 : i32
      %while3A_171 = arith.divsi %while3A_168, %while3A_170 : i32
      %while3A_172 = arith.muli %while3A_171, %while3A_170 : i32
      %while3A_173 = arith.addi %while3A_166, %while3A_172 : i32
      %while3A_174 = arith.constant 1 : i32
      %while3A_175 = scf.for %while3A_674 = %while3A_166 to %while3A_173 step %while3A_174 iter_args(%while3A_675 = %while3A_167) -> (i32)  : i32 {
        %mul3A_676 = arith.constant 16 : i32
        %mul3A_677 = arith.muli %while3A_674, %mul3A_676 : i32
        %get3A = arith.index_cast %mul3A_677 : i32 to index
        %get3A_678 = tpu.vector_load %arg10[%get3A] {strides = array<i32>} : memref<1008xi32, #tpu.memory_space<vmem>>, vector<16xi32>,
        %xor3A_679 = arith.constant -2147483648 : i32
        %xor3A_680 = vector.broadcast %xor3A_679 : i32 to vector<16xi32>
        %xor3A_681 = arith.xori %get3A_678, %xor3A_680 : vector<16xi32>
        %shift_right_logical3A = arith.constant 0 : i32
        %shift_right_logical3A_682 = vector.broadcast %shift_right_logical3A : i32 to vector<16xi32>
        %shift_right_logical3A_683 = arith.shrui %xor3A_681, %shift_right_logical3A_682 : vector<16xi32>
        %and3A_684 = vector.broadcast %while3A : i32 to vector<16xi32>
        %and3A_685 = arith.andi %shift_right_logical3A_683, %and3A_684 : vector<16xi32>
        %broadcast_in_dim3A_686 = arith.constant true
        %broadcast_in_dim3A_687 = vector.broadcast %broadcast_in_dim3A_686 : i1 to vector<16xi1>
        %unique3A, %unique3A_688 = tpu.scan_count mask(%broadcast_in_dim3A_687 : vector<16xi1>) value(%and3A_685 : vector<16xi32>) : vector<16xi1>, vector<16xi32>
        tpu.vector_store_idx %arg8[%and3A_685], %unique3A_688 masked %unique3A {add = true} : memref<2048xi32, #tpu.memory_space<vmem>>[vector<16xi32>], vector<16xi32>, vector<16xi1>
        %while3A_689 = arith.constant 0 : i32
        scf.yield %while3A_689 : i32
      }
      %while3A_176 = arith.constant 1 : i32
      %while3A_177 = scf.for %while3A_674 = %while3A_173 to %while3A_169 step %while3A_176 iter_args(%while3A_675 = %while3A_175) -> (i32)  : i32 {
        %mul3A_676 = arith.constant 16 : i32
        %mul3A_677 = arith.muli %while3A_674, %mul3A_676 : i32
        %get3A = arith.index_cast %mul3A_677 : i32 to index
        %get3A_678 = tpu.vector_load %arg10[%get3A] {strides = array<i32>} : memref<1008xi32, #tpu.memory_space<vmem>>, vector<16xi32>,
        %xor3A_679 = arith.constant -2147483648 : i32
        %xor3A_680 = vector.broadcast %xor3A_679 : i32 to vector<16xi32>
        %xor3A_681 = arith.xori %get3A_678, %xor3A_680 : vector<16xi32>
        %shift_right_logical3A = arith.constant 0 : i32
        %shift_right_logical3A_682 = vector.broadcast %shift_right_logical3A : i32 to vector<16xi32>
        %shift_right_logical3A_683 = arith.shrui %xor3A_681, %shift_right_logical3A_682 : vector<16xi32>
        %and3A_684 = vector.broadcast %while3A : i32 to vector<16xi32>
        %and3A_685 = arith.andi %shift_right_logical3A_683, %and3A_684 : vector<16xi32>
        %broadcast_in_dim3A_686 = arith.constant true
        %broadcast_in_dim3A_687 = vector.broadcast %broadcast_in_dim3A_686 : i1 to vector<16xi1>
        %unique3A, %unique3A_688 = tpu.scan_count mask(%broadcast_in_dim3A_687 : vector<16xi1>) value(%and3A_685 : vector<16xi32>) : vector<16xi1>, vector<16xi32>
        tpu.vector_store_idx %arg8[%and3A_685], %unique3A_688 masked %unique3A {add = true} : memref<2048xi32, #tpu.memory_space<vmem>>[vector<16xi32>], vector<16xi32>, vector<16xi1>
        %while3A_689 = arith.constant 0 : i32
        scf.yield %while3A_689 : i32
      }
      %scan3A_178 = arith.constant 0 : i32
      %scan3A_179 = arith.constant 0 : i32
      %scan3A_180 = arith.constant 128 : i32
      %scan3A_181 = arith.addi %scan3A_179, %scan3A_180 : i32
      %scan3A_182 = arith.constant 1 : i32
      %scan3A_183 = scf.for %scan3A_674 = %scan3A_179 to %scan3A_181 step %scan3A_182 iter_args(%scan3A_675 = %scan3A_178) -> (i32)  : i32 {
        %mul3A_676 = arith.constant 16 : i32
        %mul3A_677 = arith.muli %scan3A_674, %mul3A_676 : i32
        %get3A = arith.index_cast %mul3A_677 : i32 to index
        %get3A_678 = tpu.vector_load %arg8[%get3A] {strides = array<i32>} : memref<2048xi32, #tpu.memory_space<vmem>>, vector<16xi32>,
        %broadcast_in_dim3A_679 = arith.constant true
        %broadcast_in_dim3A_680 = vector.broadcast %broadcast_in_dim3A_679 : i1 to vector<16xi1>
        %masked_cumsum3A = tpu.scan <sum>, %get3A_678 masked %broadcast_in_dim3A_680 : vector<16xi32>, vector<16xi1> -> vector<16xi32>
        %add3A_681 = vector.broadcast %scan3A_675 : i32 to vector<16xi32>
        %add3A_682 = arith.addi %add3A_681, %masked_cumsum3A : vector<16xi32>
        %sub3A_683 = arith.subi %add3A_682, %get3A_678 : vector<16xi32>
        %mul3A_684 = arith.constant 16 : i32
        %mul3A_685 = arith.muli %scan3A_674, %mul3A_684 : i32
        %swap3A_686 = arith.index_cast %mul3A_685 : i32 to index
        %swap3A_687 = tpu.vector_load %arg8[%swap3A_686] {strides = array<i32>} : memref<2048xi32, #tpu.memory_space<vmem>>, vector<16xi32>,
        tpu.vector_store %arg8[%swap3A_686], %sub3A_683 {strides = array<i32>} : memref<2048xi32, #tpu.memory_space<vmem>>, vector<16xi32>,
        %reduce_sum3A = arith.constant true
        %reduce_sum3A_688 = vector.broadcast %reduce_sum3A : i1 to vector<16xi1>
        %reduce_sum3A_689 = tpu.scan <sum>, %get3A_678 masked %reduce_sum3A_688 : vector<16xi32>, vector<16xi1> -> vector<16xi32>
        %reduce_sum3A_690 = vector.extract %reduce_sum3A_689[15] : i32 from vector<16xi32>
        %add3A_691 = arith.addi %scan3A_675, %reduce_sum3A_690 : i32
        scf.yield %add3A_691 : i32
      }
      %scan3A_184 = arith.constant 128 : i32
      %while3A_185 = arith.constant 2047 : i32
      %while3A_186 = arith.constant 0 : i32
      %while3A_187 = arith.constant 0 : i32
      %while3A_188 = arith.subi %select_n3A, %while3A_186 : i32
      %while3A_189 = arith.addi %while3A_186, %while3A_188 : i32
      %while3A_190 = arith.constant 1 : i32
      %while3A_191 = arith.divsi %while3A_188, %while3A_190 : i32
      %while3A_192 = arith.muli %while3A_191, %while3A_190 : i32
      %while3A_193 = arith.addi %while3A_186, %while3A_192 : i32
      %while3A_194 = arith.constant 1 : i32
      %while3A_195 = scf.for %while3A_674 = %while3A_186 to %while3A_193 step %while3A_194 iter_args(%while3A_675 = %while3A_187) -> (i32)  : i32 {
        %mul3A_676 = arith.constant 16 : i32
        %mul3A_677 = arith.muli %while3A_674, %mul3A_676 : i32
        %get3A = arith.index_cast %mul3A_677 : i32 to index
        %get3A_678 = tpu.vector_load %arg10[%get3A] {strides = array<i32>} : memref<1008xi32, #tpu.memory_space<vmem>>, vector<16xi32>,
        %mul3A_679 = arith.constant 16 : i32
        %mul3A_680 = arith.muli %while3A_674, %mul3A_679 : i32
        %get3A_681 = arith.index_cast %mul3A_680 : i32 to index
        %get3A_682 = tpu.vector_load %arg11[%get3A_681] {strides = array<i32>} : memref<1008xi32, #tpu.memory_space<vmem>>, vector<16xi32>,
        %xor3A_683 = arith.constant -2147483648 : i32
        %xor3A_684 = vector.broadcast %xor3A_683 : i32 to vector<16xi32>
        %xor3A_685 = arith.xori %get3A_678, %xor3A_684 : vector<16xi32>
        %shift_right_logical3A = arith.constant 0 : i32
        %shift_right_logical3A_686 = vector.broadcast %shift_right_logical3A : i32 to vector<16xi32>
        %shift_right_logical3A_687 = arith.shrui %xor3A_685, %shift_right_logical3A_686 : vector<16xi32>
        %and3A_688 = vector.broadcast %while3A_185 : i32 to vector<16xi32>
        %and3A_689 = arith.andi %shift_right_logical3A_687, %and3A_688 : vector<16xi32>
        %broadcast_in_dim3A_690 = arith.constant true
        %broadcast_in_dim3A_691 = vector.broadcast %broadcast_in_dim3A_690 : i1 to vector<16xi1>
        %unique3A, %unique3A_692 = tpu.scan_count mask(%broadcast_in_dim3A_691 : vector<16xi1>) value(%and3A_689 : vector<16xi32>) : vector<16xi1>, vector<16xi32>
        %gather3A = tpu.vector_load_idx %arg8[%and3A_689] : memref<2048xi32, #tpu.memory_space<vmem>>[vector<16xi32>], vector<16xi32>,
        %add3A_693 = arith.addi %gather3A, %unique3A_692 : vector<16xi32>
        %sub3A_694 = arith.constant 1 : i32
        %sub3A_695 = vector.broadcast %sub3A_694 : i32 to vector<16xi32>
        %sub3A_696 = arith.subi %add3A_693, %sub3A_695 : vector<16xi32>
        tpu.vector_store_idx %arg12[%sub3A_696], %get3A_678 : memref<1008xi32, #tpu.memory_space<vmem>>[vector<16xi32>], vector<16xi32>,
        tpu.vector_store_idx %arg13[%sub3A_696], %get3A_682 : memref<1008xi32, #tpu.memory_space<vmem>>[vector<16xi32>], vector<16xi32>,
        %add3A_697 = arith.addi %gather3A, %unique3A_692 : vector<16xi32>
        tpu.vector_store_idx %arg8[%and3A_689], %add3A_697 masked %unique3A : memref<2048xi32, #tpu.memory_space<vmem>>[vector<16xi32>], vector<16xi32>, vector<16xi1>
        %while3A_698 = arith.constant 0 : i32
        scf.yield %while3A_698 : i32
      }
      %while3A_196 = arith.constant 1 : i32
      %while3A_197 = scf.for %while3A_674 = %while3A_193 to %while3A_189 step %while3A_196 iter_args(%while3A_675 = %while3A_195) -> (i32)  : i32 {
        %mul3A_676 = arith.constant 16 : i32
        %mul3A_677 = arith.muli %while3A_674, %mul3A_676 : i32
        %get3A = arith.index_cast %mul3A_677 : i32 to index
        %get3A_678 = tpu.vector_load %arg10[%get3A] {strides = array<i32>} : memref<1008xi32, #tpu.memory_space<vmem>>, vector<16xi32>,
        %mul3A_679 = arith.constant 16 : i32
        %mul3A_680 = arith.muli %while3A_674, %mul3A_679 : i32
        %get3A_681 = arith.index_cast %mul3A_680 : i32 to index
        %get3A_682 = tpu.vector_load %arg11[%get3A_681] {strides = array<i32>} : memref<1008xi32, #tpu.memory_space<vmem>>, vector<16xi32>,
        %xor3A_683 = arith.constant -2147483648 : i32
        %xor3A_684 = vector.broadcast %xor3A_683 : i32 to vector<16xi32>
        %xor3A_685 = arith.xori %get3A_678, %xor3A_684 : vector<16xi32>
        %shift_right_logical3A = arith.constant 0 : i32
        %shift_right_logical3A_686 = vector.broadcast %shift_right_logical3A : i32 to vector<16xi32>
        %shift_right_logical3A_687 = arith.shrui %xor3A_685, %shift_right_logical3A_686 : vector<16xi32>
        %and3A_688 = vector.broadcast %while3A_185 : i32 to vector<16xi32>
        %and3A_689 = arith.andi %shift_right_logical3A_687, %and3A_688 : vector<16xi32>
        %broadcast_in_dim3A_690 = arith.constant true
        %broadcast_in_dim3A_691 = vector.broadcast %broadcast_in_dim3A_690 : i1 to vector<16xi1>
        %unique3A, %unique3A_692 = tpu.scan_count mask(%broadcast_in_dim3A_691 : vector<16xi1>) value(%and3A_689 : vector<16xi32>) : vector<16xi1>, vector<16xi32>
        %gather3A = tpu.vector_load_idx %arg8[%and3A_689] : memref<2048xi32, #tpu.memory_space<vmem>>[vector<16xi32>], vector<16xi32>,
        %add3A_693 = arith.addi %gather3A, %unique3A_692 : vector<16xi32>
        %sub3A_694 = arith.constant 1 : i32
        %sub3A_695 = vector.broadcast %sub3A_694 : i32 to vector<16xi32>
        %sub3A_696 = arith.subi %add3A_693, %sub3A_695 : vector<16xi32>
        tpu.vector_store_idx %arg12[%sub3A_696], %get3A_678 : memref<1008xi32, #tpu.memory_space<vmem>>[vector<16xi32>], vector<16xi32>,
        tpu.vector_store_idx %arg13[%sub3A_696], %get3A_682 : memref<1008xi32, #tpu.memory_space<vmem>>[vector<16xi32>], vector<16xi32>,
        %add3A_697 = arith.addi %gather3A, %unique3A_692 : vector<16xi32>
        tpu.vector_store_idx %arg8[%and3A_689], %add3A_697 masked %unique3A : memref<2048xi32, #tpu.memory_space<vmem>>[vector<16xi32>], vector<16xi32>, vector<16xi1>
        %while3A_698 = arith.constant 0 : i32
        scf.yield %while3A_698 : i32
      }
      %broadcast_in_dim3A_198 = arith.constant 0 : i32
      %broadcast_in_dim3A_199 = vector.broadcast %broadcast_in_dim3A_198 : i32 to vector<16xi32>
      %scan3A_200 = arith.constant 0 : i32
      %scan3A_201 = arith.constant 0 : i32
      %scan3A_202 = arith.constant 128 : i32
      %scan3A_203 = arith.addi %scan3A_201, %scan3A_202 : i32
      %scan3A_204 = arith.constant 4 : i32
      %scan3A_205 = scf.for %scan3A_674 = %scan3A_201 to %scan3A_203 step %scan3A_204 iter_args(%scan3A_675 = %scan3A_200) -> (i32)  : i32 {
        %mul3A_676 = arith.constant 16 : i32
        %mul3A_677 = arith.muli %scan3A_674, %mul3A_676 : i32
        %swap3A_678 = arith.index_cast %mul3A_677 : i32 to index
        %swap3A_679 = tpu.vector_load %arg8[%swap3A_678] {strides = array<i32>} : memref<2048xi32, #tpu.memory_space<vmem>>, vector<16xi32>,
        tpu.vector_store %arg8[%swap3A_678], %broadcast_in_dim3A_199 {strides = array<i32>} : memref<2048xi32, #tpu.memory_space<vmem>>, vector<16xi32>,
        %scan3A_680 = arith.constant 0 : i32
        %scan3A_681 = arith.constant 1 : i32
        %scan3A_682 = arith.addi %scan3A_674, %scan3A_681 : i32
        %mul3A_683 = arith.constant 16 : i32
        %mul3A_684 = arith.muli %scan3A_682, %mul3A_683 : i32
        %swap3A_685 = arith.index_cast %mul3A_684 : i32 to index
        %swap3A_686 = tpu.vector_load %arg8[%swap3A_685] {strides = array<i32>} : memref<2048xi32, #tpu.memory_space<vmem>>, vector<16xi32>,
        tpu.vector_store %arg8[%swap3A_685], %broadcast_in_dim3A_199 {strides = array<i32>} : memref<2048xi32, #tpu.memory_space<vmem>>, vector<16xi32>,
        %scan3A_687 = arith.constant 0 : i32
        %scan3A_688 = arith.constant 2 : i32
        %scan3A_689 = arith.addi %scan3A_674, %scan3A_688 : i32
        %mul3A_690 = arith.constant 16 : i32
        %mul3A_691 = arith.muli %scan3A_689, %mul3A_690 : i32
        %swap3A_692 = arith.index_cast %mul3A_691 : i32 to index
        %swap3A_693 = tpu.vector_load %arg8[%swap3A_692] {strides = array<i32>} : memref<2048xi32, #tpu.memory_space<vmem>>, vector<16xi32>,
        tpu.vector_store %arg8[%swap3A_692], %broadcast_in_dim3A_199 {strides = array<i32>} : memref<2048xi32, #tpu.memory_space<vmem>>, vector<16xi32>,
        %scan3A_694 = arith.constant 0 : i32
        %scan3A_695 = arith.constant 3 : i32
        %scan3A_696 = arith.addi %scan3A_674, %scan3A_695 : i32
        %mul3A_697 = arith.constant 16 : i32
        %mul3A_698 = arith.muli %scan3A_696, %mul3A_697 : i32
        %swap3A_699 = arith.index_cast %mul3A_698 : i32 to index
        %swap3A_700 = tpu.vector_load %arg8[%swap3A_699] {strides = array<i32>} : memref<2048xi32, #tpu.memory_space<vmem>>, vector<16xi32>,
        tpu.vector_store %arg8[%swap3A_699], %broadcast_in_dim3A_199 {strides = array<i32>} : memref<2048xi32, #tpu.memory_space<vmem>>, vector<16xi32>,
        %scan3A_701 = arith.constant 0 : i32
        scf.yield %scan3A_701 : i32
      }
      %scan3A_206 = arith.constant 128 : i32
      %while3A_207 = arith.constant 2047 : i32
      %while3A_208 = arith.constant 0 : i32
      %while3A_209 = arith.constant 0 : i32
      %while3A_210 = arith.subi %select_n3A, %while3A_208 : i32
      %while3A_211 = arith.addi %while3A_208, %while3A_210 : i32
      %while3A_212 = arith.constant 1 : i32
      %while3A_213 = arith.divsi %while3A_210, %while3A_212 : i32
      %while3A_214 = arith.muli %while3A_213, %while3A_212 : i32
      %while3A_215 = arith.addi %while3A_208, %while3A_214 : i32
      %while3A_216 = arith.constant 1 : i32
      %while3A_217 = scf.for %while3A_674 = %while3A_208 to %while3A_215 step %while3A_216 iter_args(%while3A_675 = %while3A_209) -> (i32)  : i32 {
        %mul3A_676 = arith.constant 16 : i32
        %mul3A_677 = arith.muli %while3A_674, %mul3A_676 : i32
        %get3A = arith.index_cast %mul3A_677 : i32 to index
        %get3A_678 = tpu.vector_load %arg12[%get3A] {strides = array<i32>} : memref<1008xi32, #tpu.memory_space<vmem>>, vector<16xi32>,
        %xor3A_679 = arith.constant -2147483648 : i32
        %xor3A_680 = vector.broadcast %xor3A_679 : i32 to vector<16xi32>
        %xor3A_681 = arith.xori %get3A_678, %xor3A_680 : vector<16xi32>
        %shift_right_logical3A = arith.constant 11 : i32
        %shift_right_logical3A_682 = vector.broadcast %shift_right_logical3A : i32 to vector<16xi32>
        %shift_right_logical3A_683 = arith.shrui %xor3A_681, %shift_right_logical3A_682 : vector<16xi32>
        %and3A_684 = vector.broadcast %while3A_207 : i32 to vector<16xi32>
        %and3A_685 = arith.andi %shift_right_logical3A_683, %and3A_684 : vector<16xi32>
        %broadcast_in_dim3A_686 = arith.constant true
        %broadcast_in_dim3A_687 = vector.broadcast %broadcast_in_dim3A_686 : i1 to vector<16xi1>
        %unique3A, %unique3A_688 = tpu.scan_count mask(%broadcast_in_dim3A_687 : vector<16xi1>) value(%and3A_685 : vector<16xi32>) : vector<16xi1>, vector<16xi32>
        tpu.vector_store_idx %arg8[%and3A_685], %unique3A_688 masked %unique3A {add = true} : memref<2048xi32, #tpu.memory_space<vmem>>[vector<16xi32>], vector<16xi32>, vector<16xi1>
        %while3A_689 = arith.constant 0 : i32
        scf.yield %while3A_689 : i32
      }
      %while3A_218 = arith.constant 1 : i32
      %while3A_219 = scf.for %while3A_674 = %while3A_215 to %while3A_211 step %while3A_218 iter_args(%while3A_675 = %while3A_217) -> (i32)  : i32 {
        %mul3A_676 = arith.constant 16 : i32
        %mul3A_677 = arith.muli %while3A_674, %mul3A_676 : i32
        %get3A = arith.index_cast %mul3A_677 : i32 to index
        %get3A_678 = tpu.vector_load %arg12[%get3A] {strides = array<i32>} : memref<1008xi32, #tpu.memory_space<vmem>>, vector<16xi32>,
        %xor3A_679 = arith.constant -2147483648 : i32
        %xor3A_680 = vector.broadcast %xor3A_679 : i32 to vector<16xi32>
        %xor3A_681 = arith.xori %get3A_678, %xor3A_680 : vector<16xi32>
        %shift_right_logical3A = arith.constant 11 : i32
        %shift_right_logical3A_682 = vector.broadcast %shift_right_logical3A : i32 to vector<16xi32>
        %shift_right_logical3A_683 = arith.shrui %xor3A_681, %shift_right_logical3A_682 : vector<16xi32>
        %and3A_684 = vector.broadcast %while3A_207 : i32 to vector<16xi32>
        %and3A_685 = arith.andi %shift_right_logical3A_683, %and3A_684 : vector<16xi32>
        %broadcast_in_dim3A_686 = arith.constant true
        %broadcast_in_dim3A_687 = vector.broadcast %broadcast_in_dim3A_686 : i1 to vector<16xi1>
        %unique3A, %unique3A_688 = tpu.scan_count mask(%broadcast_in_dim3A_687 : vector<16xi1>) value(%and3A_685 : vector<16xi32>) : vector<16xi1>, vector<16xi32>
        tpu.vector_store_idx %arg8[%and3A_685], %unique3A_688 masked %unique3A {add = true} : memref<2048xi32, #tpu.memory_space<vmem>>[vector<16xi32>], vector<16xi32>, vector<16xi1>
        %while3A_689 = arith.constant 0 : i32
        scf.yield %while3A_689 : i32
      }
      %scan3A_220 = arith.constant 0 : i32
      %scan3A_221 = arith.constant 0 : i32
      %scan3A_222 = arith.constant 128 : i32
      %scan3A_223 = arith.addi %scan3A_221, %scan3A_222 : i32
      %scan3A_224 = arith.constant 1 : i32
      %scan3A_225 = scf.for %scan3A_674 = %scan3A_221 to %scan3A_223 step %scan3A_224 iter_args(%scan3A_675 = %scan3A_220) -> (i32)  : i32 {
        %mul3A_676 = arith.constant 16 : i32
        %mul3A_677 = arith.muli %scan3A_674, %mul3A_676 : i32
        %get3A = arith.index_cast %mul3A_677 : i32 to index
        %get3A_678 = tpu.vector_load %arg8[%get3A] {strides = array<i32>} : memref<2048xi32, #tpu.memory_space<vmem>>, vector<16xi32>,
        %broadcast_in_dim3A_679 = arith.constant true
        %broadcast_in_dim3A_680 = vector.broadcast %broadcast_in_dim3A_679 : i1 to vector<16xi1>
        %masked_cumsum3A = tpu.scan <sum>, %get3A_678 masked %broadcast_in_dim3A_680 : vector<16xi32>, vector<16xi1> -> vector<16xi32>
        %add3A_681 = vector.broadcast %scan3A_675 : i32 to vector<16xi32>
        %add3A_682 = arith.addi %add3A_681, %masked_cumsum3A : vector<16xi32>
        %sub3A_683 = arith.subi %add3A_682, %get3A_678 : vector<16xi32>
        %mul3A_684 = arith.constant 16 : i32
        %mul3A_685 = arith.muli %scan3A_674, %mul3A_684 : i32
        %swap3A_686 = arith.index_cast %mul3A_685 : i32 to index
        %swap3A_687 = tpu.vector_load %arg8[%swap3A_686] {strides = array<i32>} : memref<2048xi32, #tpu.memory_space<vmem>>, vector<16xi32>,
        tpu.vector_store %arg8[%swap3A_686], %sub3A_683 {strides = array<i32>} : memref<2048xi32, #tpu.memory_space<vmem>>, vector<16xi32>,
        %reduce_sum3A = arith.constant true
        %reduce_sum3A_688 = vector.broadcast %reduce_sum3A : i1 to vector<16xi1>
        %reduce_sum3A_689 = tpu.scan <sum>, %get3A_678 masked %reduce_sum3A_688 : vector<16xi32>, vector<16xi1> -> vector<16xi32>
        %reduce_sum3A_690 = vector.extract %reduce_sum3A_689[15] : i32 from vector<16xi32>
        %add3A_691 = arith.addi %scan3A_675, %reduce_sum3A_690 : i32
        scf.yield %add3A_691 : i32
      }
      %scan3A_226 = arith.constant 128 : i32
      %while3A_227 = arith.constant 2047 : i32
      %while3A_228 = arith.constant 0 : i32
      %while3A_229 = arith.constant 0 : i32
      %while3A_230 = arith.subi %select_n3A, %while3A_228 : i32
      %while3A_231 = arith.addi %while3A_228, %while3A_230 : i32
      %while3A_232 = arith.constant 1 : i32
      %while3A_233 = arith.divsi %while3A_230, %while3A_232 : i32
      %while3A_234 = arith.muli %while3A_233, %while3A_232 : i32
      %while3A_235 = arith.addi %while3A_228, %while3A_234 : i32
      %while3A_236 = arith.constant 1 : i32
      %while3A_237 = scf.for %while3A_674 = %while3A_228 to %while3A_235 step %while3A_236 iter_args(%while3A_675 = %while3A_229) -> (i32)  : i32 {
        %mul3A_676 = arith.constant 16 : i32
        %mul3A_677 = arith.muli %while3A_674, %mul3A_676 : i32
        %get3A = arith.index_cast %mul3A_677 : i32 to index
        %get3A_678 = tpu.vector_load %arg12[%get3A] {strides = array<i32>} : memref<1008xi32, #tpu.memory_space<vmem>>, vector<16xi32>,
        %mul3A_679 = arith.constant 16 : i32
        %mul3A_680 = arith.muli %while3A_674, %mul3A_679 : i32
        %get3A_681 = arith.index_cast %mul3A_680 : i32 to index
        %get3A_682 = tpu.vector_load %arg13[%get3A_681] {strides = array<i32>} : memref<1008xi32, #tpu.memory_space<vmem>>, vector<16xi32>,
        %xor3A_683 = arith.constant -2147483648 : i32
        %xor3A_684 = vector.broadcast %xor3A_683 : i32 to vector<16xi32>
        %xor3A_685 = arith.xori %get3A_678, %xor3A_684 : vector<16xi32>
        %shift_right_logical3A = arith.constant 11 : i32
        %shift_right_logical3A_686 = vector.broadcast %shift_right_logical3A : i32 to vector<16xi32>
        %shift_right_logical3A_687 = arith.shrui %xor3A_685, %shift_right_logical3A_686 : vector<16xi32>
        %and3A_688 = vector.broadcast %while3A_227 : i32 to vector<16xi32>
        %and3A_689 = arith.andi %shift_right_logical3A_687, %and3A_688 : vector<16xi32>
        %broadcast_in_dim3A_690 = arith.constant true
        %broadcast_in_dim3A_691 = vector.broadcast %broadcast_in_dim3A_690 : i1 to vector<16xi1>
        %unique3A, %unique3A_692 = tpu.scan_count mask(%broadcast_in_dim3A_691 : vector<16xi1>) value(%and3A_689 : vector<16xi32>) : vector<16xi1>, vector<16xi32>
        %gather3A = tpu.vector_load_idx %arg8[%and3A_689] : memref<2048xi32, #tpu.memory_space<vmem>>[vector<16xi32>], vector<16xi32>,
        %add3A_693 = arith.addi %gather3A, %unique3A_692 : vector<16xi32>
        %sub3A_694 = arith.constant 1 : i32
        %sub3A_695 = vector.broadcast %sub3A_694 : i32 to vector<16xi32>
        %sub3A_696 = arith.subi %add3A_693, %sub3A_695 : vector<16xi32>
        tpu.vector_store_idx %arg10[%sub3A_696], %get3A_678 : memref<1008xi32, #tpu.memory_space<vmem>>[vector<16xi32>], vector<16xi32>,
        tpu.vector_store_idx %arg11[%sub3A_696], %get3A_682 : memref<1008xi32, #tpu.memory_space<vmem>>[vector<16xi32>], vector<16xi32>,
        %add3A_697 = arith.addi %gather3A, %unique3A_692 : vector<16xi32>
        tpu.vector_store_idx %arg8[%and3A_689], %add3A_697 masked %unique3A : memref<2048xi32, #tpu.memory_space<vmem>>[vector<16xi32>], vector<16xi32>, vector<16xi1>
        %while3A_698 = arith.constant 0 : i32
        scf.yield %while3A_698 : i32
      }
      %while3A_238 = arith.constant 1 : i32
      %while3A_239 = scf.for %while3A_674 = %while3A_235 to %while3A_231 step %while3A_238 iter_args(%while3A_675 = %while3A_237) -> (i32)  : i32 {
        %mul3A_676 = arith.constant 16 : i32
        %mul3A_677 = arith.muli %while3A_674, %mul3A_676 : i32
        %get3A = arith.index_cast %mul3A_677 : i32 to index
        %get3A_678 = tpu.vector_load %arg12[%get3A] {strides = array<i32>} : memref<1008xi32, #tpu.memory_space<vmem>>, vector<16xi32>,
        %mul3A_679 = arith.constant 16 : i32
        %mul3A_680 = arith.muli %while3A_674, %mul3A_679 : i32
        %get3A_681 = arith.index_cast %mul3A_680 : i32 to index
        %get3A_682 = tpu.vector_load %arg13[%get3A_681] {strides = array<i32>} : memref<1008xi32, #tpu.memory_space<vmem>>, vector<16xi32>,
        %xor3A_683 = arith.constant -2147483648 : i32
        %xor3A_684 = vector.broadcast %xor3A_683 : i32 to vector<16xi32>
        %xor3A_685 = arith.xori %get3A_678, %xor3A_684 : vector<16xi32>
        %shift_right_logical3A = arith.constant 11 : i32
        %shift_right_logical3A_686 = vector.broadcast %shift_right_logical3A : i32 to vector<16xi32>
        %shift_right_logical3A_687 = arith.shrui %xor3A_685, %shift_right_logical3A_686 : vector<16xi32>
        %and3A_688 = vector.broadcast %while3A_227 : i32 to vector<16xi32>
        %and3A_689 = arith.andi %shift_right_logical3A_687, %and3A_688 : vector<16xi32>
        %broadcast_in_dim3A_690 = arith.constant true
        %broadcast_in_dim3A_691 = vector.broadcast %broadcast_in_dim3A_690 : i1 to vector<16xi1>
        %unique3A, %unique3A_692 = tpu.scan_count mask(%broadcast_in_dim3A_691 : vector<16xi1>) value(%and3A_689 : vector<16xi32>) : vector<16xi1>, vector<16xi32>
        %gather3A = tpu.vector_load_idx %arg8[%and3A_689] : memref<2048xi32, #tpu.memory_space<vmem>>[vector<16xi32>], vector<16xi32>,
        %add3A_693 = arith.addi %gather3A, %unique3A_692 : vector<16xi32>
        %sub3A_694 = arith.constant 1 : i32
        %sub3A_695 = vector.broadcast %sub3A_694 : i32 to vector<16xi32>
        %sub3A_696 = arith.subi %add3A_693, %sub3A_695 : vector<16xi32>
        tpu.vector_store_idx %arg10[%sub3A_696], %get3A_678 : memref<1008xi32, #tpu.memory_space<vmem>>[vector<16xi32>], vector<16xi32>,
        tpu.vector_store_idx %arg11[%sub3A_696], %get3A_682 : memref<1008xi32, #tpu.memory_space<vmem>>[vector<16xi32>], vector<16xi32>,
        %add3A_697 = arith.addi %gather3A, %unique3A_692 : vector<16xi32>
        tpu.vector_store_idx %arg8[%and3A_689], %add3A_697 masked %unique3A : memref<2048xi32, #tpu.memory_space<vmem>>[vector<16xi32>], vector<16xi32>, vector<16xi1>
        %while3A_698 = arith.constant 0 : i32
        scf.yield %while3A_698 : i32
      }
      %broadcast_in_dim3A_240 = arith.constant 0 : i32
      %broadcast_in_dim3A_241 = vector.broadcast %broadcast_in_dim3A_240 : i32 to vector<16xi32>
      %scan3A_242 = arith.constant 0 : i32
      %scan3A_243 = arith.constant 0 : i32
      %scan3A_244 = arith.constant 64 : i32
      %scan3A_245 = arith.addi %scan3A_243, %scan3A_244 : i32
      %scan3A_246 = arith.constant 4 : i32
      %scan3A_247 = scf.for %scan3A_674 = %scan3A_243 to %scan3A_245 step %scan3A_246 iter_args(%scan3A_675 = %scan3A_242) -> (i32)  : i32 {
        %mul3A_676 = arith.constant 16 : i32
        %mul3A_677 = arith.muli %scan3A_674, %mul3A_676 : i32
        %swap3A_678 = arith.index_cast %mul3A_677 : i32 to index
        %swap3A_679 = tpu.vector_load %arg8[%swap3A_678] {strides = array<i32>} : memref<2048xi32, #tpu.memory_space<vmem>>, vector<16xi32>,
        tpu.vector_store %arg8[%swap3A_678], %broadcast_in_dim3A_241 {strides = array<i32>} : memref<2048xi32, #tpu.memory_space<vmem>>, vector<16xi32>,
        %scan3A_680 = arith.constant 0 : i32
        %scan3A_681 = arith.constant 1 : i32
        %scan3A_682 = arith.addi %scan3A_674, %scan3A_681 : i32
        %mul3A_683 = arith.constant 16 : i32
        %mul3A_684 = arith.muli %scan3A_682, %mul3A_683 : i32
        %swap3A_685 = arith.index_cast %mul3A_684 : i32 to index
        %swap3A_686 = tpu.vector_load %arg8[%swap3A_685] {strides = array<i32>} : memref<2048xi32, #tpu.memory_space<vmem>>, vector<16xi32>,
        tpu.vector_store %arg8[%swap3A_685], %broadcast_in_dim3A_241 {strides = array<i32>} : memref<2048xi32, #tpu.memory_space<vmem>>, vector<16xi32>,
        %scan3A_687 = arith.constant 0 : i32
        %scan3A_688 = arith.constant 2 : i32
        %scan3A_689 = arith.addi %scan3A_674, %scan3A_688 : i32
        %mul3A_690 = arith.constant 16 : i32
        %mul3A_691 = arith.muli %scan3A_689, %mul3A_690 : i32
        %swap3A_692 = arith.index_cast %mul3A_691 : i32 to index
        %swap3A_693 = tpu.vector_load %arg8[%swap3A_692] {strides = array<i32>} : memref<2048xi32, #tpu.memory_space<vmem>>, vector<16xi32>,
        tpu.vector_store %arg8[%swap3A_692], %broadcast_in_dim3A_241 {strides = array<i32>} : memref<2048xi32, #tpu.memory_space<vmem>>, vector<16xi32>,
        %scan3A_694 = arith.constant 0 : i32
        %scan3A_695 = arith.constant 3 : i32
        %scan3A_696 = arith.addi %scan3A_674, %scan3A_695 : i32
        %mul3A_697 = arith.constant 16 : i32
        %mul3A_698 = arith.muli %scan3A_696, %mul3A_697 : i32
        %swap3A_699 = arith.index_cast %mul3A_698 : i32 to index
        %swap3A_700 = tpu.vector_load %arg8[%swap3A_699] {strides = array<i32>} : memref<2048xi32, #tpu.memory_space<vmem>>, vector<16xi32>,
        tpu.vector_store %arg8[%swap3A_699], %broadcast_in_dim3A_241 {strides = array<i32>} : memref<2048xi32, #tpu.memory_space<vmem>>, vector<16xi32>,
        %scan3A_701 = arith.constant 0 : i32
        scf.yield %scan3A_701 : i32
      }
      %scan3A_248 = arith.constant 64 : i32
      %while3A_249 = arith.constant 1023 : i32
      %while3A_250 = arith.constant 0 : i32
      %while3A_251 = arith.constant 0 : i32
      %while3A_252 = arith.subi %select_n3A, %while3A_250 : i32
      %while3A_253 = arith.addi %while3A_250, %while3A_252 : i32
      %while3A_254 = arith.constant 1 : i32
      %while3A_255 = arith.divsi %while3A_252, %while3A_254 : i32
      %while3A_256 = arith.muli %while3A_255, %while3A_254 : i32
      %while3A_257 = arith.addi %while3A_250, %while3A_256 : i32
      %while3A_258 = arith.constant 1 : i32
      %while3A_259 = scf.for %while3A_674 = %while3A_250 to %while3A_257 step %while3A_258 iter_args(%while3A_675 = %while3A_251) -> (i32)  : i32 {
        %mul3A_676 = arith.constant 16 : i32
        %mul3A_677 = arith.muli %while3A_674, %mul3A_676 : i32
        %get3A = arith.index_cast %mul3A_677 : i32 to index
        %get3A_678 = tpu.vector_load %arg10[%get3A] {strides = array<i32>} : memref<1008xi32, #tpu.memory_space<vmem>>, vector<16xi32>,
        %xor3A_679 = arith.constant -2147483648 : i32
        %xor3A_680 = vector.broadcast %xor3A_679 : i32 to vector<16xi32>
        %xor3A_681 = arith.xori %get3A_678, %xor3A_680 : vector<16xi32>
        %shift_right_logical3A = arith.constant 22 : i32
        %shift_right_logical3A_682 = vector.broadcast %shift_right_logical3A : i32 to vector<16xi32>
        %shift_right_logical3A_683 = arith.shrui %xor3A_681, %shift_right_logical3A_682 : vector<16xi32>
        %and3A_684 = vector.broadcast %while3A_249 : i32 to vector<16xi32>
        %and3A_685 = arith.andi %shift_right_logical3A_683, %and3A_684 : vector<16xi32>
        %broadcast_in_dim3A_686 = arith.constant true
        %broadcast_in_dim3A_687 = vector.broadcast %broadcast_in_dim3A_686 : i1 to vector<16xi1>
        %unique3A, %unique3A_688 = tpu.scan_count mask(%broadcast_in_dim3A_687 : vector<16xi1>) value(%and3A_685 : vector<16xi32>) : vector<16xi1>, vector<16xi32>
        tpu.vector_store_idx %arg8[%and3A_685], %unique3A_688 masked %unique3A {add = true} : memref<2048xi32, #tpu.memory_space<vmem>>[vector<16xi32>], vector<16xi32>, vector<16xi1>
        %while3A_689 = arith.constant 0 : i32
        scf.yield %while3A_689 : i32
      }
      %while3A_260 = arith.constant 1 : i32
      %while3A_261 = scf.for %while3A_674 = %while3A_257 to %while3A_253 step %while3A_260 iter_args(%while3A_675 = %while3A_259) -> (i32)  : i32 {
        %mul3A_676 = arith.constant 16 : i32
        %mul3A_677 = arith.muli %while3A_674, %mul3A_676 : i32
        %get3A = arith.index_cast %mul3A_677 : i32 to index
        %get3A_678 = tpu.vector_load %arg10[%get3A] {strides = array<i32>} : memref<1008xi32, #tpu.memory_space<vmem>>, vector<16xi32>,
        %xor3A_679 = arith.constant -2147483648 : i32
        %xor3A_680 = vector.broadcast %xor3A_679 : i32 to vector<16xi32>
        %xor3A_681 = arith.xori %get3A_678, %xor3A_680 : vector<16xi32>
        %shift_right_logical3A = arith.constant 22 : i32
        %shift_right_logical3A_682 = vector.broadcast %shift_right_logical3A : i32 to vector<16xi32>
        %shift_right_logical3A_683 = arith.shrui %xor3A_681, %shift_right_logical3A_682 : vector<16xi32>
        %and3A_684 = vector.broadcast %while3A_249 : i32 to vector<16xi32>
        %and3A_685 = arith.andi %shift_right_logical3A_683, %and3A_684 : vector<16xi32>
        %broadcast_in_dim3A_686 = arith.constant true
        %broadcast_in_dim3A_687 = vector.broadcast %broadcast_in_dim3A_686 : i1 to vector<16xi1>
        %unique3A, %unique3A_688 = tpu.scan_count mask(%broadcast_in_dim3A_687 : vector<16xi1>) value(%and3A_685 : vector<16xi32>) : vector<16xi1>, vector<16xi32>
        tpu.vector_store_idx %arg8[%and3A_685], %unique3A_688 masked %unique3A {add = true} : memref<2048xi32, #tpu.memory_space<vmem>>[vector<16xi32>], vector<16xi32>, vector<16xi1>
        %while3A_689 = arith.constant 0 : i32
        scf.yield %while3A_689 : i32
      }
      %scan3A_262 = arith.constant 0 : i32
      %scan3A_263 = arith.constant 0 : i32
      %scan3A_264 = arith.constant 64 : i32
      %scan3A_265 = arith.addi %scan3A_263, %scan3A_264 : i32
      %scan3A_266 = arith.constant 1 : i32
      %scan3A_267 = scf.for %scan3A_674 = %scan3A_263 to %scan3A_265 step %scan3A_266 iter_args(%scan3A_675 = %scan3A_262) -> (i32)  : i32 {
        %mul3A_676 = arith.constant 16 : i32
        %mul3A_677 = arith.muli %scan3A_674, %mul3A_676 : i32
        %get3A = arith.index_cast %mul3A_677 : i32 to index
        %get3A_678 = tpu.vector_load %arg8[%get3A] {strides = array<i32>} : memref<2048xi32, #tpu.memory_space<vmem>>, vector<16xi32>,
        %broadcast_in_dim3A_679 = arith.constant true
        %broadcast_in_dim3A_680 = vector.broadcast %broadcast_in_dim3A_679 : i1 to vector<16xi1>
        %masked_cumsum3A = tpu.scan <sum>, %get3A_678 masked %broadcast_in_dim3A_680 : vector<16xi32>, vector<16xi1> -> vector<16xi32>
        %add3A_681 = vector.broadcast %scan3A_675 : i32 to vector<16xi32>
        %add3A_682 = arith.addi %add3A_681, %masked_cumsum3A : vector<16xi32>
        %sub3A_683 = arith.subi %add3A_682, %get3A_678 : vector<16xi32>
        %mul3A_684 = arith.constant 16 : i32
        %mul3A_685 = arith.muli %scan3A_674, %mul3A_684 : i32
        %swap3A_686 = arith.index_cast %mul3A_685 : i32 to index
        %swap3A_687 = tpu.vector_load %arg8[%swap3A_686] {strides = array<i32>} : memref<2048xi32, #tpu.memory_space<vmem>>, vector<16xi32>,
        tpu.vector_store %arg8[%swap3A_686], %sub3A_683 {strides = array<i32>} : memref<2048xi32, #tpu.memory_space<vmem>>, vector<16xi32>,
        %reduce_sum3A = arith.constant true
        %reduce_sum3A_688 = vector.broadcast %reduce_sum3A : i1 to vector<16xi1>
        %reduce_sum3A_689 = tpu.scan <sum>, %get3A_678 masked %reduce_sum3A_688 : vector<16xi32>, vector<16xi1> -> vector<16xi32>
        %reduce_sum3A_690 = vector.extract %reduce_sum3A_689[15] : i32 from vector<16xi32>
        %add3A_691 = arith.addi %scan3A_675, %reduce_sum3A_690 : i32
        scf.yield %add3A_691 : i32
      }
      %scan3A_268 = arith.constant 64 : i32
      %while3A_269 = arith.constant 1023 : i32
      %while3A_270 = arith.constant 0 : i32
      %while3A_271 = arith.constant 0 : i32
      %while3A_272 = arith.subi %select_n3A, %while3A_270 : i32
      %while3A_273 = arith.addi %while3A_270, %while3A_272 : i32
      %while3A_274 = arith.constant 1 : i32
      %while3A_275 = arith.divsi %while3A_272, %while3A_274 : i32
      %while3A_276 = arith.muli %while3A_275, %while3A_274 : i32
      %while3A_277 = arith.addi %while3A_270, %while3A_276 : i32
      %while3A_278 = arith.constant 1 : i32
      %while3A_279 = scf.for %while3A_674 = %while3A_270 to %while3A_277 step %while3A_278 iter_args(%while3A_675 = %while3A_271) -> (i32)  : i32 {
        %mul3A_676 = arith.constant 16 : i32
        %mul3A_677 = arith.muli %while3A_674, %mul3A_676 : i32
        %get3A = arith.index_cast %mul3A_677 : i32 to index
        %get3A_678 = tpu.vector_load %arg10[%get3A] {strides = array<i32>} : memref<1008xi32, #tpu.memory_space<vmem>>, vector<16xi32>,
        %mul3A_679 = arith.constant 16 : i32
        %mul3A_680 = arith.muli %while3A_674, %mul3A_679 : i32
        %get3A_681 = arith.index_cast %mul3A_680 : i32 to index
        %get3A_682 = tpu.vector_load %arg11[%get3A_681] {strides = array<i32>} : memref<1008xi32, #tpu.memory_space<vmem>>, vector<16xi32>,
        %xor3A_683 = arith.constant -2147483648 : i32
        %xor3A_684 = vector.broadcast %xor3A_683 : i32 to vector<16xi32>
        %xor3A_685 = arith.xori %get3A_678, %xor3A_684 : vector<16xi32>
        %shift_right_logical3A = arith.constant 22 : i32
        %shift_right_logical3A_686 = vector.broadcast %shift_right_logical3A : i32 to vector<16xi32>
        %shift_right_logical3A_687 = arith.shrui %xor3A_685, %shift_right_logical3A_686 : vector<16xi32>
        %and3A_688 = vector.broadcast %while3A_269 : i32 to vector<16xi32>
        %and3A_689 = arith.andi %shift_right_logical3A_687, %and3A_688 : vector<16xi32>
        %broadcast_in_dim3A_690 = arith.constant true
        %broadcast_in_dim3A_691 = vector.broadcast %broadcast_in_dim3A_690 : i1 to vector<16xi1>
        %unique3A, %unique3A_692 = tpu.scan_count mask(%broadcast_in_dim3A_691 : vector<16xi1>) value(%and3A_689 : vector<16xi32>) : vector<16xi1>, vector<16xi32>
        %gather3A = tpu.vector_load_idx %arg8[%and3A_689] : memref<2048xi32, #tpu.memory_space<vmem>>[vector<16xi32>], vector<16xi32>,
        %add3A_693 = arith.addi %gather3A, %unique3A_692 : vector<16xi32>
        %sub3A_694 = arith.constant 1 : i32
        %sub3A_695 = vector.broadcast %sub3A_694 : i32 to vector<16xi32>
        %sub3A_696 = arith.subi %add3A_693, %sub3A_695 : vector<16xi32>
        tpu.vector_store_idx %arg12[%sub3A_696], %get3A_678 : memref<1008xi32, #tpu.memory_space<vmem>>[vector<16xi32>], vector<16xi32>,
        tpu.vector_store_idx %arg13[%sub3A_696], %get3A_682 : memref<1008xi32, #tpu.memory_space<vmem>>[vector<16xi32>], vector<16xi32>,
        %add3A_697 = arith.addi %gather3A, %unique3A_692 : vector<16xi32>
        tpu.vector_store_idx %arg8[%and3A_689], %add3A_697 masked %unique3A : memref<2048xi32, #tpu.memory_space<vmem>>[vector<16xi32>], vector<16xi32>, vector<16xi1>
        %while3A_698 = arith.constant 0 : i32
        scf.yield %while3A_698 : i32
      }
      %while3A_280 = arith.constant 1 : i32
      %while3A_281 = scf.for %while3A_674 = %while3A_277 to %while3A_273 step %while3A_280 iter_args(%while3A_675 = %while3A_279) -> (i32)  : i32 {
        %mul3A_676 = arith.constant 16 : i32
        %mul3A_677 = arith.muli %while3A_674, %mul3A_676 : i32
        %get3A = arith.index_cast %mul3A_677 : i32 to index
        %get3A_678 = tpu.vector_load %arg10[%get3A] {strides = array<i32>} : memref<1008xi32, #tpu.memory_space<vmem>>, vector<16xi32>,
        %mul3A_679 = arith.constant 16 : i32
        %mul3A_680 = arith.muli %while3A_674, %mul3A_679 : i32
        %get3A_681 = arith.index_cast %mul3A_680 : i32 to index
        %get3A_682 = tpu.vector_load %arg11[%get3A_681] {strides = array<i32>} : memref<1008xi32, #tpu.memory_space<vmem>>, vector<16xi32>,
        %xor3A_683 = arith.constant -2147483648 : i32
        %xor3A_684 = vector.broadcast %xor3A_683 : i32 to vector<16xi32>
        %xor3A_685 = arith.xori %get3A_678, %xor3A_684 : vector<16xi32>
        %shift_right_logical3A = arith.constant 22 : i32
        %shift_right_logical3A_686 = vector.broadcast %shift_right_logical3A : i32 to vector<16xi32>
        %shift_right_logical3A_687 = arith.shrui %xor3A_685, %shift_right_logical3A_686 : vector<16xi32>
        %and3A_688 = vector.broadcast %while3A_269 : i32 to vector<16xi32>
        %and3A_689 = arith.andi %shift_right_logical3A_687, %and3A_688 : vector<16xi32>
        %broadcast_in_dim3A_690 = arith.constant true
        %broadcast_in_dim3A_691 = vector.broadcast %broadcast_in_dim3A_690 : i1 to vector<16xi1>
        %unique3A, %unique3A_692 = tpu.scan_count mask(%broadcast_in_dim3A_691 : vector<16xi1>) value(%and3A_689 : vector<16xi32>) : vector<16xi1>, vector<16xi32>
        %gather3A = tpu.vector_load_idx %arg8[%and3A_689] : memref<2048xi32, #tpu.memory_space<vmem>>[vector<16xi32>], vector<16xi32>,
        %add3A_693 = arith.addi %gather3A, %unique3A_692 : vector<16xi32>
        %sub3A_694 = arith.constant 1 : i32
        %sub3A_695 = vector.broadcast %sub3A_694 : i32 to vector<16xi32>
        %sub3A_696 = arith.subi %add3A_693, %sub3A_695 : vector<16xi32>
        tpu.vector_store_idx %arg12[%sub3A_696], %get3A_678 : memref<1008xi32, #tpu.memory_space<vmem>>[vector<16xi32>], vector<16xi32>,
        tpu.vector_store_idx %arg13[%sub3A_696], %get3A_682 : memref<1008xi32, #tpu.memory_space<vmem>>[vector<16xi32>], vector<16xi32>,
        %add3A_697 = arith.addi %gather3A, %unique3A_692 : vector<16xi32>
        tpu.vector_store_idx %arg8[%and3A_689], %add3A_697 masked %unique3A : memref<2048xi32, #tpu.memory_space<vmem>>[vector<16xi32>], vector<16xi32>, vector<16xi1>
        %while3A_698 = arith.constant 0 : i32
        scf.yield %while3A_698 : i32
      }
      %parallel_loop3A_282 = arith.constant 0 : i32
      %parallel_loop3A_283 = arith.constant 64 : i32
      %parallel_loop3A_284 = arith.constant 1 : i32
      scf.for %parallel_loop3A_674 = %parallel_loop3A_282 to %parallel_loop3A_283 step %parallel_loop3A_284  : i32 {
        %parallel_loop3A_675 = arith.constant 16 : i32
        %parallel_loop3A_676 = arith.muli %parallel_loop3A_674, %parallel_loop3A_675 : i32
        %parallel_loop3A_677 = vector.broadcast %parallel_loop3A_676 : i32 to vector<16xi32>
        %parallel_loop3A_678 = arith.addi %parallel_loop3A_677, %iota3A : vector<16xi32>
        %parallel_loop3A_679 = arith.constant 16 : i32
        %parallel_loop3A_680 = arith.muli %parallel_loop3A_674, %parallel_loop3A_679 : i32
        %parallel_loop3A_681 = arith.index_cast %parallel_loop3A_680 : i32 to index
        %parallel_loop3A_682 = tpu.vector_load %arg13[%parallel_loop3A_681] {strides = array<i32>} : memref<1008xi32, #tpu.memory_space<vmem>>, vector<16xi32>,
        %parallel_loop3A_683 = vector.broadcast %parallel_loop3A_137#0 : i32 to vector<16xi32>
        %parallel_loop3A_684 = arith.subi %parallel_loop3A_678, %parallel_loop3A_683 : vector<16xi32>
        %parallel_loop3A_685 = arith.constant 0 : i32
        %parallel_loop3A_686 = arith.constant 1007 : i32
        %parallel_loop3A_687 = vector.broadcast %parallel_loop3A_685 : i32 to vector<16xi32>
        %parallel_loop3A_688 = arith.maxsi %parallel_loop3A_687, %parallel_loop3A_684 : vector<16xi32>
        %parallel_loop3A_689 = vector.broadcast %parallel_loop3A_686 : i32 to vector<16xi32>
        %parallel_loop3A_690 = arith.minsi %parallel_loop3A_689, %parallel_loop3A_688 : vector<16xi32>
        %parallel_loop3A_691 = tpu.vector_load_idx %arg14[%parallel_loop3A_690] : memref<1008xi32, #tpu.memory_space<vmem>>[vector<16xi32>], vector<16xi32>,
        %parallel_loop3A_692 = vector.broadcast %parallel_loop3A_137#0 : i32 to vector<16xi32>
        %parallel_loop3A_693 = arith.cmpi slt, %parallel_loop3A_678, %parallel_loop3A_692 : vector<16xi32>
        %parallel_loop3A_694 = arith.select %parallel_loop3A_693, %parallel_loop3A_682, %parallel_loop3A_691 : vector<16xi1>, vector<16xi32>
        %parallel_loop3A_695 = arith.constant 1000 : i32
        %parallel_loop3A_696 = vector.broadcast %parallel_loop3A_695 : i32 to vector<16xi32>
        %parallel_loop3A_697 = arith.cmpi slt, %parallel_loop3A_678, %parallel_loop3A_696 : vector<16xi32>
        %parallel_loop3A_698 = arith.constant 0 : i32
        %parallel_loop3A_699 = vector.broadcast %parallel_loop3A_698 : i32 to vector<16xi32>
        %parallel_loop3A_700 = arith.select %parallel_loop3A_697, %parallel_loop3A_694, %parallel_loop3A_699 : vector<16xi1>, vector<16xi32>
        %parallel_loop3A_701 = tpu.vector_load_idx %arg6[%parallel_loop3A_700] : memref<20000xi32, #tpu.memory_space<vmem>>[vector<16xi32>], vector<16xi32>,
        %parallel_loop3A_702 = arith.constant 16 : i32
        %parallel_loop3A_703 = arith.muli %parallel_loop3A_674, %parallel_loop3A_702 : i32
        %parallel_loop3A_704 = arith.index_cast %parallel_loop3A_703 : i32 to index
        %parallel_loop3A_705 = tpu.vector_load %arg16[%parallel_loop3A_704] {strides = array<i32>} : memref<1024xi32, #tpu.memory_space<vmem>>, vector<16xi32>,
        tpu.vector_store %arg16[%parallel_loop3A_704], %parallel_loop3A_701 {strides = array<i32>} : memref<1024xi32, #tpu.memory_space<vmem>>, vector<16xi32>,
        %parallel_loop3A_706 = arith.constant 16 : i32
        %parallel_loop3A_707 = arith.muli %parallel_loop3A_674, %parallel_loop3A_706 : i32
        %parallel_loop3A_708 = arith.index_cast %parallel_loop3A_707 : i32 to index
        %parallel_loop3A_709 = tpu.vector_load %arg17[%parallel_loop3A_708] {strides = array<i32>} : memref<1024xi32, #tpu.memory_space<vmem>>, vector<16xi32>,
        tpu.vector_store %arg17[%parallel_loop3A_708], %parallel_loop3A_700 {strides = array<i32>} : memref<1024xi32, #tpu.memory_space<vmem>>, vector<16xi32>,
      } {sc.loop_unroll_factor = 4 : i64, sc.parallel_access}
      %parallel_loop3A_285 = arith.constant 0 : i32
      %parallel_loop3A_286 = arith.constant 256 : i32
      %parallel_loop3A_287 = arith.constant 1 : i32
      scf.for %parallel_loop3A_674 = %parallel_loop3A_285 to %parallel_loop3A_286 step %parallel_loop3A_287  : i32 {
        %parallel_loop3A_675 = arith.constant 16 : i32
        %parallel_loop3A_676 = arith.muli %parallel_loop3A_674, %parallel_loop3A_675 : i32
        %parallel_loop3A_677 = vector.broadcast %parallel_loop3A_676 : i32 to vector<16xi32>
        %parallel_loop3A_678 = arith.addi %parallel_loop3A_677, %iota3A : vector<16xi32>
        %parallel_loop3A_679 = arith.constant 10 : i32
        %parallel_loop3A_680 = vector.broadcast %parallel_loop3A_679 : i32 to vector<16xi32>
        %parallel_loop3A_681 = arith.shrui %parallel_loop3A_678, %parallel_loop3A_680 : vector<16xi32>
        %parallel_loop3A_682 = arith.constant 1023 : i32
        %parallel_loop3A_683 = vector.broadcast %parallel_loop3A_682 : i32 to vector<16xi32>
        %parallel_loop3A_684 = arith.andi %parallel_loop3A_678, %parallel_loop3A_683 : vector<16xi32>
        %parallel_loop3A_685 = tpu.vector_load_idx %arg17[%parallel_loop3A_684] : memref<1024xi32, #tpu.memory_space<vmem>>[vector<16xi32>], vector<16xi32>,
        %parallel_loop3A_686 = arith.constant 4 : i32
        %parallel_loop3A_687 = arith.muli %add3A_14, %parallel_loop3A_686 : i32
        %parallel_loop3A_688 = vector.broadcast %parallel_loop3A_687 : i32 to vector<16xi32>
        %parallel_loop3A_689 = arith.addi %parallel_loop3A_688, %parallel_loop3A_681 : vector<16xi32>
        %parallel_loop3A_690 = arith.constant 20000 : i32
        %parallel_loop3A_691 = vector.broadcast %parallel_loop3A_690 : i32 to vector<16xi32>
        %parallel_loop3A_692 = arith.muli %parallel_loop3A_689, %parallel_loop3A_691 : vector<16xi32>
        %parallel_loop3A_693 = arith.addi %parallel_loop3A_692, %parallel_loop3A_685 : vector<16xi32>
        %parallel_loop3A_694 = arith.constant 1000 : i32
        %parallel_loop3A_695 = vector.broadcast %parallel_loop3A_694 : i32 to vector<16xi32>
        %parallel_loop3A_696 = arith.cmpi slt, %parallel_loop3A_684, %parallel_loop3A_695 : vector<16xi32>
        %parallel_loop3A_697 = arith.select %parallel_loop3A_696, %parallel_loop3A_693, %parallel_loop3A_678 : vector<16xi1>, vector<16xi32>
        %parallel_loop3A_698 = arith.constant 16 : i32
        %parallel_loop3A_699 = arith.muli %parallel_loop3A_674, %parallel_loop3A_698 : i32
        %parallel_loop3A_700 = arith.index_cast %parallel_loop3A_699 : i32 to index
        %parallel_loop3A_701 = tpu.vector_load %arg15[%parallel_loop3A_700] {strides = array<i32>} : memref<4096xi32, #tpu.memory_space<vmem>>, vector<16xi32>,
        tpu.vector_store %arg15[%parallel_loop3A_700], %parallel_loop3A_697 {strides = array<i32>} : memref<4096xi32, #tpu.memory_space<vmem>>, vector<16xi32>,
      } {sc.loop_unroll_factor = 4 : i64, sc.parallel_access}
      %dma_start3A = arith.constant 0 : i32
      %dma_start3A_288 = tpu.memref_slice %arg18[%dma_start3A] : memref<4096xf32, #tpu.memory_space<vmem>> -> memref<128xf32, #tpu.memory_space<vmem>>
      %dma_start3A_289 = arith.constant 0 : i32
      %dma_start3A_290 = tpu.memref_slice %arg15[%dma_start3A_289] : memref<4096xi32, #tpu.memory_space<vmem>> -> memref<128xi32, #tpu.memory_space<vmem>>
      %dma_start3A_291 = arith.constant 0 : i32
      %dma_start3A_292 = tpu.memref_slice %arg3[%dma_start3A_291] : memref<5120000xf32, #tpu.memory_space<hbm>> -> memref<5120000xf32, #tpu.memory_space<hbm>>
      tpu.enqueue_indirect_dma source(%dma_start3A_292 : memref<5120000xf32, #tpu.memory_space<hbm>>) target(%dma_start3A_288 : memref<128xf32, #tpu.memory_space<vmem>>) offsets(%dma_start3A_290 : memref<128xi32, #tpu.memory_space<vmem>>) semaphore(%arg19 : memref<!tpu.dma_semaphore, #tpu.memory_space<semaphore_mem>>)
      %dma_start3A_293 = arith.constant 128 : i32
      %dma_start3A_294 = tpu.memref_slice %arg18[%dma_start3A_293] : memref<4096xf32, #tpu.memory_space<vmem>> -> memref<128xf32, #tpu.memory_space<vmem>>
      %dma_start3A_295 = arith.constant 128 : i32
      %dma_start3A_296 = tpu.memref_slice %arg15[%dma_start3A_295] : memref<4096xi32, #tpu.memory_space<vmem>> -> memref<128xi32, #tpu.memory_space<vmem>>
      %dma_start3A_297 = arith.constant 0 : i32
      %dma_start3A_298 = tpu.memref_slice %arg3[%dma_start3A_297] : memref<5120000xf32, #tpu.memory_space<hbm>> -> memref<5120000xf32, #tpu.memory_space<hbm>>
      tpu.enqueue_indirect_dma source(%dma_start3A_298 : memref<5120000xf32, #tpu.memory_space<hbm>>) target(%dma_start3A_294 : memref<128xf32, #tpu.memory_space<vmem>>) offsets(%dma_start3A_296 : memref<128xi32, #tpu.memory_space<vmem>>) semaphore(%arg19 : memref<!tpu.dma_semaphore, #tpu.memory_space<semaphore_mem>>)
      %dma_start3A_299 = arith.constant 256 : i32
      %dma_start3A_300 = tpu.memref_slice %arg18[%dma_start3A_299] : memref<4096xf32, #tpu.memory_space<vmem>> -> memref<128xf32, #tpu.memory_space<vmem>>
      %dma_start3A_301 = arith.constant 256 : i32
      %dma_start3A_302 = tpu.memref_slice %arg15[%dma_start3A_301] : memref<4096xi32, #tpu.memory_space<vmem>> -> memref<128xi32, #tpu.memory_space<vmem>>
      %dma_start3A_303 = arith.constant 0 : i32
      %dma_start3A_304 = tpu.memref_slice %arg3[%dma_start3A_303] : memref<5120000xf32, #tpu.memory_space<hbm>> -> memref<5120000xf32, #tpu.memory_space<hbm>>
      tpu.enqueue_indirect_dma source(%dma_start3A_304 : memref<5120000xf32, #tpu.memory_space<hbm>>) target(%dma_start3A_300 : memref<128xf32, #tpu.memory_space<vmem>>) offsets(%dma_start3A_302 : memref<128xi32, #tpu.memory_space<vmem>>) semaphore(%arg19 : memref<!tpu.dma_semaphore, #tpu.memory_space<semaphore_mem>>)
      %dma_start3A_305 = arith.constant 384 : i32
      %dma_start3A_306 = tpu.memref_slice %arg18[%dma_start3A_305] : memref<4096xf32, #tpu.memory_space<vmem>> -> memref<128xf32, #tpu.memory_space<vmem>>
      %dma_start3A_307 = arith.constant 384 : i32
      %dma_start3A_308 = tpu.memref_slice %arg15[%dma_start3A_307] : memref<4096xi32, #tpu.memory_space<vmem>> -> memref<128xi32, #tpu.memory_space<vmem>>
      %dma_start3A_309 = arith.constant 0 : i32
      %dma_start3A_310 = tpu.memref_slice %arg3[%dma_start3A_309] : memref<5120000xf32, #tpu.memory_space<hbm>> -> memref<5120000xf32, #tpu.memory_space<hbm>>
      tpu.enqueue_indirect_dma source(%dma_start3A_310 : memref<5120000xf32, #tpu.memory_space<hbm>>) target(%dma_start3A_306 : memref<128xf32, #tpu.memory_space<vmem>>) offsets(%dma_start3A_308 : memref<128xi32, #tpu.memory_space<vmem>>) semaphore(%arg19 : memref<!tpu.dma_semaphore, #tpu.memory_space<semaphore_mem>>)
      %dma_start3A_311 = arith.constant 512 : i32
      %dma_start3A_312 = tpu.memref_slice %arg18[%dma_start3A_311] : memref<4096xf32, #tpu.memory_space<vmem>> -> memref<128xf32, #tpu.memory_space<vmem>>
      %dma_start3A_313 = arith.constant 512 : i32
      %dma_start3A_314 = tpu.memref_slice %arg15[%dma_start3A_313] : memref<4096xi32, #tpu.memory_space<vmem>> -> memref<128xi32, #tpu.memory_space<vmem>>
      %dma_start3A_315 = arith.constant 0 : i32
      %dma_start3A_316 = tpu.memref_slice %arg3[%dma_start3A_315] : memref<5120000xf32, #tpu.memory_space<hbm>> -> memref<5120000xf32, #tpu.memory_space<hbm>>
      tpu.enqueue_indirect_dma source(%dma_start3A_316 : memref<5120000xf32, #tpu.memory_space<hbm>>) target(%dma_start3A_312 : memref<128xf32, #tpu.memory_space<vmem>>) offsets(%dma_start3A_314 : memref<128xi32, #tpu.memory_space<vmem>>) semaphore(%arg19 : memref<!tpu.dma_semaphore, #tpu.memory_space<semaphore_mem>>)
      %dma_start3A_317 = arith.constant 640 : i32
      %dma_start3A_318 = tpu.memref_slice %arg18[%dma_start3A_317] : memref<4096xf32, #tpu.memory_space<vmem>> -> memref<128xf32, #tpu.memory_space<vmem>>
      %dma_start3A_319 = arith.constant 640 : i32
      %dma_start3A_320 = tpu.memref_slice %arg15[%dma_start3A_319] : memref<4096xi32, #tpu.memory_space<vmem>> -> memref<128xi32, #tpu.memory_space<vmem>>
      %dma_start3A_321 = arith.constant 0 : i32
      %dma_start3A_322 = tpu.memref_slice %arg3[%dma_start3A_321] : memref<5120000xf32, #tpu.memory_space<hbm>> -> memref<5120000xf32, #tpu.memory_space<hbm>>
      tpu.enqueue_indirect_dma source(%dma_start3A_322 : memref<5120000xf32, #tpu.memory_space<hbm>>) target(%dma_start3A_318 : memref<128xf32, #tpu.memory_space<vmem>>) offsets(%dma_start3A_320 : memref<128xi32, #tpu.memory_space<vmem>>) semaphore(%arg19 : memref<!tpu.dma_semaphore, #tpu.memory_space<semaphore_mem>>)
      %dma_start3A_323 = arith.constant 768 : i32
      %dma_start3A_324 = tpu.memref_slice %arg18[%dma_start3A_323] : memref<4096xf32, #tpu.memory_space<vmem>> -> memref<128xf32, #tpu.memory_space<vmem>>
      %dma_start3A_325 = arith.constant 768 : i32
      %dma_start3A_326 = tpu.memref_slice %arg15[%dma_start3A_325] : memref<4096xi32, #tpu.memory_space<vmem>> -> memref<128xi32, #tpu.memory_space<vmem>>
      %dma_start3A_327 = arith.constant 0 : i32
      %dma_start3A_328 = tpu.memref_slice %arg3[%dma_start3A_327] : memref<5120000xf32, #tpu.memory_space<hbm>> -> memref<5120000xf32, #tpu.memory_space<hbm>>
      tpu.enqueue_indirect_dma source(%dma_start3A_328 : memref<5120000xf32, #tpu.memory_space<hbm>>) target(%dma_start3A_324 : memref<128xf32, #tpu.memory_space<vmem>>) offsets(%dma_start3A_326 : memref<128xi32, #tpu.memory_space<vmem>>) semaphore(%arg19 : memref<!tpu.dma_semaphore, #tpu.memory_space<semaphore_mem>>)
      %dma_start3A_329 = arith.constant 896 : i32
      %dma_start3A_330 = tpu.memref_slice %arg18[%dma_start3A_329] : memref<4096xf32, #tpu.memory_space<vmem>> -> memref<128xf32, #tpu.memory_space<vmem>>
      %dma_start3A_331 = arith.constant 896 : i32
      %dma_start3A_332 = tpu.memref_slice %arg15[%dma_start3A_331] : memref<4096xi32, #tpu.memory_space<vmem>> -> memref<128xi32, #tpu.memory_space<vmem>>
      %dma_start3A_333 = arith.constant 0 : i32
      %dma_start3A_334 = tpu.memref_slice %arg3[%dma_start3A_333] : memref<5120000xf32, #tpu.memory_space<hbm>> -> memref<5120000xf32, #tpu.memory_space<hbm>>
      tpu.enqueue_indirect_dma source(%dma_start3A_334 : memref<5120000xf32, #tpu.memory_space<hbm>>) target(%dma_start3A_330 : memref<128xf32, #tpu.memory_space<vmem>>) offsets(%dma_start3A_332 : memref<128xi32, #tpu.memory_space<vmem>>) semaphore(%arg19 : memref<!tpu.dma_semaphore, #tpu.memory_space<semaphore_mem>>)
      %dma_start3A_335 = arith.constant 1024 : i32
      %dma_start3A_336 = tpu.memref_slice %arg18[%dma_start3A_335] : memref<4096xf32, #tpu.memory_space<vmem>> -> memref<128xf32, #tpu.memory_space<vmem>>
      %dma_start3A_337 = arith.constant 1024 : i32
      %dma_start3A_338 = tpu.memref_slice %arg15[%dma_start3A_337] : memref<4096xi32, #tpu.memory_space<vmem>> -> memref<128xi32, #tpu.memory_space<vmem>>
      %dma_start3A_339 = arith.constant 0 : i32
      %dma_start3A_340 = tpu.memref_slice %arg3[%dma_start3A_339] : memref<5120000xf32, #tpu.memory_space<hbm>> -> memref<5120000xf32, #tpu.memory_space<hbm>>
      tpu.enqueue_indirect_dma source(%dma_start3A_340 : memref<5120000xf32, #tpu.memory_space<hbm>>) target(%dma_start3A_336 : memref<128xf32, #tpu.memory_space<vmem>>) offsets(%dma_start3A_338 : memref<128xi32, #tpu.memory_space<vmem>>) semaphore(%arg19 : memref<!tpu.dma_semaphore, #tpu.memory_space<semaphore_mem>>)
      %dma_start3A_341 = arith.constant 1152 : i32
      %dma_start3A_342 = tpu.memref_slice %arg18[%dma_start3A_341] : memref<4096xf32, #tpu.memory_space<vmem>> -> memref<128xf32, #tpu.memory_space<vmem>>
      %dma_start3A_343 = arith.constant 1152 : i32
      %dma_start3A_344 = tpu.memref_slice %arg15[%dma_start3A_343] : memref<4096xi32, #tpu.memory_space<vmem>> -> memref<128xi32, #tpu.memory_space<vmem>>
      %dma_start3A_345 = arith.constant 0 : i32
      %dma_start3A_346 = tpu.memref_slice %arg3[%dma_start3A_345] : memref<5120000xf32, #tpu.memory_space<hbm>> -> memref<5120000xf32, #tpu.memory_space<hbm>>
      tpu.enqueue_indirect_dma source(%dma_start3A_346 : memref<5120000xf32, #tpu.memory_space<hbm>>) target(%dma_start3A_342 : memref<128xf32, #tpu.memory_space<vmem>>) offsets(%dma_start3A_344 : memref<128xi32, #tpu.memory_space<vmem>>) semaphore(%arg19 : memref<!tpu.dma_semaphore, #tpu.memory_space<semaphore_mem>>)
      %dma_start3A_347 = arith.constant 1280 : i32
      %dma_start3A_348 = tpu.memref_slice %arg18[%dma_start3A_347] : memref<4096xf32, #tpu.memory_space<vmem>> -> memref<128xf32, #tpu.memory_space<vmem>>
      %dma_start3A_349 = arith.constant 1280 : i32
      %dma_start3A_350 = tpu.memref_slice %arg15[%dma_start3A_349] : memref<4096xi32, #tpu.memory_space<vmem>> -> memref<128xi32, #tpu.memory_space<vmem>>
      %dma_start3A_351 = arith.constant 0 : i32
      %dma_start3A_352 = tpu.memref_slice %arg3[%dma_start3A_351] : memref<5120000xf32, #tpu.memory_space<hbm>> -> memref<5120000xf32, #tpu.memory_space<hbm>>
      tpu.enqueue_indirect_dma source(%dma_start3A_352 : memref<5120000xf32, #tpu.memory_space<hbm>>) target(%dma_start3A_348 : memref<128xf32, #tpu.memory_space<vmem>>) offsets(%dma_start3A_350 : memref<128xi32, #tpu.memory_space<vmem>>) semaphore(%arg19 : memref<!tpu.dma_semaphore, #tpu.memory_space<semaphore_mem>>)
      %dma_start3A_353 = arith.constant 1408 : i32
      %dma_start3A_354 = tpu.memref_slice %arg18[%dma_start3A_353] : memref<4096xf32, #tpu.memory_space<vmem>> -> memref<128xf32, #tpu.memory_space<vmem>>
      %dma_start3A_355 = arith.constant 1408 : i32
      %dma_start3A_356 = tpu.memref_slice %arg15[%dma_start3A_355] : memref<4096xi32, #tpu.memory_space<vmem>> -> memref<128xi32, #tpu.memory_space<vmem>>
      %dma_start3A_357 = arith.constant 0 : i32
      %dma_start3A_358 = tpu.memref_slice %arg3[%dma_start3A_357] : memref<5120000xf32, #tpu.memory_space<hbm>> -> memref<5120000xf32, #tpu.memory_space<hbm>>
      tpu.enqueue_indirect_dma source(%dma_start3A_358 : memref<5120000xf32, #tpu.memory_space<hbm>>) target(%dma_start3A_354 : memref<128xf32, #tpu.memory_space<vmem>>) offsets(%dma_start3A_356 : memref<128xi32, #tpu.memory_space<vmem>>) semaphore(%arg19 : memref<!tpu.dma_semaphore, #tpu.memory_space<semaphore_mem>>)
      %dma_start3A_359 = arith.constant 1536 : i32
      %dma_start3A_360 = tpu.memref_slice %arg18[%dma_start3A_359] : memref<4096xf32, #tpu.memory_space<vmem>> -> memref<128xf32, #tpu.memory_space<vmem>>
      %dma_start3A_361 = arith.constant 1536 : i32
      %dma_start3A_362 = tpu.memref_slice %arg15[%dma_start3A_361] : memref<4096xi32, #tpu.memory_space<vmem>> -> memref<128xi32, #tpu.memory_space<vmem>>
      %dma_start3A_363 = arith.constant 0 : i32
      %dma_start3A_364 = tpu.memref_slice %arg3[%dma_start3A_363] : memref<5120000xf32, #tpu.memory_space<hbm>> -> memref<5120000xf32, #tpu.memory_space<hbm>>
      tpu.enqueue_indirect_dma source(%dma_start3A_364 : memref<5120000xf32, #tpu.memory_space<hbm>>) target(%dma_start3A_360 : memref<128xf32, #tpu.memory_space<vmem>>) offsets(%dma_start3A_362 : memref<128xi32, #tpu.memory_space<vmem>>) semaphore(%arg19 : memref<!tpu.dma_semaphore, #tpu.memory_space<semaphore_mem>>)
      %dma_start3A_365 = arith.constant 1664 : i32
      %dma_start3A_366 = tpu.memref_slice %arg18[%dma_start3A_365] : memref<4096xf32, #tpu.memory_space<vmem>> -> memref<128xf32, #tpu.memory_space<vmem>>
      %dma_start3A_367 = arith.constant 1664 : i32
      %dma_start3A_368 = tpu.memref_slice %arg15[%dma_start3A_367] : memref<4096xi32, #tpu.memory_space<vmem>> -> memref<128xi32, #tpu.memory_space<vmem>>
      %dma_start3A_369 = arith.constant 0 : i32
      %dma_start3A_370 = tpu.memref_slice %arg3[%dma_start3A_369] : memref<5120000xf32, #tpu.memory_space<hbm>> -> memref<5120000xf32, #tpu.memory_space<hbm>>
      tpu.enqueue_indirect_dma source(%dma_start3A_370 : memref<5120000xf32, #tpu.memory_space<hbm>>) target(%dma_start3A_366 : memref<128xf32, #tpu.memory_space<vmem>>) offsets(%dma_start3A_368 : memref<128xi32, #tpu.memory_space<vmem>>) semaphore(%arg19 : memref<!tpu.dma_semaphore, #tpu.memory_space<semaphore_mem>>)
      %dma_start3A_371 = arith.constant 1792 : i32
      %dma_start3A_372 = tpu.memref_slice %arg18[%dma_start3A_371] : memref<4096xf32, #tpu.memory_space<vmem>> -> memref<128xf32, #tpu.memory_space<vmem>>
      %dma_start3A_373 = arith.constant 1792 : i32
      %dma_start3A_374 = tpu.memref_slice %arg15[%dma_start3A_373] : memref<4096xi32, #tpu.memory_space<vmem>> -> memref<128xi32, #tpu.memory_space<vmem>>
      %dma_start3A_375 = arith.constant 0 : i32
      %dma_start3A_376 = tpu.memref_slice %arg3[%dma_start3A_375] : memref<5120000xf32, #tpu.memory_space<hbm>> -> memref<5120000xf32, #tpu.memory_space<hbm>>
      tpu.enqueue_indirect_dma source(%dma_start3A_376 : memref<5120000xf32, #tpu.memory_space<hbm>>) target(%dma_start3A_372 : memref<128xf32, #tpu.memory_space<vmem>>) offsets(%dma_start3A_374 : memref<128xi32, #tpu.memory_space<vmem>>) semaphore(%arg19 : memref<!tpu.dma_semaphore, #tpu.memory_space<semaphore_mem>>)
      %dma_start3A_377 = arith.constant 1920 : i32
      %dma_start3A_378 = tpu.memref_slice %arg18[%dma_start3A_377] : memref<4096xf32, #tpu.memory_space<vmem>> -> memref<128xf32, #tpu.memory_space<vmem>>
      %dma_start3A_379 = arith.constant 1920 : i32
      %dma_start3A_380 = tpu.memref_slice %arg15[%dma_start3A_379] : memref<4096xi32, #tpu.memory_space<vmem>> -> memref<128xi32, #tpu.memory_space<vmem>>
      %dma_start3A_381 = arith.constant 0 : i32
      %dma_start3A_382 = tpu.memref_slice %arg3[%dma_start3A_381] : memref<5120000xf32, #tpu.memory_space<hbm>> -> memref<5120000xf32, #tpu.memory_space<hbm>>
      tpu.enqueue_indirect_dma source(%dma_start3A_382 : memref<5120000xf32, #tpu.memory_space<hbm>>) target(%dma_start3A_378 : memref<128xf32, #tpu.memory_space<vmem>>) offsets(%dma_start3A_380 : memref<128xi32, #tpu.memory_space<vmem>>) semaphore(%arg19 : memref<!tpu.dma_semaphore, #tpu.memory_space<semaphore_mem>>)
      %dma_start3A_383 = arith.constant 2048 : i32
      %dma_start3A_384 = tpu.memref_slice %arg18[%dma_start3A_383] : memref<4096xf32, #tpu.memory_space<vmem>> -> memref<128xf32, #tpu.memory_space<vmem>>
      %dma_start3A_385 = arith.constant 2048 : i32
      %dma_start3A_386 = tpu.memref_slice %arg15[%dma_start3A_385] : memref<4096xi32, #tpu.memory_space<vmem>> -> memref<128xi32, #tpu.memory_space<vmem>>
      %dma_start3A_387 = arith.constant 0 : i32
      %dma_start3A_388 = tpu.memref_slice %arg3[%dma_start3A_387] : memref<5120000xf32, #tpu.memory_space<hbm>> -> memref<5120000xf32, #tpu.memory_space<hbm>>
      tpu.enqueue_indirect_dma source(%dma_start3A_388 : memref<5120000xf32, #tpu.memory_space<hbm>>) target(%dma_start3A_384 : memref<128xf32, #tpu.memory_space<vmem>>) offsets(%dma_start3A_386 : memref<128xi32, #tpu.memory_space<vmem>>) semaphore(%arg19 : memref<!tpu.dma_semaphore, #tpu.memory_space<semaphore_mem>>)
      %dma_start3A_389 = arith.constant 2176 : i32
      %dma_start3A_390 = tpu.memref_slice %arg18[%dma_start3A_389] : memref<4096xf32, #tpu.memory_space<vmem>> -> memref<128xf32, #tpu.memory_space<vmem>>
      %dma_start3A_391 = arith.constant 2176 : i32
      %dma_start3A_392 = tpu.memref_slice %arg15[%dma_start3A_391] : memref<4096xi32, #tpu.memory_space<vmem>> -> memref<128xi32, #tpu.memory_space<vmem>>
      %dma_start3A_393 = arith.constant 0 : i32
      %dma_start3A_394 = tpu.memref_slice %arg3[%dma_start3A_393] : memref<5120000xf32, #tpu.memory_space<hbm>> -> memref<5120000xf32, #tpu.memory_space<hbm>>
      tpu.enqueue_indirect_dma source(%dma_start3A_394 : memref<5120000xf32, #tpu.memory_space<hbm>>) target(%dma_start3A_390 : memref<128xf32, #tpu.memory_space<vmem>>) offsets(%dma_start3A_392 : memref<128xi32, #tpu.memory_space<vmem>>) semaphore(%arg19 : memref<!tpu.dma_semaphore, #tpu.memory_space<semaphore_mem>>)
      %dma_start3A_395 = arith.constant 2304 : i32
      %dma_start3A_396 = tpu.memref_slice %arg18[%dma_start3A_395] : memref<4096xf32, #tpu.memory_space<vmem>> -> memref<128xf32, #tpu.memory_space<vmem>>
      %dma_start3A_397 = arith.constant 2304 : i32
      %dma_start3A_398 = tpu.memref_slice %arg15[%dma_start3A_397] : memref<4096xi32, #tpu.memory_space<vmem>> -> memref<128xi32, #tpu.memory_space<vmem>>
      %dma_start3A_399 = arith.constant 0 : i32
      %dma_start3A_400 = tpu.memref_slice %arg3[%dma_start3A_399] : memref<5120000xf32, #tpu.memory_space<hbm>> -> memref<5120000xf32, #tpu.memory_space<hbm>>
      tpu.enqueue_indirect_dma source(%dma_start3A_400 : memref<5120000xf32, #tpu.memory_space<hbm>>) target(%dma_start3A_396 : memref<128xf32, #tpu.memory_space<vmem>>) offsets(%dma_start3A_398 : memref<128xi32, #tpu.memory_space<vmem>>) semaphore(%arg19 : memref<!tpu.dma_semaphore, #tpu.memory_space<semaphore_mem>>)
      %dma_start3A_401 = arith.constant 2432 : i32
      %dma_start3A_402 = tpu.memref_slice %arg18[%dma_start3A_401] : memref<4096xf32, #tpu.memory_space<vmem>> -> memref<128xf32, #tpu.memory_space<vmem>>
      %dma_start3A_403 = arith.constant 2432 : i32
      %dma_start3A_404 = tpu.memref_slice %arg15[%dma_start3A_403] : memref<4096xi32, #tpu.memory_space<vmem>> -> memref<128xi32, #tpu.memory_space<vmem>>
      %dma_start3A_405 = arith.constant 0 : i32
      %dma_start3A_406 = tpu.memref_slice %arg3[%dma_start3A_405] : memref<5120000xf32, #tpu.memory_space<hbm>> -> memref<5120000xf32, #tpu.memory_space<hbm>>
      tpu.enqueue_indirect_dma source(%dma_start3A_406 : memref<5120000xf32, #tpu.memory_space<hbm>>) target(%dma_start3A_402 : memref<128xf32, #tpu.memory_space<vmem>>) offsets(%dma_start3A_404 : memref<128xi32, #tpu.memory_space<vmem>>) semaphore(%arg19 : memref<!tpu.dma_semaphore, #tpu.memory_space<semaphore_mem>>)
      %dma_start3A_407 = arith.constant 2560 : i32
      %dma_start3A_408 = tpu.memref_slice %arg18[%dma_start3A_407] : memref<4096xf32, #tpu.memory_space<vmem>> -> memref<128xf32, #tpu.memory_space<vmem>>
      %dma_start3A_409 = arith.constant 2560 : i32
      %dma_start3A_410 = tpu.memref_slice %arg15[%dma_start3A_409] : memref<4096xi32, #tpu.memory_space<vmem>> -> memref<128xi32, #tpu.memory_space<vmem>>
      %dma_start3A_411 = arith.constant 0 : i32
      %dma_start3A_412 = tpu.memref_slice %arg3[%dma_start3A_411] : memref<5120000xf32, #tpu.memory_space<hbm>> -> memref<5120000xf32, #tpu.memory_space<hbm>>
      tpu.enqueue_indirect_dma source(%dma_start3A_412 : memref<5120000xf32, #tpu.memory_space<hbm>>) target(%dma_start3A_408 : memref<128xf32, #tpu.memory_space<vmem>>) offsets(%dma_start3A_410 : memref<128xi32, #tpu.memory_space<vmem>>) semaphore(%arg19 : memref<!tpu.dma_semaphore, #tpu.memory_space<semaphore_mem>>)
      %dma_start3A_413 = arith.constant 2688 : i32
      %dma_start3A_414 = tpu.memref_slice %arg18[%dma_start3A_413] : memref<4096xf32, #tpu.memory_space<vmem>> -> memref<128xf32, #tpu.memory_space<vmem>>
      %dma_start3A_415 = arith.constant 2688 : i32
      %dma_start3A_416 = tpu.memref_slice %arg15[%dma_start3A_415] : memref<4096xi32, #tpu.memory_space<vmem>> -> memref<128xi32, #tpu.memory_space<vmem>>
      %dma_start3A_417 = arith.constant 0 : i32
      %dma_start3A_418 = tpu.memref_slice %arg3[%dma_start3A_417] : memref<5120000xf32, #tpu.memory_space<hbm>> -> memref<5120000xf32, #tpu.memory_space<hbm>>
      tpu.enqueue_indirect_dma source(%dma_start3A_418 : memref<5120000xf32, #tpu.memory_space<hbm>>) target(%dma_start3A_414 : memref<128xf32, #tpu.memory_space<vmem>>) offsets(%dma_start3A_416 : memref<128xi32, #tpu.memory_space<vmem>>) semaphore(%arg19 : memref<!tpu.dma_semaphore, #tpu.memory_space<semaphore_mem>>)
      %dma_start3A_419 = arith.constant 2816 : i32
      %dma_start3A_420 = tpu.memref_slice %arg18[%dma_start3A_419] : memref<4096xf32, #tpu.memory_space<vmem>> -> memref<128xf32, #tpu.memory_space<vmem>>
      %dma_start3A_421 = arith.constant 2816 : i32
      %dma_start3A_422 = tpu.memref_slice %arg15[%dma_start3A_421] : memref<4096xi32, #tpu.memory_space<vmem>> -> memref<128xi32, #tpu.memory_space<vmem>>
      %dma_start3A_423 = arith.constant 0 : i32
      %dma_start3A_424 = tpu.memref_slice %arg3[%dma_start3A_423] : memref<5120000xf32, #tpu.memory_space<hbm>> -> memref<5120000xf32, #tpu.memory_space<hbm>>
      tpu.enqueue_indirect_dma source(%dma_start3A_424 : memref<5120000xf32, #tpu.memory_space<hbm>>) target(%dma_start3A_420 : memref<128xf32, #tpu.memory_space<vmem>>) offsets(%dma_start3A_422 : memref<128xi32, #tpu.memory_space<vmem>>) semaphore(%arg19 : memref<!tpu.dma_semaphore, #tpu.memory_space<semaphore_mem>>)
      %dma_start3A_425 = arith.constant 2944 : i32
      %dma_start3A_426 = tpu.memref_slice %arg18[%dma_start3A_425] : memref<4096xf32, #tpu.memory_space<vmem>> -> memref<128xf32, #tpu.memory_space<vmem>>
      %dma_start3A_427 = arith.constant 2944 : i32
      %dma_start3A_428 = tpu.memref_slice %arg15[%dma_start3A_427] : memref<4096xi32, #tpu.memory_space<vmem>> -> memref<128xi32, #tpu.memory_space<vmem>>
      %dma_start3A_429 = arith.constant 0 : i32
      %dma_start3A_430 = tpu.memref_slice %arg3[%dma_start3A_429] : memref<5120000xf32, #tpu.memory_space<hbm>> -> memref<5120000xf32, #tpu.memory_space<hbm>>
      tpu.enqueue_indirect_dma source(%dma_start3A_430 : memref<5120000xf32, #tpu.memory_space<hbm>>) target(%dma_start3A_426 : memref<128xf32, #tpu.memory_space<vmem>>) offsets(%dma_start3A_428 : memref<128xi32, #tpu.memory_space<vmem>>) semaphore(%arg19 : memref<!tpu.dma_semaphore, #tpu.memory_space<semaphore_mem>>)
      %dma_start3A_431 = arith.constant 3072 : i32
      %dma_start3A_432 = tpu.memref_slice %arg18[%dma_start3A_431] : memref<4096xf32, #tpu.memory_space<vmem>> -> memref<128xf32, #tpu.memory_space<vmem>>
      %dma_start3A_433 = arith.constant 3072 : i32
      %dma_start3A_434 = tpu.memref_slice %arg15[%dma_start3A_433] : memref<4096xi32, #tpu.memory_space<vmem>> -> memref<128xi32, #tpu.memory_space<vmem>>
      %dma_start3A_435 = arith.constant 0 : i32
      %dma_start3A_436 = tpu.memref_slice %arg3[%dma_start3A_435] : memref<5120000xf32, #tpu.memory_space<hbm>> -> memref<5120000xf32, #tpu.memory_space<hbm>>
      tpu.enqueue_indirect_dma source(%dma_start3A_436 : memref<5120000xf32, #tpu.memory_space<hbm>>) target(%dma_start3A_432 : memref<128xf32, #tpu.memory_space<vmem>>) offsets(%dma_start3A_434 : memref<128xi32, #tpu.memory_space<vmem>>) semaphore(%arg19 : memref<!tpu.dma_semaphore, #tpu.memory_space<semaphore_mem>>)
      %dma_start3A_437 = arith.constant 3200 : i32
      %dma_start3A_438 = tpu.memref_slice %arg18[%dma_start3A_437] : memref<4096xf32, #tpu.memory_space<vmem>> -> memref<128xf32, #tpu.memory_space<vmem>>
      %dma_start3A_439 = arith.constant 3200 : i32
      %dma_start3A_440 = tpu.memref_slice %arg15[%dma_start3A_439] : memref<4096xi32, #tpu.memory_space<vmem>> -> memref<128xi32, #tpu.memory_space<vmem>>
      %dma_start3A_441 = arith.constant 0 : i32
      %dma_start3A_442 = tpu.memref_slice %arg3[%dma_start3A_441] : memref<5120000xf32, #tpu.memory_space<hbm>> -> memref<5120000xf32, #tpu.memory_space<hbm>>
      tpu.enqueue_indirect_dma source(%dma_start3A_442 : memref<5120000xf32, #tpu.memory_space<hbm>>) target(%dma_start3A_438 : memref<128xf32, #tpu.memory_space<vmem>>) offsets(%dma_start3A_440 : memref<128xi32, #tpu.memory_space<vmem>>) semaphore(%arg19 : memref<!tpu.dma_semaphore, #tpu.memory_space<semaphore_mem>>)
      %dma_start3A_443 = arith.constant 3328 : i32
      %dma_start3A_444 = tpu.memref_slice %arg18[%dma_start3A_443] : memref<4096xf32, #tpu.memory_space<vmem>> -> memref<128xf32, #tpu.memory_space<vmem>>
      %dma_start3A_445 = arith.constant 3328 : i32
      %dma_start3A_446 = tpu.memref_slice %arg15[%dma_start3A_445] : memref<4096xi32, #tpu.memory_space<vmem>> -> memref<128xi32, #tpu.memory_space<vmem>>
      %dma_start3A_447 = arith.constant 0 : i32
      %dma_start3A_448 = tpu.memref_slice %arg3[%dma_start3A_447] : memref<5120000xf32, #tpu.memory_space<hbm>> -> memref<5120000xf32, #tpu.memory_space<hbm>>
      tpu.enqueue_indirect_dma source(%dma_start3A_448 : memref<5120000xf32, #tpu.memory_space<hbm>>) target(%dma_start3A_444 : memref<128xf32, #tpu.memory_space<vmem>>) offsets(%dma_start3A_446 : memref<128xi32, #tpu.memory_space<vmem>>) semaphore(%arg19 : memref<!tpu.dma_semaphore, #tpu.memory_space<semaphore_mem>>)
      %dma_start3A_449 = arith.constant 3456 : i32
      %dma_start3A_450 = tpu.memref_slice %arg18[%dma_start3A_449] : memref<4096xf32, #tpu.memory_space<vmem>> -> memref<128xf32, #tpu.memory_space<vmem>>
      %dma_start3A_451 = arith.constant 3456 : i32
      %dma_start3A_452 = tpu.memref_slice %arg15[%dma_start3A_451] : memref<4096xi32, #tpu.memory_space<vmem>> -> memref<128xi32, #tpu.memory_space<vmem>>
      %dma_start3A_453 = arith.constant 0 : i32
      %dma_start3A_454 = tpu.memref_slice %arg3[%dma_start3A_453] : memref<5120000xf32, #tpu.memory_space<hbm>> -> memref<5120000xf32, #tpu.memory_space<hbm>>
      tpu.enqueue_indirect_dma source(%dma_start3A_454 : memref<5120000xf32, #tpu.memory_space<hbm>>) target(%dma_start3A_450 : memref<128xf32, #tpu.memory_space<vmem>>) offsets(%dma_start3A_452 : memref<128xi32, #tpu.memory_space<vmem>>) semaphore(%arg19 : memref<!tpu.dma_semaphore, #tpu.memory_space<semaphore_mem>>)
      %dma_start3A_455 = arith.constant 3584 : i32
      %dma_start3A_456 = tpu.memref_slice %arg18[%dma_start3A_455] : memref<4096xf32, #tpu.memory_space<vmem>> -> memref<128xf32, #tpu.memory_space<vmem>>
      %dma_start3A_457 = arith.constant 3584 : i32
      %dma_start3A_458 = tpu.memref_slice %arg15[%dma_start3A_457] : memref<4096xi32, #tpu.memory_space<vmem>> -> memref<128xi32, #tpu.memory_space<vmem>>
      %dma_start3A_459 = arith.constant 0 : i32
      %dma_start3A_460 = tpu.memref_slice %arg3[%dma_start3A_459] : memref<5120000xf32, #tpu.memory_space<hbm>> -> memref<5120000xf32, #tpu.memory_space<hbm>>
      tpu.enqueue_indirect_dma source(%dma_start3A_460 : memref<5120000xf32, #tpu.memory_space<hbm>>) target(%dma_start3A_456 : memref<128xf32, #tpu.memory_space<vmem>>) offsets(%dma_start3A_458 : memref<128xi32, #tpu.memory_space<vmem>>) semaphore(%arg19 : memref<!tpu.dma_semaphore, #tpu.memory_space<semaphore_mem>>)
      %dma_start3A_461 = arith.constant 3712 : i32
      %dma_start3A_462 = tpu.memref_slice %arg18[%dma_start3A_461] : memref<4096xf32, #tpu.memory_space<vmem>> -> memref<128xf32, #tpu.memory_space<vmem>>
      %dma_start3A_463 = arith.constant 3712 : i32
      %dma_start3A_464 = tpu.memref_slice %arg15[%dma_start3A_463] : memref<4096xi32, #tpu.memory_space<vmem>> -> memref<128xi32, #tpu.memory_space<vmem>>
      %dma_start3A_465 = arith.constant 0 : i32
      %dma_start3A_466 = tpu.memref_slice %arg3[%dma_start3A_465] : memref<5120000xf32, #tpu.memory_space<hbm>> -> memref<5120000xf32, #tpu.memory_space<hbm>>
      tpu.enqueue_indirect_dma source(%dma_start3A_466 : memref<5120000xf32, #tpu.memory_space<hbm>>) target(%dma_start3A_462 : memref<128xf32, #tpu.memory_space<vmem>>) offsets(%dma_start3A_464 : memref<128xi32, #tpu.memory_space<vmem>>) semaphore(%arg19 : memref<!tpu.dma_semaphore, #tpu.memory_space<semaphore_mem>>)
      %dma_start3A_467 = arith.constant 3840 : i32
      %dma_start3A_468 = tpu.memref_slice %arg18[%dma_start3A_467] : memref<4096xf32, #tpu.memory_space<vmem>> -> memref<128xf32, #tpu.memory_space<vmem>>
      %dma_start3A_469 = arith.constant 3840 : i32
      %dma_start3A_470 = tpu.memref_slice %arg15[%dma_start3A_469] : memref<4096xi32, #tpu.memory_space<vmem>> -> memref<128xi32, #tpu.memory_space<vmem>>
      %dma_start3A_471 = arith.constant 0 : i32
      %dma_start3A_472 = tpu.memref_slice %arg3[%dma_start3A_471] : memref<5120000xf32, #tpu.memory_space<hbm>> -> memref<5120000xf32, #tpu.memory_space<hbm>>
      tpu.enqueue_indirect_dma source(%dma_start3A_472 : memref<5120000xf32, #tpu.memory_space<hbm>>) target(%dma_start3A_468 : memref<128xf32, #tpu.memory_space<vmem>>) offsets(%dma_start3A_470 : memref<128xi32, #tpu.memory_space<vmem>>) semaphore(%arg19 : memref<!tpu.dma_semaphore, #tpu.memory_space<semaphore_mem>>)
      %dma_start3A_473 = arith.constant 3968 : i32
      %dma_start3A_474 = tpu.memref_slice %arg18[%dma_start3A_473] : memref<4096xf32, #tpu.memory_space<vmem>> -> memref<128xf32, #tpu.memory_space<vmem>>
      %dma_start3A_475 = arith.constant 3968 : i32
      %dma_start3A_476 = tpu.memref_slice %arg15[%dma_start3A_475] : memref<4096xi32, #tpu.memory_space<vmem>> -> memref<128xi32, #tpu.memory_space<vmem>>
      %dma_start3A_477 = arith.constant 0 : i32
      %dma_start3A_478 = tpu.memref_slice %arg3[%dma_start3A_477] : memref<5120000xf32, #tpu.memory_space<hbm>> -> memref<5120000xf32, #tpu.memory_space<hbm>>
      tpu.enqueue_indirect_dma source(%dma_start3A_478 : memref<5120000xf32, #tpu.memory_space<hbm>>) target(%dma_start3A_474 : memref<128xf32, #tpu.memory_space<vmem>>) offsets(%dma_start3A_476 : memref<128xi32, #tpu.memory_space<vmem>>) semaphore(%arg19 : memref<!tpu.dma_semaphore, #tpu.memory_space<semaphore_mem>>)
      %dma_wait3A = arith.constant 0 : i32
      %dma_wait3A_479 = tpu.memref_slice %arg18[%dma_wait3A] : memref<4096xf32, #tpu.memory_space<vmem>> -> memref<128xf32, #tpu.memory_space<vmem>>
      %dma_wait3A_480 = arith.constant 0 : i32
      %dma_wait3A_481 = tpu.memref_slice %arg15[%dma_wait3A_480] : memref<4096xi32, #tpu.memory_space<vmem>> -> memref<128xi32, #tpu.memory_space<vmem>>
      %dma_wait3A_482 = arith.constant 0 : i32
      %dma_wait3A_483 = tpu.memref_slice %arg3[%dma_wait3A_482] : memref<5120000xf32, #tpu.memory_space<hbm>> -> memref<5120000xf32, #tpu.memory_space<hbm>>
      tpu.wait_indirect_dma semaphore(%arg19 : memref<!tpu.dma_semaphore, #tpu.memory_space<semaphore_mem>>) src(%dma_wait3A_483 : memref<5120000xf32, #tpu.memory_space<hbm>>) dst(%dma_wait3A_479 : memref<128xf32, #tpu.memory_space<vmem>>)
      %dma_wait3A_484 = arith.constant 128 : i32
      %dma_wait3A_485 = tpu.memref_slice %arg18[%dma_wait3A_484] : memref<4096xf32, #tpu.memory_space<vmem>> -> memref<128xf32, #tpu.memory_space<vmem>>
      %dma_wait3A_486 = arith.constant 128 : i32
      %dma_wait3A_487 = tpu.memref_slice %arg15[%dma_wait3A_486] : memref<4096xi32, #tpu.memory_space<vmem>> -> memref<128xi32, #tpu.memory_space<vmem>>
      %dma_wait3A_488 = arith.constant 0 : i32
      %dma_wait3A_489 = tpu.memref_slice %arg3[%dma_wait3A_488] : memref<5120000xf32, #tpu.memory_space<hbm>> -> memref<5120000xf32, #tpu.memory_space<hbm>>
      tpu.wait_indirect_dma semaphore(%arg19 : memref<!tpu.dma_semaphore, #tpu.memory_space<semaphore_mem>>) src(%dma_wait3A_489 : memref<5120000xf32, #tpu.memory_space<hbm>>) dst(%dma_wait3A_485 : memref<128xf32, #tpu.memory_space<vmem>>)
      %dma_wait3A_490 = arith.constant 256 : i32
      %dma_wait3A_491 = tpu.memref_slice %arg18[%dma_wait3A_490] : memref<4096xf32, #tpu.memory_space<vmem>> -> memref<128xf32, #tpu.memory_space<vmem>>
      %dma_wait3A_492 = arith.constant 256 : i32
      %dma_wait3A_493 = tpu.memref_slice %arg15[%dma_wait3A_492] : memref<4096xi32, #tpu.memory_space<vmem>> -> memref<128xi32, #tpu.memory_space<vmem>>
      %dma_wait3A_494 = arith.constant 0 : i32
      %dma_wait3A_495 = tpu.memref_slice %arg3[%dma_wait3A_494] : memref<5120000xf32, #tpu.memory_space<hbm>> -> memref<5120000xf32, #tpu.memory_space<hbm>>
      tpu.wait_indirect_dma semaphore(%arg19 : memref<!tpu.dma_semaphore, #tpu.memory_space<semaphore_mem>>) src(%dma_wait3A_495 : memref<5120000xf32, #tpu.memory_space<hbm>>) dst(%dma_wait3A_491 : memref<128xf32, #tpu.memory_space<vmem>>)
      %dma_wait3A_496 = arith.constant 384 : i32
      %dma_wait3A_497 = tpu.memref_slice %arg18[%dma_wait3A_496] : memref<4096xf32, #tpu.memory_space<vmem>> -> memref<128xf32, #tpu.memory_space<vmem>>
      %dma_wait3A_498 = arith.constant 384 : i32
      %dma_wait3A_499 = tpu.memref_slice %arg15[%dma_wait3A_498] : memref<4096xi32, #tpu.memory_space<vmem>> -> memref<128xi32, #tpu.memory_space<vmem>>
      %dma_wait3A_500 = arith.constant 0 : i32
      %dma_wait3A_501 = tpu.memref_slice %arg3[%dma_wait3A_500] : memref<5120000xf32, #tpu.memory_space<hbm>> -> memref<5120000xf32, #tpu.memory_space<hbm>>
      tpu.wait_indirect_dma semaphore(%arg19 : memref<!tpu.dma_semaphore, #tpu.memory_space<semaphore_mem>>) src(%dma_wait3A_501 : memref<5120000xf32, #tpu.memory_space<hbm>>) dst(%dma_wait3A_497 : memref<128xf32, #tpu.memory_space<vmem>>)
      %dma_wait3A_502 = arith.constant 512 : i32
      %dma_wait3A_503 = tpu.memref_slice %arg18[%dma_wait3A_502] : memref<4096xf32, #tpu.memory_space<vmem>> -> memref<128xf32, #tpu.memory_space<vmem>>
      %dma_wait3A_504 = arith.constant 512 : i32
      %dma_wait3A_505 = tpu.memref_slice %arg15[%dma_wait3A_504] : memref<4096xi32, #tpu.memory_space<vmem>> -> memref<128xi32, #tpu.memory_space<vmem>>
      %dma_wait3A_506 = arith.constant 0 : i32
      %dma_wait3A_507 = tpu.memref_slice %arg3[%dma_wait3A_506] : memref<5120000xf32, #tpu.memory_space<hbm>> -> memref<5120000xf32, #tpu.memory_space<hbm>>
      tpu.wait_indirect_dma semaphore(%arg19 : memref<!tpu.dma_semaphore, #tpu.memory_space<semaphore_mem>>) src(%dma_wait3A_507 : memref<5120000xf32, #tpu.memory_space<hbm>>) dst(%dma_wait3A_503 : memref<128xf32, #tpu.memory_space<vmem>>)
      %dma_wait3A_508 = arith.constant 640 : i32
      %dma_wait3A_509 = tpu.memref_slice %arg18[%dma_wait3A_508] : memref<4096xf32, #tpu.memory_space<vmem>> -> memref<128xf32, #tpu.memory_space<vmem>>
      %dma_wait3A_510 = arith.constant 640 : i32
      %dma_wait3A_511 = tpu.memref_slice %arg15[%dma_wait3A_510] : memref<4096xi32, #tpu.memory_space<vmem>> -> memref<128xi32, #tpu.memory_space<vmem>>
      %dma_wait3A_512 = arith.constant 0 : i32
      %dma_wait3A_513 = tpu.memref_slice %arg3[%dma_wait3A_512] : memref<5120000xf32, #tpu.memory_space<hbm>> -> memref<5120000xf32, #tpu.memory_space<hbm>>
      tpu.wait_indirect_dma semaphore(%arg19 : memref<!tpu.dma_semaphore, #tpu.memory_space<semaphore_mem>>) src(%dma_wait3A_513 : memref<5120000xf32, #tpu.memory_space<hbm>>) dst(%dma_wait3A_509 : memref<128xf32, #tpu.memory_space<vmem>>)
      %dma_wait3A_514 = arith.constant 768 : i32
      %dma_wait3A_515 = tpu.memref_slice %arg18[%dma_wait3A_514] : memref<4096xf32, #tpu.memory_space<vmem>> -> memref<128xf32, #tpu.memory_space<vmem>>
      %dma_wait3A_516 = arith.constant 768 : i32
      %dma_wait3A_517 = tpu.memref_slice %arg15[%dma_wait3A_516] : memref<4096xi32, #tpu.memory_space<vmem>> -> memref<128xi32, #tpu.memory_space<vmem>>
      %dma_wait3A_518 = arith.constant 0 : i32
      %dma_wait3A_519 = tpu.memref_slice %arg3[%dma_wait3A_518] : memref<5120000xf32, #tpu.memory_space<hbm>> -> memref<5120000xf32, #tpu.memory_space<hbm>>
      tpu.wait_indirect_dma semaphore(%arg19 : memref<!tpu.dma_semaphore, #tpu.memory_space<semaphore_mem>>) src(%dma_wait3A_519 : memref<5120000xf32, #tpu.memory_space<hbm>>) dst(%dma_wait3A_515 : memref<128xf32, #tpu.memory_space<vmem>>)
      %dma_wait3A_520 = arith.constant 896 : i32
      %dma_wait3A_521 = tpu.memref_slice %arg18[%dma_wait3A_520] : memref<4096xf32, #tpu.memory_space<vmem>> -> memref<128xf32, #tpu.memory_space<vmem>>
      %dma_wait3A_522 = arith.constant 896 : i32
      %dma_wait3A_523 = tpu.memref_slice %arg15[%dma_wait3A_522] : memref<4096xi32, #tpu.memory_space<vmem>> -> memref<128xi32, #tpu.memory_space<vmem>>
      %dma_wait3A_524 = arith.constant 0 : i32
      %dma_wait3A_525 = tpu.memref_slice %arg3[%dma_wait3A_524] : memref<5120000xf32, #tpu.memory_space<hbm>> -> memref<5120000xf32, #tpu.memory_space<hbm>>
      tpu.wait_indirect_dma semaphore(%arg19 : memref<!tpu.dma_semaphore, #tpu.memory_space<semaphore_mem>>) src(%dma_wait3A_525 : memref<5120000xf32, #tpu.memory_space<hbm>>) dst(%dma_wait3A_521 : memref<128xf32, #tpu.memory_space<vmem>>)
      %dma_wait3A_526 = arith.constant 1024 : i32
      %dma_wait3A_527 = tpu.memref_slice %arg18[%dma_wait3A_526] : memref<4096xf32, #tpu.memory_space<vmem>> -> memref<128xf32, #tpu.memory_space<vmem>>
      %dma_wait3A_528 = arith.constant 1024 : i32
      %dma_wait3A_529 = tpu.memref_slice %arg15[%dma_wait3A_528] : memref<4096xi32, #tpu.memory_space<vmem>> -> memref<128xi32, #tpu.memory_space<vmem>>
      %dma_wait3A_530 = arith.constant 0 : i32
      %dma_wait3A_531 = tpu.memref_slice %arg3[%dma_wait3A_530] : memref<5120000xf32, #tpu.memory_space<hbm>> -> memref<5120000xf32, #tpu.memory_space<hbm>>
      tpu.wait_indirect_dma semaphore(%arg19 : memref<!tpu.dma_semaphore, #tpu.memory_space<semaphore_mem>>) src(%dma_wait3A_531 : memref<5120000xf32, #tpu.memory_space<hbm>>) dst(%dma_wait3A_527 : memref<128xf32, #tpu.memory_space<vmem>>)
      %dma_wait3A_532 = arith.constant 1152 : i32
      %dma_wait3A_533 = tpu.memref_slice %arg18[%dma_wait3A_532] : memref<4096xf32, #tpu.memory_space<vmem>> -> memref<128xf32, #tpu.memory_space<vmem>>
      %dma_wait3A_534 = arith.constant 1152 : i32
      %dma_wait3A_535 = tpu.memref_slice %arg15[%dma_wait3A_534] : memref<4096xi32, #tpu.memory_space<vmem>> -> memref<128xi32, #tpu.memory_space<vmem>>
      %dma_wait3A_536 = arith.constant 0 : i32
      %dma_wait3A_537 = tpu.memref_slice %arg3[%dma_wait3A_536] : memref<5120000xf32, #tpu.memory_space<hbm>> -> memref<5120000xf32, #tpu.memory_space<hbm>>
      tpu.wait_indirect_dma semaphore(%arg19 : memref<!tpu.dma_semaphore, #tpu.memory_space<semaphore_mem>>) src(%dma_wait3A_537 : memref<5120000xf32, #tpu.memory_space<hbm>>) dst(%dma_wait3A_533 : memref<128xf32, #tpu.memory_space<vmem>>)
      %dma_wait3A_538 = arith.constant 1280 : i32
      %dma_wait3A_539 = tpu.memref_slice %arg18[%dma_wait3A_538] : memref<4096xf32, #tpu.memory_space<vmem>> -> memref<128xf32, #tpu.memory_space<vmem>>
      %dma_wait3A_540 = arith.constant 1280 : i32
      %dma_wait3A_541 = tpu.memref_slice %arg15[%dma_wait3A_540] : memref<4096xi32, #tpu.memory_space<vmem>> -> memref<128xi32, #tpu.memory_space<vmem>>
      %dma_wait3A_542 = arith.constant 0 : i32
      %dma_wait3A_543 = tpu.memref_slice %arg3[%dma_wait3A_542] : memref<5120000xf32, #tpu.memory_space<hbm>> -> memref<5120000xf32, #tpu.memory_space<hbm>>
      tpu.wait_indirect_dma semaphore(%arg19 : memref<!tpu.dma_semaphore, #tpu.memory_space<semaphore_mem>>) src(%dma_wait3A_543 : memref<5120000xf32, #tpu.memory_space<hbm>>) dst(%dma_wait3A_539 : memref<128xf32, #tpu.memory_space<vmem>>)
      %dma_wait3A_544 = arith.constant 1408 : i32
      %dma_wait3A_545 = tpu.memref_slice %arg18[%dma_wait3A_544] : memref<4096xf32, #tpu.memory_space<vmem>> -> memref<128xf32, #tpu.memory_space<vmem>>
      %dma_wait3A_546 = arith.constant 1408 : i32
      %dma_wait3A_547 = tpu.memref_slice %arg15[%dma_wait3A_546] : memref<4096xi32, #tpu.memory_space<vmem>> -> memref<128xi32, #tpu.memory_space<vmem>>
      %dma_wait3A_548 = arith.constant 0 : i32
      %dma_wait3A_549 = tpu.memref_slice %arg3[%dma_wait3A_548] : memref<5120000xf32, #tpu.memory_space<hbm>> -> memref<5120000xf32, #tpu.memory_space<hbm>>
      tpu.wait_indirect_dma semaphore(%arg19 : memref<!tpu.dma_semaphore, #tpu.memory_space<semaphore_mem>>) src(%dma_wait3A_549 : memref<5120000xf32, #tpu.memory_space<hbm>>) dst(%dma_wait3A_545 : memref<128xf32, #tpu.memory_space<vmem>>)
      %dma_wait3A_550 = arith.constant 1536 : i32
      %dma_wait3A_551 = tpu.memref_slice %arg18[%dma_wait3A_550] : memref<4096xf32, #tpu.memory_space<vmem>> -> memref<128xf32, #tpu.memory_space<vmem>>
      %dma_wait3A_552 = arith.constant 1536 : i32
      %dma_wait3A_553 = tpu.memref_slice %arg15[%dma_wait3A_552] : memref<4096xi32, #tpu.memory_space<vmem>> -> memref<128xi32, #tpu.memory_space<vmem>>
      %dma_wait3A_554 = arith.constant 0 : i32
      %dma_wait3A_555 = tpu.memref_slice %arg3[%dma_wait3A_554] : memref<5120000xf32, #tpu.memory_space<hbm>> -> memref<5120000xf32, #tpu.memory_space<hbm>>
      tpu.wait_indirect_dma semaphore(%arg19 : memref<!tpu.dma_semaphore, #tpu.memory_space<semaphore_mem>>) src(%dma_wait3A_555 : memref<5120000xf32, #tpu.memory_space<hbm>>) dst(%dma_wait3A_551 : memref<128xf32, #tpu.memory_space<vmem>>)
      %dma_wait3A_556 = arith.constant 1664 : i32
      %dma_wait3A_557 = tpu.memref_slice %arg18[%dma_wait3A_556] : memref<4096xf32, #tpu.memory_space<vmem>> -> memref<128xf32, #tpu.memory_space<vmem>>
      %dma_wait3A_558 = arith.constant 1664 : i32
      %dma_wait3A_559 = tpu.memref_slice %arg15[%dma_wait3A_558] : memref<4096xi32, #tpu.memory_space<vmem>> -> memref<128xi32, #tpu.memory_space<vmem>>
      %dma_wait3A_560 = arith.constant 0 : i32
      %dma_wait3A_561 = tpu.memref_slice %arg3[%dma_wait3A_560] : memref<5120000xf32, #tpu.memory_space<hbm>> -> memref<5120000xf32, #tpu.memory_space<hbm>>
      tpu.wait_indirect_dma semaphore(%arg19 : memref<!tpu.dma_semaphore, #tpu.memory_space<semaphore_mem>>) src(%dma_wait3A_561 : memref<5120000xf32, #tpu.memory_space<hbm>>) dst(%dma_wait3A_557 : memref<128xf32, #tpu.memory_space<vmem>>)
      %dma_wait3A_562 = arith.constant 1792 : i32
      %dma_wait3A_563 = tpu.memref_slice %arg18[%dma_wait3A_562] : memref<4096xf32, #tpu.memory_space<vmem>> -> memref<128xf32, #tpu.memory_space<vmem>>
      %dma_wait3A_564 = arith.constant 1792 : i32
      %dma_wait3A_565 = tpu.memref_slice %arg15[%dma_wait3A_564] : memref<4096xi32, #tpu.memory_space<vmem>> -> memref<128xi32, #tpu.memory_space<vmem>>
      %dma_wait3A_566 = arith.constant 0 : i32
      %dma_wait3A_567 = tpu.memref_slice %arg3[%dma_wait3A_566] : memref<5120000xf32, #tpu.memory_space<hbm>> -> memref<5120000xf32, #tpu.memory_space<hbm>>
      tpu.wait_indirect_dma semaphore(%arg19 : memref<!tpu.dma_semaphore, #tpu.memory_space<semaphore_mem>>) src(%dma_wait3A_567 : memref<5120000xf32, #tpu.memory_space<hbm>>) dst(%dma_wait3A_563 : memref<128xf32, #tpu.memory_space<vmem>>)
      %dma_wait3A_568 = arith.constant 1920 : i32
      %dma_wait3A_569 = tpu.memref_slice %arg18[%dma_wait3A_568] : memref<4096xf32, #tpu.memory_space<vmem>> -> memref<128xf32, #tpu.memory_space<vmem>>
      %dma_wait3A_570 = arith.constant 1920 : i32
      %dma_wait3A_571 = tpu.memref_slice %arg15[%dma_wait3A_570] : memref<4096xi32, #tpu.memory_space<vmem>> -> memref<128xi32, #tpu.memory_space<vmem>>
      %dma_wait3A_572 = arith.constant 0 : i32
      %dma_wait3A_573 = tpu.memref_slice %arg3[%dma_wait3A_572] : memref<5120000xf32, #tpu.memory_space<hbm>> -> memref<5120000xf32, #tpu.memory_space<hbm>>
      tpu.wait_indirect_dma semaphore(%arg19 : memref<!tpu.dma_semaphore, #tpu.memory_space<semaphore_mem>>) src(%dma_wait3A_573 : memref<5120000xf32, #tpu.memory_space<hbm>>) dst(%dma_wait3A_569 : memref<128xf32, #tpu.memory_space<vmem>>)
      %dma_wait3A_574 = arith.constant 2048 : i32
      %dma_wait3A_575 = tpu.memref_slice %arg18[%dma_wait3A_574] : memref<4096xf32, #tpu.memory_space<vmem>> -> memref<128xf32, #tpu.memory_space<vmem>>
      %dma_wait3A_576 = arith.constant 2048 : i32
      %dma_wait3A_577 = tpu.memref_slice %arg15[%dma_wait3A_576] : memref<4096xi32, #tpu.memory_space<vmem>> -> memref<128xi32, #tpu.memory_space<vmem>>
      %dma_wait3A_578 = arith.constant 0 : i32
      %dma_wait3A_579 = tpu.memref_slice %arg3[%dma_wait3A_578] : memref<5120000xf32, #tpu.memory_space<hbm>> -> memref<5120000xf32, #tpu.memory_space<hbm>>
      tpu.wait_indirect_dma semaphore(%arg19 : memref<!tpu.dma_semaphore, #tpu.memory_space<semaphore_mem>>) src(%dma_wait3A_579 : memref<5120000xf32, #tpu.memory_space<hbm>>) dst(%dma_wait3A_575 : memref<128xf32, #tpu.memory_space<vmem>>)
      %dma_wait3A_580 = arith.constant 2176 : i32
      %dma_wait3A_581 = tpu.memref_slice %arg18[%dma_wait3A_580] : memref<4096xf32, #tpu.memory_space<vmem>> -> memref<128xf32, #tpu.memory_space<vmem>>
      %dma_wait3A_582 = arith.constant 2176 : i32
      %dma_wait3A_583 = tpu.memref_slice %arg15[%dma_wait3A_582] : memref<4096xi32, #tpu.memory_space<vmem>> -> memref<128xi32, #tpu.memory_space<vmem>>
      %dma_wait3A_584 = arith.constant 0 : i32
      %dma_wait3A_585 = tpu.memref_slice %arg3[%dma_wait3A_584] : memref<5120000xf32, #tpu.memory_space<hbm>> -> memref<5120000xf32, #tpu.memory_space<hbm>>
      tpu.wait_indirect_dma semaphore(%arg19 : memref<!tpu.dma_semaphore, #tpu.memory_space<semaphore_mem>>) src(%dma_wait3A_585 : memref<5120000xf32, #tpu.memory_space<hbm>>) dst(%dma_wait3A_581 : memref<128xf32, #tpu.memory_space<vmem>>)
      %dma_wait3A_586 = arith.constant 2304 : i32
      %dma_wait3A_587 = tpu.memref_slice %arg18[%dma_wait3A_586] : memref<4096xf32, #tpu.memory_space<vmem>> -> memref<128xf32, #tpu.memory_space<vmem>>
      %dma_wait3A_588 = arith.constant 2304 : i32
      %dma_wait3A_589 = tpu.memref_slice %arg15[%dma_wait3A_588] : memref<4096xi32, #tpu.memory_space<vmem>> -> memref<128xi32, #tpu.memory_space<vmem>>
      %dma_wait3A_590 = arith.constant 0 : i32
      %dma_wait3A_591 = tpu.memref_slice %arg3[%dma_wait3A_590] : memref<5120000xf32, #tpu.memory_space<hbm>> -> memref<5120000xf32, #tpu.memory_space<hbm>>
      tpu.wait_indirect_dma semaphore(%arg19 : memref<!tpu.dma_semaphore, #tpu.memory_space<semaphore_mem>>) src(%dma_wait3A_591 : memref<5120000xf32, #tpu.memory_space<hbm>>) dst(%dma_wait3A_587 : memref<128xf32, #tpu.memory_space<vmem>>)
      %dma_wait3A_592 = arith.constant 2432 : i32
      %dma_wait3A_593 = tpu.memref_slice %arg18[%dma_wait3A_592] : memref<4096xf32, #tpu.memory_space<vmem>> -> memref<128xf32, #tpu.memory_space<vmem>>
      %dma_wait3A_594 = arith.constant 2432 : i32
      %dma_wait3A_595 = tpu.memref_slice %arg15[%dma_wait3A_594] : memref<4096xi32, #tpu.memory_space<vmem>> -> memref<128xi32, #tpu.memory_space<vmem>>
      %dma_wait3A_596 = arith.constant 0 : i32
      %dma_wait3A_597 = tpu.memref_slice %arg3[%dma_wait3A_596] : memref<5120000xf32, #tpu.memory_space<hbm>> -> memref<5120000xf32, #tpu.memory_space<hbm>>
      tpu.wait_indirect_dma semaphore(%arg19 : memref<!tpu.dma_semaphore, #tpu.memory_space<semaphore_mem>>) src(%dma_wait3A_597 : memref<5120000xf32, #tpu.memory_space<hbm>>) dst(%dma_wait3A_593 : memref<128xf32, #tpu.memory_space<vmem>>)
      %dma_wait3A_598 = arith.constant 2560 : i32
      %dma_wait3A_599 = tpu.memref_slice %arg18[%dma_wait3A_598] : memref<4096xf32, #tpu.memory_space<vmem>> -> memref<128xf32, #tpu.memory_space<vmem>>
      %dma_wait3A_600 = arith.constant 2560 : i32
      %dma_wait3A_601 = tpu.memref_slice %arg15[%dma_wait3A_600] : memref<4096xi32, #tpu.memory_space<vmem>> -> memref<128xi32, #tpu.memory_space<vmem>>
      %dma_wait3A_602 = arith.constant 0 : i32
      %dma_wait3A_603 = tpu.memref_slice %arg3[%dma_wait3A_602] : memref<5120000xf32, #tpu.memory_space<hbm>> -> memref<5120000xf32, #tpu.memory_space<hbm>>
      tpu.wait_indirect_dma semaphore(%arg19 : memref<!tpu.dma_semaphore, #tpu.memory_space<semaphore_mem>>) src(%dma_wait3A_603 : memref<5120000xf32, #tpu.memory_space<hbm>>) dst(%dma_wait3A_599 : memref<128xf32, #tpu.memory_space<vmem>>)
      %dma_wait3A_604 = arith.constant 2688 : i32
      %dma_wait3A_605 = tpu.memref_slice %arg18[%dma_wait3A_604] : memref<4096xf32, #tpu.memory_space<vmem>> -> memref<128xf32, #tpu.memory_space<vmem>>
      %dma_wait3A_606 = arith.constant 2688 : i32
      %dma_wait3A_607 = tpu.memref_slice %arg15[%dma_wait3A_606] : memref<4096xi32, #tpu.memory_space<vmem>> -> memref<128xi32, #tpu.memory_space<vmem>>
      %dma_wait3A_608 = arith.constant 0 : i32
      %dma_wait3A_609 = tpu.memref_slice %arg3[%dma_wait3A_608] : memref<5120000xf32, #tpu.memory_space<hbm>> -> memref<5120000xf32, #tpu.memory_space<hbm>>
      tpu.wait_indirect_dma semaphore(%arg19 : memref<!tpu.dma_semaphore, #tpu.memory_space<semaphore_mem>>) src(%dma_wait3A_609 : memref<5120000xf32, #tpu.memory_space<hbm>>) dst(%dma_wait3A_605 : memref<128xf32, #tpu.memory_space<vmem>>)
      %dma_wait3A_610 = arith.constant 2816 : i32
      %dma_wait3A_611 = tpu.memref_slice %arg18[%dma_wait3A_610] : memref<4096xf32, #tpu.memory_space<vmem>> -> memref<128xf32, #tpu.memory_space<vmem>>
      %dma_wait3A_612 = arith.constant 2816 : i32
      %dma_wait3A_613 = tpu.memref_slice %arg15[%dma_wait3A_612] : memref<4096xi32, #tpu.memory_space<vmem>> -> memref<128xi32, #tpu.memory_space<vmem>>
      %dma_wait3A_614 = arith.constant 0 : i32
      %dma_wait3A_615 = tpu.memref_slice %arg3[%dma_wait3A_614] : memref<5120000xf32, #tpu.memory_space<hbm>> -> memref<5120000xf32, #tpu.memory_space<hbm>>
      tpu.wait_indirect_dma semaphore(%arg19 : memref<!tpu.dma_semaphore, #tpu.memory_space<semaphore_mem>>) src(%dma_wait3A_615 : memref<5120000xf32, #tpu.memory_space<hbm>>) dst(%dma_wait3A_611 : memref<128xf32, #tpu.memory_space<vmem>>)
      %dma_wait3A_616 = arith.constant 2944 : i32
      %dma_wait3A_617 = tpu.memref_slice %arg18[%dma_wait3A_616] : memref<4096xf32, #tpu.memory_space<vmem>> -> memref<128xf32, #tpu.memory_space<vmem>>
      %dma_wait3A_618 = arith.constant 2944 : i32
      %dma_wait3A_619 = tpu.memref_slice %arg15[%dma_wait3A_618] : memref<4096xi32, #tpu.memory_space<vmem>> -> memref<128xi32, #tpu.memory_space<vmem>>
      %dma_wait3A_620 = arith.constant 0 : i32
      %dma_wait3A_621 = tpu.memref_slice %arg3[%dma_wait3A_620] : memref<5120000xf32, #tpu.memory_space<hbm>> -> memref<5120000xf32, #tpu.memory_space<hbm>>
      tpu.wait_indirect_dma semaphore(%arg19 : memref<!tpu.dma_semaphore, #tpu.memory_space<semaphore_mem>>) src(%dma_wait3A_621 : memref<5120000xf32, #tpu.memory_space<hbm>>) dst(%dma_wait3A_617 : memref<128xf32, #tpu.memory_space<vmem>>)
      %dma_wait3A_622 = arith.constant 3072 : i32
      %dma_wait3A_623 = tpu.memref_slice %arg18[%dma_wait3A_622] : memref<4096xf32, #tpu.memory_space<vmem>> -> memref<128xf32, #tpu.memory_space<vmem>>
      %dma_wait3A_624 = arith.constant 3072 : i32
      %dma_wait3A_625 = tpu.memref_slice %arg15[%dma_wait3A_624] : memref<4096xi32, #tpu.memory_space<vmem>> -> memref<128xi32, #tpu.memory_space<vmem>>
      %dma_wait3A_626 = arith.constant 0 : i32
      %dma_wait3A_627 = tpu.memref_slice %arg3[%dma_wait3A_626] : memref<5120000xf32, #tpu.memory_space<hbm>> -> memref<5120000xf32, #tpu.memory_space<hbm>>
      tpu.wait_indirect_dma semaphore(%arg19 : memref<!tpu.dma_semaphore, #tpu.memory_space<semaphore_mem>>) src(%dma_wait3A_627 : memref<5120000xf32, #tpu.memory_space<hbm>>) dst(%dma_wait3A_623 : memref<128xf32, #tpu.memory_space<vmem>>)
      %dma_wait3A_628 = arith.constant 3200 : i32
      %dma_wait3A_629 = tpu.memref_slice %arg18[%dma_wait3A_628] : memref<4096xf32, #tpu.memory_space<vmem>> -> memref<128xf32, #tpu.memory_space<vmem>>
      %dma_wait3A_630 = arith.constant 3200 : i32
      %dma_wait3A_631 = tpu.memref_slice %arg15[%dma_wait3A_630] : memref<4096xi32, #tpu.memory_space<vmem>> -> memref<128xi32, #tpu.memory_space<vmem>>
      %dma_wait3A_632 = arith.constant 0 : i32
      %dma_wait3A_633 = tpu.memref_slice %arg3[%dma_wait3A_632] : memref<5120000xf32, #tpu.memory_space<hbm>> -> memref<5120000xf32, #tpu.memory_space<hbm>>
      tpu.wait_indirect_dma semaphore(%arg19 : memref<!tpu.dma_semaphore, #tpu.memory_space<semaphore_mem>>) src(%dma_wait3A_633 : memref<5120000xf32, #tpu.memory_space<hbm>>) dst(%dma_wait3A_629 : memref<128xf32, #tpu.memory_space<vmem>>)
      %dma_wait3A_634 = arith.constant 3328 : i32
      %dma_wait3A_635 = tpu.memref_slice %arg18[%dma_wait3A_634] : memref<4096xf32, #tpu.memory_space<vmem>> -> memref<128xf32, #tpu.memory_space<vmem>>
      %dma_wait3A_636 = arith.constant 3328 : i32
      %dma_wait3A_637 = tpu.memref_slice %arg15[%dma_wait3A_636] : memref<4096xi32, #tpu.memory_space<vmem>> -> memref<128xi32, #tpu.memory_space<vmem>>
      %dma_wait3A_638 = arith.constant 0 : i32
      %dma_wait3A_639 = tpu.memref_slice %arg3[%dma_wait3A_638] : memref<5120000xf32, #tpu.memory_space<hbm>> -> memref<5120000xf32, #tpu.memory_space<hbm>>
      tpu.wait_indirect_dma semaphore(%arg19 : memref<!tpu.dma_semaphore, #tpu.memory_space<semaphore_mem>>) src(%dma_wait3A_639 : memref<5120000xf32, #tpu.memory_space<hbm>>) dst(%dma_wait3A_635 : memref<128xf32, #tpu.memory_space<vmem>>)
      %dma_wait3A_640 = arith.constant 3456 : i32
      %dma_wait3A_641 = tpu.memref_slice %arg18[%dma_wait3A_640] : memref<4096xf32, #tpu.memory_space<vmem>> -> memref<128xf32, #tpu.memory_space<vmem>>
      %dma_wait3A_642 = arith.constant 3456 : i32
      %dma_wait3A_643 = tpu.memref_slice %arg15[%dma_wait3A_642] : memref<4096xi32, #tpu.memory_space<vmem>> -> memref<128xi32, #tpu.memory_space<vmem>>
      %dma_wait3A_644 = arith.constant 0 : i32
      %dma_wait3A_645 = tpu.memref_slice %arg3[%dma_wait3A_644] : memref<5120000xf32, #tpu.memory_space<hbm>> -> memref<5120000xf32, #tpu.memory_space<hbm>>
      tpu.wait_indirect_dma semaphore(%arg19 : memref<!tpu.dma_semaphore, #tpu.memory_space<semaphore_mem>>) src(%dma_wait3A_645 : memref<5120000xf32, #tpu.memory_space<hbm>>) dst(%dma_wait3A_641 : memref<128xf32, #tpu.memory_space<vmem>>)
      %dma_wait3A_646 = arith.constant 3584 : i32
      %dma_wait3A_647 = tpu.memref_slice %arg18[%dma_wait3A_646] : memref<4096xf32, #tpu.memory_space<vmem>> -> memref<128xf32, #tpu.memory_space<vmem>>
      %dma_wait3A_648 = arith.constant 3584 : i32
      %dma_wait3A_649 = tpu.memref_slice %arg15[%dma_wait3A_648] : memref<4096xi32, #tpu.memory_space<vmem>> -> memref<128xi32, #tpu.memory_space<vmem>>
      %dma_wait3A_650 = arith.constant 0 : i32
      %dma_wait3A_651 = tpu.memref_slice %arg3[%dma_wait3A_650] : memref<5120000xf32, #tpu.memory_space<hbm>> -> memref<5120000xf32, #tpu.memory_space<hbm>>
      tpu.wait_indirect_dma semaphore(%arg19 : memref<!tpu.dma_semaphore, #tpu.memory_space<semaphore_mem>>) src(%dma_wait3A_651 : memref<5120000xf32, #tpu.memory_space<hbm>>) dst(%dma_wait3A_647 : memref<128xf32, #tpu.memory_space<vmem>>)
      %dma_wait3A_652 = arith.constant 3712 : i32
      %dma_wait3A_653 = tpu.memref_slice %arg18[%dma_wait3A_652] : memref<4096xf32, #tpu.memory_space<vmem>> -> memref<128xf32, #tpu.memory_space<vmem>>
      %dma_wait3A_654 = arith.constant 3712 : i32
      %dma_wait3A_655 = tpu.memref_slice %arg15[%dma_wait3A_654] : memref<4096xi32, #tpu.memory_space<vmem>> -> memref<128xi32, #tpu.memory_space<vmem>>
      %dma_wait3A_656 = arith.constant 0 : i32
      %dma_wait3A_657 = tpu.memref_slice %arg3[%dma_wait3A_656] : memref<5120000xf32, #tpu.memory_space<hbm>> -> memref<5120000xf32, #tpu.memory_space<hbm>>
      tpu.wait_indirect_dma semaphore(%arg19 : memref<!tpu.dma_semaphore, #tpu.memory_space<semaphore_mem>>) src(%dma_wait3A_657 : memref<5120000xf32, #tpu.memory_space<hbm>>) dst(%dma_wait3A_653 : memref<128xf32, #tpu.memory_space<vmem>>)
      %dma_wait3A_658 = arith.constant 3840 : i32
      %dma_wait3A_659 = tpu.memref_slice %arg18[%dma_wait3A_658] : memref<4096xf32, #tpu.memory_space<vmem>> -> memref<128xf32, #tpu.memory_space<vmem>>
      %dma_wait3A_660 = arith.constant 3840 : i32
      %dma_wait3A_661 = tpu.memref_slice %arg15[%dma_wait3A_660] : memref<4096xi32, #tpu.memory_space<vmem>> -> memref<128xi32, #tpu.memory_space<vmem>>
      %dma_wait3A_662 = arith.constant 0 : i32
      %dma_wait3A_663 = tpu.memref_slice %arg3[%dma_wait3A_662] : memref<5120000xf32, #tpu.memory_space<hbm>> -> memref<5120000xf32, #tpu.memory_space<hbm>>
      tpu.wait_indirect_dma semaphore(%arg19 : memref<!tpu.dma_semaphore, #tpu.memory_space<semaphore_mem>>) src(%dma_wait3A_663 : memref<5120000xf32, #tpu.memory_space<hbm>>) dst(%dma_wait3A_659 : memref<128xf32, #tpu.memory_space<vmem>>)
      %dma_wait3A_664 = arith.constant 3968 : i32
      %dma_wait3A_665 = tpu.memref_slice %arg18[%dma_wait3A_664] : memref<4096xf32, #tpu.memory_space<vmem>> -> memref<128xf32, #tpu.memory_space<vmem>>
      %dma_wait3A_666 = arith.constant 3968 : i32
      %dma_wait3A_667 = tpu.memref_slice %arg15[%dma_wait3A_666] : memref<4096xi32, #tpu.memory_space<vmem>> -> memref<128xi32, #tpu.memory_space<vmem>>
      %dma_wait3A_668 = arith.constant 0 : i32
      %dma_wait3A_669 = tpu.memref_slice %arg3[%dma_wait3A_668] : memref<5120000xf32, #tpu.memory_space<hbm>> -> memref<5120000xf32, #tpu.memory_space<hbm>>
      tpu.wait_indirect_dma semaphore(%arg19 : memref<!tpu.dma_semaphore, #tpu.memory_space<semaphore_mem>>) src(%dma_wait3A_669 : memref<5120000xf32, #tpu.memory_space<hbm>>) dst(%dma_wait3A_665 : memref<128xf32, #tpu.memory_space<vmem>>)
      %run_scoped3A = arith.constant 0 : i32
      "tpu.region"() ({
        %run_scoped3A_674 = tpu.sem_alloc : memref<!tpu.dma_semaphore, #tpu.memory_space<semaphore_mem>>
        %dma_start3A_675 = arith.constant 0 : i32
        %dma_start3A_676 = tpu.memref_slice %arg18[%dma_start3A_675] : memref<4096xf32, #tpu.memory_space<vmem>> -> memref<1000xf32, #tpu.memory_space<vmem>>
        %dma_start3A_677 = arith.constant 0 : i32
        %dma_start3A_678 = tpu.memref_slice %arg4[%add3A_14, %run_scoped3A, %dma_start3A_677] : memref<64x4x1000xf32, #tpu.memory_space<hbm>> -> memref<1x1x1000xf32, #tpu.memory_space<hbm>>
        %dma_start3A_679 = tpu.memref_squeeze %dma_start3A_678 : memref<1x1x1000xf32, #tpu.memory_space<hbm>> -> memref<1000xf32, #tpu.memory_space<hbm>>
        %dma_start3A_680 = arith.constant 0 : i32
        %dma_start3A_681 = tpu.memref_slice %arg4[%add3A_14, %run_scoped3A, %dma_start3A_680] : memref<64x4x1000xf32, #tpu.memory_space<hbm>> -> memref<1x1x1000xf32, #tpu.memory_space<hbm>>
        %dma_start3A_682 = tpu.memref_squeeze %dma_start3A_681 : memref<1x1x1000xf32, #tpu.memory_space<hbm>> -> memref<1000xf32, #tpu.memory_space<hbm>>
        %dma_start3A_683 = arith.constant 0 : i32
        %dma_start3A_684 = tpu.memref_slice %arg18[%dma_start3A_683] : memref<4096xf32, #tpu.memory_space<vmem>> -> memref<1000xf32, #tpu.memory_space<vmem>>
        tpu.enqueue_dma source(%dma_start3A_684 : memref<1000xf32, #tpu.memory_space<vmem>>) target(%dma_start3A_682 : memref<1000xf32, #tpu.memory_space<hbm>>) target_semaphore(%run_scoped3A_674 : memref<!tpu.dma_semaphore, #tpu.memory_space<semaphore_mem>>)
        %dma_wait3A_685 = arith.constant 0 : i32
        %dma_wait3A_686 = tpu.memref_slice %arg18[%dma_wait3A_685] : memref<4096xf32, #tpu.memory_space<vmem>> -> memref<1000xf32, #tpu.memory_space<vmem>>
        %dma_wait3A_687 = arith.constant 0 : i32
        %dma_wait3A_688 = tpu.memref_slice %arg4[%add3A_14, %run_scoped3A, %dma_wait3A_687] : memref<64x4x1000xf32, #tpu.memory_space<hbm>> -> memref<1x1x1000xf32, #tpu.memory_space<hbm>>
        %dma_wait3A_689 = tpu.memref_squeeze %dma_wait3A_688 : memref<1x1x1000xf32, #tpu.memory_space<hbm>> -> memref<1000xf32, #tpu.memory_space<hbm>>
        %dma_wait3A_690 = arith.constant 0 : i32
        %dma_wait3A_691 = tpu.memref_slice %arg4[%add3A_14, %run_scoped3A, %dma_wait3A_690] : memref<64x4x1000xf32, #tpu.memory_space<hbm>> -> memref<1x1x1000xf32, #tpu.memory_space<hbm>>
        %dma_wait3A_692 = tpu.memref_squeeze %dma_wait3A_691 : memref<1x1x1000xf32, #tpu.memory_space<hbm>> -> memref<1000xf32, #tpu.memory_space<hbm>>
        %dma_wait3A_693 = arith.constant 0 : i32
        %dma_wait3A_694 = tpu.memref_slice %arg18[%dma_wait3A_693] : memref<4096xf32, #tpu.memory_space<vmem>> -> memref<1000xf32, #tpu.memory_space<vmem>>
        tpu.wait_dma2 semaphore(%run_scoped3A_674 : memref<!tpu.dma_semaphore, #tpu.memory_space<semaphore_mem>>) src(%dma_wait3A_694 : memref<1000xf32, #tpu.memory_space<vmem>>) dst(%dma_wait3A_692 : memref<1000xf32, #tpu.memory_space<hbm>>)
        tpu.yield
      }) : () -> ()
      %run_scoped3A_670 = arith.constant 1 : i32
      "tpu.region"() ({
        %run_scoped3A_674 = tpu.sem_alloc : memref<!tpu.dma_semaphore, #tpu.memory_space<semaphore_mem>>
        %dma_start3A_675 = arith.constant 1024 : i32
        %dma_start3A_676 = tpu.memref_slice %arg18[%dma_start3A_675] : memref<4096xf32, #tpu.memory_space<vmem>> -> memref<1000xf32, #tpu.memory_space<vmem>>
        %dma_start3A_677 = arith.constant 0 : i32
        %dma_start3A_678 = tpu.memref_slice %arg4[%add3A_14, %run_scoped3A_670, %dma_start3A_677] : memref<64x4x1000xf32, #tpu.memory_space<hbm>> -> memref<1x1x1000xf32, #tpu.memory_space<hbm>>
        %dma_start3A_679 = tpu.memref_squeeze %dma_start3A_678 : memref<1x1x1000xf32, #tpu.memory_space<hbm>> -> memref<1000xf32, #tpu.memory_space<hbm>>
        %dma_start3A_680 = arith.constant 0 : i32
        %dma_start3A_681 = tpu.memref_slice %arg4[%add3A_14, %run_scoped3A_670, %dma_start3A_680] : memref<64x4x1000xf32, #tpu.memory_space<hbm>> -> memref<1x1x1000xf32, #tpu.memory_space<hbm>>
        %dma_start3A_682 = tpu.memref_squeeze %dma_start3A_681 : memref<1x1x1000xf32, #tpu.memory_space<hbm>> -> memref<1000xf32, #tpu.memory_space<hbm>>
        %dma_start3A_683 = arith.constant 1024 : i32
        %dma_start3A_684 = tpu.memref_slice %arg18[%dma_start3A_683] : memref<4096xf32, #tpu.memory_space<vmem>> -> memref<1000xf32, #tpu.memory_space<vmem>>
        tpu.enqueue_dma source(%dma_start3A_684 : memref<1000xf32, #tpu.memory_space<vmem>>) target(%dma_start3A_682 : memref<1000xf32, #tpu.memory_space<hbm>>) target_semaphore(%run_scoped3A_674 : memref<!tpu.dma_semaphore, #tpu.memory_space<semaphore_mem>>)
        %dma_wait3A_685 = arith.constant 1024 : i32
        %dma_wait3A_686 = tpu.memref_slice %arg18[%dma_wait3A_685] : memref<4096xf32, #tpu.memory_space<vmem>> -> memref<1000xf32, #tpu.memory_space<vmem>>
        %dma_wait3A_687 = arith.constant 0 : i32
        %dma_wait3A_688 = tpu.memref_slice %arg4[%add3A_14, %run_scoped3A_670, %dma_wait3A_687] : memref<64x4x1000xf32, #tpu.memory_space<hbm>> -> memref<1x1x1000xf32, #tpu.memory_space<hbm>>
        %dma_wait3A_689 = tpu.memref_squeeze %dma_wait3A_688 : memref<1x1x1000xf32, #tpu.memory_space<hbm>> -> memref<1000xf32, #tpu.memory_space<hbm>>
        %dma_wait3A_690 = arith.constant 0 : i32
        %dma_wait3A_691 = tpu.memref_slice %arg4[%add3A_14, %run_scoped3A_670, %dma_wait3A_690] : memref<64x4x1000xf32, #tpu.memory_space<hbm>> -> memref<1x1x1000xf32, #tpu.memory_space<hbm>>
        %dma_wait3A_692 = tpu.memref_squeeze %dma_wait3A_691 : memref<1x1x1000xf32, #tpu.memory_space<hbm>> -> memref<1000xf32, #tpu.memory_space<hbm>>
        %dma_wait3A_693 = arith.constant 1024 : i32
        %dma_wait3A_694 = tpu.memref_slice %arg18[%dma_wait3A_693] : memref<4096xf32, #tpu.memory_space<vmem>> -> memref<1000xf32, #tpu.memory_space<vmem>>
        tpu.wait_dma2 semaphore(%run_scoped3A_674 : memref<!tpu.dma_semaphore, #tpu.memory_space<semaphore_mem>>) src(%dma_wait3A_694 : memref<1000xf32, #tpu.memory_space<vmem>>) dst(%dma_wait3A_692 : memref<1000xf32, #tpu.memory_space<hbm>>)
        tpu.yield
      }) : () -> ()
      %run_scoped3A_671 = arith.constant 2 : i32
      "tpu.region"() ({
        %run_scoped3A_674 = tpu.sem_alloc : memref<!tpu.dma_semaphore, #tpu.memory_space<semaphore_mem>>
        %dma_start3A_675 = arith.constant 2048 : i32
        %dma_start3A_676 = tpu.memref_slice %arg18[%dma_start3A_675] : memref<4096xf32, #tpu.memory_space<vmem>> -> memref<1000xf32, #tpu.memory_space<vmem>>
        %dma_start3A_677 = arith.constant 0 : i32
        %dma_start3A_678 = tpu.memref_slice %arg4[%add3A_14, %run_scoped3A_671, %dma_start3A_677] : memref<64x4x1000xf32, #tpu.memory_space<hbm>> -> memref<1x1x1000xf32, #tpu.memory_space<hbm>>
        %dma_start3A_679 = tpu.memref_squeeze %dma_start3A_678 : memref<1x1x1000xf32, #tpu.memory_space<hbm>> -> memref<1000xf32, #tpu.memory_space<hbm>>
        %dma_start3A_680 = arith.constant 0 : i32
        %dma_start3A_681 = tpu.memref_slice %arg4[%add3A_14, %run_scoped3A_671, %dma_start3A_680] : memref<64x4x1000xf32, #tpu.memory_space<hbm>> -> memref<1x1x1000xf32, #tpu.memory_space<hbm>>
        %dma_start3A_682 = tpu.memref_squeeze %dma_start3A_681 : memref<1x1x1000xf32, #tpu.memory_space<hbm>> -> memref<1000xf32, #tpu.memory_space<hbm>>
        %dma_start3A_683 = arith.constant 2048 : i32
        %dma_start3A_684 = tpu.memref_slice %arg18[%dma_start3A_683] : memref<4096xf32, #tpu.memory_space<vmem>> -> memref<1000xf32, #tpu.memory_space<vmem>>
        tpu.enqueue_dma source(%dma_start3A_684 : memref<1000xf32, #tpu.memory_space<vmem>>) target(%dma_start3A_682 : memref<1000xf32, #tpu.memory_space<hbm>>) target_semaphore(%run_scoped3A_674 : memref<!tpu.dma_semaphore, #tpu.memory_space<semaphore_mem>>)
        %dma_wait3A_685 = arith.constant 2048 : i32
        %dma_wait3A_686 = tpu.memref_slice %arg18[%dma_wait3A_685] : memref<4096xf32, #tpu.memory_space<vmem>> -> memref<1000xf32, #tpu.memory_space<vmem>>
        %dma_wait3A_687 = arith.constant 0 : i32
        %dma_wait3A_688 = tpu.memref_slice %arg4[%add3A_14, %run_scoped3A_671, %dma_wait3A_687] : memref<64x4x1000xf32, #tpu.memory_space<hbm>> -> memref<1x1x1000xf32, #tpu.memory_space<hbm>>
        %dma_wait3A_689 = tpu.memref_squeeze %dma_wait3A_688 : memref<1x1x1000xf32, #tpu.memory_space<hbm>> -> memref<1000xf32, #tpu.memory_space<hbm>>
        %dma_wait3A_690 = arith.constant 0 : i32
        %dma_wait3A_691 = tpu.memref_slice %arg4[%add3A_14, %run_scoped3A_671, %dma_wait3A_690] : memref<64x4x1000xf32, #tpu.memory_space<hbm>> -> memref<1x1x1000xf32, #tpu.memory_space<hbm>>
        %dma_wait3A_692 = tpu.memref_squeeze %dma_wait3A_691 : memref<1x1x1000xf32, #tpu.memory_space<hbm>> -> memref<1000xf32, #tpu.memory_space<hbm>>
        %dma_wait3A_693 = arith.constant 2048 : i32
        %dma_wait3A_694 = tpu.memref_slice %arg18[%dma_wait3A_693] : memref<4096xf32, #tpu.memory_space<vmem>> -> memref<1000xf32, #tpu.memory_space<vmem>>
        tpu.wait_dma2 semaphore(%run_scoped3A_674 : memref<!tpu.dma_semaphore, #tpu.memory_space<semaphore_mem>>) src(%dma_wait3A_694 : memref<1000xf32, #tpu.memory_space<vmem>>) dst(%dma_wait3A_692 : memref<1000xf32, #tpu.memory_space<hbm>>)
        tpu.yield
      }) : () -> ()
      %run_scoped3A_672 = arith.constant 3 : i32
      "tpu.region"() ({
        %run_scoped3A_674 = tpu.sem_alloc : memref<!tpu.dma_semaphore, #tpu.memory_space<semaphore_mem>>
        %dma_start3A_675 = arith.constant 3072 : i32
        %dma_start3A_676 = tpu.memref_slice %arg18[%dma_start3A_675] : memref<4096xf32, #tpu.memory_space<vmem>> -> memref<1000xf32, #tpu.memory_space<vmem>>
        %dma_start3A_677 = arith.constant 0 : i32
        %dma_start3A_678 = tpu.memref_slice %arg4[%add3A_14, %run_scoped3A_672, %dma_start3A_677] : memref<64x4x1000xf32, #tpu.memory_space<hbm>> -> memref<1x1x1000xf32, #tpu.memory_space<hbm>>
        %dma_start3A_679 = tpu.memref_squeeze %dma_start3A_678 : memref<1x1x1000xf32, #tpu.memory_space<hbm>> -> memref<1000xf32, #tpu.memory_space<hbm>>
        %dma_start3A_680 = arith.constant 0 : i32
        %dma_start3A_681 = tpu.memref_slice %arg4[%add3A_14, %run_scoped3A_672, %dma_start3A_680] : memref<64x4x1000xf32, #tpu.memory_space<hbm>> -> memref<1x1x1000xf32, #tpu.memory_space<hbm>>
        %dma_start3A_682 = tpu.memref_squeeze %dma_start3A_681 : memref<1x1x1000xf32, #tpu.memory_space<hbm>> -> memref<1000xf32, #tpu.memory_space<hbm>>
        %dma_start3A_683 = arith.constant 3072 : i32
        %dma_start3A_684 = tpu.memref_slice %arg18[%dma_start3A_683] : memref<4096xf32, #tpu.memory_space<vmem>> -> memref<1000xf32, #tpu.memory_space<vmem>>
        tpu.enqueue_dma source(%dma_start3A_684 : memref<1000xf32, #tpu.memory_space<vmem>>) target(%dma_start3A_682 : memref<1000xf32, #tpu.memory_space<hbm>>) target_semaphore(%run_scoped3A_674 : memref<!tpu.dma_semaphore, #tpu.memory_space<semaphore_mem>>)
        %dma_wait3A_685 = arith.constant 3072 : i32
        %dma_wait3A_686 = tpu.memref_slice %arg18[%dma_wait3A_685] : memref<4096xf32, #tpu.memory_space<vmem>> -> memref<1000xf32, #tpu.memory_space<vmem>>
        %dma_wait3A_687 = arith.constant 0 : i32
        %dma_wait3A_688 = tpu.memref_slice %arg4[%add3A_14, %run_scoped3A_672, %dma_wait3A_687] : memref<64x4x1000xf32, #tpu.memory_space<hbm>> -> memref<1x1x1000xf32, #tpu.memory_space<hbm>>
        %dma_wait3A_689 = tpu.memref_squeeze %dma_wait3A_688 : memref<1x1x1000xf32, #tpu.memory_space<hbm>> -> memref<1000xf32, #tpu.memory_space<hbm>>
        %dma_wait3A_690 = arith.constant 0 : i32
        %dma_wait3A_691 = tpu.memref_slice %arg4[%add3A_14, %run_scoped3A_672, %dma_wait3A_690] : memref<64x4x1000xf32, #tpu.memory_space<hbm>> -> memref<1x1x1000xf32, #tpu.memory_space<hbm>>
        %dma_wait3A_692 = tpu.memref_squeeze %dma_wait3A_691 : memref<1x1x1000xf32, #tpu.memory_space<hbm>> -> memref<1000xf32, #tpu.memory_space<hbm>>
        %dma_wait3A_693 = arith.constant 3072 : i32
        %dma_wait3A_694 = tpu.memref_slice %arg18[%dma_wait3A_693] : memref<4096xf32, #tpu.memory_space<vmem>> -> memref<1000xf32, #tpu.memory_space<vmem>>
        tpu.wait_dma2 semaphore(%run_scoped3A_674 : memref<!tpu.dma_semaphore, #tpu.memory_space<semaphore_mem>>) src(%dma_wait3A_694 : memref<1000xf32, #tpu.memory_space<vmem>>) dst(%dma_wait3A_692 : memref<1000xf32, #tpu.memory_space<hbm>>)
        tpu.yield
      }) : () -> ()
      "tpu.region"() ({
        %run_scoped3A_674 = tpu.sem_alloc : memref<!tpu.dma_semaphore, #tpu.memory_space<semaphore_mem>>
        %dma_start3A_675 = arith.constant 0 : i32
        %dma_start3A_676 = tpu.memref_slice %arg16[%dma_start3A_675] : memref<1024xi32, #tpu.memory_space<vmem>> -> memref<1000xi32, #tpu.memory_space<vmem>>
        %dma_start3A_677 = arith.constant 0 : i32
        %dma_start3A_678 = tpu.memref_slice %arg5[%add3A_14, %dma_start3A_677] : memref<64x1000xi32, #tpu.memory_space<hbm>> -> memref<1x1000xi32, #tpu.memory_space<hbm>>
        %dma_start3A_679 = tpu.memref_squeeze %dma_start3A_678 : memref<1x1000xi32, #tpu.memory_space<hbm>> -> memref<1000xi32, #tpu.memory_space<hbm>>
        %dma_start3A_680 = arith.constant 0 : i32
        %dma_start3A_681 = tpu.memref_slice %arg5[%add3A_14, %dma_start3A_680] : memref<64x1000xi32, #tpu.memory_space<hbm>> -> memref<1x1000xi32, #tpu.memory_space<hbm>>
        %dma_start3A_682 = tpu.memref_squeeze %dma_start3A_681 : memref<1x1000xi32, #tpu.memory_space<hbm>> -> memref<1000xi32, #tpu.memory_space<hbm>>
        %dma_start3A_683 = arith.constant 0 : i32
        %dma_start3A_684 = tpu.memref_slice %arg16[%dma_start3A_683] : memref<1024xi32, #tpu.memory_space<vmem>> -> memref<1000xi32, #tpu.memory_space<vmem>>
        tpu.enqueue_dma source(%dma_start3A_684 : memref<1000xi32, #tpu.memory_space<vmem>>) target(%dma_start3A_682 : memref<1000xi32, #tpu.memory_space<hbm>>) target_semaphore(%run_scoped3A_674 : memref<!tpu.dma_semaphore, #tpu.memory_space<semaphore_mem>>)
        %dma_wait3A_685 = arith.constant 0 : i32
        %dma_wait3A_686 = tpu.memref_slice %arg16[%dma_wait3A_685] : memref<1024xi32, #tpu.memory_space<vmem>> -> memref<1000xi32, #tpu.memory_space<vmem>>
        %dma_wait3A_687 = arith.constant 0 : i32
        %dma_wait3A_688 = tpu.memref_slice %arg5[%add3A_14, %dma_wait3A_687] : memref<64x1000xi32, #tpu.memory_space<hbm>> -> memref<1x1000xi32, #tpu.memory_space<hbm>>
        %dma_wait3A_689 = tpu.memref_squeeze %dma_wait3A_688 : memref<1x1000xi32, #tpu.memory_space<hbm>> -> memref<1000xi32, #tpu.memory_space<hbm>>
        %dma_wait3A_690 = arith.constant 0 : i32
        %dma_wait3A_691 = tpu.memref_slice %arg5[%add3A_14, %dma_wait3A_690] : memref<64x1000xi32, #tpu.memory_space<hbm>> -> memref<1x1000xi32, #tpu.memory_space<hbm>>
        %dma_wait3A_692 = tpu.memref_squeeze %dma_wait3A_691 : memref<1x1000xi32, #tpu.memory_space<hbm>> -> memref<1000xi32, #tpu.memory_space<hbm>>
        %dma_wait3A_693 = arith.constant 0 : i32
        %dma_wait3A_694 = tpu.memref_slice %arg16[%dma_wait3A_693] : memref<1024xi32, #tpu.memory_space<vmem>> -> memref<1000xi32, #tpu.memory_space<vmem>>
        tpu.wait_dma2 semaphore(%run_scoped3A_674 : memref<!tpu.dma_semaphore, #tpu.memory_space<semaphore_mem>>) src(%dma_wait3A_694 : memref<1000xi32, #tpu.memory_space<vmem>>) dst(%dma_wait3A_692 : memref<1000xi32, #tpu.memory_space<hbm>>)
        tpu.yield
      }) : () -> ()
      %scan3A_673 = arith.constant 0 : i32
      scf.yield %scan3A_673 : i32
    }
    %scan3A_9 = arith.constant 2 : i32
    return
  }
}

</mosaic_0001>

<sc_bundles>
// kernel: kernel.3.cloned.1.call-start
scs
__scs_entry_jumppad:
0x0: {  	(pc) =	sbr.rel $0x88, $3  }
0x1: {  	(tag) =	ssettag $0x0;
	lr =	simm.s32 $0x1  }
0x2: {  	[smem:$0x3F9F] =	sst lr;
	_ =	strace $0xD0000000  }
0x3: {  	_ = 	snop  }
0x4: {  	_ = 	snop  }
0x5: {  	_ = 	snop  }
0x6: {  	_ = 	snop  }
0x7: {  	_ = 	snop  }
__scs_overlays_trampoline_lowered:
0x8: {  	[smem:$0x3FAE] =	sst s0  }
0x9: {  	[smem:$0x3FAF] =	sst s1  }
0xa: {  	[smem:$0x3FB0] =	sst s2  }
0xb: {  	[smem:$0x3FB1] =	sst s3  }
0xc: {  	[smem:$0x3FB2] =	sst s4  }
0xd: {  	[smem:$0x3FB3] =	sst s5  }
0xe: {  	[smem:$0x3FB4] =	sst s6  }
0xf: {  	[smem:$0x3FB5] =	sst s7  }
0x10: {  	[smem:$0x3FB6] =	sst s8  }
0x11: {  	[smem:$0x3FB7] =	sst s9;
	s0 =	simm.s32 @!p0 $0x0  }
0x12: {  	s1 =	sld [smem:$0x3F9D];
	s0 =	simm.s32 @p0 $0x1  }
0x13: {  	[smem:$0x3FB8] =	sst s0;
	s0 =	simm.s32 @!p1 $0x0  }
0x14: {  	s2 =	sld [smem:$0x3F9C];
	s0 =	simm.s32 @p1 $0x1  }
0x15: {  	[smem:$0x3FB9] =	sst s0;
	s0 =	simm.s32 @!p2 $0x0  }
0x16: {  	s3 =	sld [smem:$0x3FDB];
	s0 =	simm.s32 @p2 $0x1  }
0x17: {  	s4 =	simm.s32 $0x1BF5;
	[smem:$0x3FBB] =	sst s0  }
0x18: {  	s0 =	sld [smem:$0x3F9E];
	_ =	swait.ge [sflag:s4], $0x0  }
0x19: {  	s7 =	sld [smem:$0x3F9F]  }
0x1a: {  	s8 =	sadd.s32 $0xFFFFE003, lr  }
0x1b: {  	s9 =	sadd.s32 $0xFFFFFEF7, lr;
	s5 =	simm.s32 $0xFFFFFFFF;
	p2 =	slt.u32 s8, $0xFFFFF086  }
0x1c: {  	p1 =	slt.u32 s9, $0xF7A;
	s5 =	simm.s32 @!p2 $0x0  }
0x1d: {  	s5 =	simm.s32 @p1 $0x1;
	p0 =	seq.s32 s7, s2  }
0x1e: {  	s7 =	smul.u32 @!p0 $0xF7A, s2;
	p2 =	seq.s32 @!p0 s5, $0x0  }
0x1f: {  	s9 =	smul.u32 $0xF7A, s1;
	s8 =	simm.s32 @!p0 $0x1BF5;
	p2 =	por !p2, p0  }
0x20: {  	[sflag:s8] =	ssyncset.s32 @!p0 $0xFFFFF086;
	s6 =	sadd.s32 @!p0 s3, s7;
	s7 =	simm.s32 @!p0 $0x108  }
0x21: {  	s3 =	sadd.s32 s3, s9;
	s6 =	sadd.s32 @!p0 $0x88, s6;
	s7 =	simm.s32 @p2 $0x1082  }
0x22: {  	[simem:s7], [sflag:s8] =	dma.local @!p0 [hbm:s6], $0xF7A  }
0x23: {  	s9 =	sor.u32 $0xD0000000, s2;
	s6 =	simm.s32 $0x108;
	_ =	swait.ge @!p0 [sflag:s8], $0x0  }
0x24: {  	s3 =	sadd.s32 $0x88, s3;
	s6 =	simm.s32 @!p1 $0x1082;
	[sflag:s4] =	ssyncset.s32 $0xFFFFF086  }
0x25: {  	[simem:s6], [sflag:s4] =	dma.local [hbm:s3], $0xF7A  }
0x26: {  	[smem:$0x3F9F] =	sst s1;
	(tag) =	ssettag s2;
	_ =	strace s9  }
0x27: {  	s1 =	sld [smem:$0x3FAF]  }
0x28: {  	s2 =	sld [smem:$0x3FB0]  }
0x29: {  	s4 =	sld [smem:$0x3FB2]  }
0x2a: {  	p0 =	seq.s32 s5, $0x0;
	s5 =	sld [smem:$0x3FB3]  }
0x2b: {  	s6 =	sld [smem:$0x3FB4]  }
0x2c: {  	s7 =	sld [smem:$0x3FB5]  }
0x2d: {  	s3 =	simm.s32 $0x108;
	s8 =	sld [smem:$0x3FB6]  }
0x2e: {  	s3 =	simm.s32 @!p0 $0x1082;
	s9 =	sld [smem:$0x3FB7]  }
0x2f: {  	lr =	sadd.s32 s0, s3;
	s0 =	sld [smem:$0x3FAE]  }
0x30: {  	s3 =	sld [smem:$0x3FB1]  }
0x31: {  	[smem:$0x3FBA] =	sst s10  }
0x32: {  	s10 =	sld [smem:$0x3FB8];
	_ =	sdelay $0x3  }
0x33: {  	p0 =	seq.s32 s10, $0x1;
	s10 =	sld [smem:$0x3FBA];
	_ =	sdelay $0x3  }
0x34: {  	[smem:$0x3FBA] =	sst s10  }
0x35: {  	s10 =	sld [smem:$0x3FB9];
	_ =	sdelay $0x3  }
0x36: {  	p1 =	seq.s32 s10, $0x1;
	s10 =	sld [smem:$0x3FBA];
	_ =	sdelay $0x3  }
0x37: {  	[smem:$0x3FBA] =	sst s10  }
0x38: {  	s10 =	sld [smem:$0x3FBB]  }
0x39: {  	_ = 	snop;
	(pc) =	sbr.ind lr, $3  }
0x3a: {  	_ = 	snop  }
0x3b: {  	_ = 	snop  }
0x3c: {  	p2 =	seq.s32 s10, $0x1;
	s10 =	sld [smem:$0x3FBA]  }
0x3d: {  	_ =	shalt  }
0x3e: {  	_ =	shalt  }
0x3f: {  	_ =	shalt  }
0x40: {  	_ =	shalt  }
0x41: {  	_ =	shalt  }
0x42: {  	_ =	shalt  }
0x43: {  	_ =	shalt  }
0x44: {  	_ =	shalt  }
0x45: {  	_ =	shalt  }
0x46: {  	_ =	shalt  }
0x47: {  	_ =	shalt  }
0x48: {  	_ =	shalt  }
0x49: {  	_ =	shalt  }
0x4a: {  	_ =	shalt  }
0x4b: {  	_ =	shalt  }
0x4c: {  	_ =	shalt  }
0x4d: {  	_ =	shalt  }
0x4e: {  	_ =	shalt  }
0x4f: {  	_ =	shalt  }
0x50: {  	_ =	shalt  }
0x51: {  	_ =	shalt  }
0x52: {  	_ =	shalt  }
0x53: {  	_ =	shalt  }
0x54: {  	_ =	shalt  }
0x55: {  	_ =	shalt  }
0x56: {  	_ =	shalt  }
0x57: {  	_ =	shalt  }
0x58: {  	_ =	shalt  }
0x59: {  	_ =	shalt  }
0x5a: {  	_ =	shalt  }
0x5b: {  	_ =	shalt  }
0x5c: {  	_ =	shalt  }
0x5d: {  	_ =	shalt  }
0x5e: {  	_ =	shalt  }
0x5f: {  	_ =	shalt  }
0x60: {  	_ =	shalt  }
0x61: {  	_ =	shalt  }
0x62: {  	_ =	shalt  }
0x63: {  	_ =	shalt  }
0x64: {  	_ =	shalt  }
0x65: {  	_ =	shalt  }
0x66: {  	_ =	shalt  }
0x67: {  	_ =	shalt  }
0x68: {  	_ =	shalt  }
0x69: {  	_ =	shalt  }
0x6a: {  	_ =	shalt  }
0x6b: {  	_ =	shalt  }
0x6c: {  	_ =	shalt  }
0x6d: {  	_ =	shalt  }
0x6e: {  	_ =	shalt  }
0x6f: {  	_ =	shalt  }
0x70: {  	_ =	shalt  }
0x71: {  	_ =	shalt  }
0x72: {  	_ =	shalt  }
0x73: {  	_ =	shalt  }
0x74: {  	_ =	shalt  }
0x75: {  	_ =	shalt  }
0x76: {  	_ =	shalt  }
0x77: {  	_ =	shalt  }
0x78: {  	_ =	shalt  }
0x79: {  	_ =	shalt  }
0x7a: {  	_ =	shalt  }
0x7b: {  	_ =	shalt  }
0x7c: {  	_ =	shalt  }
0x7d: {  	_ =	shalt  }
0x7e: {  	_ =	shalt  }
0x7f: {  	_ =	shalt  }
0x80: {  	_ =	shalt  }
0x81: {  	_ =	shalt  }
0x82: {  	_ =	shalt  }
0x83: {  	_ =	shalt  }
0x84: {  	_ =	shalt  }
0x85: {  	_ =	shalt  }
0x86: {  	_ =	shalt  }
0x87: {  	_ =	shalt  }
.Lfunc_end0:
.L_simem_size_0:
called_computation_lowered:
.L_overlay_start_0:
0x88: {  	s2 =	sld [smem:$0x3FD9]  }
0x89: {  	s3 =	sld [smem:$0x3FFE];
	_ =	sdelay $0x1  }
0x8a: {  	s1 =	srdreg.scid  }
0x8b: {  	s0 =	sand.u32 $0x1, s1  }
0x8c: {  	s14 =	sshll.u32 s0, $0xA;
	s2 =	sadd.s32 s3, s2  }
0x8d: {  	s2 =	sadd.s32 s2, s14  }
0x8e: {  	[smem:$0x3FC6] =	sst s2  }
0x8f: {  	_ = 	snop  }
0x90: {  	s2 =	sld [smem:$0x3FD0];
	_ =	sdelay $0x2  }
0x91: {  	s15 =	simm.s32 $0xA;
	s4 =	simm.s32 $0x10  }
0x92: {  	[smem:s4], [sflag:s15] =	dma.local [hbm:s2], $0x1  }
0x93: {  	_ =	swait.eq [sflag:s15], $0x1  }
0x94: {  	[sflag:s15] =	ssyncset.done $0x0  }
0x95: {  	[sflag:s15] =	ssyncadd.s32 $0xFFFFFFFF  }
0x96: {  	s16 =	sld [smem:$0x11];
	(tm) =	ssettm $0x1  }
0x97: {  	s17 =	sld [smem:$0x3FFB];
	_ =	sdelay $0x3  }
0x98: {  	_ =	strace s17  }
0x99: {  	s3 =	sld [smem:$0x3FFC];
	_ =	sdelay $0x3  }
0x9a: {  	_ =	strace s3  }
0x9b: {  	s3 =	sld [smem:$0x3FFD];
	_ =	sdelay $0x3  }
0x9c: {  	_ =	strace s3  }
0x9d: {  	_ =	strace $0x8FFFFFFF  }
0x9e: {  	s18 =	sld [smem:$0x3FDB];
	_ =	sdelay $0x1  }
0x9f: {  	s19 =	simm.s32 $_scs_section_size  }
0xa0: {  	s5 =	simm.s32 $_size__tile_overlayer_lowered;
	s6 =	simm.s32 $_tile_overlayer_lowered  }
0xa1: {  	s22 =	simm.s32 $0x1BFF;
	s21 =	sshll.u32 s6, $0x1;
	s3 =	sadd.s32 s19, s18  }
0xa2: {  	s7 =	simm.s32 $0x0;
	s20 =	sshll.u32 s5, $0x1;
	s5 =	sadd.s32 s21, s3  }
0xa3: {  	[timem:s7], [sflag:s22] =	dma.local [hbm:s5], s20  }
0xa4: {  	_ =	swait.ge [sflag:s22], s20  }
0xa5: {  	s4 =	ssub.s32 $0x0, s20;
	[sflag:s22] =	ssyncset.done $0x0  }
0xa6: {  	[sflag:s22] =	ssyncadd.s32 s4;
	_ =	sdelay $0x1  }
0xa7: {  	s23 =	simm.s32 $0x1B8B  }
0xa8: {  	_ =	swait.ge [sflag:s23], $0x1  }
0xa9: {  	[sflag:s23] =	ssyncset.done $0x0  }
0xaa: {  	s25 =	simm.s32 $0x1B8E;
	s24 =	sld [smem:$0x3FFE];
	[sflag:s23] =	ssyncadd.s32 $0xFFFFFFFF  }
0xab: {  	s26 =	simm.s32 $execute0_lowered;
	[smem:$0x3FD2] =	sst s25  }
0xac: {  	s5 =	sshll.u32 s26, $0x1;
	_ =	strace $0x80000046;
	[dreg:$0x1] =	wrdreg $0xFFFFFFFF  }
0xad: {  	s28 =	simm.s32 $_size_execute0_lowered;
	s3 =	sadd.s32 s3, s5;
	[dreg:$0x0] =	wrdreg $0x0  }
0xae: {  	s5 =	sshll.u32 s28, $0x1;
	[dreg:$0x2] =	wrdreg s3  }
0xaf: {  	[dreg:$0x3] =	wrdreg s5  }
0xb0: {  	[dreg:$0x4] =	wrdreg $0xC0  }
0xb1: {  	_ =	task [dreg:s7], $0x5FFFF  }
0xb2: {  	[dreg:$0x1] =	wrdreg $0xFFFFFFFF  }
0xb3: {  	[dreg:$0x0] =	wrdreg $0x60  }
0xb4: {  	[dreg:$0x2] =	wrdreg s24  }
0xb5: {  	[dreg:$0x3] =	wrdreg s16  }
0xb6: {  	[dreg:$0x4] =	wrdreg $0x9  }
0xb7: {  	_ =	task.clear_ibuf [dreg:s7], $0x5FFFF;
	_ =	strace $0x90000046  }
0xb8: {  	s29 =	simm.s32 $0x9;
	_ =	strace $0x80000048  }
0xb9: {  	_ =	swait.ge [sflag:s29], $0x1  }
0xba: {  	[sflag:s29] =	ssyncadd.s32 $0xFFFFFFFF  }
0xbb: {  	_ =	strace $0x90000048  }
0xbc: {  	_ =	sfence  }
0xbd: {  	s30 =	sld [smem:$0x0];
	_ =	sdelay $0x2  }
0xbe: {  	s31 =	sshll.u32 s1, $0xD;
	s1 =	sshrl.u32 s1, $0x2  }
0xbf: {  	s3 =	sand.u32 $0x4000, s31;
	s1 =	sadd.s32 s1, s30  }
0xc0: {  	s0 =	sor.u32 s3, s0;
	s1 =	sshll.u32 s1, $0x11  }
0xc1: {  	s0 =	sor.u32 s1, s0  }
0xc2: {  	s0 =	sadd.s32 $0x8F2B, s0  }
0xc3: {  	[sflag:s0] =	ssyncadd.remote.s32 $0x1  }
0xc4: {  	_ =	sfence.sel $0xFFFF  }
0xc5: {  	[dreg:$0x0] =	wrdreg $0xFFFFFFFF;
	(pc) =	sbr.abs _section_cstart, $3  }
0xc6: {  	[dreg:$0x1] =	wrdreg $0xFFFFFFFF  }
0xc7: {  	_ =	task.clear_ibuf [dreg:s7], $0x2FFFF;
	_ =	strace $0x9FFFFFFF  }
0xc8: {  	(tm) =	ssettm $0x7FFFFFFF  }
0xc9: {  	_ =	shalt  }
tec
execute0_lowered:
.L_overlay_start_1:
0x0: {  	(tag) =	ssettag $0x1  }
0x1: {  	s0 =	rddreg [dreg:$0x0];
	s16 =	simm.s32 $0x0  }
0x2: {  	s1 =	srdreg.scid;
	s29 =	stileid.u32;
	s5 =	simm.s32 $0x2  }
0x3: {  	s10 =	simm.s32 $0xA440;
	s11 =	simm.s32 $0xE440;
	s12 =	simm.s32 $0xE830  }
0x4: {  	[smem:$0x7FF] =	sst s16;
	s1 =	sand.u32 $0x1, s1;
	s2 =	sadd.s32 $0x800, s0  }
0x5: {  	s28 =	sadd.s32 $0x27A00, s0;
	s0 =	sadd.s32 $0xC3E00, s0;
	s31 =	sshll.u32 s29, $0x2  }
0x6: {  	_ =	strace $0x80000047;
	[dreg:$0x3] =	wrdreg s2;
	s3 =	ssub.s32 $0x2, s1  }
0x7: {  	[dreg:$0x4] =	wrdreg s28;
	s1 =	sshll.u32 s1, $0x1;
	s30 =	sshrl.u32 s3, $0x1  }
0x8: {  	[dreg:$0x5] =	wrdreg s0;
	s1 =	sor.u32 s1, s31;
	s0 =	ssub.s32 s3, s30  }
0x9: {  	s13 =	simm.s32 $0xF400;
	v0 =	vlaneseq.u32;
	[dreg:$0x6] =	wrdreg s1;
	s0 =	smax.u32 s0, $0x1  }
0xa: {  	s14 =	simm.s32 $0x9C40;
	v1 =	vimm.s32 $0x0;
	v3 =	vimm.s32 $0x7FFFFFFF;
	v2 =	vor.u32 $0x80000000, v0;
	s1 =	simm.s32 $0x0;
	[dreg:$0x7] =	wrdreg s0  }
.LBB2_1:
0xb: {  	[dreg:$0x8] =	wrdreg s1;
	p0 =	por $0x1, $0x1;
	s0 =	simm.s32 $0x0  }
.LBB2_2:
0xc: {  	s1 =	rddreg [dreg:$0x6]  }
0xd: {  	s2 =	sor.u32 s1, s0  }
0xe: {  	s0 =	smul.u32 $0x9C4, s2  }
0xf: {  	s31 =	rddreg [dreg:$0x3]  }
0x10: {  	s0 =	sadd.s32 s31, s0  }
0x11: {  	[tilespmem:s16], [sflag:$0x2] =	stream.linear.gather [hbm4b:s0+s16], $0x4E20, $0x38;
	[tilespmem:$0x11FF0] =	vst v63  }
0x12: {  	_ =	swait.ge [sflag:s5], $0x4E20  }
0x13: {  	[sflag:s5] =	ssyncset.done $0x0  }
0x14: {  	s1 =	simm.s32 $0xC440;
	[sflag:s5] =	ssyncadd.s32 $0xFFFFB1E0  }
0x15: {  	[tilespmem:s1+$0xFFFFE000] =	vst v1  }
0x16: {  	[tilespmem:s1+$0x1810] =	vst v1  }
0x17: {  	[tilespmem:s1+$0x1010] =	vst v1  }
0x18: {  	[tilespmem:s1+$0x810] =	vst v1  }
0x19: {  	[tilespmem:s1+$0x10] =	vst v1  }
0x1a: {  	[tilespmem:s1+$0xFFFFF810] =	vst v1  }
0x1b: {  	[tilespmem:s1+$0xFFFFF010] =	vst v1  }
0x1c: {  	[tilespmem:s1+$0xFFFFE810] =	vst v1  }
0x1d: {  	[tilespmem:s1+$0xFFFFE010] =	vst v1  }
0x1e: {  	[tilespmem:s1+$0x1800] =	vst v1  }
0x1f: {  	[tilespmem:s1+$0x1000] =	vst v1  }
0x20: {  	[tilespmem:s1+$0x800] =	vst v1  }
0x21: {  	s0 =	simm.s32 @!p0 $0x0;
	[tilespmem:s1+$0x0] =	vst v1  }
0x22: {  	s4 =	simm.s32 $0x0;
	s0 =	simm.s32 @p0 $0x1;
	[tilespmem:s1+$0xFFFFF800] =	vst v1  }
0x23: {  	s3 =	simm.s32 $0x40;
	[smem:$0x7FD] =	sst s0;
	s0 =	simm.s32 $0x4E60;
	[tilespmem:s1+$0xFFFFF000] =	vst v1  }
.LBB2_3:
0x24: {  	s4 =	sadd.s32 $0x2, s4;
	[tilespmem:s1+$0xFFFFE800] =	vst v1;
	s1 =	sadd.s32 $0x20, s1  }
0x25: {  	[tilespmem:s1+$0xFFFFE000] =	vst v1;
	p0 =	slt.u32 s4, $0x7E  }
0x26: {  	[tilespmem:s1+$0x1810] =	vst v1  }
0x27: {  	[tilespmem:s1+$0x1010] =	vst v1  }
0x28: {  	[tilespmem:s1+$0x810] =	vst v1  }
0x29: {  	[tilespmem:s1+$0x10] =	vst v1  }
0x2a: {  	[tilespmem:s1+$0xFFFFF810] =	vst v1  }
0x2b: {  	[tilespmem:s1+$0xFFFFF010] =	vst v1  }
0x2c: {  	[tilespmem:s1+$0xFFFFE810] =	vst v1  }
0x2d: {  	[tilespmem:s1+$0xFFFFE010] =	vst v1  }
0x2e: {  	[tilespmem:s1+$0x1800] =	vst v1  }
.Ltmp0:
0x2f: {  	[tilespmem:s1+$0x1000] =	vst v1;
	(pc) =	sbr.rel @p0 .LBB2_3-.Ltmp0, $4  }
0x30: {  	[tilespmem:s1+$0x800] =	vst v1  }
0x31: {  	[tilespmem:s1+$0x0] =	vst v1  }
0x32: {  	[tilespmem:s1+$0xFFFFF800] =	vst v1  }
0x33: {  	[tilespmem:s1+$0xFFFFF000] =	vst v1  }
0x34: {  	[tilespmem:s1+$0xFFFFE800] =	vst v1  }
0x35: {  	v4 =	vld [tilespmem:s3+$0xFFFFFFF0]  }
0x36: {  	v5 =	vld [tilespmem:s3+$0x20]  }
0x37: {  	v6 =	vld [tilespmem:s3+$0xFFFFFFE0]  }
0x38: {  	v7 =	vld [tilespmem:s3+$0xFFFFFFD0]  }
0x39: {  	v8 =	vld [tilespmem:s3+$0xFFFFFFC0]  }
0x3a: {  	v12 =	vld [tilespmem:s3+$0x30]  }
0x3b: {  	v15 =	vld [tilespmem:s3+$0x10]  }
0x3c: {  	v9 =	vld [tilespmem:s3+$0x0];
	v10 =	vxor.u32 $0xFFFFFFFF, v4;
	v11 =	vand.u32 $0x7FFFFFFF, v4;
	vm0 =	vlt.s32 v5, $0x0  }
0x3d: {  	v13 =	vand.u32 $0x7FFFFFFF, v5;
	v14 =	vxor.u32 $0xFFFFFFFF, v6;
	v5 =	vxor.u32 $0xFFFFFFFF, v5  }
0x3e: {  	vm1 =	vlt.s32 v4, $0x0;
	vm2 =	vlt.s32 v6, $0x0;
	v16 =	vand.u32 $0x7FFFFFFF, v7  }
0x3f: {  	vm10 =	vlt.s32 v7, $0x0;
	v17 =	vxor.u32 $0xFFFFFFFF, v7;
	v7 =	vxor.u32 $0xFFFFFFFF, v12  }
0x40: {  	v19 =	vxor.u32 $0xFFFFFFFF, v15;
	vm11 =	vlt.s32 v8, $0x0;
	vm4 =	vlt.s32 v12, $0x0  }
0x41: {  	vm5 =	vlt.s32 v9, $0x0;
	v20 =	vand.u32 $0x7FFFFFFF, v8;
	vm13 =	vlt.s32 v15, $0x0  }
0x42: {  	v4 =	vsel vm0, v13, v5;
	v13 =	vxor.u32 $0xFFFFFFFF, v8;
	v5 =	vand.u32 $0x7FFFFFFF, v6  }
0x43: {  	v6 =	vsel vm1, v11, v10;
	v10 =	vxor.u32 $0xFFFFFFFF, v9;
	v11 =	vand.u32 $0x7FFFFFFF, v9  }
0x44: {  	v16 =	vsel vm10, v16, v17;
	v5 =	vsel vm2, v5, v14;
	vm1 =	veq.s32 v6, $0x0  }
0x45: {  	v14 =	vand.u32 $0x7FFFFFFF, v12;
	vm3 =	veq.s32 v4, $0x0;
	v18 =	vsel vm1, $0xFFFFFFFF, v6  }
0x46: {  	v10 =	vsel vm5, v11, v10;
	vm0 =	veq.s32 v16, $0x0;
	v12 =	vshrl.u32 v18, $0x15  }
0x47: {  	v11 =	vsel vm11, v20, v13;
	v9 =	vsel vm4, v14, v7;
	v7 =	vxor.u32 $0x400, v12  }
0x48: {  	vm2 =	veq.s32 v5, $0x0;
	v4 =	vsel vm3, $0xFFFFFFFF, v4;
	v13 =	vsel vm0, $0xFFFFFFFF, v16;
	(xrf1) =	vunique.msk.u32 $0xffff, v7  }
0x49: {  	vm14 =	veq.s32 v10, $0x0;
	vm1 =	veq.s32 v11, $0x0;
	vm12 =	veq.s32 v9, $0x0  }
0x4a: {  	v14 =	vsel vm2, $0xFFFFFFFF, v5;
	v5 =	vshrl.u32 v4, $0x15;
	[tilespmem:s0+$0xFFFFFFF0] =	vst v18;
	v21 =	vsel vm12, $0xFFFFFFFF, v9  }
0x4b: {  	v16 =	vsel vm1, $0xFFFFFFFF, v11;
	[tilespmem:s0+$0xFFFFFFD0] =	vst v13;
	v6 =	vand.u32 $0x7, v12;
	v17 =	vshrl.u32 v21, $0x15  }
0x4c: {  	v12 =	vand.u32 $0x7FFFFFFF, v15;
	v8 =	vshrl.u32 v14, $0x15;
	[tilespmem:s0+$0xFFFFFFE0] =	vst v14;
	v18 =	vxor.u32 $0x400, v17  }
0x4d: {  	v14 =	vshrl.u32 v13, $0x15;
	v11 =	vshrl.u32 v16, $0x15;
	v9 =	vxor.u32 $0x400, v8;
	(xrf1) =	vunique.msk.u32 $0xffff, v18  }
0x4e: {  	v15 =	vsel vm13, v12, v19;
	v63 =	vand.u32 $0x7, v17;
	v17 =	vxor.u32 $0x400, v14;
	(xrf1) =	vunique.msk.u32 $0xffff, v9  }
0x4f: {  	v24 =	vxor.u32 $0x400, v5;
	v12 =	vsel vm14, $0xFFFFFFFF, v10;
	vm15 =	veq.s32 v15, $0x0;
	(xrf1) =	vunique.msk.u32 $0xffff, v17  }
0x50: {  	[tilespmem:s0+$0xFFFFFFC0] =	vst v16;
	v23 =	vand.u32 $0x7, v14;
	v13 =	vshrl.u32 v12, $0x15;
	v10 =	vsel vm15, $0xFFFFFFFF, v15  }
0x51: {  	[tilespmem:s0+$0x30] =	vst v21;
	v15 =	vxor.u32 $0x400, v11;
	v20 =	vxor.u32 $0x400, v13;
	v13 =	vand.u32 $0x7, v13  }
0x52: {  	v19 =	vshrl.u32 v10, $0x15;
	v25 =	vand.u32 $0x7F8, v20;
	v17 =	vand.u32 $0x7F8, v17;
	(xrf1) =	vunique.msk.u32 $0xffff, v15  }
0x53: {  	v22 =	vxor.u32 $0x400, v19;
	v16 =	vand.u32 $0x7, v19;
	v13 =	vor.u32 v25, v13;
	(xrf1) =	vunique.msk.u32 $0xffff, v24  }
0x54: {  	s4 =	simm.s32 $0x0;
	s6 =	simm.s32 $0xC0;
	v19 =	vand.u32 $0x7F8, v18;
	v18 =	vand.u32 $0x7F8, v15;
	v14 =	vand.u32 $0x7F8, v22;
	(xrf1) =	vunique.msk.u32 $0xffff, v20  }
0x55: {  	s1 =	simm.s32 $0x4E00;
	s7 =	simm.s32 $0x4E60;
	s3 =	simm.s32 $0x9C20;
	v17 =	vor.u32 v17, v23;
	v15 =	vand.u32 $0x7F8, v24;
	v19 =	vor.u32 v19, v63;
	(xrf1) =	vunique.msk.u32 $0xffff, v22  }
.LBB2_5:
0x56: {  	v20 =	vld [tilespmem:s6+$0xFFFFFFF0];
	s4 =	sadd.s32 $0x8, s4;
	v9 =	vand.u32 $0x7F8, v9;
	v8 =	vand.u32 $0x7, v8;
	v7 =	vand.u32 $0x7F8, v7;
	[tilespmem:s0+$0x0] =	vst v12;
	s7 =	sadd.s32 $0x80, s7;
	_, v12, vm0 =	vpop (xrf1)  }
0x57: {  	v21 =	vld [tilespmem:s6+$0x20];
	p1 =	slt.u32 s4, $0x4D8;
	v8 =	vor.u32 v9, v8;
	v6 =	vor.u32 v7, v6;
	[tilespmem:s0+$0x10] =	vst v10;
	v7 =	vor.u32 v14, v16  }
0x58: {  	v10 =	vand.u32 $0x7, v11;
	v9 =	vld [tilespmem:s6+$0xFFFFFFE0];
	v6 =	vor.u32 $0x1800, v6;
	[tilespmem:s0+$0x20] =	vst v4;
	s0 =	smov.u32 s7  }
0x59: {  	v5 =	vand.u32 $0x7, v5;
	v10 =	vor.u32 v10, v18;
	v8 =	vor.u32 $0x1000, v8;
	v4 =	vld [tilespmem:s6+$0xFFFFFFD0]  }
0x5a: {  	v13 =	vor.u32 $0x2000, v13;
	v14 =	vor.u32 $0x800, v17;
	v16 =	vor.u32 $0x3800, v19;
	v11 =	vld [tilespmem:s6+$0xFFFFFFC0]  }
0x5b: {  	v5 =	vor.u32 v15, v5;
	v19 =	vor.u32 $0x2800, v7;
	v17 =	vxor.u32 $0xFFFFFFFF, v20;
	v18 =	vld [tilespmem:s6+$0x0];
	_, v7, vm1 =	vpop (xrf1)  }
0x5c: {  	v15 =	vand.u32 $0x7FFFFFFF, v20;
	vm2 =	vlt.s32 v21, $0x0;
	v22 =	vand.u32 $0x7FFFFFFF, v21;
	v23 =	vld [tilespmem:s6+$0x30];
	_, v24, vm3 =	vpop (xrf1)  }
0x5d: {  	vm4 =	vlt.s32 v20, $0x0;
	v21 =	vxor.u32 $0xFFFFFFFF, v21;
	v27 =	vxor.u32 $0xFFFFFFFF, v9;
	v20 =	vld [tilespmem:s6+$0x10];
	_, v26, vm5 =	vpop (xrf1)  }
0x5e: {  	v5 =	vor.u32 $0x3000, v5;
	vm6 =	vlt.s32 v9, $0x0;
	v21 =	vsel vm2, v22, v21;
	[tilespmem:v6+s10+$0x0] =	vst.idx.add.s32.msk vm0, v12  }
0x5f: {  	v22 =	vand.u32 $0x7FFFFFFF, v4;
	v6 =	vand.u32 $0x7FFFFFFF, v9;
	v12 =	vxor.u32 $0xFFFFFFFF, v11  }
0x60: {  	vm0 =	vlt.s32 v4, $0x0;
	v9 =	vxor.u32 $0xFFFFFFFF, v4;
	v4 =	vsel vm6, v6, v27;
	_, v25, vm6 =	vpop (xrf1)  }
0x61: {  	v6 =	vsel vm4, v15, v17;
	v15 =	vxor.u32 $0xFFFFFFFF, v18;
	v17 =	vxor.u32 $0xFFFFFFFF, v23;
	[tilespmem:v16+s10+$0x0] =	vst.idx.add.s32.msk vm1, v7;
	_, v16, vm4 =	vpop (xrf1)  }
0x62: {  	vm2 =	veq.s32 v6, $0x0;
	v27 =	vand.u32 $0x7FFFFFFF, v18;
	v7 =	vand.u32 $0x7FFFFFFF, v23;
	[tilespmem:v8+s10+$0x0] =	vst.idx.add.s32.msk vm3, v24;
	_, v24, vm1 =	vpop (xrf1)  }
0x63: {  	v6 =	vsel vm2, $0xFFFFFFFF, v6;
	vm3 =	veq.s32 v4, $0x0;
	v28 =	vxor.u32 $0xFFFFFFFF, v20;
	[tilespmem:v14+s10+$0x0] =	vst.idx.add.s32.msk vm5, v26;
	_, v14, vm5 =	vpop (xrf1)  }
0x64: {  	vm7 =	veq.s32 v21, $0x0;
	vm2 =	vlt.s32 v11, $0x0;
	vm8 =	vlt.s32 v23, $0x0;
	[tilespmem:s7+$0xFFFFFFF0] =	vst v6  }
0x65: {  	vm9 =	vlt.s32 v18, $0x0;
	v8 =	vshrl.u32 v6, $0x15;
	v17 =	vsel vm8, v7, v17  }
0x66: {  	v18 =	vsel vm3, $0xFFFFFFFF, v4;
	v4 =	vsel vm7, $0xFFFFFFFF, v21;
	v6 =	vand.u32 $0x7, v8;
	[tilespmem:v10+s10+$0x0] =	vst.idx.add.s32.msk vm6, v25  }
0x67: {  	v7 =	vxor.u32 $0x400, v8;
	vm3 =	veq.s32 v17, $0x0;
	v10 =	vand.u32 $0x7FFFFFFF, v11;
	[tilespmem:v5+s10+$0x0] =	vst.idx.add.s32.msk vm4, v16  }
0x68: {  	v11 =	vand.u32 $0x7FFFFFFF, v20;
	v5 =	vshrl.u32 v4, $0x15;
	v16 =	vsel vm3, $0xFFFFFFFF, v17;
	(xrf1) =	vunique.msk.u32 $0xffff, v7  }
0x69: {  	v8 =	vshrl.u32 v18, $0x15;
	v17 =	vsel vm0, v22, v9;
	v21 =	vshrl.u32 v16, $0x15;
	[tilespmem:v19+s10+$0x0] =	vst.idx.add.s32.msk vm5, v14  }
0x6a: {  	v9 =	vxor.u32 $0x400, v8;
	v14 =	vsel vm9, v27, v15;
	v15 =	vxor.u32 $0x400, v21;
	[tilespmem:v13+s10+$0x0] =	vst.idx.add.s32.msk vm1, v24  }
0x6b: {  	vm0 =	veq.s32 v17, $0x0;
	v19 =	vand.u32 $0x7, v21;
	vm1 =	vlt.s32 v20, $0x0;
	[tilespmem:s7+$0x30] =	vst v16  }
0x6c: {  	v10 =	vsel vm2, v10, v12;
	v13 =	vsel vm0, $0xFFFFFFFF, v17;
	vm0 =	veq.s32 v14, $0x0;
	[tilespmem:s7+$0xFFFFFFE0] =	vst v18  }
0x6d: {  	vm2 =	veq.s32 v10, $0x0;
	v16 =	vshrl.u32 v13, $0x15;
	v17 =	vsel vm1, v11, v28;
	(xrf1) =	vunique.msk.u32 $0xffff, v15  }
0x6e: {  	v18 =	vsel vm2, $0xFFFFFFFF, v10;
	v20 =	vxor.u32 $0x400, v16;
	vm1 =	veq.s32 v17, $0x0;
	(xrf1) =	vunique.msk.u32 $0xffff, v9  }
0x6f: {  	v12 =	vsel vm0, $0xFFFFFFFF, v14;
	v11 =	vshrl.u32 v18, $0x15;
	v10 =	vsel vm1, $0xFFFFFFFF, v17;
	(xrf1) =	vunique.msk.u32 $0xffff, v20  }
0x70: {  	v21 =	vxor.u32 $0x400, v11;
	v17 =	vshrl.u32 v10, $0x15;
	[tilespmem:s7+$0xFFFFFFD0] =	vst v13;
	v13 =	vshrl.u32 v12, $0x15  }
.Ltmp1:
0x71: {  	v22 =	vxor.u32 $0x400, v17;
	[tilespmem:s7+$0xFFFFFFC0] =	vst v18;
	v18 =	vand.u32 $0x7F8, v20;
	v20 =	vxor.u32 $0x400, v13;
	(pc) =	sbr.rel @p1 .LBB2_5-.Ltmp1, $4  }
0x72: {  	v24 =	vxor.u32 $0x400, v5;
	v23 =	vand.u32 $0x7, v16;
	v14 =	vand.u32 $0x7F8, v22;
	(xrf1) =	vunique.msk.u32 $0xffff, v21  }
0x73: {  	v16 =	vand.u32 $0x7, v17;
	v13 =	vand.u32 $0x7, v13;
	v25 =	vand.u32 $0x7F8, v20;
	(xrf1) =	vunique.msk.u32 $0xffff, v24  }
0x74: {  	v17 =	vor.u32 v18, v23;
	v23 =	vand.u32 $0x7F8, v15;
	v13 =	vor.u32 v25, v13;
	(xrf1) =	vunique.msk.u32 $0xffff, v20  }
0x75: {  	s6 =	sadd.s32 $0x80, s6;
	v18 =	vand.u32 $0x7F8, v21;
	v15 =	vand.u32 $0x7F8, v24;
	v19 =	vor.u32 v23, v19;
	(xrf1) =	vunique.msk.u32 $0xffff, v22  }
0x76: {  	_ =	sdelay $0x2  }
0x77: {  	v7 =	vand.u32 $0x7F8, v7  }
0x78: {  	_, v20, vm0 =	vpop (xrf1);
	v6 =	vor.u32 v7, v6  }
0x79: {  	v6 =	vor.u32 $0x1800, v6;
	_, v55, vm1 =	vpop (xrf1)  }
0x7a: {  	v56 =	vor.u32 $0x3800, v19  }
0x7b: {  	v54 =	vand.u32 $0x7F8, v9;
	v8 =	vand.u32 $0x7, v8  }
0x7c: {  	v7 =	vor.u32 v54, v8;
	_, v57, vm2 =	vpop (xrf1)  }
0x7d: {  	[tilespmem:s0+$0x0] =	vst v12;
	v7 =	vor.u32 $0x1000, v7;
	_, v21, vm3 =	vpop (xrf1)  }
0x7e: {  	v17 =	vor.u32 $0x800, v17;
	v58 =	vand.u32 $0x7, v11;
	v5 =	vand.u32 $0x7, v5;
	[tilespmem:v6+s10+$0x0] =	vst.idx.add.s32.msk vm0, v20;
	_, v6, vm0 =	vpop (xrf1)  }
0x7f: {  	v59 =	vor.u32 v58, v18;
	v5 =	vor.u32 v15, v5;
	[tilespmem:v56+s10+$0x0] =	vst.idx.add.s32.msk vm1, v55;
	_, v9, vm1 =	vpop (xrf1)  }
0x80: {  	[tilespmem:s0+$0x10] =	vst v10;
	v5 =	vor.u32 $0x3000, v5;
	_, v60, vm14 =	vpop (xrf1)  }
0x81: {  	v61 =	vor.u32 v14, v16;
	v63 =	vor.u32 $0x2000, v13;
	[tilespmem:s0+$0x20] =	vst v4;
	_, v62, vm15 =	vpop (xrf1)  }
0x82: {  	v11 =	vor.u32 $0x2800, v61;
	[tilespmem:v7+s10+$0x0] =	vst.idx.add.s32.msk vm2, v57  }
0x83: {  	[tilespmem:v17+s10+$0x0] =	vst.idx.add.s32.msk vm3, v21  }
0x84: {  	[tilespmem:v59+s10+$0x0] =	vst.idx.add.s32.msk vm0, v6  }
0x85: {  	[tilespmem:v5+s10+$0x0] =	vst.idx.add.s32.msk vm1, v9  }
0x86: {  	[tilespmem:v63+s10+$0x0] =	vst.idx.add.s32.msk vm14, v60  }
0x87: {  	s0 =	simm.s32 $0x0;
	[tilespmem:v11+s10+$0x0] =	vst.idx.add.s32.msk vm15, v62  }
.LBB2_7:
0x88: {  	v4 =	vld [tilespmem:s1+$0x0];
	_ =	sdelay $0x4  }
0x89: {  	vm0 =	vlt.s32 v4, $0x0;
	v5 =	vand.u32 $0x7FFFFFFF, v4;
	v4 =	vxor.u32 $0xFFFFFFFF, v4  }
0x8a: {  	v4 =	vsel vm0, v5, v4  }
0x8b: {  	vm0 =	veq.s32 v4, $0x0  }
0x8c: {  	v4 =	vsel vm0, $0xFFFFFFFF, v4  }
0x8d: {  	v5 =	vshrl.u32 v4, $0x15  }
0x8e: {  	v6 =	vxor.u32 $0x400, v5  }
0x8f: {  	(xrf1) =	vunique.msk.u32 $0xffff, v6;
	_ =	sdelay $0xc  }
0x90: {  	s4 =	sshll.u32 s0, $0xB;
	v5 =	vand.u32 $0x7, v5  }
0x91: {  	v6 =	vand.u32 $0x7F8, v6;
	v5 =	vor.u32 s4, v5;
	_, v7, vm15 =	vpop (xrf1)  }
0x92: {  	p0 =	sne.s32 s0, $0x1;
	v5 =	vor.u32 v6, v5  }
.Ltmp2:
0x93: {  	_ = 	snop;
	(pc) =	sbr.rel @p0 .LBB2_7-.Ltmp2, $3  }
0x94: {  	_ =	sdelay $0x1  }
0x95: {  	[tilespmem:s3+$0x0] =	vst v4  }
0x96: {  	s1 =	sadd.s32 $0x10, s1;
	s0 =	sadd.s32 $0x1, s0;
	s3 =	sadd.s32 $0x10, s3;
	[tilespmem:v5+s10+$0x0] =	vst.idx.add.s32.msk vm15, v7  }
0x97: {  	s1 =	simm.s32 $0xC440  }
0x98: {  	v4 =	vld [tilespmem:s1+$0xFFFFE000]  }
0x99: {  	v5 =	vld [tilespmem:s1+$0xFFFFE800]  }
0x9a: {  	v6 =	vld [tilespmem:s1+$0xFFFFF000]  }
0x9b: {  	v7 =	vld [tilespmem:s1+$0xFFFFF800]  }
0x9c: {  	v8 =	vld [tilespmem:s1+$0x0]  }
0x9d: {  	v9 =	vld [tilespmem:s1+$0x800]  }
0x9e: {  	v4 =	vadd.s32 v4, v5;
	v5 =	vld [tilespmem:s1+$0x1000]  }
0x9f: {  	v4 =	vadd.s32 v6, v4;
	v6 =	vld [tilespmem:s1+$0x1800]  }
0xa0: {  	v4 =	vadd.s32 v7, v4  }
0xa1: {  	v4 =	vadd.s32 v8, v4  }
0xa2: {  	v4 =	vadd.s32 v9, v4  }
0xa3: {  	v4 =	vadd.s32 v5, v4  }
0xa4: {  	s4 =	simm.s32 $0x9C50;
	v4 =	vadd.s32 v6, v4  }
0xa5: {  	[tilespmem:s4+$0xFFFFFFF0] =	vst v4  }
0xa6: {  	v4 =	vld [tilespmem:s1+$0xFFFFE010]  }
0xa7: {  	v5 =	vld [tilespmem:s1+$0xFFFFE810]  }
0xa8: {  	v6 =	vld [tilespmem:s1+$0xFFFFF010]  }
0xa9: {  	v7 =	vld [tilespmem:s1+$0xFFFFF810]  }
0xaa: {  	v8 =	vld [tilespmem:s1+$0x10];
	_ =	sdelay $0x1  }
0xab: {  	v4 =	vadd.s32 v4, v5  }
0xac: {  	v63 =	vld [tilespmem:s1+$0x810];
	v4 =	vadd.s32 v6, v4  }
0xad: {  	v5 =	vld [tilespmem:s1+$0x1010];
	v4 =	vadd.s32 v7, v4  }
0xae: {  	v6 =	vadd.s32 v8, v4;
	v4 =	vld [tilespmem:s1+$0x1810];
	_ =	sdelay $0x1  }
0xaf: {  	[dreg:$0x9] =	wrdreg s2;
	s6 =	simm.s32 $0x0  }
0xb0: {  	s5 =	simm.s32 $0x9C60;
	s0 =	simm.s32 $0xFFFFFFFF;
	s7 =	simm.s32 $0x9C50;
	v6 =	vadd.s32 v63, v6  }
.LBB2_9:
0xb1: {  	s6 =	sadd.s32 $0x2, s6;
	v5 =	vadd.s32 v5, v6;
	s1 =	sadd.s32 $0x20, s1;
	s4 =	sadd.s32 $0x20, s4  }
0xb2: {  	p0 =	slt.u32 s6, $0x7E;
	v4 =	vadd.s32 v4, v5  }
0xb3: {  	[tilespmem:s7+$0x0] =	vst v4;
	s7 =	smov.u32 s4  }
0xb4: {  	v4 =	vld [tilespmem:s1+$0xFFFFE000]  }
0xb5: {  	v5 =	vld [tilespmem:s1+$0xFFFFE800]  }
0xb6: {  	v6 =	vld [tilespmem:s1+$0xFFFFF000]  }
0xb7: {  	v7 =	vld [tilespmem:s1+$0xFFFFF800]  }
0xb8: {  	v8 =	vld [tilespmem:s1+$0x0]  }
0xb9: {  	v9 =	vld [tilespmem:s1+$0x800]  }
0xba: {  	v4 =	vadd.s32 v4, v5;
	v5 =	vld [tilespmem:s1+$0x1000]  }
0xbb: {  	v4 =	vadd.s32 v6, v4;
	v6 =	vld [tilespmem:s1+$0x1800]  }
0xbc: {  	v4 =	vadd.s32 v7, v4  }
0xbd: {  	v4 =	vadd.s32 v8, v4  }
0xbe: {  	v4 =	vadd.s32 v9, v4  }
0xbf: {  	v4 =	vadd.s32 v5, v4  }
0xc0: {  	v4 =	vadd.s32 v6, v4  }
0xc1: {  	[tilespmem:s4+$0xFFFFFFF0] =	vst v4  }
0xc2: {  	v6 =	vld [tilespmem:s1+$0xFFFFF010]  }
0xc3: {  	v4 =	vld [tilespmem:s1+$0xFFFFE010]  }
0xc4: {  	v7 =	vld [tilespmem:s1+$0xFFFFE810]  }
0xc5: {  	v8 =	vld [tilespmem:s1+$0xFFFFF810]  }
0xc6: {  	v9 =	vld [tilespmem:s1+$0x10]  }
0xc7: {  	v10 =	vld [tilespmem:s1+$0x810]  }
0xc8: {  	v5 =	vld [tilespmem:s1+$0x1010]  }
.Ltmp3:
0xc9: {  	v7 =	vadd.s32 v4, v7;
	v4 =	vld [tilespmem:s1+$0x1810];
	(pc) =	sbr.rel @p0 .LBB2_9-.Ltmp3, $4  }
0xca: {  	v6 =	vadd.s32 v6, v7  }
0xcb: {  	v6 =	vadd.s32 v8, v6  }
0xcc: {  	v6 =	vadd.s32 v9, v6  }
0xcd: {  	s3 =	simm.s32 $0x0;
	v6 =	vadd.s32 v10, v6  }
0xce: {  	v5 =	vadd.s32 v5, v6  }
0xcf: {  	v4 =	vadd.s32 v4, v5  }
0xd0: {  	[tilespmem:s7+$0x0] =	vst v4  }
0xd1: {  	v4 =	vld [tilespmem:s5+$0x10]  }
0xd2: {  	v17 =	vld [tilespmem:s5+$0xFFFFFFE0];
	_ =	sdelay $0x3  }
0xd3: {  	(xrf0) =	vadd.scan.msk.s32 $0xffff, v4  }
0xd4: {  	(xrf0) =	vadd.scan.msk.s32 $0xffff, v17  }
0xd5: {  	v18 =	vld [tilespmem:s5+$0xFFFFFFF0]  }
0xd6: {  	v10 =	vld [tilespmem:s5+$0x0];
	_ =	sdelay $0x2  }
0xd7: {  	v5, _, _ =	vpop (xrf0)  }
0xd8: {  	(xrf0) =	vadd.scan.msk.s32 $0xffff, v18;
	v19, _, _ =	vpop (xrf0);
	(v2sf) =	vpush v5, $0xF  }
0xd9: {  	(xrf0) =	vadd.scan.msk.s32 $0xffff, v10;
	(v2sf) =	vpush v19, $0xF;
	_ =	sdelay $0x4  }
0xda: {  	v20, _, _ =	vpop (xrf0)  }
0xdb: {  	(v2sf) =	vpush v20, $0xF;
	v21, _, _ =	vpop (xrf0)  }
0xdc: {  	(v2sf) =	vpush v21, $0xF;
	_ =	sdelay $0x2  }
0xdd: {  	s1 =	simm.s32 $0x9CA0  }
0xde: {  	v7 =	vld [tilespmem:s1+$0x10]  }
0xdf: {  	v8 =	vld [tilespmem:s1+$0xFFFFFFE0]  }
0xe0: {  	v6 =	vld [tilespmem:s1+$0xFFFFFFF0]  }
0xe1: {  	v9 =	vld [tilespmem:s1+$0x0];
	s9 =	spop (v2sf)  }
0xe2: {  	s4 =	spop (v2sf)  }
0xe3: {  	(xrf0) =	vadd.scan.msk.s32 $0xffff, v7;
	v11 =	vadd.s32 s3, v19;
	s16 =	sadd.s32 $0x0, s4  }
0xe4: {  	(xrf0) =	vadd.scan.msk.s32 $0xffff, v8;
	vm0 =	vgt.s32 v11, $0x3E7;
	v11 =	vadd.s32 s16, v20  }
0xe5: {  	(xrf0) =	vadd.scan.msk.s32 $0xffff, v6;
	v12 =	vnsel vm0, $0x80000010, v2;
	vm0 =	vgt.s32 v11, $0x3E7  }
0xe6: {  	(xrf0) =	vadd.scan.msk.s32 $0xffff, v9;
	v11 =	vnsel vm0, $0x80000010, v2  }
0xe7: {  	(xrf0) =	vmin.scan.msk.u32 $0xffff, v12  }
0xe8: {  	s15 =	spop (v2sf);
	(xrf0) =	vmin.scan.msk.u32 $0xffff, v11  }
0xe9: {  	s24 =	sadd.s32 s15, s16;
	s17 =	spop (v2sf);
	v11, _, _ =	vpop (xrf0)  }
0xea: {  	v13 =	vadd.s32 s24, v21;
	s22 =	sadd.s32 s17, s24;
	v12, _, _ =	vpop (xrf0);
	(v2sf) =	vpush v11, $0xF  }
0xeb: {  	vm0 =	vgt.s32 v13, $0x3E7;
	v13 =	vadd.s32 s22, v5;
	(v2sf) =	vpush v12, $0xF;
	v14, _, _ =	vpop (xrf0)  }
0xec: {  	(v2sf) =	vpush v14, $0xF;
	v15, _, _ =	vpop (xrf0)  }
0xed: {  	(v2sf) =	vpush v15, $0xF;
	v16, _, _ =	vpop (xrf0)  }
0xee: {  	v22 =	vnsel vm0, $0x80000010, v2;
	vm0 =	vgt.s32 v13, $0x3E7;
	(v2sf) =	vpush v16, $0xF;
	v13, _, _ =	vpop (xrf0)  }
0xef: {  	(v2sf) =	vpush v13, $0xF  }
0xf0: {  	(xrf0) =	vmin.scan.msk.u32 $0xffff, v22;
	v16 =	vnsel vm0, $0x80000010, v2  }
0xf1: {  	(xrf0) =	vmin.scan.msk.u32 $0xffff, v16;
	_ =	sdelay $0x2  }
0xf2: {  	s18 =	simm.s32 $0x9CE0  }
0xf3: {  	v13 =	vld [tilespmem:s18+$0x10]  }
0xf4: {  	v16 =	vld [tilespmem:s18+$0xFFFFFFE0];
	v22, _, _ =	vpop (xrf0)  }
0xf5: {  	v23 =	vld [tilespmem:s18+$0xFFFFFFF0];
	(v2sf) =	vpush v22, $0xF;
	v53, _, _ =	vpop (xrf0)  }
0xf6: {  	v54 =	vld [tilespmem:s18+$0x0];
	(v2sf) =	vpush v53, $0xF  }
0xf7: {  	s4 =	spop (v2sf)  }
0xf8: {  	s25 =	sadd.s32 s9, s22;
	(xrf0) =	vadd.scan.msk.s32 $0xffff, v13;
	s19 =	spop (v2sf)  }
0xf9: {  	v24 =	vadd.s32 s25, v12;
	(xrf0) =	vadd.scan.msk.s32 $0xffff, v16;
	s1 =	sadd.s32 s25, s19;
	s20 =	spop (v2sf)  }
0xfa: {  	vm0 =	vgt.s32 v24, $0x3E7;
	(xrf0) =	vadd.scan.msk.s32 $0xffff, v23;
	v55 =	vadd.s32 s1, v14;
	s19 =	sadd.s32 s20, s1;
	s21 =	spop (v2sf)  }
0xfb: {  	v25 =	vnsel vm0, $0x80000010, v2;
	(xrf0) =	vadd.scan.msk.s32 $0xffff, v54;
	vm0 =	vgt.s32 v55, $0x3E7;
	v56 =	vadd.s32 s19, v15;
	s8 =	sadd.s32 s21, s19;
	s23 =	spop (v2sf)  }
0xfc: {  	(xrf0) =	vmin.scan.msk.u32 $0xffff, v25;
	vm1 =	vgt.s32 v56, $0x3E7;
	v57 =	vnsel vm0, $0x80000010, v2;
	v58 =	vadd.s32 s8, v11;
	s6 =	spop (v2sf)  }
0xfd: {  	v17 =	vsub.s32 v19, v17;
	(xrf0) =	vmin.scan.msk.u32 $0xffff, v57;
	v59 =	vnsel vm1, $0x80000010, v2;
	vm0 =	vgt.s32 v58, $0x3E7;
	s26 =	sxor.u32 $0x80000000, s6  }
0xfe: {  	v18 =	vsub.s32 v20, v18;
	v19, _, _ =	vpop (xrf0);
	s9 =	sxor.u32 $0x80000000, s23;
	(xrf0) =	vmin.scan.msk.u32 $0xffff, v59;
	v20 =	vnsel vm0, $0x80000010, v2;
	v60 =	vmov s26  }
0xff: {  	v61, _, _ =	vpop (xrf0);
	(xrf0) =	vmin.scan.msk.u32 $0xffff, v20;
	v20 =	vmov s9;
	vm0 =	veq.s32 v60, v0  }
0x100: {  	(v2sf) =	vpush v19, $0xF;
	vm1 =	veq.s32 v20, v0;
	v18 =	vnsel vm0, $0x0, v18  }
0x101: {  	(v2sf) =	vpush v61, $0xF;
	v62, _, _ =	vpop (xrf0);
	v17 =	vnsel vm1, $0x0, v17  }
0x102: {  	(v2sf) =	vpush v62, $0xF;
	v20, _, _ =	vpop (xrf0)  }
0x103: {  	p0 =	por $0x1, $0x1;
	s20 =	simm.s32 $0x9D20;
	p1 =	slt.s32 s9, $0x10;
	(xrf0) =	vadd.scan.msk.s32 $0xffff, v18;
	(v2sf) =	vpush v20, $0xF;
	v18, _, _ =	vpop (xrf0)  }
0x104: {  	s5 =	sadd.s32 $0x80000000, s23;
	p0 =	por !p0, !p1;
	s2 =	spop (v2sf);
	(xrf0) =	vadd.scan.msk.s32 $0xffff, v17;
	(v2sf) =	vpush v18, $0xF;
	v17, _, _ =	vpop (xrf0)  }
0x105: {  	s28 =	sadd.s32 s4, s8;
	p0 =	por !p0, !p0;
	s17 =	spop (v2sf);
	(v2sf) =	vpush v17, $0xF;
	v17, _, _ =	vpop (xrf0)  }
0x106: {  	s6 =	sadd.s32 $0x80000000, s6;
	s0 =	smov.u32 @p0 s5;
	s18 =	sxor.u32 $0x80000000, s17;
	(v2sf) =	vpush v17, $0xF;
	v17, _, _ =	vpop (xrf0)  }
0x107: {  	p3 =	slt.s32 s26, $0x10;
	s15 =	sxor.u32 $0x80000000, s2;
	p2 =	slt.s32 s0, $0x0;
	(v2sf) =	vpush v17, $0xF;
	v17 =	vmov s18  }
0x108: {  	v4 =	vsub.s32 v5, v4;
	s23 =	simm.s32 $0xC;
	s6 =	sadd.s32 $0x10, s6;
	v5 =	vmov s15;
	p1 =	por !p2, !p3  }
0x109: {  	s9 =	sadd.s32 $0x80000000, s2;
	p4 =	slt.s32 s15, $0x10;
	p1 =	por !p1, !p1;
	vm0 =	veq.s32 v17, v0  }
0x10a: {  	v10 =	vsub.s32 v21, v10;
	s9 =	sadd.s32 $0x20, s9;
	vm1 =	veq.s32 v5, v0;
	s0 =	smov.u32 @p1 s6;
	p1 =	por p1, p1;
	v4 =	vnsel vm0, $0x0, v4;
	v17, _, _ =	vpop (xrf0)  }
0x10b: {  	v10 =	vnsel vm1, $0x0, v10;
	s21 =	sadd.s32 $0x80000000, s17;
	p3 =	slt.s32 s0, $0x0;
	s2 =	simm.s32 @!p1 $0x0;
	(xrf0) =	vadd.scan.msk.s32 $0xffff, v4;
	v4 =	vld [tilespmem:s20+$0x10];
	(v2sf) =	vpush v17, $0xF;
	v5, _, _ =	vpop (xrf0)  }
0x10c: {  	p5 =	slt.s32 s18, $0x10;
	s4 =	sadd.s32 $0x30, s21;
	p2 =	por !p4, !p3;
	(xrf0) =	vadd.scan.msk.s32 $0xffff, v10;
	(v2sf) =	vpush v5, $0xF;
	v5 =	vld [tilespmem:s20+$0xFFFFFFE0]  }
0x10d: {  	s21 =	simm.s32 $0x80000040;
	s2 =	simm.s32 @p1 $0x1;
	p2 =	por !p2, !p2;
	v10 =	vld [tilespmem:s20+$0xFFFFFFF0]  }
0x10e: {  	v18 =	vsub.s32 v12, v8;
	v8 =	vadd.s32 s28, v61;
	[smem:$0x7FB] =	sst s2;
	s0 =	smov.u32 @p2 s9;
	p2 =	por p2, p2;
	v17 =	vsub.s32 v14, v6;
	v6 =	vld [tilespmem:s20+$0x0]  }
0x10f: {  	s5 =	spop (v2sf);
	p6 =	slt.s32 s0, $0x0;
	s2 =	simm.s32 @!p2 $0x0  }
0x110: {  	s26 =	spop (v2sf);
	vm0 =	vgt.s32 v8, $0x3E7;
	p1 =	por !p5, !p6;
	s2 =	simm.s32 @p2 $0x1;
	(xrf0) =	vadd.scan.msk.s32 $0xffff, v4  }
0x111: {  	v63 =	vsub.s32 v11, v7;
	v11 =	vsub.s32 v19, v13;
	v13 =	vnsel vm0, $0x80000010, v2;
	[smem:$0x7FC] =	sst s2;
	s2 =	spop (v2sf);
	s20 =	sadd.s32 s28, s26;
	v8, _, _ =	vpop (xrf0);
	(xrf0) =	vadd.scan.msk.s32 $0xffff, v5  }
0x112: {  	v14 =	vsub.s32 v15, v9;
	p1 =	por !p1, !p1;
	s29 =	sadd.s32 s2, s20;
	v15, _, _ =	vpop (xrf0);
	(v2sf) =	vpush v8, $0xF;
	v8 =	vadd.s32 s20, v62;
	s7 =	spop (v2sf);
	(xrf0) =	vadd.scan.msk.s32 $0xffff, v10  }
0x113: {  	s0 =	smov.u32 @p1 s4;
	(v2sf) =	vpush v15, $0xF;
	vm0 =	vgt.s32 v8, $0x3E7;
	v8 =	vadd.s32 s29, v20;
	s9 =	spop (v2sf);
	(xrf0) =	vadd.scan.msk.s32 $0xffff, v6;
	s4 =	sadd.s32 s7, s29  }
0x114: {  	s6 =	simm.s32 $0x9D60;
	v15 =	vnsel vm0, $0x80000010, v2;
	vm0 =	vgt.s32 v8, $0x3E7;
	s15 =	sxor.u32 $0x80000000, s9;
	s17 =	spop (v2sf);
	v8 =	vadd.s32 s4, v19;
	(xrf0) =	vmin.scan.msk.u32 $0xffff, v13  }
0x115: {  	p5 =	por p0, p0;
	p4 =	slt.s32 s0, $0x0;
	v13 =	vnsel vm0, $0x80000010, v2;
	vm0 =	vgt.s32 v8, $0x3E7;
	(xrf0) =	vmin.scan.msk.u32 $0xffff, v15;
	v15 =	vmov s15;
	s18 =	sxor.u32 $0x80000000, s17  }
0x116: {  	s7 =	sadd.s32 $0x80000040, s9;
	p6 =	slt.s32 s15, $0x10;
	s31 =	spop (v2sf);
	v19 =	vnsel vm0, $0x80000010, v2;
	vm0 =	veq.s32 v15, v0;
	v15 =	vmov s18  }
0x117: {  	v7 =	vsub.s32 v20, v54;
	v12 =	vsub.s32 v61, v16;
	v9 =	vsub.s32 v62, v23;
	s17 =	sadd.s32 $0x80000040, s17;
	p0 =	por !p4, !p6;
	s26 =	sxor.u32 $0x80000000, s31;
	v8, _, _ =	vpop (xrf0)  }
0x118: {  	s30 =	spop (v2sf);
	p3 =	slt.s32 s18, $0x10;
	p4 =	por !p0, !p0;
	vm1 =	veq.s32 v15, v0;
	v20 =	vmov s26;
	v16, _, _ =	vpop (xrf0);
	(v2sf) =	vpush v8, $0xF  }
0x119: {  	s9 =	sxor.u32 $0x80000000, s30;
	v18 =	vnsel vm0, $0x0, v18;
	p0 =	slt.s32 s26, $0x10;
	s0 =	smov.u32 @p4 s7;
	(xrf0) =	vmin.scan.msk.u32 $0xffff, v13;
	v17 =	vnsel vm1, $0x0, v17;
	(v2sf) =	vpush v16, $0xF;
	v15, _, _ =	vpop (xrf0)  }
0x11a: {  	s7 =	sadd.s32 s5, s4;
	vm1 =	veq.s32 v20, v0;
	p6 =	slt.s32 s0, $0x0;
	(xrf0) =	vmin.scan.msk.u32 $0xffff, v19;
	v19 =	vmov s9;
	s18 =	spop (v2sf);
	(v2sf) =	vpush v15, $0xF;
	v13, _, _ =	vpop (xrf0)  }
0x11b: {  	s26 =	sadd.s32 $0x10, s17;
	p2 =	por !p6, !p3;
	(xrf0) =	vadd.scan.msk.s32 $0xffff, v17;
	v17 =	vadd.s32 s7, v16;
	vm2 =	veq.s32 v19, v0;
	s2 =	spop (v2sf);
	(v2sf) =	vpush v13, $0xF;
	v20, _, _ =	vpop (xrf0)  }
0x11c: {  	(xrf0) =	vadd.scan.msk.s32 $0xffff, v18;
	vm0 =	vgt.s32 v17, $0x3E7;
	p6 =	por !p2, !p2;
	v17 =	vnsel vm2, $0x0, v63;
	s18 =	sadd.s32 s16, s18;
	s15 =	sadd.s32 $0x0, s2;
	(v2sf) =	vpush v20, $0xF;
	v18, _, _ =	vpop (xrf0)  }
.LBB2_11:
0x11d: {  	s0 =	smov.u32 @p6 s26;
	s16 =	sadd.s32 s21, s31  }
0x11e: {  	s5 =	smov.u32 s1;
	s1 =	smov.u32 s20;
	s2 =	sld [smem:$0x7FB]  }
0x11f: {  	s26 =	smov.u32 s25;
	s3 =	smov.u32 @p5 s15;
	s25 =	sadd.s32 s21, s30  }
0x120: {  	p5 =	slt.s32 s9, $0x10;
	s23 =	sadd.s32 $0x4, s23;
	s21 =	sadd.s32 $0x40, s21  }
0x121: {  	s31 =	spop (v2sf);
	s16 =	sadd.s32 $0x20, s16;
	p3 =	seq.s32 s2, $0x1  }
0x122: {  	(v2sf) =	vpush v18, $0xF;
	v19, _, _ =	vpop (xrf0);
	(xrf0) =	vadd.scan.msk.s32 $0xffff, v17;
	s9 =	sadd.s32 $0x30, s25;
	p2 =	por p3, p3;
	p3 =	por p6, p6  }
0x123: {  	(v2sf) =	vpush v19, $0xF;
	s25 =	smov.u32 s28;
	s28 =	smov.u32 s7;
	s2 =	simm.s32 @!p3 $0x0  }
0x124: {  	v21 =	vmov v12;
	v12 =	vsub.s32 v16, v5;
	v5, _, _ =	vpop (xrf0);
	s3 =	smov.u32 @p2 s18;
	s18 =	sadd.s32 s22, s31;
	s22 =	smov.u32 s8  }
0x125: {  	v20 =	vnsel vm1, $0x0, v14;
	v18 =	vmov v9;
	s2 =	simm.s32 @p3 $0x1;
	p3 =	slt.s32 s0, $0x0;
	s17 =	spop (v2sf);
	(v2sf) =	vpush v5, $0xF  }
0x126: {  	v9 =	vsub.s32 v15, v10;
	v17 =	vmov v11;
	v11 =	vsub.s32 v8, v4;
	v10 =	vld [tilespmem:s6+$0xFFFFFFF0];
	v4, _, _ =	vpop (xrf0);
	p0 =	por !p0, !p3;
	s15 =	sadd.s32 s24, s17;
	s17 =	sld [smem:$0x7FC]  }
0x127: {  	(xrf0) =	vadd.scan.msk.s32 $0xffff, v20;
	s8 =	smov.u32 s4;
	v5, _, _ =	vpop (xrf0);
	[smem:$0x7FB] =	sst s2;
	(v2sf) =	vpush v4, $0xF;
	v4 =	vld [tilespmem:s6+$0x10];
	p0 =	por !p0, !p0  }
0x128: {  	v14 =	vmov v7;
	v7 =	vsub.s32 v13, v6;
	v6, _, _ =	vpop (xrf0);
	s24 =	smov.u32 s19;
	s19 =	smov.u32 s29;
	(v2sf) =	vpush v5, $0xF;
	v5 =	vld [tilespmem:s6+$0xFFFFFFE0];
	s0 =	smov.u32 @p0 s16  }
0x129: {  	(v2sf) =	vpush v6, $0xF;
	v6 =	vld [tilespmem:s6+$0x0];
	s6 =	sadd.s32 $0x40, s6;
	p2 =	seq.s32 s17, $0x1;
	p6 =	slt.s32 s0, $0x0  }
0x12a: {  	s3 =	smov.u32 @p2 s15;
	p3 =	por !p5, !p6;
	p2 =	slt.u32 s23, $0x7C  }
0x12b: {  	p5 =	por p4, p4;
	s3 =	smov.u32 @p1 s18;
	s18 =	spop (v2sf)  }
0x12c: {  	p1 =	por !p3, !p3;
	p3 =	por p0, p0;
	s15 =	spop (v2sf)  }
0x12d: {  	v16, _, _ =	vpop (xrf0);
	(xrf0) =	vadd.scan.msk.s32 $0xffff, v4;
	s0 =	smov.u32 @p1 s9;
	s20 =	sadd.s32 s7, s15;
	s16 =	spop (v2sf)  }
0x12e: {  	s2 =	simm.s32 @!p3 $0x0;
	(xrf0) =	vadd.scan.msk.s32 $0xffff, v5;
	s29 =	sadd.s32 s16, s20;
	s17 =	spop (v2sf)  }
0x12f: {  	(v2sf) =	vpush v16, $0xF;
	s2 =	simm.s32 @p3 $0x1;
	(xrf0) =	vadd.scan.msk.s32 $0xffff, v10;
	p4 =	slt.s32 s0, $0x0;
	v15 =	vadd.s32 s20, v15;
	s4 =	sadd.s32 s17, s29  }
0x130: {  	v16 =	vnsel vm0, $0x80000010, v2;
	[smem:$0x7FC] =	sst s2;
	(xrf0) =	vadd.scan.msk.s32 $0xffff, v6;
	vm0 =	vgt.s32 v15, $0x3E7;
	v13 =	vadd.s32 s29, v13;
	s15 =	spop (v2sf);
	s7 =	sadd.s32 s18, s4  }
0x131: {  	(xrf0) =	vmin.scan.msk.u32 $0xffff, v16;
	v15 =	vnsel vm0, $0x80000010, v2;
	vm0 =	vgt.s32 v13, $0x3E7;
	v19 =	vadd.s32 s4, v8;
	s18 =	sxor.u32 $0x80000000, s15;
	s16 =	spop (v2sf);
	s15 =	sadd.s32 s21, s15  }
0x132: {  	v13 =	vnsel vm0, $0x80000010, v2;
	vm0 =	vgt.s32 v19, $0x3E7;
	(xrf0) =	vmin.scan.msk.u32 $0xffff, v15;
	p6 =	slt.s32 s18, $0x10;
	v15 =	vmov s18;
	s2 =	sxor.u32 $0x80000000, s16;
	s31 =	spop (v2sf)  }
0x133: {  	v8, _, _ =	vpop (xrf0);
	s16 =	sadd.s32 s21, s16;
	v19 =	vnsel vm0, $0x80000010, v2;
	(xrf0) =	vmin.scan.msk.u32 $0xffff, v13;
	p0 =	por !p4, !p6;
	vm0 =	veq.s32 v15, v0;
	v13 =	vmov s2;
	s17 =	sxor.u32 $0x80000000, s31  }
.Ltmp4:
0x134: {  	v16, _, _ =	vpop (xrf0);
	(xrf0) =	vmin.scan.msk.u32 $0xffff, v19;
	p4 =	por !p0, !p0;
	vm1 =	veq.s32 v13, v0;
	v19 =	vmov s17;
	s30 =	spop (v2sf);
	(v2sf) =	vpush v8, $0xF;
	(pc) =	sbr.rel @p2 .LBB2_11-.Ltmp4, $4  }
0x135: {  	p6 =	slt.s32 s2, $0x10;
	v20 =	vnsel vm0, $0x0, v21;
	v15, _, _ =	vpop (xrf0);
	s0 =	smov.u32 @p4 s15;
	v18 =	vnsel vm1, $0x0, v18;
	s9 =	sxor.u32 $0x80000000, s30;
	(v2sf) =	vpush v16, $0xF  }
0x136: {  	p0 =	slt.s32 s17, $0x10;
	vm1 =	veq.s32 v19, v0;
	s18 =	spop (v2sf);
	v13, _, _ =	vpop (xrf0);
	p3 =	slt.s32 s0, $0x0;
	(v2sf) =	vpush v15, $0xF;
	v19 =	vmov s9  }
0x137: {  	v22 =	vadd.s32 s7, v16;
	(xrf0) =	vadd.scan.msk.s32 $0xffff, v18;
	s17 =	spop (v2sf);
	v63, _, _ =	vpop (xrf0);
	p3 =	por !p3, !p6;
	s18 =	sadd.s32 s5, s18;
	(v2sf) =	vpush v13, $0xF;
	vm2 =	veq.s32 v19, v0  }
0x138: {  	vm0 =	vgt.s32 v22, $0x3E7;
	(xrf0) =	vadd.scan.msk.s32 $0xffff, v20;
	s15 =	sadd.s32 s26, s17;
	v18, _, _ =	vpop (xrf0);
	p6 =	por !p3, !p3;
	s26 =	sadd.s32 $0x10, s16;
	(v2sf) =	vpush v63, $0xF;
	v17 =	vnsel vm2, $0x0, v17  }
0x139: {  	_ =	sdelay $0x7  }
0x13a: {  	s2 =	spop (v2sf)  }
0x13b: {  	s6 =	spop (v2sf)  }
0x13c: {  	s16 =	spop (v2sf)  }
0x13d: {  	v14 =	vnsel vm1, $0x0, v14;
	(xrf0) =	vadd.scan.msk.s32 $0xffff, v17;
	v37, _, _ =	vpop (xrf0);
	[dreg:$0x10] =	wrdreg s2;
	(v2sf) =	vpush v18, $0xF;
	s2 =	spop (v2sf)  }
0x13e: {  	(xrf0) =	vadd.scan.msk.s32 $0xffff, v14;
	v40, _, _ =	vpop (xrf0);
	(v2sf) =	vpush v37, $0xF;
	s5 =	sadd.s32 s7, s2;
	s17 =	spop (v2sf)  }
0x13f: {  	v36 =	vnsel vm0, $0x80000010, v2;
	v42, _, _ =	vpop (xrf0);
	(v2sf) =	vpush v40, $0xF;
	[dreg:$0xe] =	wrdreg s5;
	v35 =	vadd.s32 s5, v15;
	s5 =	sadd.s32 s17, s5  }
0x140: {  	(xrf0) =	vmin.scan.msk.u32 $0xffff, v36;
	v44, _, _ =	vpop (xrf0);
	(v2sf) =	vpush v42, $0xF;
	vm5 =	vgt.s32 v35, $0x3E7;
	v38 =	vadd.s32 s5, v13  }
0x141: {  	(v2sf) =	vpush v44, $0xF;
	s23 =	spop (v2sf);
	v39 =	vnsel vm5, $0x80000010, v2;
	vm6 =	vgt.s32 v38, $0x3E7  }
0x142: {  	s2 =	sadd.s32 s23, s5;
	(xrf0) =	vmin.scan.msk.u32 $0xffff, v39;
	v43 =	vnsel vm6, $0x80000010, v2  }
0x143: {  	v46, _, _ =	vpop (xrf0);
	v41 =	vadd.s32 s2, v8;
	(xrf0) =	vmin.scan.msk.u32 $0xffff, v43  }
0x144: {  	s0 =	smov.u32 @p6 s26;
	v47, _, _ =	vpop (xrf0);
	(v2sf) =	vpush v46, $0xF;
	vm7 =	vgt.s32 v41, $0x3E7  }
0x145: {  	s26 =	sadd.s32 s21, s31;
	s3 =	smov.u32 @p5 s15;
	p2 =	slt.s32 s0, $0x0;
	(v2sf) =	vpush v47, $0xF;
	v45 =	vnsel vm7, $0x80000010, v2  }
0x146: {  	p3 =	slt.s32 s9, $0x10;
	s31 =	sadd.s32 s21, s30;
	p0 =	por !p0, !p2;
	v48, _, _ =	vpop (xrf0);
	(xrf0) =	vmin.scan.msk.u32 $0xffff, v45  }
0x147: {  	p0 =	por !p0, !p0;
	[dreg:$0xb] =	wrdreg s2;
	(v2sf) =	vpush v48, $0xF;
	s2 =	sadd.s32 $0x20, s26  }
0x148: {  	s9 =	sadd.s32 $0x30, s31;
	s16 =	simm.s32 @!p0 $0x0;
	s0 =	smov.u32 @p0 s2;
	v49, _, _ =	vpop (xrf0)  }
0x149: {  	[dreg:$0x12] =	wrdreg s5;
	s5 =	spop (v2sf);
	p5 =	slt.s32 s0, $0x0;
	(v2sf) =	vpush v49, $0xF;
	v50, _, _ =	vpop (xrf0)  }
0x14a: {  	s16 =	simm.s32 @p0 $0x1;
	s15 =	sxor.u32 $0x80000000, s5;
	p0 =	por !p3, !p5;
	(v2sf) =	vpush v50, $0xF  }
0x14b: {  	[smem:$0x7F9] =	sst s16;
	p3 =	slt.s32 s15, $0x10;
	p0 =	por !p0, !p0  }
0x14c: {  	s23 =	spop (v2sf);
	s17 =	simm.s32 @!p0 $0x0;
	s0 =	smov.u32 @p0 s9;
	v51, _, _ =	vpop (xrf0)  }
0x14d: {  	s9 =	sadd.s32 s24, s6;
	s6 =	sld [smem:$0x7FB];
	s16 =	spop (v2sf);
	(v2sf) =	vpush v51, $0xF  }
0x14e: {  	s2 =	sxor.u32 $0x80000000, s23;
	s17 =	simm.s32 @p0 $0x1;
	s31 =	spop (v2sf)  }
0x14f: {  	p5 =	slt.s32 s0, $0x0;
	[smem:$0x7FA] =	sst s17;
	s26 =	spop (v2sf)  }
0x150: {  	p0 =	por !p5, !p3;
	p2 =	slt.s32 s2, $0x10;
	s30 =	spop (v2sf)  }
0x151: {  	p5 =	por !p0, !p0;
	[smem:$0x7F8] =	sst s30;
	s30 =	sadd.s32 $0x40, s21  }
0x152: {  	v52 =	vmov s2;
	s17 =	sxor.u32 $0x80000000, s31;
	[dreg:$0x1a] =	wrdreg s26;
	s5 =	sadd.s32 s30, s5  }
0x153: {  	v53 =	vmov s15;
	vm8 =	veq.s32 v52, v0;
	s26 =	sxor.u32 $0x80000000, s16;
	s15 =	spop (v2sf);
	s0 =	smov.u32 @p5 s5  }
0x154: {  	vm9 =	veq.s32 v53, v0;
	v9 =	vnsel vm8, $0x0, v9;
	[dreg:$0x17] =	wrdreg s15;
	s21 =	spop (v2sf);
	p3 =	slt.s32 s0, $0x0  }
0x155: {  	v12 =	vnsel vm9, $0x0, v12;
	(xrf0) =	vadd.scan.msk.s32 $0xffff, v9;
	v54 =	vmov s17;
	s23 =	sadd.s32 s30, s23;
	p0 =	por !p3, !p2;
	p3 =	seq.s32 s6, $0x1  }
0x156: {  	(xrf0) =	vadd.scan.msk.s32 $0xffff, v12;
	vm10 =	veq.s32 v54, v0;
	[dreg:$0x1f] =	wrdreg s21;
	s21 =	spop (v2sf);
	p3 =	por p3, p3  }
0x157: {  	v9 =	vnsel vm10, $0x0, v11;
	s6 =	sadd.s32 $0x10, s23;
	p2 =	por !p0, !p0;
	s3 =	smov.u32 @p3 s18  }
0x158: {  	(xrf0) =	vadd.scan.msk.s32 $0xffff, v9;
	s0 =	smov.u32 @p2 s6;
	s6 =	rddreg [dreg:$0x10];
	s24 =	spop (v2sf)  }
0x159: {  	v55 =	vmov s26;
	p3 =	slt.s32 s26, $0x10;
	s26 =	rddreg [dreg:$0x17];
	s5 =	spop (v2sf)  }
0x15a: {  	p6 =	por p6, p6;
	s15 =	sxor.u32 $0x80000000, s21;
	[dreg:$0x1c] =	wrdreg s5  }
0x15b: {  	vm11 =	veq.s32 v55, v0;
	v56, _, _ =	vpop (xrf0);
	p2 =	por p2, p2;
	s18 =	sxor.u32 $0x80000000, s5;
	s5 =	sld [smem:$0x7FC]  }
0x15c: {  	v7 =	vnsel vm11, $0x0, v7;
	v58, _, _ =	vpop (xrf0);
	(v2sf) =	vpush v56, $0xF;
	[dreg:$0x15] =	wrdreg s24;
	s24 =	sxor.u32 $0x80000000, s24;
	s2 =	spop (v2sf)  }
0x15d: {  	v57 =	vsub.s32 v15, v10;
	(xrf0) =	vadd.scan.msk.s32 $0xffff, v7;
	(v2sf) =	vpush v58, $0xF;
	p2 =	por p2, p2;
	v59 =	vmov s24;
	[dreg:$0x13] =	wrdreg s2;
	s23 =	sxor.u32 $0x80000000, s2  }
0x15e: {  	v5 =	vsub.s32 v16, v5;
	v60 =	vmov s15;
	v62, _, _ =	vpop (xrf0);
	vm12 =	veq.s32 v59, v0;
	s2 =	sadd.s32 s22, s6;
	s22 =	rddreg [dreg:$0x1f];
	p0 =	seq.s32 s5, $0x1  }
0x15f: {  	vm13 =	veq.s32 v60, v0;
	(v2sf) =	vpush v62, $0xF;
	v7 =	vnsel vm12, $0x0, v57;
	s3 =	smov.u32 @p0 s9;
	p0 =	slt.s32 s0, $0x0;
	s9 =	sadd.s32 s30, s16  }
0x160: {  	v5 =	vnsel vm13, $0x0, v5;
	(xrf0) =	vadd.scan.msk.s32 $0xffff, v7;
	s16 =	sld [smem:$0x7F8];
	p0 =	por !p3, !p0;
	s3 =	smov.u32 @p1 s2  }
0x161: {  	v61 =	vmov s23;
	(xrf0) =	vadd.scan.msk.s32 $0xffff, v5;
	s2 =	sadd.s32 $0x20, s9;
	p3 =	slt.s32 s17, $0x10;
	s17 =	rddreg [dreg:$0x1a]  }
0x162: {  	v4 =	vsub.s32 v8, v4;
	v63 =	vmov s18;
	vm14 =	veq.s32 v61, v0;
	s9 =	sadd.s32 $0x40, s30;
	p1 =	por !p0, !p0;
	p0 =	por p4, p4  }
0x163: {  	v6 =	vsub.s32 v13, v6;
	vm15 =	veq.s32 v63, v0;
	v5, _, _ =	vpop (xrf0);
	v4 =	vnsel vm14, $0x0, v4;
	s1 =	sadd.s32 s1, s17;
	s17 =	rddreg [dreg:$0x15];
	s6 =	sadd.s32 s25, s16  }
0x164: {  	(v2sf) =	vpush v5, $0xF;
	v5 =	vnsel vm15, $0x0, v6;
	s0 =	smov.u32 @p1 s2;
	s25 =	sadd.s32 s30, s31;
	s31 =	sld [smem:$0x7F9]  }
0x165: {  	s2 =	sadd.s32 s19, s22;
	p1 =	por p1, p1;
	s30 =	rddreg [dreg:$0x13]  }
0x166: {  	(xrf0) =	vadd.scan.msk.s32 $0xffff, v4;
	s3 =	smov.u32 @p0 s6;
	p4 =	slt.s32 s0, $0x0;
	s6 =	sadd.s32 s8, s26;
	v4, _, _ =	vpop (xrf0)  }
0x167: {  	(xrf0) =	vadd.scan.msk.s32 $0xffff, v5;
	s8 =	sld [smem:$0x7FA];
	p0 =	por !p3, !p4;
	p3 =	por p6, p6;
	v5, _, _ =	vpop (xrf0);
	(v2sf) =	vpush v4, $0xF  }
0x168: {  	s3 =	smov.u32 @p3 s1;
	p3 =	por !p0, !p0;
	p4 =	seq.s32 s31, $0x1;
	(v2sf) =	vpush v5, $0xF  }
0x169: {  	s1 =	sadd.s32 $0x30, s25;
	s25 =	rddreg [dreg:$0xe];
	p0 =	por p4, p4  }
0x16a: {  	s0 =	smov.u32 @p3 s1;
	p4 =	slt.s32 s15, $0x10;
	p6 =	seq.s32 s8, $0x1  }
0x16b: {  	s15 =	spop (v2sf);
	s3 =	smov.u32 @p0 s2;
	p0 =	slt.s32 s0, $0x0  }
0x16c: {  	s2 =	sadd.s32 s9, s21;
	s16 =	spop (v2sf);
	s5 =	sadd.s32 s20, s15  }
0x16d: {  	s21 =	rddreg [dreg:$0x1c];
	s3 =	smov.u32 @p6 s6;
	p0 =	por !p0, !p4  }
0x16e: {  	s19 =	spop (v2sf);
	p4 =	por !p0, !p0;
	p0 =	por p5, p5  }
0x16f: {  	p5 =	slt.s32 s24, $0x10;
	s0 =	smov.u32 @p4 s2;
	s2 =	sadd.s32 s28, s16  }
0x170: {  	p6 =	slt.s32 s0, $0x0;
	s3 =	smov.u32 @p0 s2;
	s2 =	sadd.s32 s9, s17  }
0x171: {  	p5 =	por !p6, !p5;
	s2 =	sadd.s32 $0x10, s2;
	s3 =	smov.u32 @p2 s5  }
0x172: {  	v4, _, _ =	vpop (xrf0);
	p2 =	por p4, p4;
	p0 =	por !p5, !p5;
	p5 =	slt.s32 s18, $0x10  }
0x173: {  	v5, _, _ =	vpop (xrf0);
	(v2sf) =	vpush v4, $0xF;
	s0 =	smov.u32 @p0 s2;
	p0 =	por p0, p0;
	s20 =	spop (v2sf)  }
0x174: {  	(v2sf) =	vpush v5, $0xF;
	p6 =	slt.s32 s0, $0x0;
	p0 =	por p0, p0;
	s2 =	sadd.s32 s29, s20  }
0x175: {  	s3 =	smov.u32 @p1 s2;
	s2 =	sadd.s32 s4, s19;
	p1 =	por !p5, !p6  }
0x176: {  	s3 =	smov.u32 @p3 s2;
	s2 =	sadd.s32 s9, s21;
	s22 =	spop (v2sf)  }
0x177: {  	p1 =	por !p1, !p1;
	s2 =	sadd.s32 $0x20, s2;
	s24 =	spop (v2sf)  }
0x178: {  	p5 =	slt.s32 s23, $0x10;
	s0 =	smov.u32 @p1 s2;
	s2 =	sadd.s32 s7, s24  }
0x179: {  	s4 =	sadd.s32 s25, s22;
	p6 =	slt.s32 s0, $0x0;
	s3 =	smov.u32 @p2 s2  }
0x17a: {  	s1 =	sadd.s32 s9, s30;
	s3 =	smov.u32 @p0 s4;
	p0 =	por !p5, !p6  }
0x17b: {  	s1 =	sadd.s32 $0x30, s1;
	p0 =	por !p0, !p0  }
0x17c: {  	s0 =	smov.u32 @p0 s1;
	s1 =	simm.s32 $0xC440  }
0x17d: {  	[tilespmem:s1+$0xFFFFE000] =	vst v1  }
0x17e: {  	[tilespmem:s1+$0x1810] =	vst v1  }
0x17f: {  	[tilespmem:s1+$0x1010] =	vst v1  }
0x180: {  	[tilespmem:s1+$0x810] =	vst v1  }
0x181: {  	[tilespmem:s1+$0x10] =	vst v1  }
0x182: {  	s26 =	spop (v2sf);
	[tilespmem:s1+$0xFFFFF810] =	vst v1  }
0x183: {  	s29 =	rddreg [dreg:$0x12];
	s28 =	spop (v2sf);
	[tilespmem:s1+$0xFFFFF010] =	vst v1  }
0x184: {  	s31 =	rddreg [dreg:$0xb];
	p1 =	por p1, p1;
	s2 =	sadd.s32 s29, s28;
	[tilespmem:s1+$0xFFFFE810] =	vst v1  }
0x185: {  	s3 =	smov.u32 @p1 s2;
	s2 =	sadd.s32 s31, s26;
	[tilespmem:s1+$0xFFFFE010] =	vst v1  }
0x186: {  	s3 =	smov.u32 @p0 s2;
	p0 =	por $0x1, $0x1;
	[tilespmem:s1+$0x1800] =	vst v1  }
.Ltmp5:
0x187: {  	[tilespmem:s1+$0x1000] =	vst v1;
	(pc) =	sbr.rel @!p0 .LBB2_14-.Ltmp5, $4  }
0x188: {  	[tilespmem:s1+$0x800] =	vst v1  }
0x189: {  	[tilespmem:s1+$0x0] =	vst v1  }
0x18a: {  	[tilespmem:s1+$0xFFFFF800] =	vst v1  }
0x18b: {  	s4 =	simm.s32 $0x0;
	[tilespmem:s1+$0xFFFFF000] =	vst v1  }
.LBB2_13:
0x18c: {  	s4 =	sadd.s32 $0x2, s4;
	[tilespmem:s1+$0xFFFFE800] =	vst v1;
	s1 =	sadd.s32 $0x20, s1  }
0x18d: {  	[tilespmem:s1+$0xFFFFE000] =	vst v1;
	p0 =	slt.u32 s4, $0x7E  }
0x18e: {  	[tilespmem:s1+$0x1810] =	vst v1  }
0x18f: {  	[tilespmem:s1+$0x1010] =	vst v1  }
0x190: {  	[tilespmem:s1+$0x810] =	vst v1  }
0x191: {  	[tilespmem:s1+$0x10] =	vst v1  }
0x192: {  	[tilespmem:s1+$0xFFFFF810] =	vst v1  }
0x193: {  	[tilespmem:s1+$0xFFFFF010] =	vst v1  }
0x194: {  	[tilespmem:s1+$0xFFFFE810] =	vst v1  }
0x195: {  	[tilespmem:s1+$0xFFFFE010] =	vst v1  }
0x196: {  	[tilespmem:s1+$0x1800] =	vst v1  }
.Ltmp6:
0x197: {  	[tilespmem:s1+$0x1000] =	vst v1;
	(pc) =	sbr.rel @p0 .LBB2_13-.Ltmp6, $4  }
0x198: {  	[tilespmem:s1+$0x800] =	vst v1  }
0x199: {  	[tilespmem:s1+$0x0] =	vst v1  }
0x19a: {  	[tilespmem:s1+$0xFFFFF800] =	vst v1  }
0x19b: {  	[tilespmem:s1+$0xFFFFF000] =	vst v1  }
.LBB2_14:
0x19c: {  	[tilespmem:s1+$0xFFFFE800] =	vst v1;
	s30 =	simm.s32 $0x4E60  }
0x19d: {  	v5 =	vld [tilespmem:s30+$0xFFFFFFE0]  }
0x19e: {  	v6 =	vld [tilespmem:s30+$0xFFFFFFF0]  }
0x19f: {  	v7 =	vld [tilespmem:s30+$0x30]  }
0x1a0: {  	v8 =	vld [tilespmem:s30+$0xFFFFFFC0]  }
0x1a1: {  	v9 =	vld [tilespmem:s30+$0x10];
	_ =	sdelay $0x1  }
0x1a2: {  	v4 =	vmov s0  }
0x1a3: {  	v11 =	vld [tilespmem:s30+$0x20];
	v10 =	vshrl.u32 v6, $0x15;
	v6 =	vshrl.u32 v6, $0xA;
	v12 =	vshrl.u32 v5, $0x15  }
0x1a4: {  	v15 =	vld [tilespmem:s30+$0xFFFFFFD0];
	v5 =	vshrl.u32 v5, $0xA;
	v13 =	vshrl.u32 v7, $0x15;
	v14 =	vshrl.u32 v8, $0x15  }
0x1a5: {  	v7 =	vshrl.u32 v7, $0xA;
	v17 =	vshrl.u32 v9, $0x15;
	v9 =	vshrl.u32 v9, $0xA  }
0x1a6: {  	v8 =	vshrl.u32 v8, $0xA;
	v16 =	vxor.u32 v4, v13;
	v20 =	vand.u32 $0x7FF, v7  }
0x1a7: {  	v13 =	vand.u32 $0x7FF, v5;
	v5 =	vxor.u32 v4, v12;
	v12 =	vxor.u32 v4, v17  }
0x1a8: {  	v17 =	vshrl.u32 v11, $0xA;
	vm1 =	veq.s32 v5, $0x400;
	vm0 =	veq.s32 v12, $0x400  }
0x1a9: {  	s31 =	simm.s32 $0x4EE0;
	v7 =	vld [tilespmem:s30+$0x0];
	v5 =	vshrl.u32 v11, $0x15;
	v11 =	vshrl.u32 v15, $0x15;
	v12 =	vshrl.u32 v15, $0xA  }
0x1aa: {  	v15 =	vld [tilespmem:s31+$0xFFFFFFE0];
	(xrf1) =	vunique.msk.u32 vm1, v13;
	vm1 =	veq.s32 v16, $0x400;
	v16 =	vxor.u32 v4, v5;
	v5 =	vxor.u32 v4, v10  }
0x1ab: {  	v6 =	vand.u32 $0x7FF, v6;
	v11 =	vxor.u32 v4, v11;
	v10 =	vld [tilespmem:s31+$0xFFFFFFF0];
	(xrf1) =	vunique.msk.u32 vm1, v20;
	vm1 =	veq.s32 v5, $0x400  }
0x1ac: {  	v21 =	vld [tilespmem:s31+$0x30];
	v18 =	vxor.u32 v4, v14;
	v12 =	vand.u32 $0x7FF, v12;
	vm2 =	veq.s32 v11, $0x400;
	(xrf1) =	vunique.msk.u32 vm1, v6  }
0x1ad: {  	v14 =	vand.u32 $0x7FF, v9;
	vm3 =	veq.s32 v18, $0x400;
	v11 =	vld [tilespmem:s31+$0xFFFFFFC0];
	v5 =	vand.u32 $0x7FF, v8;
	(xrf1) =	vunique.msk.u32 vm2, v12  }
0x1ae: {  	v22 =	vld [tilespmem:s31+$0x10];
	vm4 =	veq.s32 v16, $0x400;
	v19 =	vshrl.u32 v7, $0xA;
	v7 =	vshrl.u32 v7, $0x15;
	(xrf1) =	vunique.msk.u32 vm0, v14  }
0x1af: {  	v8 =	vand.u32 $0x7FF, v17;
	v7 =	vxor.u32 v4, v7;
	v9 =	vand.u32 $0x7FF, v19;
	(xrf1) =	vunique.msk.u32 vm3, v5  }
0x1b0: {  	v25 =	vld [tilespmem:s31+$0x20];
	v17 =	vshrl.u32 v15, $0x15;
	v15 =	vshrl.u32 v15, $0xA;
	v18 =	vshrl.u32 v10, $0x15  }
0x1b1: {  	v16 =	vshrl.u32 v10, $0xA;
	vm5 =	veq.s32 v7, $0x400;
	v7 =	vshrl.u32 v21, $0x15;
	(xrf1) =	vunique.msk.u32 vm4, v8  }
0x1b2: {  	v19 =	vshrl.u32 v11, $0x15;
	v24 =	vxor.u32 v4, v7;
	v7 =	vshrl.u32 v21, $0xA  }
0x1b3: {  	v26 =	vld [tilespmem:s31+$0xFFFFFFD0];
	v21 =	vshrl.u32 v22, $0x15;
	v10 =	vand.u32 $0x7FF, v7;
	v7 =	vand.u32 $0x7FF, v15;
	(xrf1) =	vunique.msk.u32 vm5, v9  }
0x1b4: {  	v15 =	vxor.u32 v4, v21;
	v21 =	vshrl.u32 v11, $0xA;
	v11 =	vxor.u32 v4, v17  }
0x1b5: {  	v23 =	vshrl.u32 v22, $0xA;
	v22 =	vshrl.u32 v25, $0x15;
	vm3 =	veq.s32 v15, $0x400;
	v15 =	vld [tilespmem:s31+$0x0];
	_ =	sdelay $0x1  }
0x1b6: {  	v20 =	vor.u32 $0x3800, v20;
	vm1 =	veq.s32 v11, $0x400  }
0x1b7: {  	v19 =	vxor.u32 v4, v19;
	v17 =	vshrl.u32 v25, $0xA;
	v25 =	vshrl.u32 v26, $0x15;
	_, v11, vm0 =	vpop (xrf1);
	(xrf1) =	vunique.msk.u32 vm1, v7  }
0x1b8: {  	s1 =	simm.s32 $0x8;
	s4 =	simm.s32 $0x4F60;
	v26 =	vshrl.u32 v26, $0xA;
	v27 =	vxor.u32 v4, v25;
	v25 =	vxor.u32 v4, v22;
	_, v22, vm2 =	vpop (xrf1)  }
.LBB2_15:
0x1b9: {  	v28 =	vld [tilespmem:s4+$0x0];
	s1 =	sadd.s32 $0x8, s1;
	v18 =	vxor.u32 v4, v18;
	v29 =	vshrl.u32 v15, $0xA;
	vm1 =	veq.s32 v24, $0x400;
	_, v30, vm4 =	vpop (xrf1)  }
0x1ba: {  	v16 =	vand.u32 $0x7FF, v16;
	v23 =	vand.u32 $0x7FF, v23;
	v24 =	vld [tilespmem:s4+$0xFFFFFFE0];
	p0 =	slt.u32 s1, $0x4D8;
	vm5 =	veq.s32 v18, $0x400;
	(xrf1) =	vunique.msk.u32 vm1, v10;
	_, v31, vm1 =	vpop (xrf1)  }
0x1bb: {  	vm6 =	veq.s32 v27, $0x400;
	v26 =	vand.u32 $0x7FF, v26;
	v27 =	vor.u32 $0x1000, v13;
	v32 =	vld [tilespmem:s4+$0xFFFFFFF0];
	(xrf1) =	vunique.msk.u32 vm5, v16;
	_, v13, vm7 =	vpop (xrf1)  }
0x1bc: {  	v34 =	vor.u32 $0x800, v12;
	v35 =	vor.u32 $0x1800, v6;
	v12 =	vor.u32 $0x2800, v14;
	v33 =	vld [tilespmem:s4+$0x30];
	(xrf1) =	vunique.msk.u32 vm6, v26;
	_, v36, vm6 =	vpop (xrf1)  }
0x1bd: {  	v38 =	vor.u32 $0x2000, v9;
	v6 =	vmovc v16;
	vm5 =	veq.s32 v19, $0x400;
	v19 =	vand.u32 $0x7FF, v21;
	v37 =	vld [tilespmem:s4+$0xFFFFFFC0];
	(xrf1) =	vunique.msk.u32 vm3, v23  }
0x1be: {  	v9 =	vshrl.u32 v15, $0x15;
	vm3 =	veq.s32 v25, $0x400;
	v25 =	vor.u32 $0x3000, v8;
	v21 =	vld [tilespmem:s4+$0x10];
	(xrf1) =	vunique.msk.u32 vm5, v19;
	_, v39, vm5 =	vpop (xrf1)  }
0x1bf: {  	v40 =	vxor.u32 v4, v9;
	v9 =	vand.u32 $0x7FF, v29;
	v8 =	vand.u32 $0x7FF, v17;
	v15 =	vmovc v28;
	[tilespmem:v20+s10+$0x0] =	vst.idx.add.s32.msk vm2, v22  }
0x1c0: {  	vm8 =	veq.s32 v40, $0x400;
	v18 =	vshrl.u32 v32, $0x15;
	v16 =	vshrl.u32 v32, $0xA;
	v20 =	vld [tilespmem:s4+$0x20];
	(xrf1) =	vunique.msk.u32 vm3, v8;
	_, v22, vm2 =	vpop (xrf1)  }
0x1c1: {  	v14 =	vmovc v23;
	v17 =	vshrl.u32 v24, $0x15;
	v28 =	vshrl.u32 v24, $0xA;
	v24 =	vshrl.u32 v33, $0x15;
	[tilespmem:v12+s10+$0x0] =	vst.idx.add.s32.msk vm7, v13;
	v12 =	vmovc v26  }
0x1c2: {  	v32 =	vmovc v10;
	v40 =	vshrl.u32 v33, $0xA;
	v26 =	vshrl.u32 v37, $0x15;
	v29 =	vld [tilespmem:s4+$0xFFFFFFD0];
	v24 =	vxor.u32 v4, v24;
	(xrf1) =	vunique.msk.u32 vm8, v9  }
0x1c3: {  	v13 =	vmovc v7;
	v10 =	vand.u32 $0x7FF, v40;
	v33 =	vshrl.u32 v21, $0x15;
	v23 =	vshrl.u32 v21, $0xA;
	[tilespmem:v5+s10+$0x0] =	vst.idx.add.s32.msk vm6, v36;
	v5 =	vmovc v19  }
.Ltmp7:
0x1c4: {  	v7 =	vand.u32 $0x7FF, v28;
	v19 =	vxor.u32 v4, v26;
	v26 =	vxor.u32 v4, v33;
	[tilespmem:v35+s10+$0x0] =	vst.idx.add.s32.msk vm4, v30;
	(pc) =	sbr.rel @p0 .LBB2_15-.Ltmp7, $4  }
0x1c5: {  	v28 =	vxor.u32 v4, v17;
	v21 =	vshrl.u32 v37, $0xA;
	v17 =	vshrl.u32 v20, $0xA;
	[tilespmem:v27+s10+$0x0] =	vst.idx.add.s32.msk vm0, v11;
	_, v11, vm0 =	vpop (xrf1)  }
0x1c6: {  	vm4 =	veq.s32 v28, $0x400;
	vm3 =	veq.s32 v26, $0x400;
	v20 =	vshrl.u32 v20, $0x15;
	[tilespmem:v25+s10+$0x0] =	vst.idx.add.s32.msk vm5, v39  }
0x1c7: {  	v25 =	vshrl.u32 v29, $0x15;
	v26 =	vshrl.u32 v29, $0xA;
	(xrf1) =	vunique.msk.u32 vm4, v7;
	[tilespmem:v38+s10+$0x0] =	vst.idx.add.s32.msk vm2, v22  }
0x1c8: {  	s4 =	sadd.s32 $0x80, s4;
	v27 =	vxor.u32 v4, v25;
	v25 =	vxor.u32 v4, v20;
	v20 =	vor.u32 $0x3800, v32;
	_, v22, vm2 =	vpop (xrf1);
	[tilespmem:v34+s10+$0x0] =	vst.idx.add.s32.msk vm1, v31  }
0x1c9: {  	v18 =	vxor.u32 v4, v18;
	vm1 =	veq.s32 v24, $0x400  }
0x1ca: {  	v16 =	vand.u32 $0x7FF, v16;
	vm4 =	veq.s32 v18, $0x400;
	(xrf1) =	vunique.msk.u32 vm1, v10  }
0x1cb: {  	vm12 =	veq.s32 v27, $0x400;
	v48 =	vand.u32 $0x7FF, v26;
	(xrf1) =	vunique.msk.u32 vm4, v16  }
0x1cc: {  	v23 =	vand.u32 $0x7FF, v23;
	vm13 =	veq.s32 v19, $0x400;
	(xrf1) =	vunique.msk.u32 vm12, v48  }
0x1cd: {  	v49 =	vand.u32 $0x7FF, v21;
	v50 =	vshrl.u32 v15, $0xA;
	v51 =	vshrl.u32 v15, $0x15;
	(xrf1) =	vunique.msk.u32 vm3, v23  }
0x1ce: {  	vm14 =	veq.s32 v25, $0x400;
	v17 =	vand.u32 $0x7FF, v17;
	v15 =	vxor.u32 v4, v51;
	(xrf1) =	vunique.msk.u32 vm13, v49  }
0x1cf: {  	_, v52, vm15 =	vpop (xrf1);
	v21 =	vand.u32 $0x7FF, v50;
	vm11 =	veq.s32 v15, $0x400;
	(xrf1) =	vunique.msk.u32 vm14, v17  }
0x1d0: {  	_, v53, vm12 =	vpop (xrf1);
	(xrf1) =	vunique.msk.u32 vm11, v21  }
0x1d1: {  	v13 =	vor.u32 $0x1000, v13  }
0x1d2: {  	v6 =	vor.u32 $0x1800, v6  }
0x1d3: {  	v12 =	vor.u32 $0x800, v12;
	_, v54, vm13 =	vpop (xrf1)  }
0x1d4: {  	v14 =	vor.u32 $0x2800, v14;
	_, v55, vm5 =	vpop (xrf1)  }
0x1d5: {  	[tilespmem:v20+s10+$0x0] =	vst.idx.add.s32.msk vm2, v22;
	_, v56, vm6 =	vpop (xrf1)  }
0x1d6: {  	v8 =	vor.u32 $0x3000, v8;
	[tilespmem:v13+s10+$0x0] =	vst.idx.add.s32.msk vm0, v11;
	_, v28, vm7 =	vpop (xrf1)  }
0x1d7: {  	v9 =	vor.u32 $0x2000, v9;
	[tilespmem:v6+s10+$0x0] =	vst.idx.add.s32.msk vm15, v52;
	_, v29, vm8 =	vpop (xrf1)  }
0x1d8: {  	v7 =	vor.u32 $0x1000, v7;
	[tilespmem:v12+s10+$0x0] =	vst.idx.add.s32.msk vm12, v53;
	_, v20, vm2 =	vpop (xrf1)  }
0x1d9: {  	v6 =	vor.u32 $0x3800, v10;
	[tilespmem:v14+s10+$0x0] =	vst.idx.add.s32.msk vm13, v54;
	_, v14, vm4 =	vpop (xrf1)  }
0x1da: {  	v59 =	vor.u32 $0x1800, v16;
	[tilespmem:v5+s10+$0x0] =	vst.idx.add.s32.msk vm5, v55;
	_, v5, vm5 =	vpop (xrf1)  }
0x1db: {  	v63 =	vor.u32 $0x800, v48;
	[tilespmem:v8+s10+$0x0] =	vst.idx.add.s32.msk vm6, v56;
	_, v57, vm14 =	vpop (xrf1)  }
0x1dc: {  	v58 =	vor.u32 $0x2800, v23;
	[tilespmem:v9+s10+$0x0] =	vst.idx.add.s32.msk vm7, v28;
	_, v13, vm0 =	vpop (xrf1)  }
0x1dd: {  	[tilespmem:v7+s10+$0x0] =	vst.idx.add.s32.msk vm8, v29;
	_, v60, vm15 =	vpop (xrf1)  }
0x1de: {  	v61 =	vor.u32 $0x3000, v17;
	[tilespmem:v6+s10+$0x0] =	vst.idx.add.s32.msk vm2, v20;
	_, v6, vm2 =	vpop (xrf1)  }
0x1df: {  	v62 =	vor.u32 $0x2000, v21;
	[tilespmem:v59+s10+$0x0] =	vst.idx.add.s32.msk vm4, v14  }
0x1e0: {  	[tilespmem:v63+s10+$0x0] =	vst.idx.add.s32.msk vm5, v5  }
0x1e1: {  	[tilespmem:v58+s10+$0x0] =	vst.idx.add.s32.msk vm14, v57  }
0x1e2: {  	[tilespmem:v49+s10+$0x0] =	vst.idx.add.s32.msk vm0, v13  }
0x1e3: {  	[tilespmem:v61+s10+$0x0] =	vst.idx.add.s32.msk vm15, v60  }
0x1e4: {  	s1 =	simm.s32 $0x0;
	s4 =	simm.s32 $0x9C20;
	[tilespmem:v62+s10+$0x0] =	vst.idx.add.s32.msk vm2, v6  }
.LBB2_17:
0x1e5: {  	v5 =	vld [tilespmem:s4+$0x0];
	_ =	sdelay $0x4  }
0x1e6: {  	v6 =	vshrl.u32 v5, $0x15  }
0x1e7: {  	v5 =	vshrl.u32 v5, $0xA;
	v6 =	vxor.u32 v4, v6  }
0x1e8: {  	v5 =	vand.u32 $0x7FF, v5;
	vm0 =	veq.s32 v6, $0x400  }
0x1e9: {  	(xrf1) =	vunique.msk.u32 vm0, v5;
	_ =	sdelay $0xd  }
0x1ea: {  	s2 =	sshll.u32 s1, $0xB;
	_, v6, vm0 =	vpop (xrf1)  }
0x1eb: {  	p0 =	seq.s32 s1, $0x1;
	v5 =	vor.u32 s2, v5  }
.Ltmp8:
0x1ec: {  	_ = 	snop;
	(pc) =	sbr.rel @!p0 .LBB2_17-.Ltmp8, $2  }
0x1ed: {  	_ =	sdelay $0x2  }
0x1ee: {  	s4 =	sadd.s32 $0x10, s4;
	s1 =	sadd.s32 $0x1, s1;
	[tilespmem:v5+s10+$0x0] =	vst.idx.add.s32.msk vm0, v6  }
0x1ef: {  	s1 =	simm.s32 $0xC440  }
0x1f0: {  	v4 =	vld [tilespmem:s1+$0xFFFFE000]  }
0x1f1: {  	v5 =	vld [tilespmem:s1+$0xFFFFE800]  }
0x1f2: {  	v6 =	vld [tilespmem:s1+$0xFFFFF000]  }
0x1f3: {  	v7 =	vld [tilespmem:s1+$0xFFFFF800]  }
0x1f4: {  	v8 =	vld [tilespmem:s1+$0x0]  }
0x1f5: {  	v9 =	vld [tilespmem:s1+$0x800]  }
0x1f6: {  	v4 =	vadd.s32 v4, v5;
	v5 =	vld [tilespmem:s1+$0x1000]  }
0x1f7: {  	v4 =	vadd.s32 v6, v4;
	v6 =	vld [tilespmem:s1+$0x1800]  }
0x1f8: {  	v4 =	vadd.s32 v7, v4  }
0x1f9: {  	v4 =	vadd.s32 v8, v4  }
0x1fa: {  	v4 =	vadd.s32 v9, v4  }
0x1fb: {  	v4 =	vadd.s32 v5, v4  }
0x1fc: {  	s4 =	simm.s32 $0x9C50;
	v4 =	vadd.s32 v6, v4  }
0x1fd: {  	[tilespmem:s4+$0xFFFFFFF0] =	vst v4  }
0x1fe: {  	v4 =	vld [tilespmem:s1+$0xFFFFE010]  }
0x1ff: {  	v5 =	vld [tilespmem:s1+$0xFFFFE810]  }
0x200: {  	v6 =	vld [tilespmem:s1+$0xFFFFF010]  }
0x201: {  	v7 =	vld [tilespmem:s1+$0xFFFFF810]  }
0x202: {  	v8 =	vld [tilespmem:s1+$0x10];
	_ =	sdelay $0x1  }
0x203: {  	v4 =	vadd.s32 v4, v5  }
0x204: {  	v63 =	vld [tilespmem:s1+$0x810];
	v4 =	vadd.s32 v6, v4  }
0x205: {  	v5 =	vadd.s32 v7, v4;
	v4 =	vld [tilespmem:s1+$0x1010]  }
0x206: {  	v6 =	vadd.s32 v8, v5;
	v5 =	vld [tilespmem:s1+$0x1810];
	_ =	sdelay $0x2  }
0x207: {  	s5 =	simm.s32 $0x0;
	s6 =	simm.s32 $0x9C50;
	v6 =	vadd.s32 v63, v6  }
.LBB2_19:
0x208: {  	s5 =	sadd.s32 $0x2, s5;
	v4 =	vadd.s32 v4, v6;
	s1 =	sadd.s32 $0x20, s1;
	s4 =	sadd.s32 $0x20, s4  }
0x209: {  	p0 =	slt.u32 s5, $0x7E;
	v4 =	vadd.s32 v5, v4  }
0x20a: {  	[tilespmem:s6+$0x0] =	vst v4;
	s6 =	smov.u32 s4  }
0x20b: {  	v4 =	vld [tilespmem:s1+$0xFFFFE000]  }
0x20c: {  	v5 =	vld [tilespmem:s1+$0xFFFFE800]  }
0x20d: {  	v6 =	vld [tilespmem:s1+$0xFFFFF000]  }
0x20e: {  	v7 =	vld [tilespmem:s1+$0xFFFFF800]  }
0x20f: {  	v8 =	vld [tilespmem:s1+$0x0]  }
0x210: {  	v9 =	vld [tilespmem:s1+$0x800]  }
0x211: {  	v4 =	vadd.s32 v4, v5;
	v5 =	vld [tilespmem:s1+$0x1000]  }
0x212: {  	v4 =	vadd.s32 v6, v4;
	v6 =	vld [tilespmem:s1+$0x1800]  }
0x213: {  	v4 =	vadd.s32 v7, v4  }
0x214: {  	v4 =	vadd.s32 v8, v4  }
0x215: {  	v4 =	vadd.s32 v9, v4  }
0x216: {  	v4 =	vadd.s32 v5, v4  }
0x217: {  	v4 =	vadd.s32 v6, v4  }
0x218: {  	[tilespmem:s4+$0xFFFFFFF0] =	vst v4  }
0x219: {  	v6 =	vld [tilespmem:s1+$0xFFFFF010]  }
0x21a: {  	v5 =	vld [tilespmem:s1+$0xFFFFE010]  }
0x21b: {  	v7 =	vld [tilespmem:s1+$0xFFFFE810]  }
0x21c: {  	v8 =	vld [tilespmem:s1+$0xFFFFF810]  }
0x21d: {  	v9 =	vld [tilespmem:s1+$0x10]  }
0x21e: {  	v10 =	vld [tilespmem:s1+$0x810]  }
0x21f: {  	v4 =	vld [tilespmem:s1+$0x1010]  }
.Ltmp9:
0x220: {  	v7 =	vadd.s32 v5, v7;
	v5 =	vld [tilespmem:s1+$0x1810];
	(pc) =	sbr.rel @p0 .LBB2_19-.Ltmp9, $4  }
0x221: {  	v6 =	vadd.s32 v6, v7  }
0x222: {  	v6 =	vadd.s32 v8, v6  }
0x223: {  	v6 =	vadd.s32 v9, v6  }
0x224: {  	v6 =	vadd.s32 v10, v6  }
0x225: {  	v4 =	vadd.s32 v4, v6  }
0x226: {  	v4 =	vadd.s32 v5, v4  }
0x227: {  	s4 =	simm.s32 $0x9C60;
	[tilespmem:s6+$0x0] =	vst v4  }
0x228: {  	v5 =	vld [tilespmem:s4+$0x10]  }
0x229: {  	v18 =	vld [tilespmem:s4+$0xFFFFFFE0];
	_ =	sdelay $0x3  }
0x22a: {  	(xrf0) =	vadd.scan.msk.s32 $0xffff, v5  }
0x22b: {  	(xrf0) =	vadd.scan.msk.s32 $0xffff, v18  }
0x22c: {  	v19 =	vld [tilespmem:s4+$0xFFFFFFF0]  }
0x22d: {  	v11 =	vld [tilespmem:s4+$0x0];
	_ =	sdelay $0x2  }
0x22e: {  	v6, _, _ =	vpop (xrf0)  }
0x22f: {  	(xrf0) =	vadd.scan.msk.s32 $0xffff, v19;
	v20, _, _ =	vpop (xrf0);
	(v2sf) =	vpush v6, $0xF  }
0x230: {  	(xrf0) =	vadd.scan.msk.s32 $0xffff, v11;
	(v2sf) =	vpush v20, $0xF;
	_ =	sdelay $0x4  }
0x231: {  	v21, _, _ =	vpop (xrf0)  }
0x232: {  	(v2sf) =	vpush v21, $0xF;
	v22, _, _ =	vpop (xrf0)  }
0x233: {  	(v2sf) =	vpush v22, $0xF;
	_ =	sdelay $0x2  }
0x234: {  	s2 =	simm.s32 $0x9CA0  }
0x235: {  	v8 =	vld [tilespmem:s2+$0x10]  }
0x236: {  	v9 =	vld [tilespmem:s2+$0xFFFFFFE0]  }
0x237: {  	v7 =	vld [tilespmem:s2+$0xFFFFFFF0]  }
0x238: {  	v10 =	vld [tilespmem:s2+$0x0];
	s5 =	spop (v2sf)  }
0x239: {  	s1 =	ssub.s32 $0x3E8, s3;
	s8 =	simm.s32 $0x0;
	s6 =	spop (v2sf)  }
0x23a: {  	v4 =	vmov s1;
	(xrf0) =	vadd.scan.msk.s32 $0xffff, v8;
	v12 =	vadd.s32 s8, v20;
	s6 =	sadd.s32 $0x0, s6  }
0x23b: {  	(xrf0) =	vadd.scan.msk.s32 $0xffff, v9;
	vm0 =	vlt.s32 v12, v4;
	v12 =	vadd.s32 s6, v21  }
0x23c: {  	(xrf0) =	vadd.scan.msk.s32 $0xffff, v7;
	v13 =	vsel vm0, $0x80000010, v2;
	vm0 =	vlt.s32 v12, v4  }
0x23d: {  	(xrf0) =	vadd.scan.msk.s32 $0xffff, v10;
	v12 =	vsel vm0, $0x80000010, v2  }
0x23e: {  	(xrf0) =	vmin.scan.msk.u32 $0xffff, v13  }
0x23f: {  	s7 =	spop (v2sf);
	(xrf0) =	vmin.scan.msk.u32 $0xffff, v12  }
0x240: {  	s28 =	sadd.s32 s7, s6;
	s9 =	spop (v2sf);
	v12, _, _ =	vpop (xrf0)  }
0x241: {  	v14 =	vadd.s32 s28, v22;
	s25 =	sadd.s32 s9, s28;
	v13, _, _ =	vpop (xrf0);
	(v2sf) =	vpush v12, $0xF  }
0x242: {  	vm0 =	vlt.s32 v14, v4;
	v14 =	vadd.s32 s25, v6;
	(v2sf) =	vpush v13, $0xF;
	v15, _, _ =	vpop (xrf0)  }
0x243: {  	(v2sf) =	vpush v15, $0xF;
	v16, _, _ =	vpop (xrf0)  }
0x244: {  	(v2sf) =	vpush v16, $0xF;
	v17, _, _ =	vpop (xrf0)  }
0x245: {  	v23 =	vsel vm0, $0x80000010, v2;
	vm0 =	vlt.s32 v14, v4;
	(v2sf) =	vpush v17, $0xF;
	v14, _, _ =	vpop (xrf0)  }
0x246: {  	(v2sf) =	vpush v14, $0xF  }
0x247: {  	(xrf0) =	vmin.scan.msk.u32 $0xffff, v23;
	v17 =	vsel vm0, $0x80000010, v2  }
0x248: {  	s15 =	simm.s32 $0x9CE0;
	(xrf0) =	vmin.scan.msk.u32 $0xffff, v17  }
0x249: {  	v14 =	vld [tilespmem:s15+$0x10];
	_ =	sdelay $0x3  }
0x24a: {  	v17 =	vld [tilespmem:s15+$0xFFFFFFE0];
	v23, _, _ =	vpop (xrf0)  }
0x24b: {  	v24 =	vld [tilespmem:s15+$0xFFFFFFF0];
	(v2sf) =	vpush v23, $0xF;
	(xrf0) =	vadd.scan.msk.s32 $0xffff, v14;
	v48, _, _ =	vpop (xrf0)  }
0x24c: {  	(v2sf) =	vpush v48, $0xF  }
0x24d: {  	v49 =	vld [tilespmem:s15+$0x0];
	s3 =	spop (v2sf)  }
0x24e: {  	s29 =	sadd.s32 s5, s25;
	s16 =	spop (v2sf)  }
0x24f: {  	v25 =	vadd.s32 s29, v13;
	(xrf0) =	vadd.scan.msk.s32 $0xffff, v17;
	s17 =	spop (v2sf)  }
0x250: {  	v18 =	vsub.s32 v20, v18;
	vm0 =	vlt.s32 v25, v4;
	(xrf0) =	vadd.scan.msk.s32 $0xffff, v24;
	s19 =	sadd.s32 s29, s16;
	s18 =	spop (v2sf)  }
0x251: {  	v19 =	vsub.s32 v21, v19;
	v26 =	vsel vm0, $0x80000010, v2;
	v20, _, _ =	vpop (xrf0);
	v50 =	vadd.s32 s19, v15;
	s24 =	sadd.s32 s17, s19;
	s20 =	spop (v2sf)  }
0x252: {  	(xrf0) =	vadd.scan.msk.s32 $0xffff, v49;
	(v2sf) =	vpush v20, $0xF;
	vm0 =	vlt.s32 v50, v4;
	v51 =	vadd.s32 s24, v16;
	s22 =	sadd.s32 s18, s24;
	s4 =	spop (v2sf)  }
0x253: {  	(xrf0) =	vmin.scan.msk.u32 $0xffff, v26;
	vm1 =	vlt.s32 v51, v4;
	v52 =	vsel vm0, $0x80000010, v2;
	v53 =	vadd.s32 s22, v12;
	s5 =	sxor.u32 $0x80000000, s4  }
0x254: {  	s7 =	sxor.u32 $0x80000000, s20;
	(xrf0) =	vmin.scan.msk.u32 $0xffff, v52;
	v54 =	vsel vm1, $0x80000010, v2;
	vm0 =	vlt.s32 v53, v4;
	v56 =	vmov s5  }
0x255: {  	v57, _, _ =	vpop (xrf0);
	v58 =	vmov s7;
	(xrf0) =	vmin.scan.msk.u32 $0xffff, v54;
	v55 =	vsel vm0, $0x80000010, v2;
	vm0 =	veq.s32 v56, v0  }
0x256: {  	(v2sf) =	vpush v57, $0xF;
	v59, _, _ =	vpop (xrf0);
	vm1 =	veq.s32 v58, v0;
	(xrf0) =	vmin.scan.msk.u32 $0xffff, v55;
	v19 =	vnsel vm0, $0x0, v19  }
0x257: {  	(v2sf) =	vpush v59, $0xF;
	v18 =	vnsel vm1, $0x0, v18  }
0x258: {  	p0 =	por $0x1, $0x1;
	s31 =	simm.s32 $0x9D60;
	v60, _, _ =	vpop (xrf0)  }
0x259: {  	[dreg:$0xa] =	wrdreg s1;
	s1 =	simm.s32 $0xFFFFFFFF;
	(v2sf) =	vpush v60, $0xF;
	p1 =	slt.s32 s7, $0x10;
	(xrf0) =	vadd.scan.msk.s32 $0xffff, v19;
	v19, _, _ =	vpop (xrf0)  }
0x25a: {  	s15 =	simm.s32 $0x9D20;
	p0 =	por !p0, !p1;
	s21 =	spop (v2sf);
	(xrf0) =	vadd.scan.msk.s32 $0xffff, v18;
	(v2sf) =	vpush v19, $0xF;
	v18, _, _ =	vpop (xrf0)  }
0x25b: {  	s2 =	sadd.s32 $0x80000000, s20;
	p0 =	por !p0, !p0;
	s23 =	spop (v2sf);
	(v2sf) =	vpush v18, $0xF;
	v18, _, _ =	vpop (xrf0)  }
0x25c: {  	s4 =	sadd.s32 $0x80000000, s4;
	s1 =	smov.u32 @p0 s2;
	s26 =	sxor.u32 $0x80000000, s23;
	(v2sf) =	vpush v18, $0xF;
	v18, _, _ =	vpop (xrf0)  }
0x25d: {  	p3 =	slt.s32 s5, $0x10;
	s9 =	sxor.u32 $0x80000000, s21;
	p2 =	slt.s32 s1, $0x0;
	(v2sf) =	vpush v18, $0xF;
	v18 =	vmov s26  }
0x25e: {  	v5 =	vsub.s32 v6, v5;
	s30 =	sadd.s32 s3, s22;
	s4 =	sadd.s32 $0x10, s4;
	v6 =	vmov s9;
	p1 =	por !p2, !p3  }
0x25f: {  	s7 =	sadd.s32 $0x80000000, s21;
	p4 =	slt.s32 s9, $0x10;
	p1 =	por !p1, !p1;
	vm0 =	veq.s32 v18, v0  }
0x260: {  	v11 =	vsub.s32 v22, v11;
	s7 =	sadd.s32 $0x20, s7;
	vm1 =	veq.s32 v6, v0;
	s1 =	smov.u32 @p1 s4;
	p1 =	por p1, p1;
	v5 =	vnsel vm0, $0x0, v5;
	v18, _, _ =	vpop (xrf0)  }
0x261: {  	v11 =	vnsel vm1, $0x0, v11;
	s2 =	sadd.s32 $0x80000000, s23;
	s23 =	simm.s32 $0x80000040;
	p3 =	slt.s32 s1, $0x0;
	(xrf0) =	vadd.scan.msk.s32 $0xffff, v5;
	v5 =	vld [tilespmem:s15+$0x10];
	(v2sf) =	vpush v18, $0xF;
	v6, _, _ =	vpop (xrf0)  }
0x262: {  	s3 =	simm.s32 @!p1 $0x0;
	p5 =	slt.s32 s26, $0x10;
	p2 =	por !p4, !p3;
	(xrf0) =	vadd.scan.msk.s32 $0xffff, v11;
	(v2sf) =	vpush v6, $0xF;
	v6 =	vld [tilespmem:s15+$0xFFFFFFE0]  }
0x263: {  	s2 =	sadd.s32 $0x30, s2;
	s3 =	simm.s32 @p1 $0x1;
	p2 =	por !p2, !p2;
	v11 =	vld [tilespmem:s15+$0xFFFFFFF0]  }
0x264: {  	v19 =	vsub.s32 v13, v9;
	v9 =	vadd.s32 s30, v57;
	[smem:$0x7F6] =	sst s3;
	s1 =	smov.u32 @p2 s7;
	s20 =	spop (v2sf);
	v18 =	vsub.s32 v15, v7;
	v7 =	vld [tilespmem:s15+$0x0]  }
0x265: {  	s26 =	simm.s32 $0xC;
	p6 =	slt.s32 s1, $0x0;
	s16 =	spop (v2sf)  }
0x266: {  	p2 =	por p2, p2;
	vm0 =	vlt.s32 v9, v4;
	p1 =	por !p5, !p6;
	s17 =	spop (v2sf);
	(xrf0) =	vadd.scan.msk.s32 $0xffff, v5  }
0x267: {  	v61 =	vsub.s32 v12, v8;
	v12 =	vsub.s32 v20, v14;
	p5 =	por p0, p0;
	s21 =	sadd.s32 s30, s16;
	v14 =	vsel vm0, $0x80000010, v2;
	p1 =	por !p1, !p1;
	v9, _, _ =	vpop (xrf0);
	(xrf0) =	vadd.scan.msk.s32 $0xffff, v6  }
0x268: {  	v15 =	vsub.s32 v16, v10;
	s18 =	spop (v2sf);
	s4 =	sadd.s32 s17, s21;
	s1 =	smov.u32 @p1 s2;
	v16, _, _ =	vpop (xrf0);
	(v2sf) =	vpush v9, $0xF;
	v9 =	vadd.s32 s21, v59;
	(xrf0) =	vadd.scan.msk.s32 $0xffff, v11  }
0x269: {  	s2 =	simm.s32 @!p2 $0x0;
	s7 =	sadd.s32 s18, s4;
	(v2sf) =	vpush v16, $0xF;
	vm0 =	vlt.s32 v9, v4;
	v9 =	vadd.s32 s4, v60;
	s5 =	spop (v2sf);
	(xrf0) =	vadd.scan.msk.s32 $0xffff, v7  }
0x26a: {  	s2 =	simm.s32 @p2 $0x1;
	v16 =	vsel vm0, $0x80000010, v2;
	vm0 =	vlt.s32 v9, v4;
	v9 =	vadd.s32 s7, v20;
	s16 =	sxor.u32 $0x80000000, s5;
	s15 =	spop (v2sf);
	(xrf0) =	vmin.scan.msk.u32 $0xffff, v14  }
0x26b: {  	p4 =	slt.s32 s1, $0x0;
	v14 =	vsel vm0, $0x80000010, v2;
	vm0 =	vlt.s32 v9, v4;
	p6 =	slt.s32 s16, $0x10;
	(xrf0) =	vmin.scan.msk.u32 $0xffff, v16;
	v16 =	vmov s16;
	s16 =	sxor.u32 $0x80000000, s15  }
0x26c: {  	s20 =	sadd.s32 s20, s7;
	[smem:$0x7F7] =	sst s2;
	s18 =	spop (v2sf);
	v20 =	vsel vm0, $0x80000010, v2;
	vm0 =	veq.s32 v16, v0;
	v16 =	vmov s16  }
0x26d: {  	v8 =	vsub.s32 v60, v49;
	v13 =	vsub.s32 v57, v17;
	v10 =	vsub.s32 v59, v24;
	s2 =	sadd.s32 $0x80000040, s5;
	p0 =	por !p4, !p6;
	s17 =	sxor.u32 $0x80000000, s18;
	v9, _, _ =	vpop (xrf0)  }
0x26e: {  	s9 =	spop (v2sf);
	p3 =	slt.s32 s16, $0x10;
	p4 =	por !p0, !p0;
	v17, _, _ =	vpop (xrf0);
	(v2sf) =	vpush v9, $0xF;
	vm1 =	veq.s32 v16, v0;
	v62 =	vmov s17  }
0x26f: {  	s3 =	sxor.u32 $0x80000000, s9;
	(xrf0) =	vmin.scan.msk.u32 $0xffff, v14;
	v19 =	vnsel vm0, $0x0, v19;
	p0 =	slt.s32 s17, $0x10;
	s1 =	smov.u32 @p4 s2;
	(v2sf) =	vpush v17, $0xF;
	v18 =	vnsel vm1, $0x0, v18;
	v16, _, _ =	vpop (xrf0)  }
0x270: {  	s17 =	sadd.s32 $0x80000040, s15;
	vm1 =	veq.s32 v62, v0;
	p6 =	slt.s32 s1, $0x0;
	(xrf0) =	vmin.scan.msk.u32 $0xffff, v20;
	v20 =	vmov s3;
	s2 =	spop (v2sf);
	(v2sf) =	vpush v16, $0xF;
	v14, _, _ =	vpop (xrf0)  }
0x271: {  	s15 =	sadd.s32 $0x10, s17;
	p2 =	por !p6, !p3;
	(xrf0) =	vadd.scan.msk.s32 $0xffff, v18;
	v18 =	vadd.s32 s20, v17;
	vm2 =	veq.s32 v20, v0;
	s16 =	spop (v2sf);
	(v2sf) =	vpush v14, $0xF;
	v63, _, _ =	vpop (xrf0)  }
0x272: {  	(xrf0) =	vadd.scan.msk.s32 $0xffff, v19;
	vm0 =	vlt.s32 v18, v4;
	p6 =	por !p2, !p2;
	v18 =	vnsel vm2, $0x0, v61;
	s5 =	sadd.s32 s6, s2;
	s16 =	sadd.s32 $0x0, s16;
	(v2sf) =	vpush v63, $0xF;
	v19, _, _ =	vpop (xrf0)  }
.LBB2_21:
0x273: {  	s1 =	smov.u32 @p6 s15;
	s2 =	sadd.s32 s23, s18  }
0x274: {  	s6 =	smov.u32 s19;
	s19 =	smov.u32 s21;
	s17 =	sld [smem:$0x7F6]  }
0x275: {  	s15 =	smov.u32 s29;
	s8 =	smov.u32 @p5 s16;
	s21 =	sadd.s32 s23, s9  }
0x276: {  	p5 =	slt.s32 s3, $0x10;
	s26 =	sadd.s32 $0x4, s26;
	s29 =	smov.u32 s30  }
0x277: {  	s30 =	smov.u32 s20;
	s23 =	sadd.s32 $0x40, s23;
	p3 =	seq.s32 s17, $0x1  }
0x278: {  	(v2sf) =	vpush v19, $0xF;
	v20, _, _ =	vpop (xrf0);
	s18 =	spop (v2sf);
	p2 =	por p3, p3;
	p3 =	por p6, p6  }
0x279: {  	(v2sf) =	vpush v20, $0xF;
	s17 =	simm.s32 @!p3 $0x0;
	s8 =	smov.u32 @p2 s5;
	s5 =	sadd.s32 s25, s18  }
0x27a: {  	(xrf0) =	vadd.scan.msk.s32 $0xffff, v18;
	v22 =	vmov v13;
	v13 =	vsub.s32 v17, v6;
	v6, _, _ =	vpop (xrf0);
	s25 =	sld [smem:$0x7F7];
	s17 =	simm.s32 @p3 $0x1;
	p3 =	slt.s32 s1, $0x0  }
0x27b: {  	[smem:$0x7F6] =	sst s17;
	s17 =	spop (v2sf);
	(v2sf) =	vpush v6, $0xF;
	p0 =	por !p0, !p3  }
0x27c: {  	v21 =	vnsel vm1, $0x0, v15;
	v18 =	vmov v12;
	v12 =	vsub.s32 v9, v5;
	s2 =	sadd.s32 $0x20, s2;
	v5, _, _ =	vpop (xrf0);
	s16 =	sadd.s32 s28, s17;
	p0 =	por !p0, !p0  }
0x27d: {  	(xrf0) =	vadd.scan.msk.s32 $0xffff, v21;
	v6, _, _ =	vpop (xrf0);
	(v2sf) =	vpush v5, $0xF;
	p2 =	seq.s32 s25, $0x1;
	s28 =	smov.u32 s24;
	s24 =	smov.u32 s4  }
0x27e: {  	v5 =	vld [tilespmem:s31+$0x10];
	s25 =	smov.u32 s22;
	s22 =	smov.u32 s7;
	s1 =	smov.u32 @p0 s2;
	(v2sf) =	vpush v6, $0xF  }
0x27f: {  	v19 =	vmov v10;
	s8 =	smov.u32 @p2 s16;
	v6 =	vld [tilespmem:s31+$0xFFFFFFE0];
	p2 =	slt.u32 s26, $0x7C;
	s2 =	sadd.s32 $0x30, s21  }
0x280: {  	v10 =	vsub.s32 v16, v11;
	v15 =	vmov v8;
	v8 =	vsub.s32 v14, v7;
	v11 =	vld [tilespmem:s31+$0xFFFFFFF0];
	v7, _, _ =	vpop (xrf0);
	p6 =	slt.s32 s1, $0x0;
	s8 =	smov.u32 @p1 s5;
	s5 =	spop (v2sf)  }
0x281: {  	(v2sf) =	vpush v7, $0xF;
	v7 =	vld [tilespmem:s31+$0x0];
	s31 =	sadd.s32 $0x40, s31;
	p3 =	por !p5, !p6;
	p5 =	por p4, p4  }
0x282: {  	s7 =	spop (v2sf);
	p1 =	por !p3, !p3;
	p3 =	por p0, p0  }
0x283: {  	v17, _, _ =	vpop (xrf0);
	s21 =	sadd.s32 s20, s7;
	s9 =	spop (v2sf);
	s1 =	smov.u32 @p1 s2;
	(xrf0) =	vadd.scan.msk.s32 $0xffff, v5  }
0x284: {  	s3 =	simm.s32 @!p3 $0x0;
	s4 =	sadd.s32 s9, s21;
	s16 =	spop (v2sf);
	(xrf0) =	vadd.scan.msk.s32 $0xffff, v6  }
0x285: {  	(v2sf) =	vpush v17, $0xF;
	v16 =	vadd.s32 s21, v16;
	s3 =	simm.s32 @p3 $0x1;
	s7 =	sadd.s32 s16, s4;
	s17 =	spop (v2sf);
	(xrf0) =	vadd.scan.msk.s32 $0xffff, v11  }
0x286: {  	v17 =	vsel vm0, $0x80000010, v2;
	vm0 =	vlt.s32 v16, v4;
	v14 =	vadd.s32 s4, v14;
	p4 =	slt.s32 s1, $0x0;
	[smem:$0x7F7] =	sst s3;
	s16 =	sxor.u32 $0x80000000, s17;
	(xrf0) =	vadd.scan.msk.s32 $0xffff, v7  }
0x287: {  	v16 =	vsel vm0, $0x80000010, v2;
	vm0 =	vlt.s32 v14, v4;
	v20 =	vadd.s32 s7, v9;
	s20 =	sadd.s32 s5, s7;
	s5 =	spop (v2sf);
	p6 =	slt.s32 s16, $0x10;
	(xrf0) =	vmin.scan.msk.u32 $0xffff, v17  }
0x288: {  	v14 =	vsel vm0, $0x80000010, v2;
	vm0 =	vlt.s32 v20, v4;
	s2 =	sxor.u32 $0x80000000, s5;
	s18 =	spop (v2sf);
	p0 =	por !p4, !p6;
	(xrf0) =	vmin.scan.msk.u32 $0xffff, v16;
	v16 =	vmov s16  }
0x289: {  	s17 =	sadd.s32 s23, s17;
	v20 =	vsel vm0, $0x80000010, v2;
	s16 =	sxor.u32 $0x80000000, s18;
	p4 =	por !p0, !p0;
	v9, _, _ =	vpop (xrf0);
	(xrf0) =	vmin.scan.msk.u32 $0xffff, v14;
	vm0 =	veq.s32 v16, v0;
	v14 =	vmov s2  }
.Ltmp10:
0x28a: {  	s1 =	smov.u32 @p4 s17;
	v17, _, _ =	vpop (xrf0);
	(xrf0) =	vmin.scan.msk.u32 $0xffff, v20;
	vm1 =	veq.s32 v14, v0;
	v20 =	vmov s16;
	s9 =	spop (v2sf);
	(v2sf) =	vpush v9, $0xF;
	(pc) =	sbr.rel @p2 .LBB2_21-.Ltmp10, $4  }
0x28b: {  	p6 =	slt.s32 s2, $0x10;
	v62 =	vnsel vm0, $0x0, v22;
	p3 =	slt.s32 s1, $0x0;
	v16, _, _ =	vpop (xrf0);
	v19 =	vnsel vm1, $0x0, v19;
	s3 =	sxor.u32 $0x80000000, s9;
	(v2sf) =	vpush v17, $0xF  }
0x28c: {  	s5 =	sadd.s32 s23, s5;
	vm1 =	veq.s32 v20, v0;
	p3 =	por !p3, !p6;
	v14, _, _ =	vpop (xrf0);
	s2 =	spop (v2sf);
	(v2sf) =	vpush v16, $0xF;
	v20 =	vmov s3  }
0x28d: {  	p0 =	slt.s32 s16, $0x10;
	v23 =	vadd.s32 s20, v17;
	(xrf0) =	vadd.scan.msk.s32 $0xffff, v19;
	p6 =	por !p3, !p3;
	v63, _, _ =	vpop (xrf0);
	s17 =	spop (v2sf);
	(v2sf) =	vpush v14, $0xF;
	vm2 =	veq.s32 v20, v0  }
0x28e: {  	vm0 =	vlt.s32 v23, v4;
	(xrf0) =	vadd.scan.msk.s32 $0xffff, v62;
	v19, _, _ =	vpop (xrf0);
	s16 =	sadd.s32 s15, s17;
	s15 =	sadd.s32 $0x10, s5;
	s5 =	sadd.s32 s6, s2;
	(v2sf) =	vpush v63, $0xF;
	v18 =	vnsel vm2, $0x0, v18  }
0x28f: {  	_ =	sdelay $0x7  }
0x290: {  	s2 =	spop (v2sf)  }
0x291: {  	s17 =	spop (v2sf)  }
0x292: {  	s26 =	spop (v2sf)  }
0x293: {  	v15 =	vnsel vm1, $0x0, v15;
	(xrf0) =	vadd.scan.msk.s32 $0xffff, v18;
	v45, _, _ =	vpop (xrf0);
	[dreg:$0x11] =	wrdreg s2;
	(v2sf) =	vpush v19, $0xF;
	s2 =	spop (v2sf)  }
0x294: {  	(xrf0) =	vadd.scan.msk.s32 $0xffff, v15;
	v48, _, _ =	vpop (xrf0);
	[dreg:$0x16] =	wrdreg s17;
	(v2sf) =	vpush v45, $0xF;
	s17 =	sadd.s32 s20, s2;
	s31 =	spop (v2sf)  }
0x295: {  	v44 =	vsel vm0, $0x80000010, v2;
	v50, _, _ =	vpop (xrf0);
	(v2sf) =	vpush v48, $0xF;
	[dreg:$0xf] =	wrdreg s17;
	v43 =	vadd.s32 s17, v16;
	s17 =	sadd.s32 s31, s17;
	s6 =	spop (v2sf)  }
0x296: {  	(xrf0) =	vmin.scan.msk.u32 $0xffff, v44;
	(v2sf) =	vpush v50, $0xF;
	vm5 =	vlt.s32 v43, v4;
	s2 =	sadd.s32 s6, s17  }
0x297: {  	v46 =	vadd.s32 s17, v14;
	v47 =	vsel vm5, $0x80000010, v2;
	v49 =	vadd.s32 s2, v9  }
0x298: {  	vm6 =	vlt.s32 v46, v4;
	(xrf0) =	vmin.scan.msk.u32 $0xffff, v47;
	vm7 =	vlt.s32 v49, v4;
	v4, _, _ =	vpop (xrf0)  }
0x299: {  	v51 =	vsel vm6, $0x80000010, v2;
	(v2sf) =	vpush v4, $0xF;
	v4, _, _ =	vpop (xrf0)  }
0x29a: {  	s1 =	smov.u32 @p6 s15;
	(xrf0) =	vmin.scan.msk.u32 $0xffff, v51;
	v53, _, _ =	vpop (xrf0);
	(v2sf) =	vpush v4, $0xF  }
0x29b: {  	s8 =	smov.u32 @p5 s16;
	p3 =	slt.s32 s3, $0x10;
	p2 =	slt.s32 s1, $0x0;
	v52 =	vsel vm7, $0x80000010, v2;
	(v2sf) =	vpush v53, $0xF  }
0x29c: {  	s9 =	sadd.s32 s23, s9;
	p0 =	por !p0, !p2;
	s26 =	sadd.s32 s23, s18;
	(xrf0) =	vmin.scan.msk.u32 $0xffff, v52;
	v4, _, _ =	vpop (xrf0)  }
0x29d: {  	p0 =	por !p0, !p0;
	[dreg:$0xd] =	wrdreg s2;
	s2 =	sadd.s32 $0x20, s26;
	(v2sf) =	vpush v4, $0xF  }
0x29e: {  	p6 =	por p6, p6;
	s9 =	sadd.s32 $0x30, s9;
	s1 =	smov.u32 @p0 s2;
	v4, _, _ =	vpop (xrf0)  }
0x29f: {  	s23 =	sadd.s32 $0x40, s23;
	s6 =	simm.s32 @!p0 $0x0;
	p5 =	slt.s32 s1, $0x0;
	(v2sf) =	vpush v4, $0xF  }
0x2a0: {  	s15 =	spop (v2sf);
	s6 =	simm.s32 @p0 $0x1;
	p0 =	por !p3, !p5;
	v4, _, _ =	vpop (xrf0)  }
0x2a1: {  	[dreg:$0xc] =	wrdreg s17;
	s31 =	sxor.u32 $0x80000000, s15;
	p0 =	por !p0, !p0;
	(v2sf) =	vpush v4, $0xF  }
0x2a2: {  	[smem:$0x7F4] =	sst s6;
	p3 =	slt.s32 s31, $0x10;
	s2 =	simm.s32 @!p0 $0x0;
	v4, _, _ =	vpop (xrf0)  }
0x2a3: {  	s17 =	spop (v2sf);
	s1 =	smov.u32 @p0 s9;
	s2 =	simm.s32 @p0 $0x1;
	(v2sf) =	vpush v4, $0xF  }
0x2a4: {  	s6 =	sxor.u32 $0x80000000, s17;
	s16 =	spop (v2sf);
	[smem:$0x7F5] =	sst s2  }
0x2a5: {  	p2 =	slt.s32 s6, $0x10;
	v4 =	vmov s6;
	s18 =	spop (v2sf);
	s6 =	sld [smem:$0x7F6]  }
0x2a6: {  	p5 =	slt.s32 s1, $0x0;
	[dreg:$0x19] =	wrdreg s18;
	s26 =	spop (v2sf)  }
0x2a7: {  	s17 =	sadd.s32 s23, s17;
	p0 =	por !p5, !p3;
	[dreg:$0x1b] =	wrdreg s26  }
0x2a8: {  	v54 =	vmov s31;
	p5 =	por !p0, !p0;
	s26 =	rddreg [dreg:$0x16];
	s31 =	spop (v2sf)  }
0x2a9: {  	s18 =	sxor.u32 $0x80000000, s18;
	[smem:$0x7F2] =	sst s31;
	s3 =	spop (v2sf)  }
0x2aa: {  	vm8 =	veq.s32 v4, v0;
	[dreg:$0x18] =	wrdreg s3;
	s9 =	spop (v2sf);
	s3 =	sadd.s32 s23, s15  }
0x2ab: {  	v4 =	vnsel vm8, $0x0, v10;
	s31 =	sxor.u32 $0x80000000, s16;
	[smem:$0x7F3] =	sst s9;
	s1 =	smov.u32 @p5 s3  }
0x2ac: {  	vm9 =	veq.s32 v54, v0;
	(xrf0) =	vadd.scan.msk.s32 $0xffff, v4;
	s15 =	spop (v2sf);
	s9 =	sadd.s32 s28, s26;
	p3 =	slt.s32 s1, $0x0  }
0x2ad: {  	v55 =	vnsel vm9, $0x0, v13;
	v4 =	vmov s18;
	[dreg:$0x1e] =	wrdreg s15;
	s15 =	sxor.u32 $0x80000000, s15;
	p0 =	por !p3, !p2  }
0x2ae: {  	(xrf0) =	vadd.scan.msk.s32 $0xffff, v55;
	vm10 =	veq.s32 v4, v0;
	p3 =	seq.s32 s6, $0x1;
	s6 =	sadd.s32 $0x10, s17;
	s28 =	spop (v2sf)  }
0x2af: {  	v4 =	vnsel vm10, $0x0, v12;
	p3 =	por p3, p3;
	p2 =	por !p0, !p0;
	s26 =	sxor.u32 $0x80000000, s28  }
0x2b0: {  	(xrf0) =	vadd.scan.msk.s32 $0xffff, v4;
	s3 =	spop (v2sf);
	s1 =	smov.u32 @p2 s6;
	s6 =	sld [smem:$0x7F7]  }
0x2b1: {  	v56 =	vmov s31;
	s8 =	smov.u32 @p3 s5;
	p3 =	slt.s32 s31, $0x10;
	s31 =	rddreg [dreg:$0x11]  }
0x2b2: {  	v4, _, _ =	vpop (xrf0);
	vm11 =	veq.s32 v56, v0;
	p2 =	por p2, p2;
	[dreg:$0x1d] =	wrdreg s3;
	s2 =	spop (v2sf)  }
0x2b3: {  	(v2sf) =	vpush v4, $0xF;
	v8 =	vnsel vm11, $0x0, v8;
	s5 =	sxor.u32 $0x80000000, s3;
	s3 =	sadd.s32 s23, s16;
	s16 =	sld [smem:$0x7F3]  }
0x2b4: {  	v58, _, _ =	vpop (xrf0);
	(xrf0) =	vadd.scan.msk.s32 $0xffff, v8;
	p2 =	por p2, p2;
	[dreg:$0x14] =	wrdreg s2;
	s17 =	sxor.u32 $0x80000000, s2  }
0x2b5: {  	(v2sf) =	vpush v58, $0xF;
	v59 =	vmov s15;
	v4 =	vmov s26;
	s2 =	sadd.s32 s25, s31;
	s25 =	sld [smem:$0x7F4];
	p0 =	seq.s32 s6, $0x1  }
0x2b6: {  	v62, _, _ =	vpop (xrf0);
	vm13 =	veq.s32 v59, v0;
	vm12 =	veq.s32 v4, v0;
	v4 =	vsub.s32 v17, v6;
	s6 =	sld [smem:$0x7F2];
	s8 =	smov.u32 @p0 s9;
	p0 =	slt.s32 s1, $0x0  }
0x2b7: {  	v57 =	vsub.s32 v16, v11;
	(v2sf) =	vpush v62, $0xF;
	s31 =	sadd.s32 $0x40, s23;
	v4 =	vnsel vm13, $0x0, v4;
	s9 =	rddreg [dreg:$0x1b];
	p0 =	por !p3, !p0  }
0x2b8: {  	v60 =	vnsel vm12, $0x0, v57;
	v61 =	vmov s17;
	s8 =	smov.u32 @p1 s2;
	s2 =	sadd.s32 $0x20, s3;
	p3 =	slt.s32 s18, $0x10  }
0x2b9: {  	v5 =	vsub.s32 v9, v5;
	v63 =	vmov s5;
	(xrf0) =	vadd.scan.msk.s32 $0xffff, v60;
	vm14 =	veq.s32 v61, v0;
	s18 =	rddreg [dreg:$0x19];
	p1 =	por !p0, !p0;
	s6 =	sadd.s32 s29, s6  }
0x2ba: {  	v7 =	vsub.s32 v14, v7;
	vm15 =	veq.s32 v63, v0;
	(xrf0) =	vadd.scan.msk.s32 $0xffff, v4;
	v5 =	vnsel vm14, $0x0, v5;
	v4, _, _ =	vpop (xrf0);
	p0 =	por p4, p4;
	s29 =	sld [smem:$0x7F5];
	s1 =	smov.u32 @p1 s2  }
0x2bb: {  	(xrf0) =	vadd.scan.msk.s32 $0xffff, v5;
	(v2sf) =	vpush v4, $0xF;
	v4 =	vnsel vm15, $0x0, v7;
	s8 =	smov.u32 @p0 s6;
	s2 =	sadd.s32 s19, s9;
	s6 =	sadd.s32 s24, s16  }
0x2bc: {  	s19 =	sadd.s32 s23, s18;
	s24 =	rddreg [dreg:$0x18];
	p1 =	por p1, p1;
	(xrf0) =	vadd.scan.msk.s32 $0xffff, v4  }
0x2bd: {  	s18 =	sadd.s32 s31, s28;
	p4 =	slt.s32 s1, $0x0;
	s9 =	sadd.s32 s22, s24  }
0x2be: {  	s22 =	rddreg [dreg:$0x1d];
	p0 =	por !p3, !p4;
	p3 =	por p6, p6  }
0x2bf: {  	p4 =	seq.s32 s25, $0x1;
	p6 =	seq.s32 s29, $0x1;
	s25 =	rddreg [dreg:$0xf];
	v4, _, _ =	vpop (xrf0)  }
0x2c0: {  	s29 =	rddreg [dreg:$0xc];
	s8 =	smov.u32 @p3 s2;
	p3 =	por !p0, !p0;
	v5, _, _ =	vpop (xrf0);
	(v2sf) =	vpush v4, $0xF  }
0x2c1: {  	s2 =	sadd.s32 $0x30, s19;
	p0 =	por p4, p4;
	p4 =	slt.s32 s15, $0x10;
	(v2sf) =	vpush v5, $0xF;
	v4, _, _ =	vpop (xrf0)  }
0x2c2: {  	s1 =	smov.u32 @p3 s2;
	s8 =	smov.u32 @p0 s6;
	s15 =	spop (v2sf);
	(v2sf) =	vpush v4, $0xF;
	v5, _, _ =	vpop (xrf0)  }
0x2c3: {  	p0 =	slt.s32 s1, $0x0;
	s8 =	smov.u32 @p6 s9;
	s9 =	rddreg [dreg:$0x1e];
	(v2sf) =	vpush v5, $0xF  }
0x2c4: {  	s16 =	spop (v2sf);
	s6 =	sadd.s32 s21, s15;
	p0 =	por !p0, !p4  }
0x2c5: {  	s3 =	sadd.s32 s31, s9;
	p4 =	por !p0, !p0;
	p0 =	por p5, p5  }
0x2c6: {  	p5 =	slt.s32 s26, $0x10;
	s19 =	spop (v2sf);
	s1 =	smov.u32 @p4 s3  }
0x2c7: {  	s3 =	sadd.s32 s30, s16;
	s30 =	rddreg [dreg:$0x14];
	p6 =	slt.s32 s1, $0x0  }
0x2c8: {  	s8 =	smov.u32 @p0 s3;
	s3 =	sadd.s32 $0x10, s18;
	s2 =	sadd.s32 s31, s30  }
0x2c9: {  	p5 =	por !p6, !p5;
	s8 =	smov.u32 @p2 s6;
	p2 =	por p4, p4  }
0x2ca: {  	p0 =	por !p5, !p5;
	p5 =	slt.s32 s5, $0x10;
	s21 =	spop (v2sf)  }
0x2cb: {  	s1 =	smov.u32 @p0 s3;
	p0 =	por p0, p0;
	s3 =	sadd.s32 s4, s21  }
0x2cc: {  	p6 =	slt.s32 s1, $0x0;
	p0 =	por p0, p0;
	s8 =	smov.u32 @p1 s3  }
0x2cd: {  	s3 =	sadd.s32 s7, s19;
	p1 =	por !p5, !p6;
	p5 =	slt.s32 s17, $0x10  }
0x2ce: {  	s8 =	smov.u32 @p3 s3;
	s3 =	sadd.s32 s31, s22;
	p1 =	por !p1, !p1  }
0x2cf: {  	s31 =	rddreg [dreg:$0xd];
	s3 =	sadd.s32 $0x20, s3;
	s23 =	spop (v2sf)  }
0x2d0: {  	s1 =	smov.u32 @p1 s3;
	s24 =	spop (v2sf);
	s4 =	sadd.s32 s25, s23  }
0x2d1: {  	p1 =	por p1, p1;
	s3 =	sadd.s32 s20, s24;
	s26 =	spop (v2sf)  }
0x2d2: {  	p6 =	slt.s32 s1, $0x0;
	s8 =	smov.u32 @p2 s3;
	s28 =	spop (v2sf)  }
0x2d3: {  	s8 =	smov.u32 @p0 s4;
	p0 =	por !p5, !p6;
	s3 =	sadd.s32 s29, s28  }
0x2d4: {  	p0 =	por !p0, !p0;
	s8 =	smov.u32 @p1 s3;
	s3 =	sadd.s32 s31, s26  }
0x2d5: {  	s8 =	smov.u32 @p0 s3;
	s3 =	simm.s32 $0xC440  }
0x2d6: {  	[tilespmem:s3+$0xFFFFE000] =	vst v1  }
0x2d7: {  	[tilespmem:s3+$0x1810] =	vst v1  }
0x2d8: {  	[tilespmem:s3+$0x1010] =	vst v1  }
0x2d9: {  	[tilespmem:s3+$0x810] =	vst v1  }
0x2da: {  	[tilespmem:s3+$0x10] =	vst v1  }
0x2db: {  	[tilespmem:s3+$0xFFFFF810] =	vst v1  }
0x2dc: {  	[tilespmem:s3+$0xFFFFF010] =	vst v1  }
0x2dd: {  	[tilespmem:s3+$0xFFFFE810] =	vst v1  }
0x2de: {  	s2 =	sadd.s32 $0x30, s2;
	[tilespmem:s3+$0xFFFFE010] =	vst v1  }
0x2df: {  	s1 =	smov.u32 @p0 s2;
	p0 =	por $0x1, $0x1;
	[tilespmem:s3+$0x1800] =	vst v1  }
.Ltmp11:
0x2e0: {  	[tilespmem:s3+$0x1000] =	vst v1;
	(pc) =	sbr.rel @!p0 .LBB2_24-.Ltmp11, $4  }
0x2e1: {  	[tilespmem:s3+$0x800] =	vst v1  }
0x2e2: {  	[tilespmem:s3+$0x0] =	vst v1  }
0x2e3: {  	[tilespmem:s3+$0xFFFFF800] =	vst v1  }
0x2e4: {  	s18 =	simm.s32 $0xF010;
	s4 =	simm.s32 $0x0;
	[tilespmem:s3+$0xFFFFF000] =	vst v1  }
.LBB2_23:
0x2e5: {  	s4 =	sadd.s32 $0x2, s4;
	[tilespmem:s3+$0xFFFFE800] =	vst v1;
	s3 =	sadd.s32 $0x20, s3  }
0x2e6: {  	[tilespmem:s3+$0xFFFFE000] =	vst v1;
	p0 =	slt.u32 s4, $0x3E  }
0x2e7: {  	[tilespmem:s3+$0x1810] =	vst v1  }
0x2e8: {  	[tilespmem:s3+$0x1010] =	vst v1  }
0x2e9: {  	[tilespmem:s3+$0x810] =	vst v1  }
0x2ea: {  	[tilespmem:s3+$0x10] =	vst v1  }
0x2eb: {  	[tilespmem:s3+$0xFFFFF810] =	vst v1  }
0x2ec: {  	[tilespmem:s3+$0xFFFFF010] =	vst v1  }
0x2ed: {  	[tilespmem:s3+$0xFFFFE810] =	vst v1  }
0x2ee: {  	[tilespmem:s3+$0xFFFFE010] =	vst v1  }
0x2ef: {  	[tilespmem:s3+$0x1800] =	vst v1  }
.Ltmp12:
0x2f0: {  	[tilespmem:s3+$0x1000] =	vst v1;
	(pc) =	sbr.rel @p0 .LBB2_23-.Ltmp12, $4  }
0x2f1: {  	[tilespmem:s3+$0x800] =	vst v1  }
0x2f2: {  	[tilespmem:s3+$0x0] =	vst v1  }
0x2f3: {  	[tilespmem:s3+$0xFFFFF800] =	vst v1  }
0x2f4: {  	[tilespmem:s3+$0xFFFFF000] =	vst v1  }
.LBB2_24:
0x2f5: {  	[tilespmem:s3+$0xFFFFE800] =	vst v1;
	s30 =	simm.s32 $0x4E60  }
0x2f6: {  	v5 =	vld [tilespmem:s30+$0xFFFFFFC0];
	_ =	sdelay $0x2  }
0x2f7: {  	s0 =	sshll.u32 s0, $0xB  }
0x2f8: {  	s0 =	sor.u32 s0, s1  }
0x2f9: {  	v6 =	vld [tilespmem:s30+$0x30];
	v4 =	vmov s0;
	v7 =	vshrl.u32 v5, $0xA  }
0x2fa: {  	v7 =	vxor.u32 v4, v7  }
0x2fb: {  	v8 =	vld [tilespmem:s30+$0x10];
	v24 =	vand.u32 $0x3FF, v5;
	vm0 =	veq.s32 v7, $0x200000  }
0x2fc: {  	(xrf1) =	vunique.msk.u32 vm0, v24  }
0x2fd: {  	v5 =	vld [tilespmem:s30+$0xFFFFFFF0]  }
0x2fe: {  	v11 =	vld [tilespmem:s30+$0xFFFFFFE0];
	v9 =	vshrl.u32 v6, $0xA  }
0x2ff: {  	v9 =	vxor.u32 v4, v9;
	v7 =	vld [tilespmem:s30+$0x20]  }
0x300: {  	v10 =	vshrl.u32 v8, $0xA;
	v6 =	vand.u32 $0x3FF, v6;
	vm0 =	veq.s32 v9, $0x200000;
	v9 =	vld [tilespmem:s30+$0x0]  }
0x301: {  	v10 =	vxor.u32 v4, v10;
	(xrf1) =	vunique.msk.u32 vm0, v6  }
0x302: {  	v12 =	vld [tilespmem:s30+$0xFFFFFFD0];
	v16 =	vand.u32 $0x3FF, v8;
	vm0 =	veq.s32 v10, $0x200000;
	v13 =	vshrl.u32 v5, $0xA  }
0x303: {  	s31 =	simm.s32 $0x4EE0;
	(xrf1) =	vunique.msk.u32 vm0, v16;
	v8 =	vxor.u32 v4, v13  }
0x304: {  	v19 =	vld [tilespmem:s31+$0x30];
	vm0 =	veq.s32 v8, $0x200000;
	v8 =	vshrl.u32 v11, $0xA;
	v10 =	vshrl.u32 v7, $0xA  }
0x305: {  	v18 =	vld [tilespmem:s31+$0xFFFFFFF0];
	v15 =	vxor.u32 v4, v8;
	v8 =	vxor.u32 v4, v10;
	v10 =	vshrl.u32 v9, $0xA  }
0x306: {  	vm1 =	veq.s32 v8, $0x200000;
	v14 =	vxor.u32 v4, v10;
	v10 =	vand.u32 $0x3FF, v7  }
0x307: {  	v8 =	vshrl.u32 v12, $0xA;
	(xrf1) =	vunique.msk.u32 vm1, v10  }
0x308: {  	v13 =	vld [tilespmem:s31+$0xFFFFFFC0];
	v7 =	vand.u32 $0x3FF, v9;
	v8 =	vxor.u32 v4, v8;
	vm2 =	veq.s32 v14, $0x200000  }
0x309: {  	v9 =	vand.u32 $0x3FF, v12;
	v12 =	vand.u32 $0x3FF, v19;
	vm3 =	veq.s32 v8, $0x200000;
	(xrf1) =	vunique.msk.u32 vm2, v7  }
0x30a: {  	vm1 =	veq.s32 v15, $0x200000;
	v15 =	vshrl.u32 v19, $0xA;
	v19 =	vshrl.u32 v18, $0xA;
	_, v25, vm4 =	vpop (xrf1);
	(xrf1) =	vunique.msk.u32 vm3, v9  }
0x30b: {  	v20 =	vld [tilespmem:s31+$0x10];
	v5 =	vand.u32 $0x3FF, v5;
	v19 =	vxor.u32 v4, v19  }
0x30c: {  	(xrf1) =	vunique.msk.u32 vm0, v5  }
0x30d: {  	v8 =	vand.u32 $0x3FF, v11;
	v11 =	vshrl.u32 v13, $0xA  }
0x30e: {  	v14 =	vor.u32 $0x3800, v6;
	v6 =	vand.u32 $0x3FF, v13;
	v13 =	vld [tilespmem:s31+$0xFFFFFFE0];
	v11 =	vxor.u32 v4, v11;
	(xrf1) =	vunique.msk.u32 vm1, v8  }
0x30f: {  	v17 =	vld [tilespmem:s31+$0x20];
	v15 =	vxor.u32 v4, v15;
	vm2 =	veq.s32 v11, $0x200000;
	vm0 =	veq.s32 v19, $0x200000;
	_, v19, vm1 =	vpop (xrf1)  }
0x310: {  	v11 =	vshrl.u32 v20, $0xA;
	vm3 =	veq.s32 v15, $0x200000;
	(xrf1) =	vunique.msk.u32 vm2, v6  }
0x311: {  	v22 =	vld [tilespmem:s31+$0x0];
	v21 =	vxor.u32 v4, v11;
	v11 =	vand.u32 $0x3FF, v20;
	_, v20, vm2 =	vpop (xrf1);
	(xrf1) =	vunique.msk.u32 vm3, v12  }
0x312: {  	vm5 =	veq.s32 v21, $0x200000;
	v21 =	vor.u32 $0x2800, v16;
	v15 =	vld [tilespmem:s31+$0xFFFFFFD0]  }
0x313: {  	v23 =	vshrl.u32 v13, $0xA;
	(xrf1) =	vunique.msk.u32 vm5, v11  }
0x314: {  	s17 =	simm.s32 $0xEC20;
	s3 =	simm.s32 $0x4F60;
	s1 =	simm.s32 $0x8;
	v16 =	vand.u32 $0x3FF, v18;
	v18 =	vxor.u32 v4, v23;
	v23 =	vshrl.u32 v17, $0xA;
	[tilespmem:v24+s10+$0x0] =	vst.idx.add.s32.msk vm4, v25  }
.LBB2_25:
0x315: {  	s1 =	sadd.s32 $0x8, s1;
	v26 =	vxor.u32 v4, v23;
	v24 =	vor.u32 $0x3000, v10;
	[tilespmem:v14+s10+$0x0] =	vst.idx.add.s32.msk vm1, v19;
	_, v19, vm1 =	vpop (xrf1)  }
0x316: {  	v10 =	vand.u32 $0x3FF, v17;
	v25 =	vld [tilespmem:s3+$0xFFFFFFF0];
	p0 =	slt.u32 s1, $0x4D8;
	v14 =	vshrl.u32 v22, $0xA;
	vm3 =	veq.s32 v26, $0x200000  }
0x317: {  	v17 =	vshrl.u32 v15, $0xA;
	v14 =	vxor.u32 v4, v14;
	(xrf1) =	vunique.msk.u32 vm3, v10;
	[tilespmem:v21+s10+$0x0] =	vst.idx.add.s32.msk vm2, v20;
	_, v23, vm3 =	vpop (xrf1)  }
0x318: {  	v17 =	vxor.u32 v4, v17;
	v20 =	vld [tilespmem:s3+$0xFFFFFFC0];
	vm4 =	veq.s32 v14, $0x200000;
	v14 =	vand.u32 $0x3FF, v22;
	_, v21, vm2 =	vpop (xrf1)  }
0x319: {  	v26 =	vor.u32 $0x800, v9;
	v9 =	vand.u32 $0x3FF, v15;
	vm5 =	veq.s32 v17, $0x200000;
	v22 =	vld [tilespmem:s3+$0x30];
	(xrf1) =	vunique.msk.u32 vm4, v14  }
0x31a: {  	v27 =	vld [tilespmem:s3+$0x10];
	(xrf1) =	vunique.msk.u32 vm5, v9;
	_, v28, vm5 =	vpop (xrf1)  }
0x31b: {  	v29 =	vor.u32 $0x1800, v5;
	v30 =	vor.u32 $0x2000, v7;
	v5 =	vmovc v16;
	v7 =	vmov v14;
	v15 =	vld [tilespmem:s3+$0xFFFFFFD0]  }
0x31c: {  	v31 =	vor.u32 $0x1000, v8;
	v8 =	vand.u32 $0x3FF, v13;
	v14 =	vor.u32 $0x3800, v12;
	v17 =	vld [tilespmem:s3+$0x20];
	(xrf1) =	vunique.msk.u32 vm0, v5;
	_, v32, vm4 =	vpop (xrf1)  }
0x31d: {  	vm0 =	veq.s32 v18, $0x200000;
	v12 =	vshrl.u32 v20, $0xA;
	v33 =	vand.u32 $0x3FF, v20;
	[tilespmem:v24+s10+$0x0] =	vst.idx.add.s32.msk vm1, v19  }
0x31e: {  	v16 =	vxor.u32 v4, v12;
	v13 =	vld [tilespmem:s3+$0xFFFFFFE0];
	v18 =	vshrl.u32 v22, $0xA;
	v12 =	vand.u32 $0x3FF, v22;
	_, v24, vm6 =	vpop (xrf1);
	(xrf1) =	vunique.msk.u32 vm0, v8  }
0x31f: {  	vm0 =	veq.s32 v16, $0x200000;
	v16 =	vshrl.u32 v27, $0xA;
	v18 =	vxor.u32 v4, v18;
	_, v19, vm1 =	vpop (xrf1);
	[tilespmem:v26+s10+$0x0] =	vst.idx.add.s32.msk vm2, v21  }
.Ltmp13:
0x320: {  	v21 =	vshrl.u32 v25, $0xA;
	vm2 =	veq.s32 v18, $0x200000;
	(xrf1) =	vunique.msk.u32 vm0, v33;
	[tilespmem:v29+s10+$0x0] =	vst.idx.add.s32.msk vm5, v28;
	(pc) =	sbr.rel @p0 .LBB2_25-.Ltmp13, $4  }
0x321: {  	v26 =	vand.u32 $0x3FF, v27;
	v18 =	vxor.u32 v4, v21;
	v16 =	vxor.u32 v4, v16;
	v22 =	vld [tilespmem:s3+$0x0];
	(xrf1) =	vunique.msk.u32 vm2, v12;
	_, v20, vm2 =	vpop (xrf1)  }
0x322: {  	v21 =	vor.u32 $0x2800, v11;
	v11 =	vmovc v26;
	vm0 =	veq.s32 v18, $0x200000;
	vm5 =	veq.s32 v16, $0x200000;
	[tilespmem:v30+s10+$0x0] =	vst.idx.add.s32.msk vm3, v23  }
0x323: {  	v16 =	vand.u32 $0x3FF, v25;
	v18 =	vshrl.u32 v13, $0xA;
	(xrf1) =	vunique.msk.u32 vm5, v11;
	[tilespmem:v31+s10+$0x0] =	vst.idx.add.s32.msk vm4, v32  }
0x324: {  	s3 =	sadd.s32 $0x80, s3;
	v23 =	vshrl.u32 v17, $0xA;
	v18 =	vxor.u32 v4, v18;
	[tilespmem:v6+s10+$0x0] =	vst.idx.add.s32.msk vm6, v24;
	v6 =	vmov v33  }
0x325: {  	_ = 	snop  }
0x326: {  	v23 =	vxor.u32 v4, v23;
	v17 =	vand.u32 $0x3FF, v17;
	v24 =	vshrl.u32 v22, $0xA  }
0x327: {  	v51 =	vshrl.u32 v15, $0xA;
	vm3 =	veq.s32 v23, $0x200000;
	v24 =	vxor.u32 v4, v24  }
0x328: {  	v23 =	vxor.u32 v4, v51;
	v52 =	vand.u32 $0x3FF, v22;
	(xrf1) =	vunique.msk.u32 vm3, v17;
	vm13 =	veq.s32 v24, $0x200000  }
0x329: {  	v53 =	vand.u32 $0x3FF, v15;
	vm4 =	veq.s32 v23, $0x200000;
	(xrf1) =	vunique.msk.u32 vm13, v52  }
0x32a: {  	(xrf1) =	vunique.msk.u32 vm4, v53  }
0x32b: {  	v13 =	vand.u32 $0x3FF, v13;
	vm14 =	veq.s32 v18, $0x200000;
	(xrf1) =	vunique.msk.u32 vm0, v16  }
0x32c: {  	(xrf1) =	vunique.msk.u32 vm14, v13  }
0x32d: {  	_, v18, vm15 =	vpop (xrf1)  }
0x32e: {  	_, v54, vm9 =	vpop (xrf1)  }
0x32f: {  	v10 =	vor.u32 $0x3000, v10;
	_, v55, vm10 =	vpop (xrf1)  }
0x330: {  	v7 =	vor.u32 $0x2000, v7;
	_, v25, vm5 =	vpop (xrf1)  }
0x331: {  	v5 =	vor.u32 $0x1800, v5  }
0x332: {  	v9 =	vor.u32 $0x800, v9;
	[tilespmem:v14+s10+$0x0] =	vst.idx.add.s32.msk vm1, v19;
	_, v26, vm6 =	vpop (xrf1)  }
0x333: {  	[tilespmem:v21+s10+$0x0] =	vst.idx.add.s32.msk vm2, v20;
	v8 =	vor.u32 $0x1000, v8;
	_, v14, vm1 =	vpop (xrf1)  }
0x334: {  	[tilespmem:v10+s10+$0x0] =	vst.idx.add.s32.msk vm15, v18;
	_, v56, vm11 =	vpop (xrf1)  }
0x335: {  	v57 =	vor.u32 $0x3800, v12;
	[tilespmem:v7+s10+$0x0] =	vst.idx.add.s32.msk vm9, v54;
	_, v10, vm0 =	vpop (xrf1)  }
0x336: {  	[tilespmem:v5+s10+$0x0] =	vst.idx.add.s32.msk vm5, v25;
	v5 =	vor.u32 $0x2800, v11;
	_, v58, vm12 =	vpop (xrf1)  }
0x337: {  	v7 =	vor.u32 $0x3000, v17;
	[tilespmem:v9+s10+$0x0] =	vst.idx.add.s32.msk vm10, v55;
	_, v59, vm13 =	vpop (xrf1)  }
0x338: {  	v63 =	vor.u32 $0x2000, v52;
	[tilespmem:v8+s10+$0x0] =	vst.idx.add.s32.msk vm6, v26;
	_, v60, vm14 =	vpop (xrf1)  }
0x339: {  	v61 =	vor.u32 $0x800, v53;
	[tilespmem:v6+s10+$0x0] =	vst.idx.add.s32.msk vm1, v14;
	_, v62, vm15 =	vpop (xrf1)  }
0x33a: {  	v6 =	vor.u32 $0x1800, v16;
	[tilespmem:v57+s10+$0x0] =	vst.idx.add.s32.msk vm11, v56;
	_, v14, vm1 =	vpop (xrf1)  }
0x33b: {  	[tilespmem:v5+s10+$0x0] =	vst.idx.add.s32.msk vm0, v10;
	v5 =	vor.u32 $0x1000, v13  }
0x33c: {  	[tilespmem:v7+s10+$0x0] =	vst.idx.add.s32.msk vm12, v58  }
0x33d: {  	[tilespmem:v63+s10+$0x0] =	vst.idx.add.s32.msk vm13, v59  }
0x33e: {  	[tilespmem:v61+s10+$0x0] =	vst.idx.add.s32.msk vm14, v60  }
0x33f: {  	[tilespmem:v6+s10+$0x0] =	vst.idx.add.s32.msk vm15, v62  }
0x340: {  	s1 =	simm.s32 $0x0;
	s3 =	simm.s32 $0x9C20;
	[tilespmem:v5+s10+$0x0] =	vst.idx.add.s32.msk vm1, v14  }
.LBB2_27:
0x341: {  	v5 =	vld [tilespmem:s3+$0x0];
	_ =	sdelay $0x4  }
0x342: {  	v6 =	vshrl.u32 v5, $0xA  }
0x343: {  	v6 =	vxor.u32 v4, v6  }
0x344: {  	v5 =	vand.u32 $0x3FF, v5;
	vm0 =	veq.s32 v6, $0x200000  }
0x345: {  	(xrf1) =	vunique.msk.u32 vm0, v5;
	_ =	sdelay $0xd  }
0x346: {  	s2 =	sshll.u32 s1, $0xB;
	_, v6, vm0 =	vpop (xrf1)  }
0x347: {  	p0 =	seq.s32 s1, $0x1;
	v5 =	vor.u32 s2, v5  }
.Ltmp14:
0x348: {  	_ = 	snop;
	(pc) =	sbr.rel @!p0 .LBB2_27-.Ltmp14, $2  }
0x349: {  	_ =	sdelay $0x2  }
0x34a: {  	s3 =	sadd.s32 $0x10, s3;
	s1 =	sadd.s32 $0x1, s1;
	[tilespmem:v5+s10+$0x0] =	vst.idx.add.s32.msk vm0, v6  }
0x34b: {  	s1 =	simm.s32 $0xC440  }
0x34c: {  	v4 =	vld [tilespmem:s1+$0xFFFFE000]  }
0x34d: {  	v5 =	vld [tilespmem:s1+$0xFFFFE800]  }
0x34e: {  	v6 =	vld [tilespmem:s1+$0xFFFFF000]  }
0x34f: {  	v7 =	vld [tilespmem:s1+$0xFFFFF800]  }
0x350: {  	v8 =	vld [tilespmem:s1+$0x0]  }
0x351: {  	v9 =	vld [tilespmem:s1+$0x800]  }
0x352: {  	v4 =	vadd.s32 v4, v5;
	v5 =	vld [tilespmem:s1+$0x1000]  }
0x353: {  	v4 =	vadd.s32 v6, v4;
	v6 =	vld [tilespmem:s1+$0x1800]  }
0x354: {  	v4 =	vadd.s32 v7, v4  }
0x355: {  	v4 =	vadd.s32 v8, v4  }
0x356: {  	v4 =	vadd.s32 v9, v4  }
0x357: {  	v4 =	vadd.s32 v5, v4  }
0x358: {  	s3 =	simm.s32 $0x9C50;
	v4 =	vadd.s32 v6, v4  }
0x359: {  	[tilespmem:s3+$0xFFFFFFF0] =	vst v4  }
0x35a: {  	v4 =	vld [tilespmem:s1+$0xFFFFE010]  }
0x35b: {  	v5 =	vld [tilespmem:s1+$0xFFFFE810]  }
0x35c: {  	v6 =	vld [tilespmem:s1+$0xFFFFF010]  }
0x35d: {  	v7 =	vld [tilespmem:s1+$0xFFFFF810]  }
0x35e: {  	v8 =	vld [tilespmem:s1+$0x10];
	_ =	sdelay $0x1  }
0x35f: {  	v4 =	vadd.s32 v4, v5  }
0x360: {  	v63 =	vld [tilespmem:s1+$0x810];
	v4 =	vadd.s32 v6, v4  }
0x361: {  	v5 =	vadd.s32 v7, v4;
	v4 =	vld [tilespmem:s1+$0x1010]  }
0x362: {  	v6 =	vadd.s32 v8, v5;
	v5 =	vld [tilespmem:s1+$0x1810];
	_ =	sdelay $0x2  }
0x363: {  	s4 =	simm.s32 $0x0;
	s5 =	simm.s32 $0x9C50;
	v6 =	vadd.s32 v63, v6  }
.LBB2_29:
0x364: {  	s4 =	sadd.s32 $0x2, s4;
	v4 =	vadd.s32 v4, v6;
	s1 =	sadd.s32 $0x20, s1;
	s3 =	sadd.s32 $0x20, s3  }
0x365: {  	p0 =	slt.u32 s4, $0x3E;
	v4 =	vadd.s32 v5, v4  }
0x366: {  	[tilespmem:s5+$0x0] =	vst v4;
	s5 =	smov.u32 s3  }
0x367: {  	v4 =	vld [tilespmem:s1+$0xFFFFE000]  }
0x368: {  	v5 =	vld [tilespmem:s1+$0xFFFFE800]  }
0x369: {  	v6 =	vld [tilespmem:s1+$0xFFFFF000]  }
0x36a: {  	v7 =	vld [tilespmem:s1+$0xFFFFF800]  }
0x36b: {  	v8 =	vld [tilespmem:s1+$0x0]  }
0x36c: {  	v9 =	vld [tilespmem:s1+$0x800]  }
0x36d: {  	v4 =	vadd.s32 v4, v5;
	v5 =	vld [tilespmem:s1+$0x1000]  }
0x36e: {  	v4 =	vadd.s32 v6, v4;
	v6 =	vld [tilespmem:s1+$0x1800]  }
0x36f: {  	v4 =	vadd.s32 v7, v4  }
0x370: {  	v4 =	vadd.s32 v8, v4  }
0x371: {  	v4 =	vadd.s32 v9, v4  }
0x372: {  	v4 =	vadd.s32 v5, v4  }
0x373: {  	v4 =	vadd.s32 v6, v4  }
0x374: {  	[tilespmem:s3+$0xFFFFFFF0] =	vst v4  }
0x375: {  	v6 =	vld [tilespmem:s1+$0xFFFFF010]  }
0x376: {  	v5 =	vld [tilespmem:s1+$0xFFFFE010]  }
0x377: {  	v7 =	vld [tilespmem:s1+$0xFFFFE810]  }
0x378: {  	v8 =	vld [tilespmem:s1+$0xFFFFF810]  }
0x379: {  	v9 =	vld [tilespmem:s1+$0x10]  }
0x37a: {  	v10 =	vld [tilespmem:s1+$0x810]  }
0x37b: {  	v4 =	vld [tilespmem:s1+$0x1010]  }
.Ltmp15:
0x37c: {  	v7 =	vadd.s32 v5, v7;
	v5 =	vld [tilespmem:s1+$0x1810];
	(pc) =	sbr.rel @p0 .LBB2_29-.Ltmp15, $4  }
0x37d: {  	v6 =	vadd.s32 v6, v7  }
0x37e: {  	v6 =	vadd.s32 v8, v6  }
0x37f: {  	v6 =	vadd.s32 v9, v6  }
0x380: {  	v6 =	vadd.s32 v10, v6  }
0x381: {  	v4 =	vadd.s32 v4, v6;
	s1 =	rddreg [dreg:$0xa]  }
0x382: {  	v4 =	vadd.s32 v5, v4;
	s2 =	ssub.s32 s1, s8  }
0x383: {  	[tilespmem:s5+$0x0] =	vst v4;
	v4 =	vmov s2;
	s2 =	simm.s32 $0x9C60  }
0x384: {  	v5 =	vld [tilespmem:s2+$0xFFFFFFE0];
	_ =	sdelay $0x3  }
0x385: {  	v6 =	vld [tilespmem:s2+$0xFFFFFFF0]  }
0x386: {  	(xrf0) =	vadd.scan.msk.s32 $0xffff, v5;
	_ =	sdelay $0x3  }
0x387: {  	(xrf0) =	vadd.scan.msk.s32 $0xffff, v6;
	_ =	sdelay $0x1  }
0x388: {  	v5, _, _ =	vpop (xrf0)  }
0x389: {  	(v2sf) =	vpush v5, $0xF;
	_ =	sdelay $0x1  }
0x38a: {  	v7 =	vld [tilespmem:s2+$0x0]  }
0x38b: {  	v8 =	vld [tilespmem:s2+$0x10];
	v6, _, _ =	vpop (xrf0)  }
0x38c: {  	(v2sf) =	vpush v6, $0xF  }
0x38d: {  	s5 =	simm.s32 $0x9CA0  }
0x38e: {  	v9 =	vld [tilespmem:s5+$0xFFFFFFE0]  }
0x38f: {  	v10 =	vld [tilespmem:s5+$0xFFFFFFF0];
	(xrf0) =	vadd.scan.msk.s32 $0xffff, v7  }
0x390: {  	(xrf0) =	vadd.scan.msk.s32 $0xffff, v8;
	_ =	sdelay $0x2  }
0x391: {  	v7 =	vld [tilespmem:s5+$0x0];
	(xrf0) =	vadd.scan.msk.s32 $0xffff, v9  }
0x392: {  	(xrf0) =	vadd.scan.msk.s32 $0xffff, v10  }
0x393: {  	s4 =	simm.s32 $0x0;
	v8 =	vld [tilespmem:s5+$0x10];
	v9, _, _ =	vpop (xrf0)  }
0x394: {  	v5 =	vadd.s32 s4, v5;
	(v2sf) =	vpush v9, $0xF;
	v10, _, _ =	vpop (xrf0)  }
0x395: {  	(v2sf) =	vpush v10, $0xF;
	s6 =	spop (v2sf)  }
0x396: {  	(xrf0) =	vadd.scan.msk.s32 $0xffff, v7;
	s2 =	sadd.s32 $0x0, s6  }
0x397: {  	vm0 =	vlt.s32 v5, v4;
	v5, _, _ =	vpop (xrf0);
	v6 =	vadd.s32 s2, v6  }
0x398: {  	(xrf0) =	vadd.scan.msk.s32 $0xffff, v8;
	v7 =	vsel vm0, $0x80000010, v2;
	(v2sf) =	vpush v5, $0xF;
	v8, _, _ =	vpop (xrf0);
	vm0 =	vlt.s32 v6, v4  }
0x399: {  	s7 =	simm.s32 $0x9CE0;
	(v2sf) =	vpush v8, $0xF;
	s8 =	spop (v2sf);
	v11 =	vsel vm0, $0x80000010, v2  }
0x39a: {  	(xrf0) =	vmin.scan.msk.u32 $0xffff, v7;
	v7 =	vld [tilespmem:s7+$0xFFFFFFE0];
	s2 =	sadd.s32 s8, s2  }
0x39b: {  	v6 =	vadd.s32 s2, v9;
	v9 =	vld [tilespmem:s7+$0xFFFFFFF0]  }
0x39c: {  	vm0 =	vlt.s32 v6, v4;
	v6 =	vld [tilespmem:s7+$0x0];
	(xrf0) =	vmin.scan.msk.u32 $0xffff, v11;
	v11, _, _ =	vpop (xrf0)  }
0x39d: {  	v12 =	vsel vm0, $0x80000010, v2;
	(v2sf) =	vpush v11, $0xF  }
0x39e: {  	(xrf0) =	vmin.scan.msk.u32 $0xffff, v12  }
0x39f: {  	v12 =	vld [tilespmem:s7+$0x10];
	v13, _, _ =	vpop (xrf0);
	(xrf0) =	vadd.scan.msk.s32 $0xffff, v7  }
0x3a0: {  	(xrf0) =	vadd.scan.msk.s32 $0xffff, v9  }
0x3a1: {  	v7, _, _ =	vpop (xrf0);
	(xrf0) =	vadd.scan.msk.s32 $0xffff, v6  }
0x3a2: {  	(v2sf) =	vpush v13, $0xF  }
0x3a3: {  	s9 =	spop (v2sf);
	(v2sf) =	vpush v7, $0xF;
	v6, _, _ =	vpop (xrf0)  }
0x3a4: {  	s2 =	sadd.s32 s9, s2;
	s15 =	spop (v2sf);
	(xrf0) =	vadd.scan.msk.s32 $0xffff, v12;
	(v2sf) =	vpush v6, $0xF;
	v6, _, _ =	vpop (xrf0)  }
0x3a5: {  	v10 =	vadd.s32 s2, v10;
	s2 =	sadd.s32 s15, s2;
	(v2sf) =	vpush v6, $0xF;
	v6, _, _ =	vpop (xrf0)  }
0x3a6: {  	v5 =	vadd.s32 s2, v5;
	vm0 =	vlt.s32 v10, v4;
	(v2sf) =	vpush v6, $0xF;
	v7, _, _ =	vpop (xrf0)  }
0x3a7: {  	s16 =	spop (v2sf);
	vm1 =	vlt.s32 v5, v4;
	v5 =	vsel vm0, $0x80000010, v2;
	(v2sf) =	vpush v7, $0xF;
	v9, _, _ =	vpop (xrf0)  }
0x3a8: {  	s19 =	simm.s32 $0x9D20;
	s2 =	sadd.s32 s2, s16;
	s20 =	spop (v2sf);
	v14 =	vsel vm1, $0x80000010, v2;
	(xrf0) =	vmin.scan.msk.u32 $0xffff, v5;
	(v2sf) =	vpush v9, $0xF  }
0x3a9: {  	v10 =	vld [tilespmem:s19+$0xFFFFFFE0];
	v8 =	vadd.s32 s2, v8;
	s2 =	sadd.s32 s20, s2;
	(xrf0) =	vmin.scan.msk.u32 $0xffff, v14  }
0x3aa: {  	vm0 =	vlt.s32 v8, v4;
	v8 =	vld [tilespmem:s19+$0xFFFFFFF0];
	v5 =	vadd.s32 s2, v11;
	v12, _, _ =	vpop (xrf0)  }
0x3ab: {  	v11 =	vsel vm0, $0x80000010, v2;
	vm0 =	vlt.s32 v5, v4;
	(v2sf) =	vpush v12, $0xF  }
0x3ac: {  	v14 =	vsel vm0, $0x80000010, v2;
	(xrf0) =	vmin.scan.msk.u32 $0xffff, v11;
	s21 =	spop (v2sf)  }
0x3ad: {  	v5 =	vld [tilespmem:s19+$0x0];
	(xrf0) =	vmin.scan.msk.u32 $0xffff, v14;
	s2 =	sadd.s32 s21, s2  }
0x3ae: {  	(xrf0) =	vadd.scan.msk.s32 $0xffff, v10;
	v10 =	vadd.s32 s2, v13;
	v13, _, _ =	vpop (xrf0)  }
0x3af: {  	(xrf0) =	vadd.scan.msk.s32 $0xffff, v8;
	v8, _, _ =	vpop (xrf0);
	(v2sf) =	vpush v13, $0xF  }
0x3b0: {  	v11 =	vld [tilespmem:s19+$0x10];
	(v2sf) =	vpush v8, $0xF  }
0x3b1: {  	s3 =	simm.s32 $0x80000000;
	s1 =	simm.s32 $0xFFFFFFFF;
	s6 =	spop (v2sf)  }
0x3b2: {  	s15 =	simm.s32 $0xFFFFFFFF;
	s7 =	simm.s32 $0x9D60;
	s22 =	spop (v2sf);
	vm0 =	vlt.s32 v10, v4;
	(xrf0) =	vadd.scan.msk.s32 $0xffff, v5  }
0x3b3: {  	s2 =	sadd.s32 s6, s2;
	s6 =	simm.s32 $0x10;
	s24 =	spop (v2sf);
	v8 =	vsel vm0, $0x80000010, v2  }
0x3b4: {  	s23 =	sxor.u32 $0x80000000, s22;
	s4 =	sadd.s32 $0x80000000, s22;
	v5, _, _ =	vpop (xrf0);
	s9 =	spop (v2sf)  }
0x3b5: {  	v6 =	vadd.s32 s2, v6;
	p0 =	slt.s32 s23, $0x10;
	(xrf0) =	vadd.scan.msk.s32 $0xffff, v11;
	s25 =	sxor.u32 $0x80000000, s24;
	(v2sf) =	vpush v5, $0xF;
	v5, _, _ =	vpop (xrf0);
	s28 =	spop (v2sf)  }
0x3b6: {  	vm0 =	vlt.s32 v6, v4;
	s15 =	smov.u32 @p0 s4;
	(xrf0) =	vmin.scan.msk.u32 $0xffff, v8;
	(v2sf) =	vpush v5, $0xF;
	v8, _, _ =	vpop (xrf0);
	s2 =	sadd.s32 s2, s28;
	s29 =	spop (v2sf)  }
0x3b7: {  	p0 =	por $0x1, $0x1;
	v10 =	vsel vm0, $0x80000010, v2;
	v5 =	vadd.s32 s2, v7;
	s2 =	sadd.s32 s29, s2;
	s30 =	spop (v2sf);
	v7, _, _ =	vpop (xrf0)  }
0x3b8: {  	s26 =	sadd.s32 $0x80000000, s24;
	s1 =	smov.u32 @p0 s15;
	(v2sf) =	vpush v8, $0xF;
	vm0 =	vlt.s32 v5, v4;
	v5 =	vadd.s32 s2, v9;
	s2 =	sadd.s32 s30, s2;
	v6, _, _ =	vpop (xrf0);
	(xrf0) =	vmin.scan.msk.u32 $0xffff, v10  }
0x3b9: {  	p0 =	slt.s32 s25, $0x10;
	s4 =	sadd.s32 $0x10, s26;
	s15 =	smov.u32 s1;
	v12 =	vadd.s32 s2, v12  }
0x3ba: {  	s15 =	smov.u32 @p0 s4;
	p0 =	slt.s32 s1, $0x0;
	(v2sf) =	vpush v7, $0xF;
	v9 =	vld [tilespmem:s7+$0xFFFFFFE0];
	v11 =	vsel vm0, $0x80000010, v2;
	vm0 =	vlt.s32 v5, v4;
	s31 =	spop (v2sf)  }
0x3bb: {  	s8 =	sxor.u32 $0x80000000, s9;
	s1 =	smov.u32 @p0 s15;
	v10 =	vld [tilespmem:s7+$0xFFFFFFF0];
	(v2sf) =	vpush v6, $0xF;
	v13 =	vsel vm0, $0x80000010, v2;
	s5 =	sadd.s32 s31, s2;
	v5, _, _ =	vpop (xrf0);
	(xrf0) =	vmin.scan.msk.u32 $0xffff, v11  }
0x3bc: {  	s9 =	sadd.s32 $0x80000000, s9;
	s4 =	simm.s32 $0x80000040;
	p0 =	slt.s32 s1, $0x0;
	vm0 =	vlt.s32 v12, v4;
	v11 =	vld [tilespmem:s7+$0x0];
	v8 =	vadd.s32 s5, v8;
	(v2sf) =	vpush v5, $0xF;
	(xrf0) =	vmin.scan.msk.u32 $0xffff, v13;
	v12, _, _ =	vpop (xrf0)  }
.LBB2_31:
0x3bd: {  	s6 =	sadd.s32 $0x4, s6;
	p1 =	slt.s32 s8, $0x10  }
0x3be: {  	v13 =	vld [tilespmem:s7+$0x10];
	v14, _, _ =	vpop (xrf0);
	(v2sf) =	vpush v12, $0xF;
	s2 =	spop (v2sf);
	s9 =	sadd.s32 $0x20, s9;
	s16 =	smov.u32 s1  }
0x3bf: {  	s8 =	spop (v2sf);
	s3 =	sadd.s32 s3, s2;
	s16 =	smov.u32 @p0 s9  }
0x3c0: {  	(xrf0) =	vadd.scan.msk.s32 $0xffff, v9;
	(v2sf) =	vpush v14, $0xF;
	s2 =	sxor.u32 $0x80000000, s2;
	s15 =	sxor.u32 $0x80000000, s8;
	s3 =	sadd.s32 $0x30, s3  }
0x3c1: {  	(xrf0) =	vadd.scan.msk.s32 $0xffff, v10;
	s8 =	sadd.s32 s4, s8;
	s1 =	smov.u32 @p1 s16;
	p2 =	slt.s32 s2, $0x10  }
0x3c2: {  	(xrf0) =	vadd.scan.msk.s32 $0xffff, v11;
	p0 =	slt.s32 s15, $0x10;
	p1 =	slt.s32 s1, $0x0;
	s2 =	smov.u32 s1  }
0x3c3: {  	s7 =	sadd.s32 $0x40, s7;
	v9, _, _ =	vpop (xrf0);
	s2 =	smov.u32 @p1 s3  }
0x3c4: {  	(xrf0) =	vadd.scan.msk.s32 $0xffff, v13;
	(v2sf) =	vpush v9, $0xF;
	v9, _, _ =	vpop (xrf0);
	s9 =	spop (v2sf);
	s1 =	smov.u32 @p2 s2  }
0x3c5: {  	(v2sf) =	vpush v9, $0xF;
	s3 =	sxor.u32 $0x80000000, s9;
	s15 =	spop (v2sf);
	s2 =	smov.u32 s1  }
0x3c6: {  	vm1 =	vlt.s32 v8, v4;
	v11 =	vsel vm0, $0x80000010, v2;
	v12, _, _ =	vpop (xrf0);
	s2 =	smov.u32 @p0 s8;
	p0 =	slt.s32 s3, $0x10;
	s3 =	sadd.s32 s4, s9  }
0x3c7: {  	p1 =	slt.s32 s1, $0x0;
	s8 =	sxor.u32 $0x80000000, s15;
	s9 =	spop (v2sf)  }
0x3c8: {  	v9 =	vsel vm1, $0x80000010, v2;
	(v2sf) =	vpush v12, $0xF;
	v10, _, _ =	vpop (xrf0);
	(xrf0) =	vmin.scan.msk.u32 $0xffff, v11;
	s3 =	sadd.s32 $0x10, s3;
	s1 =	smov.u32 @p1 s2;
	p1 =	slt.u32 s6, $0x3C  }
0x3c9: {  	(v2sf) =	vpush v10, $0xF;
	v8, _, _ =	vpop (xrf0);
	s5 =	sadd.s32 s5, s9;
	(xrf0) =	vmin.scan.msk.u32 $0xffff, v9;
	s9 =	spop (v2sf);
	s16 =	smov.u32 s1  }
.Ltmp16:
0x3ca: {  	(v2sf) =	vpush v8, $0xF;
	v11 =	vadd.s32 s5, v7;
	s5 =	sadd.s32 s9, s5;
	s9 =	spop (v2sf);
	(pc) =	sbr.rel @p1 .LBB2_31-.Ltmp16, $4  }
0x3cb: {  	s16 =	smov.u32 @p0 s3;
	v7 =	vmov v10;
	v9 =	vld [tilespmem:s7+$0xFFFFFFE0];
	v13, _, _ =	vpop (xrf0);
	vm0 =	vlt.s32 v11, v4;
	v11 =	vadd.s32 s5, v6;
	s2 =	sadd.s32 s9, s5;
	s9 =	sadd.s32 s4, s15  }
0x3cc: {  	p0 =	slt.s32 s1, $0x0;
	v6 =	vmovc v8;
	v10 =	vld [tilespmem:s7+$0xFFFFFFF0];
	(v2sf) =	vpush v13, $0xF;
	v14 =	vsel vm0, $0x80000010, v2;
	vm0 =	vlt.s32 v11, v4;
	s3 =	spop (v2sf)  }
0x3cd: {  	s1 =	smov.u32 @p0 s16;
	v16 =	vadd.s32 s2, v5;
	v5 =	vmovc v13;
	v11 =	vld [tilespmem:s7+$0x0];
	v15 =	vsel vm0, $0x80000010, v2;
	s5 =	sadd.s32 s3, s2;
	(xrf0) =	vmin.scan.msk.u32 $0xffff, v14;
	s3 =	smov.u32 s4  }
0x3ce: {  	p0 =	slt.s32 s1, $0x0;
	vm0 =	vlt.s32 v16, v4;
	s4 =	sadd.s32 $0x40, s4;
	v8 =	vadd.s32 s5, v12;
	(xrf0) =	vmin.scan.msk.u32 $0xffff, v15;
	v12, _, _ =	vpop (xrf0)  }
0x3cf: {  	v13 =	vld [tilespmem:s7+$0x10];
	[tilespmem:$0xE440] =	vst v3  }
0x3d0: {  	[tilespmem:$0xE450] =	vst v3  }
0x3d1: {  	[tilespmem:$0xE460] =	vst v3  }
0x3d2: {  	[tilespmem:$0xE470] =	vst v3;
	(xrf0) =	vadd.scan.msk.s32 $0xffff, v9  }
0x3d3: {  	[tilespmem:$0xE480] =	vst v3;
	s2 =	sadd.s32 $0x20, s9  }
0x3d4: {  	[tilespmem:$0xE490] =	vst v3;
	s6 =	smov.u32 s1;
	p1 =	slt.s32 s8, $0x10;
	s21 =	spop (v2sf)  }
0x3d5: {  	[tilespmem:$0xE4A0] =	vst v3;
	(v2sf) =	vpush v12, $0xF;
	v9, _, _ =	vpop (xrf0);
	s6 =	smov.u32 @p0 s2;
	s22 =	spop (v2sf);
	s3 =	sadd.s32 s3, s21  }
0x3d6: {  	[tilespmem:$0xE4B0] =	vst v3;
	s23 =	sxor.u32 $0x80000000, s21;
	(v2sf) =	vpush v9, $0xF;
	s1 =	smov.u32 @p1 s6;
	s3 =	sadd.s32 $0x30, s3;
	v9, _, _ =	vpop (xrf0)  }
0x3d7: {  	[tilespmem:$0xE4C0] =	vst v3;
	(xrf0) =	vadd.scan.msk.s32 $0xffff, v10;
	p1 =	slt.s32 s23, $0x10;
	s26 =	sxor.u32 $0x80000000, s22;
	s2 =	sadd.s32 s4, s22;
	(v2sf) =	vpush v9, $0xF;
	v9, _, _ =	vpop (xrf0)  }
0x3d8: {  	[tilespmem:$0xE4D0] =	vst v3;
	(xrf0) =	vadd.scan.msk.s32 $0xffff, v11;
	p0 =	slt.s32 s1, $0x0;
	s7 =	smov.u32 s1;
	s24 =	spop (v2sf);
	(v2sf) =	vpush v9, $0xF;
	v9, _, _ =	vpop (xrf0)  }
0x3d9: {  	[tilespmem:$0xE4E0] =	vst v3;
	s7 =	smov.u32 @p0 s3;
	p0 =	slt.s32 s26, $0x10;
	s25 =	spop (v2sf);
	(v2sf) =	vpush v9, $0xF  }
0x3da: {  	[tilespmem:$0xE4F0] =	vst v3;
	s1 =	smov.u32 @p1 s7;
	s29 =	sxor.u32 $0x80000000, s24;
	s8 =	sadd.s32 s4, s24  }
0x3db: {  	[tilespmem:$0xE500] =	vst v3;
	v10 =	vsel vm0, $0x80000010, v2;
	(xrf0) =	vadd.scan.msk.s32 $0xffff, v13;
	s6 =	smov.u32 s1;
	p1 =	slt.s32 s1, $0x0;
	s28 =	spop (v2sf)  }
0x3dc: {  	[tilespmem:$0xE510] =	vst v3;
	(xrf0) =	vmin.scan.msk.u32 $0xffff, v10;
	s9 =	sxor.u32 $0x80000000, s25;
	s6 =	smov.u32 @p0 s2;
	s30 =	sadd.s32 s5, s28  }
0x3dd: {  	[tilespmem:$0xE520] =	vst v3;
	vm0 =	vlt.s32 v8, v4;
	s16 =	sadd.s32 s4, s25;
	p0 =	slt.s32 s29, $0x10;
	v11, _, _ =	vpop (xrf0);
	s1 =	smov.u32 @p1 s6;
	v7 =	vadd.s32 s30, v7  }
0x3de: {  	[tilespmem:$0xE530] =	vst v3;
	v8 =	vsel vm0, $0x80000010, v2;
	s6 =	sadd.s32 $0x10, s8;
	(v2sf) =	vpush v11, $0xF;
	v10, _, _ =	vpop (xrf0);
	s31 =	spop (v2sf);
	s7 =	smov.u32 s1;
	vm0 =	vlt.s32 v7, v4  }
0x3df: {  	[tilespmem:$0xE540] =	vst v3;
	(xrf0) =	vmin.scan.msk.u32 $0xffff, v8;
	(v2sf) =	vpush v10, $0xF;
	s2 =	sadd.s32 s31, s30;
	s7 =	smov.u32 @p0 s6;
	p0 =	slt.s32 s1, $0x0;
	v8 =	vsel vm0, $0x80000010, v2  }
0x3e0: {  	[tilespmem:$0xE550] =	vst v3;
	p1 =	slt.s32 s9, $0x10;
	s5 =	sadd.s32 $0x20, s16;
	v6 =	vadd.s32 s2, v6;
	s1 =	smov.u32 @p0 s7  }
0x3e1: {  	[tilespmem:$0xE560] =	vst v3;
	s15 =	spop (v2sf);
	vm0 =	vlt.s32 v6, v4;
	p0 =	slt.s32 s1, $0x0;
	s7 =	smov.u32 s1;
	v7, _, _ =	vpop (xrf0)  }
0x3e2: {  	[tilespmem:$0xE570] =	vst v3;
	s2 =	sadd.s32 s15, s2;
	s19 =	spop (v2sf);
	(xrf0) =	vmin.scan.msk.u32 $0xffff, v8;
	v6 =	vsel vm0, $0x80000010, v2;
	s7 =	smov.u32 @p0 s5;
	(v2sf) =	vpush v7, $0xF;
	v8, _, _ =	vpop (xrf0)  }
0x3e3: {  	[tilespmem:$0xE580] =	vst v3;
	s21 =	sadd.s32 $0x40, s4;
	s20 =	sadd.s32 s19, s2;
	s1 =	smov.u32 @p1 s7;
	(v2sf) =	vpush v8, $0xF  }
0x3e4: {  	[tilespmem:$0xE590] =	vst v3;
	s22 =	spop (v2sf);
	p0 =	slt.s32 s1, $0x0;
	s7 =	smov.u32 s1  }
0x3e5: {  	[tilespmem:$0xE5A0] =	vst v3;
	v5 =	vadd.s32 s2, v5;
	(xrf0) =	vmin.scan.msk.u32 $0xffff, v6;
	v6, _, _ =	vpop (xrf0);
	s24 =	sadd.s32 s4, s22;
	s2 =	sxor.u32 $0x80000000, s22;
	s23 =	spop (v2sf)  }
0x3e6: {  	[tilespmem:$0xE5B0] =	vst v3;
	(v2sf) =	vpush v6, $0xF;
	s4 =	sadd.s32 $0x30, s24;
	p1 =	slt.s32 s2, $0x10;
	s25 =	spop (v2sf)  }
0x3e7: {  	[tilespmem:$0xE5C0] =	vst v3;
	vm0 =	vlt.s32 v5, v4;
	v6 =	vadd.s32 s20, v9;
	s7 =	smov.u32 @p0 s4;
	s29 =	sxor.u32 $0x80000000, s23;
	s26 =	spop (v2sf)  }
0x3e8: {  	[tilespmem:$0xE5D0] =	vst v3;
	v5 =	vsel vm0, $0x80000010, v2;
	vm0 =	vlt.s32 v6, v4;
	s4 =	sadd.s32 s21, s23;
	v8, _, _ =	vpop (xrf0);
	s1 =	smov.u32 @p1 s7;
	s28 =	spop (v2sf)  }
0x3e9: {  	[tilespmem:$0xE5E0] =	vst v3;
	(xrf0) =	vmin.scan.msk.u32 $0xffff, v5;
	v5 =	vsel vm0, $0x80000010, v2;
	p0 =	slt.s32 s29, $0x10;
	s7 =	smov.u32 s1;
	(v2sf) =	vpush v8, $0xF;
	s2 =	sadd.s32 s20, s28  }
0x3ea: {  	[tilespmem:$0xE5F0] =	vst v3;
	(xrf0) =	vmin.scan.msk.u32 $0xffff, v5;
	s7 =	smov.u32 @p0 s4;
	p0 =	slt.s32 s1, $0x0;
	v5 =	vadd.s32 s2, v11  }
0x3eb: {  	[tilespmem:$0xE600] =	vst v3;
	v6, _, _ =	vpop (xrf0);
	s30 =	sxor.u32 $0x80000000, s25;
	s5 =	sadd.s32 s21, s25;
	s1 =	smov.u32 @p0 s7;
	vm0 =	vlt.s32 v5, v4  }
0x3ec: {  	[tilespmem:$0xE610] =	vst v3;
	p0 =	slt.s32 s30, $0x10;
	s4 =	sadd.s32 $0x10, s5;
	(v2sf) =	vpush v6, $0xF;
	s6 =	smov.u32 s1;
	v5 =	vsel vm0, $0x80000010, v2  }
0x3ed: {  	[tilespmem:$0xE620] =	vst v3;
	s8 =	sxor.u32 $0x80000000, s26;
	s31 =	spop (v2sf);
	s6 =	smov.u32 @p0 s4  }
0x3ee: {  	[tilespmem:$0xE630] =	vst v3;
	p0 =	slt.s32 s1, $0x0;
	s2 =	sadd.s32 s31, s2;
	s7 =	spop (v2sf)  }
0x3ef: {  	[tilespmem:$0xE640] =	vst v3;
	s9 =	sadd.s32 s21, s26;
	s1 =	smov.u32 @p0 s6;
	v6 =	vadd.s32 s2, v10;
	s2 =	sadd.s32 s7, s2;
	(xrf0) =	vmin.scan.msk.u32 $0xffff, v5;
	v5, _, _ =	vpop (xrf0)  }
0x3f0: {  	[tilespmem:$0xE650] =	vst v3;
	p0 =	slt.s32 s1, $0x0;
	s5 =	smov.u32 s1;
	vm0 =	vlt.s32 v6, v4;
	v6 =	vadd.s32 s2, v7;
	s2 =	sadd.s32 $0x20, s9;
	(v2sf) =	vpush v5, $0xF  }
0x3f1: {  	[tilespmem:$0xE660] =	vst v3;
	p1 =	slt.s32 s8, $0x10;
	s5 =	smov.u32 @p0 s2;
	s15 =	spop (v2sf);
	v5 =	vsel vm0, $0x80000010, v2;
	vm0 =	vlt.s32 v6, v4;
	v4, _, _ =	vpop (xrf0)  }
0x3f2: {  	[tilespmem:$0xE670] =	vst v3;
	s1 =	smov.u32 @p1 s5;
	s16 =	spop (v2sf);
	(xrf0) =	vmin.scan.msk.u32 $0xffff, v5;
	(v2sf) =	vpush v4, $0xF;
	v4 =	vsel vm0, $0x80000010, v2  }
0x3f3: {  	[tilespmem:$0xE680] =	vst v3;
	p0 =	slt.s32 s1, $0x0;
	s19 =	sadd.s32 s21, s16  }
0x3f4: {  	[tilespmem:$0xE690] =	vst v3;
	s5 =	smov.u32 s1;
	s4 =	sxor.u32 $0x80000000, s16;
	s2 =	sadd.s32 $0x30, s19  }
0x3f5: {  	[tilespmem:$0xE6A0] =	vst v3;
	s20 =	spop (v2sf);
	(xrf0) =	vmin.scan.msk.u32 $0xffff, v4;
	p1 =	slt.s32 s4, $0x10;
	s5 =	smov.u32 @p0 s2;
	v4, _, _ =	vpop (xrf0)  }
0x3f6: {  	[tilespmem:$0xE6B0] =	vst v3;
	s21 =	sadd.s32 $0x40, s21;
	s22 =	sxor.u32 $0x80000000, s20;
	s1 =	smov.u32 @p1 s5;
	(v2sf) =	vpush v4, $0xF  }
0x3f7: {  	[tilespmem:$0xE6C0] =	vst v3;
	s3 =	sadd.s32 s21, s20;
	p0 =	slt.s32 s22, $0x10;
	s4 =	smov.u32 s1  }
0x3f8: {  	[tilespmem:$0xE6D0] =	vst v3;
	s23 =	spop (v2sf);
	s4 =	smov.u32 @p0 s3;
	p0 =	slt.s32 s1, $0x0;
	v4, _, _ =	vpop (xrf0)  }
0x3f9: {  	[tilespmem:$0xE6E0] =	vst v3;
	s24 =	sxor.u32 $0x80000000, s23;
	s5 =	sadd.s32 s21, s23;
	s1 =	smov.u32 @p0 s4;
	(v2sf) =	vpush v4, $0xF  }
0x3fa: {  	[tilespmem:$0xE6F0] =	vst v3;
	p0 =	slt.s32 s24, $0x10;
	s3 =	sadd.s32 $0x10, s5;
	s4 =	smov.u32 s1  }
0x3fb: {  	[tilespmem:$0xE700] =	vst v3;
	s25 =	spop (v2sf);
	v4, _, _ =	vpop (xrf0);
	s4 =	smov.u32 @p0 s3;
	p0 =	slt.s32 s1, $0x0  }
0x3fc: {  	[tilespmem:$0xE710] =	vst v3;
	s26 =	sadd.s32 s21, s25;
	s28 =	sxor.u32 $0x80000000, s25;
	(v2sf) =	vpush v4, $0xF;
	s1 =	smov.u32 @p0 s4  }
0x3fd: {  	[tilespmem:$0xE720] =	vst v3;
	s3 =	sadd.s32 $0x20, s26;
	p0 =	slt.s32 s1, $0x0;
	s5 =	smov.u32 s1  }
0x3fe: {  	[tilespmem:$0xE730] =	vst v3;
	p1 =	slt.s32 s28, $0x10;
	s5 =	smov.u32 @p0 s3  }
0x3ff: {  	[tilespmem:$0xE740] =	vst v3;
	s1 =	smov.u32 @p1 s5;
	s29 =	spop (v2sf)  }
0x400: {  	[tilespmem:$0xE750] =	vst v3;
	s16 =	simm.s32 $0x4E60;
	p0 =	slt.s32 s1, $0x0;
	s30 =	sadd.s32 s21, s29  }
0x401: {  	[tilespmem:$0xE760] =	vst v3;
	s5 =	smov.u32 s1;
	s4 =	sxor.u32 $0x80000000, s29;
	s3 =	sadd.s32 $0x30, s30  }
0x402: {  	[tilespmem:$0xE770] =	vst v3;
	s31 =	spop (v2sf);
	p1 =	slt.s32 s4, $0x10;
	s5 =	smov.u32 @p0 s3  }
0x403: {  	[tilespmem:$0xE780] =	vst v3;
	s2 =	sadd.s32 $0x40, s21;
	s4 =	sxor.u32 $0x80000000, s31;
	s1 =	smov.u32 @p1 s5  }
0x404: {  	[tilespmem:$0xE790] =	vst v3;
	p0 =	slt.s32 s4, $0x10;
	s3 =	sadd.s32 s2, s31;
	s4 =	smov.u32 s1  }
0x405: {  	[tilespmem:$0xE7A0] =	vst v3;
	s6 =	spop (v2sf);
	s4 =	smov.u32 @p0 s3;
	p0 =	slt.s32 s1, $0x0  }
0x406: {  	[tilespmem:$0xE7B0] =	vst v3;
	s7 =	sxor.u32 $0x80000000, s6;
	s5 =	sadd.s32 s2, s6;
	s1 =	smov.u32 @p0 s4  }
0x407: {  	[tilespmem:$0xE7C0] =	vst v3;
	p0 =	slt.s32 s7, $0x10;
	s3 =	sadd.s32 $0x10, s5;
	s4 =	smov.u32 s1  }
0x408: {  	[tilespmem:$0xE7D0] =	vst v3;
	s8 =	spop (v2sf);
	s4 =	smov.u32 @p0 s3;
	p0 =	slt.s32 s1, $0x0  }
0x409: {  	[tilespmem:$0xE7E0] =	vst v3;
	s9 =	sxor.u32 $0x80000000, s8;
	s5 =	sadd.s32 s2, s8;
	s1 =	smov.u32 @p0 s4  }
0x40a: {  	[tilespmem:$0xE7F0] =	vst v3;
	s5 =	sadd.s32 $0x20, s5;
	p0 =	slt.s32 s1, $0x0;
	s6 =	smov.u32 s1  }
0x40b: {  	[tilespmem:$0xE800] =	vst v3;
	s15 =	spop (v2sf);
	p1 =	slt.s32 s9, $0x10;
	s6 =	smov.u32 @p0 s5  }
0x40c: {  	[tilespmem:$0xE810] =	vst v3;
	s2 =	sadd.s32 s2, s15;
	s4 =	sxor.u32 $0x80000000, s15;
	s1 =	smov.u32 @p1 s6  }
0x40d: {  	[tilespmem:$0xE820] =	vst v3;
	s2 =	sadd.s32 $0x30, s2;
	p0 =	slt.s32 s1, $0x0;
	s5 =	smov.u32 s1  }
0x40e: {  	v11 =	vld [tilespmem:s16+$0xFFFFFFC0];
	p1 =	slt.s32 s4, $0x10;
	s5 =	smov.u32 @p0 s2  }
0x40f: {  	s0 =	sshll.u32 s0, $0xA;
	s1 =	smov.u32 @p1 s5  }
0x410: {  	v10 =	vld [tilespmem:s16+$0xFFFFFFD0];
	s0 =	sor.u32 s0, s1  }
0x411: {  	v7 =	vld [tilespmem:s16+$0xFFFFFFE0];
	s0 =	sxor.u32 $0x80000000, s0  }
0x412: {  	v6 =	vld [tilespmem:s16+$0xFFFFFFF0];
	v4 =	vmov s0  }
0x413: {  	vm3 =	veq.s32 v11, v4  }
0x414: {  	v5 =	vsel vm3, $0x1, v1  }
0x415: {  	s0 =	simm.s32 $0x0;
	vm7 =	vlt.s32 v11, v4;
	(xrf0) =	vadd.scan.msk.s32 $0xffff, v5;
	v5 =	vld [tilespmem:s16+$0x0]  }
0x416: {  	v9 =	vld [tilespmem:s16+$0x30];
	v12 =	vmov s0;
	vm6 =	vlt.s32 v10, v4;
	v13 =	vsel vm7, $0x1, v1  }
0x417: {  	vm2 =	vlt.s32 v7, v4;
	vm0 =	vlt.s32 v6, v4;
	v14 =	vsel vm6, $0x1, v1;
	(xrf0) =	vadd.scan.msk.s32 $0xffff, v13  }
0x418: {  	v8 =	vld [tilespmem:s16+$0x20];
	v12 =	vadd.s32 $0xFFFFFFFF, v12;
	v13 =	vsel vm2, $0x1, v1;
	(xrf0) =	vadd.scan.msk.s32 $0xffff, v14;
	v14 =	vimm.s32 $0x0  }
0x419: {  	v19 =	vbroadcast v12, $0x0;
	v14 =	vsel vm0, $0xFFFFFFFF, v14  }
0x41a: {  	v12 =	vsel vm0, $0x1, v1;
	[tilespmem:$0x1FFE0] =	vst v14;
	v14 =	vimm.s32 $0x0;
	vm0 =	vlt.s32 v5, v4  }
0x41b: {  	vm5 =	vlt.s32 v9, v4;
	(xrf0) =	vadd.scan.msk.s32 $0xffff, v13;
	v14 =	vsel vm0, $0xFFFFFFFF, v14;
	v13, _, _ =	vpop (xrf0)  }
0x41c: {  	(xrf0) =	vadd.scan.msk.s32 $0xffff, v12;
	[tilespmem:$0x1FFF0] =	vst v14;
	v14 =	vsel vm0, $0x1, v1;
	v18 =	vadd.s32 v13, v19  }
0x41d: {  	vm4 =	vlt.s32 v8, v4;
	v12 =	vsel vm5, $0x1, v1;
	(xrf0) =	vadd.scan.msk.s32 $0xffff, v14;
	vm8 =	vlt.s32 v18, $0x3F0  }
0x41e: {  	v13 =	vsel vm4, $0x1, v1;
	(xrf0) =	vadd.scan.msk.s32 $0xffff, v12;
	vm8 =	vmand vm3, vm8  }
0x41f: {  	v24, _, _ =	vpop (xrf0);
	(xrf0) =	vadd.scan.msk.s32 $0xffff, v13;
	v12 =	vsel vm8, $0x1, v1  }
0x420: {  	v21, _, _ =	vpop (xrf0);
	(xrf0) =	vadd.scan.msk.s32 $0xffff, v12  }
0x421: {  	(v2sf) =	vpush v24, $0xF;
	v15, _, _ =	vpop (xrf0)  }
0x422: {  	(v2sf) =	vpush v21, $0xF;
	v13, _, _ =	vpop (xrf0)  }
0x423: {  	(v2sf) =	vpush v15, $0xF;
	v12, _, _ =	vpop (xrf0)  }
0x424: {  	(v2sf) =	vpush v13, $0xF;
	v17, _, _ =	vpop (xrf0)  }
0x425: {  	(v2sf) =	vpush v12, $0xF;
	v16, _, _ =	vpop (xrf0)  }
0x426: {  	(v2sf) =	vpush v16, $0xF;
	v14, _, _ =	vpop (xrf0)  }
0x427: {  	(v2sf) =	vpush v14, $0xF;
	_ =	sdelay $0x7  }
0x428: {  	v14 =	vld [tilespmem:s16+$0x10]  }
0x429: {  	s19 =	spop (v2sf)  }
0x42a: {  	s20 =	spop (v2sf)  }
0x42b: {  	s21 =	spop (v2sf)  }
0x42c: {  	s22 =	spop (v2sf)  }
0x42d: {  	vm3 =	vlt.s32 v14, v4;
	s23 =	spop (v2sf)  }
0x42e: {  	vm9 =	veq.s32 v10, v4;
	v20 =	vsel vm3, $0x1, v1;
	s24 =	spop (v2sf)  }
0x42f: {  	v30 =	vsel vm9, $0x1, v1;
	(xrf0) =	vadd.scan.msk.s32 $0xffff, v20;
	s25 =	spop (v2sf)  }
0x430: {  	(xrf0) =	vadd.scan.msk.s32 $0xffff, v30;
	s2 =	sadd.s32 $0x0, s25  }
0x431: {  	p0 =	slt.s32 s2, $0x3F0  }
0x432: {  	s2 =	simm.s32 @!p0 $0x3F0  }
0x433: {  	v31 =	vmov s2  }
0x434: {  	v20 =	vadd.s32 $0xFFFFFFFF, v31  }
0x435: {  	v25, _, _ =	vpop (xrf0);
	v20 =	vbroadcast v20, $0x0  }
0x436: {  	v22, _, _ =	vpop (xrf0)  }
0x437: {  	v27 =	vadd.s32 v22, v20  }
0x438: {  	vm10 =	vlt.s32 v27, $0x3F0  }
0x439: {  	vm12 =	vmand vm9, vm10  }
0x43a: {  	v32 =	vsel vm12, $0x1, v1  }
0x43b: {  	(xrf0) =	vadd.scan.msk.s32 $0xffff, v32;
	_ =	sdelay $0x4  }
0x43c: {  	(v2sf) =	vpush v25, $0xF  }
0x43d: {  	(v2sf) =	vpush v17, $0xF;
	v20, _, _ =	vpop (xrf0)  }
0x43e: {  	(v2sf) =	vpush v20, $0xF;
	_ =	sdelay $0xc  }
0x43f: {  	s26 =	spop (v2sf)  }
0x440: {  	vm9 =	veq.s32 v7, v4;
	s1 =	spop (v2sf)  }
0x441: {  	v33 =	vsel vm9, $0x1, v1;
	s15 =	spop (v2sf)  }
0x442: {  	(xrf0) =	vadd.scan.msk.s32 $0xffff, v33;
	s2 =	sadd.s32 s2, s15  }
0x443: {  	p0 =	slt.s32 s2, $0x3F0  }
0x444: {  	s2 =	simm.s32 @!p0 $0x3F0  }
0x445: {  	v34 =	vmov s2  }
0x446: {  	v20 =	vadd.s32 $0xFFFFFFFF, v34  }
0x447: {  	v20 =	vbroadcast v20, $0x0  }
0x448: {  	v35, _, _ =	vpop (xrf0)  }
0x449: {  	v20 =	vadd.s32 v35, v20  }
0x44a: {  	vm10 =	vlt.s32 v20, $0x3F0  }
0x44b: {  	vm9 =	vmand vm9, vm10  }
0x44c: {  	v36 =	vsel vm9, $0x1, v1  }
0x44d: {  	(xrf0) =	vadd.scan.msk.s32 $0xffff, v36;
	_ =	sdelay $0x5  }
0x44e: {  	v22, _, _ =	vpop (xrf0)  }
0x44f: {  	(v2sf) =	vpush v22, $0xF;
	_ =	sdelay $0xd  }
0x450: {  	vm10 =	veq.s32 v6, v4  }
0x451: {  	v37 =	vsel vm10, $0x1, v1;
	s28 =	spop (v2sf)  }
0x452: {  	(xrf0) =	vadd.scan.msk.s32 $0xffff, v37;
	s2 =	sadd.s32 s2, s28  }
0x453: {  	p0 =	slt.s32 s2, $0x3F0  }
0x454: {  	s2 =	simm.s32 @!p0 $0x3F0  }
0x455: {  	v38 =	vmov s2  }
0x456: {  	v22 =	vadd.s32 $0xFFFFFFFF, v38  }
0x457: {  	v22 =	vbroadcast v22, $0x0  }
0x458: {  	v23, _, _ =	vpop (xrf0)  }
0x459: {  	v22 =	vadd.s32 v23, v22  }
0x45a: {  	vm11 =	vlt.s32 v22, $0x3F0  }
0x45b: {  	vm10 =	vmand vm10, vm11  }
0x45c: {  	v39 =	vsel vm10, $0x1, v1  }
0x45d: {  	(xrf0) =	vadd.scan.msk.s32 $0xffff, v39;
	_ =	sdelay $0x5  }
0x45e: {  	v23, _, _ =	vpop (xrf0)  }
0x45f: {  	(v2sf) =	vpush v23, $0xF;
	_ =	sdelay $0xd  }
0x460: {  	vm11 =	veq.s32 v5, v4  }
0x461: {  	v40 =	vsel vm11, $0x1, v1;
	s29 =	spop (v2sf)  }
0x462: {  	(xrf0) =	vadd.scan.msk.s32 $0xffff, v40;
	s2 =	sadd.s32 s2, s29  }
0x463: {  	p0 =	slt.s32 s2, $0x3F0  }
0x464: {  	s2 =	simm.s32 @!p0 $0x3F0  }
0x465: {  	v41 =	vmov s2  }
0x466: {  	v23 =	vadd.s32 $0xFFFFFFFF, v41  }
0x467: {  	v23 =	vbroadcast v23, $0x0  }
0x468: {  	v26, _, _ =	vpop (xrf0)  }
0x469: {  	v23 =	vadd.s32 v26, v23  }
0x46a: {  	vm13 =	vlt.s32 v23, $0x3F0  }
0x46b: {  	vm11 =	vmand vm11, vm13  }
0x46c: {  	v42 =	vsel vm11, $0x1, v1  }
0x46d: {  	(xrf0) =	vadd.scan.msk.s32 $0xffff, v42;
	_ =	sdelay $0x5  }
0x46e: {  	v26, _, _ =	vpop (xrf0)  }
0x46f: {  	(v2sf) =	vpush v26, $0xF;
	_ =	sdelay $0xd  }
0x470: {  	vm13 =	veq.s32 v14, v4  }
0x471: {  	v43 =	vsel vm13, $0x1, v1;
	s30 =	spop (v2sf)  }
0x472: {  	(xrf0) =	vadd.scan.msk.s32 $0xffff, v43;
	s2 =	sadd.s32 s2, s30  }
0x473: {  	p0 =	slt.s32 s2, $0x3F0  }
0x474: {  	s2 =	simm.s32 @!p0 $0x3F0  }
0x475: {  	v44 =	vmov s2  }
0x476: {  	v26 =	vadd.s32 $0xFFFFFFFF, v44  }
0x477: {  	v26 =	vbroadcast v26, $0x0  }
0x478: {  	v28, _, _ =	vpop (xrf0)  }
0x479: {  	v26 =	vadd.s32 v28, v26  }
0x47a: {  	vm14 =	vlt.s32 v26, $0x3F0  }
0x47b: {  	vm13 =	vmand vm13, vm14  }
0x47c: {  	v45 =	vsel vm13, $0x1, v1  }
0x47d: {  	(xrf0) =	vadd.scan.msk.s32 $0xffff, v45;
	_ =	sdelay $0x5  }
0x47e: {  	v28, _, _ =	vpop (xrf0)  }
0x47f: {  	(v2sf) =	vpush v28, $0xF;
	_ =	sdelay $0xd  }
0x480: {  	vm14 =	veq.s32 v8, v4  }
0x481: {  	v46 =	vsel vm14, $0x1, v1;
	s31 =	spop (v2sf)  }
0x482: {  	(xrf0) =	vadd.scan.msk.s32 $0xffff, v46;
	s2 =	sadd.s32 s2, s31  }
0x483: {  	p0 =	slt.s32 s2, $0x3F0  }
0x484: {  	s2 =	simm.s32 @!p0 $0x3F0  }
0x485: {  	v47 =	vmov s2  }
0x486: {  	v28 =	vadd.s32 $0xFFFFFFFF, v47  }
0x487: {  	v28 =	vbroadcast v28, $0x0  }
0x488: {  	v29, _, _ =	vpop (xrf0)  }
0x489: {  	v28 =	vadd.s32 v29, v28  }
0x48a: {  	vm15 =	vlt.s32 v28, $0x3F0  }
0x48b: {  	vm14 =	vmand vm14, vm15  }
0x48c: {  	v48 =	vsel vm14, $0x1, v1  }
0x48d: {  	(xrf0) =	vadd.scan.msk.s32 $0xffff, v48;
	_ =	sdelay $0x5  }
0x48e: {  	v29, _, _ =	vpop (xrf0)  }
0x48f: {  	(v2sf) =	vpush v29, $0xF;
	_ =	sdelay $0xb  }
0x490: {  	v19 =	vadd.s32 v24, v19;
	s16 =	sadd.s32 $0x0, s19  }
0x491: {  	vm0 =	vgt.s32 v19, $0x0;
	s20 =	sadd.s32 s16, s20;
	v30 =	vmov s16  }
0x492: {  	v19 =	vnsel vm0, $0x0, v19;
	s7 =	sadd.s32 s20, s21;
	v50 =	vadd.s32 $0xFFFFFFFF, v30;
	vm15 =	veq.s32 v9, v4  }
0x493: {  	vm0 =	vgt.s32 v18, $0x0;
	s6 =	sadd.s32 s7, s22;
	v24 =	vbroadcast v50, $0x0;
	v49 =	vsel vm15, $0x1, v1;
	s19 =	spop (v2sf)  }
0x494: {  	v18 =	vnsel vm0, $0x0, v18;
	s5 =	sadd.s32 s6, s23;
	(xrf0) =	vadd.scan.msk.s32 $0xffff, v49;
	s4 =	sadd.s32 s2, s19  }
0x495: {  	v59 =	vor.u32 s0, v0;
	v18 =	vmin.u32 v18, $0x3EF;
	v21 =	vadd.s32 v21, v24;
	s21 =	sadd.s32 s5, s26;
	p0 =	slt.s32 s4, $0x3F0  }
0x496: {  	v56 =	vmov s20;
	vm0 =	vgt.s32 v21, $0x0;
	v53 =	vmov s5;
	s3 =	sadd.s32 s21, s24;
	s4 =	simm.s32 @!p0 $0x3F0  }
0x497: {  	vm1 =	vgt.s32 v27, $0x0;
	v31 =	vmov s3;
	v51 =	vmov s4  }
0x498: {  	v27 =	vnsel vm1, $0x0, v27;
	v55 =	vadd.s32 $0xFFFFFFFF, v31;
	v52 =	vadd.s32 $0xFFFFFFFF, v51  }
0x499: {  	v30 =	vbroadcast v55, $0x0;
	v29 =	vadd.s32 $0xFFFFFFFF, v53;
	v24 =	vbroadcast v52, $0x0  }
0x49a: {  	[tilespmem:v19+s11+$0x0] =	vst.idx.msk vm7, v11;
	v21 =	vnsel vm0, $0x0, v21;
	v11 =	vmin.u32 v27, $0x3EF;
	v29 =	vbroadcast v29, $0x0;
	v54, _, _ =	vpop (xrf0)  }
0x49b: {  	v57 =	vmov s21;
	v17 =	vadd.s32 v17, v30;
	v24 =	vadd.s32 v54, v24  }
0x49c: {  	v25 =	vadd.s32 v25, v29;
	v29 =	vadd.s32 $0xFFFFFFFF, v57;
	vm0 =	vlt.s32 v24, $0x3F0  }
0x49d: {  	v60 =	vbroadcast v29, $0x0;
	vm15 =	vmand vm15, vm0;
	vm0 =	vgt.s32 v25, $0x0  }
0x49e: {  	[tilespmem:v19+s12+$0x0] =	vst.idx.msk vm7, v59;
	v31 =	vadd.s32 $0xFFFFFFFF, v56;
	v61 =	vnsel vm0, $0x0, v25;
	vm0 =	vgt.s32 v17, $0x0  }
0x49f: {  	[tilespmem:v18+s13+$0x0] =	vst.idx.msk vm8, v59;
	s22 =	simm.s32 $0x10;
	v31 =	vbroadcast v31, $0x0;
	v16 =	vadd.s32 v16, v60;
	v17 =	vnsel vm0, $0x0, v17  }
0x4a0: {  	[tilespmem:v21+s11+$0x0] =	vst.idx.msk vm6, v10;
	v10 =	vor.u32 s22, v0;
	vm0 =	vgt.s32 v16, $0x0  }
0x4a1: {  	[tilespmem:v21+s12+$0x0] =	vst.idx.msk vm6, v10;
	v15 =	vadd.s32 v15, v31;
	v16 =	vnsel vm0, $0x0, v16  }
0x4a2: {  	[tilespmem:v11+s13+$0x0] =	vst.idx.msk vm12, v10;
	vm0 =	vgt.s32 v15, $0x0  }
0x4a3: {  	s23 =	simm.s32 $0x70;
	v15 =	vnsel vm0, $0x0, v15;
	vm0 =	vgt.s32 v20, $0x0;
	[tilespmem:v61+s11+$0x0] =	vst.idx.msk vm3, v14  }
0x4a4: {  	v10 =	vmov s6;
	v14 =	vor.u32 s23, v0;
	[tilespmem:v17+s11+$0x0] =	vst.idx.msk vm5, v9;
	v9 =	vnsel vm0, $0x0, v20  }
0x4a5: {  	s24 =	simm.s32 $0x60;
	v10 =	vadd.s32 $0xFFFFFFFF, v10;
	[tilespmem:v17+s12+$0x0] =	vst.idx.msk vm5, v14;
	v9 =	vmin.u32 v9, $0x3EF  }
0x4a6: {  	v10 =	vbroadcast v10, $0x0;
	v17 =	vor.u32 s24, v0;
	[tilespmem:v16+s11+$0x0] =	vst.idx.msk vm4, v8  }
0x4a7: {  	s25 =	simm.s32 $0x20;
	[tilespmem:v16+s12+$0x0] =	vst.idx.msk vm4, v17  }
0x4a8: {  	v8 =	vadd.s32 v12, v10;
	v12 =	vor.u32 s25, v0;
	[tilespmem:v15+s11+$0x0] =	vst.idx.msk vm2, v7  }
0x4a9: {  	[tilespmem:v15+s12+$0x0] =	vst.idx.msk vm2, v12  }
0x4aa: {  	[tilespmem:v9+s13+$0x0] =	vst.idx.msk vm9, v12  }
0x4ab: {  	v62 =	vmov s7;
	v12 =	vld [tilespmem:$0x1FFE0]  }
0x4ac: {  	v18 =	vadd.s32 $0xFFFFFFFF, v62  }
0x4ad: {  	v11 =	vbroadcast v18, $0x0;
	_ =	sdelay $0x1  }
0x4ae: {  	v11 =	vadd.s32 v13, v11  }
0x4af: {  	vm0 =	vgt.s32 v11, $0x0;
	vm1 =	vnez.u8 v12  }
0x4b0: {  	v58 =	vsel vm15, $0x1, v1;
	v11 =	vnsel vm0, $0x0, v11;
	vm0 =	vgt.s32 v22, $0x0  }
0x4b1: {  	(xrf0) =	vadd.scan.msk.s32 $0xffff, v58;
	v10 =	vnsel vm0, $0x0, v22  }
0x4b2: {  	v7 =	vmin.u32 v10, $0x3EF;
	_ =	sdelay $0x1  }
0x4b3: {  	s26 =	simm.s32 $0x30  }
0x4b4: {  	v10 =	vor.u32 s26, v0;
	[tilespmem:v11+s11+$0x0] =	vst.idx.msk vm1, v6  }
0x4b5: {  	[tilespmem:v11+s12+$0x0] =	vst.idx.msk vm1, v10  }
0x4b6: {  	v63, _, _ =	vpop (xrf0);
	[tilespmem:v7+s13+$0x0] =	vst.idx.msk vm10, v10  }
0x4b7: {  	(v2sf) =	vpush v63, $0xF;
	v11 =	vld [tilespmem:$0x1FFF0];
	_ =	sdelay $0x4  }
0x4b8: {  	vm0 =	vgt.s32 v8, $0x0;
	vm1 =	vnez.u8 v11  }
0x4b9: {  	v8 =	vnsel vm0, $0x0, v8;
	vm0 =	vgt.s32 v23, $0x0  }
0x4ba: {  	s28 =	simm.s32 $0x4EE0;
	v9 =	vnsel vm0, $0x0, v23  }
0x4bb: {  	v15 =	vld [tilespmem:s28+$0xFFFFFFC0];
	vm0 =	vgt.s32 v26, $0x0;
	v6 =	vmin.u32 v9, $0x3EF  }
0x4bc: {  	v9 =	vnsel vm0, $0x0, v26;
	vm0 =	vgt.s32 v28, $0x0  }
0x4bd: {  	s29 =	simm.s32 $0x40;
	v7 =	vmin.u32 v9, $0x3EF;
	v9 =	vnsel vm0, $0x0, v28;
	vm0 =	vgt.s32 v24, $0x0  }
0x4be: {  	v13 =	vld [tilespmem:s28+$0xFFFFFFD0];
	v10 =	vor.u32 s29, v0;
	v9 =	vmin.u32 v9, $0x3EF;
	v11 =	vnsel vm0, $0x0, v24;
	[tilespmem:v8+s11+$0x0] =	vst.idx.msk vm1, v5  }
0x4bf: {  	s30 =	simm.s32 $0x50;
	v11 =	vmin.u32 v11, $0x3EF;
	v5 =	vld [tilespmem:s28+$0x30];
	[tilespmem:v8+s12+$0x0] =	vst.idx.msk vm1, v10  }
0x4c0: {  	vm9 =	veq.s32 v15, v4;
	[tilespmem:v6+s13+$0x0] =	vst.idx.msk vm11, v10;
	v6 =	vor.u32 s30, v0;
	v10 =	vld [tilespmem:s28+$0xFFFFFFE0]  }
0x4c1: {  	s1 =	sadd.s32 s3, s1;
	v16 =	vsel vm9, $0x1, v1;
	v8 =	vld [tilespmem:s28+$0xFFFFFFF0];
	[tilespmem:v61+s12+$0x0] =	vst.idx.msk vm3, v6  }
0x4c2: {  	vm4 =	vlt.s32 v15, v4;
	(xrf0) =	vadd.scan.msk.s32 $0xffff, v16;
	v12 =	vmov s1;
	s31 =	spop (v2sf);
	[tilespmem:v7+s13+$0x0] =	vst.idx.msk vm13, v6;
	v6 =	vld [tilespmem:s28+$0x0]  }
0x4c3: {  	s4 =	sadd.s32 s4, s31;
	[tilespmem:v9+s13+$0x0] =	vst.idx.msk vm14, v17;
	v17 =	vsel vm4, $0x1, v1;
	v9 =	vadd.s32 $0xFFFFFFFF, v12;
	v12 =	vld [tilespmem:s28+$0x20];
	vm1 =	vlt.s32 v13, v4  }
0x4c4: {  	s8 =	simm.s32 $0x4F60;
	s3 =	simm.s32 $0x8;
	p0 =	slt.s32 s4, $0x3F0;
	(xrf0) =	vadd.scan.msk.s32 $0xffff, v17;
	[tilespmem:v11+s13+$0x0] =	vst.idx.msk vm15, v14;
	v14 =	vsel vm1, $0x1, v1;
	v7 =	vld [tilespmem:s28+$0x10]  }
.LBB2_33:
0x4c5: {  	v11 =	vld [tilespmem:s8+$0x30];
	s3 =	sadd.s32 $0x8, s3;
	vm6 =	vlt.s32 v10, v4;
	vm7 =	vlt.s32 v5, v4;
	(xrf0) =	vadd.scan.msk.s32 $0xffff, v14;
	s4 =	simm.s32 @!p0 $0x3F0;
	s0 =	sadd.s32 $0x80, s0  }
0x4c6: {  	p1 =	slt.u32 s3, $0x4D8;
	v14 =	vmov s4;
	v16 =	vsel vm6, $0x1, v1;
	vm5 =	vlt.s32 v8, v4  }
0x4c7: {  	v14 =	vadd.s32 $0xFFFFFFFF, v14;
	v19 =	vsel vm5, $0x1, v1;
	vm3 =	vlt.s32 v6, v4;
	(xrf0) =	vadd.scan.msk.s32 $0xffff, v16  }
0x4c8: {  	v18 =	vsel vm7, $0x1, v1;
	v14 =	vbroadcast v14, $0x0;
	v16 =	vsel vm3, $0x1, v1;
	(xrf0) =	vadd.scan.msk.s32 $0xffff, v19  }
0x4c9: {  	v9 =	vbroadcast v9, $0x0;
	vm2 =	vlt.s32 v7, v4;
	vm8 =	vlt.s32 v12, v4;
	v17, _, _ =	vpop (xrf0);
	(xrf0) =	vadd.scan.msk.s32 $0xffff, v16  }
0x4ca: {  	vm0 =	veq.s32 v12, v4;
	v14 =	vadd.s32 v17, v14;
	v16 =	vsel vm8, $0x1, v1;
	v17, _, _ =	vpop (xrf0);
	(xrf0) =	vadd.scan.msk.s32 $0xffff, v18  }
0x4cb: {  	v9 =	vadd.s32 v17, v9;
	vm10 =	vlt.s32 v14, $0x3F0;
	(v2sf) =	vpush v17, $0xF;
	v17, _, _ =	vpop (xrf0);
	(xrf0) =	vadd.scan.msk.s32 $0xffff, v16  }
0x4cc: {  	vm11 =	vgt.s32 v9, $0x0;
	vm9 =	vmand vm9, vm10;
	vm10 =	vgt.s32 v14, $0x0  }
0x4cd: {  	v9 =	vnsel vm11, $0x0, v9;
	v20 =	vsel vm9, $0x1, v1;
	(v2sf) =	vpush v17, $0xF;
	v18, _, _ =	vpop (xrf0)  }
0x4ce: {  	v22 =	vsel vm2, $0x1, v1;
	v14 =	vnsel vm10, $0x0, v14;
	(xrf0) =	vadd.scan.msk.s32 $0xffff, v20;
	(v2sf) =	vpush v18, $0xF;
	v16, _, _ =	vpop (xrf0)  }
0x4cf: {  	v20 =	vmin.u32 v14, $0x3EF;
	v14 =	vsel vm0, $0x1, v1;
	(v2sf) =	vpush v16, $0xF;
	v21, _, _ =	vpop (xrf0);
	(xrf0) =	vadd.scan.msk.s32 $0xffff, v22  }
0x4d0: {  	(v2sf) =	vpush v21, $0xF;
	v19, _, _ =	vpop (xrf0)  }
0x4d1: {  	v22, _, _ =	vpop (xrf0)  }
0x4d2: {  	v23 =	vor.u32 s0, v0;
	[tilespmem:v9+s11+$0x0] =	vst.idx.msk vm4, v15;
	(v2sf) =	vpush v22, $0xF  }
0x4d3: {  	[tilespmem:v9+s12+$0x0] =	vst.idx.msk vm4, v23  }
0x4d4: {  	[tilespmem:v20+s13+$0x0] =	vst.idx.msk vm9, v23;
	v9, _, _ =	vpop (xrf0)  }
0x4d5: {  	(v2sf) =	vpush v9, $0xF;
	v9, _, _ =	vpop (xrf0)  }
0x4d6: {  	(v2sf) =	vpush v9, $0xF;
	_ =	sdelay $0x1  }
0x4d7: {  	(v2sf) =	vpush v19, $0xF;
	_ =	sdelay $0x1  }
0x4d8: {  	s2 =	spop (v2sf)  }
0x4d9: {  	s1 =	sadd.s32 s1, s2  }
0x4da: {  	v15 =	vmov s1;
	s2 =	spop (v2sf)  }
0x4db: {  	v15 =	vadd.s32 $0xFFFFFFFF, v15;
	s1 =	sadd.s32 s1, s2;
	s2 =	spop (v2sf)  }
0x4dc: {  	v15 =	vbroadcast v15, $0x0;
	v20 =	vmov s1;
	s1 =	sadd.s32 s1, s2;
	s2 =	spop (v2sf)  }
0x4dd: {  	v20 =	vadd.s32 $0xFFFFFFFF, v20;
	v23 =	vmov s1;
	s1 =	sadd.s32 s1, s2;
	s2 =	spop (v2sf)  }
0x4de: {  	v20 =	vbroadcast v20, $0x0;
	v23 =	vadd.s32 $0xFFFFFFFF, v23;
	v24 =	vmov s1;
	s1 =	sadd.s32 s1, s2  }
0x4df: {  	v23 =	vbroadcast v23, $0x0;
	v24 =	vadd.s32 $0xFFFFFFFF, v24;
	v25 =	vmov s1;
	s2 =	spop (v2sf)  }
0x4e0: {  	v24 =	vbroadcast v24, $0x0;
	v25 =	vadd.s32 $0xFFFFFFFF, v25  }
0x4e1: {  	vm9 =	veq.s32 v13, v4;
	v16 =	vadd.s32 v16, v23;
	v23 =	vbroadcast v25, $0x0  }
0x4e2: {  	v20 =	vadd.s32 v18, v20;
	v25 =	vsel vm9, $0x1, v1;
	vm4 =	vgt.s32 v16, $0x0;
	s5 =	spop (v2sf)  }
0x4e3: {  	s5 =	sadd.s32 s4, s5;
	v18 =	vnsel vm4, $0x0, v16;
	v9 =	vadd.s32 v9, v23;
	(xrf0) =	vadd.scan.msk.s32 $0xffff, v25;
	s4 =	spop (v2sf)  }
0x4e4: {  	p0 =	slt.s32 s5, $0x3F0;
	vm4 =	vgt.s32 v9, $0x0;
	s1 =	sadd.s32 s1, s4  }
0x4e5: {  	v16 =	vadd.s32 v17, v15;
	s5 =	simm.s32 @!p0 $0x3F0;
	v15 =	vnsel vm4, $0x0, v9;
	v23 =	vmov s1;
	s1 =	sadd.s32 s1, s2;
	s2 =	spop (v2sf)  }
0x4e6: {  	vm4 =	vgt.s32 v16, $0x0;
	v9 =	vmov s5;
	v17 =	vmov s1;
	s1 =	sadd.s32 s1, s2  }
0x4e7: {  	v16 =	vnsel vm4, $0x0, v16;
	v9 =	vadd.s32 $0xFFFFFFFF, v9;
	v26 =	vadd.s32 $0xFFFFFFFF, v17  }
0x4e8: {  	v21 =	vadd.s32 v21, v24;
	v9 =	vbroadcast v9, $0x0;
	v24 =	vbroadcast v26, $0x0  }
0x4e9: {  	vm10 =	vgt.s32 v21, $0x0;
	s4 =	sadd.s32 $0x50, s0;
	vm4 =	vgt.s32 v20, $0x0;
	v25 =	vmov s1;
	v17, _, _ =	vpop (xrf0)  }
0x4ea: {  	v9 =	vadd.s32 v17, v9;
	v17 =	vnsel vm10, $0x0, v21;
	[tilespmem:v15+s11+$0x0] =	vst.idx.msk vm2, v7;
	v19 =	vadd.s32 v19, v24  }
0x4eb: {  	vm10 =	vlt.s32 v9, $0x3F0;
	vm11 =	vgt.s32 v9, $0x0;
	vm12 =	vgt.s32 v19, $0x0  }
0x4ec: {  	vm9 =	vmand vm9, vm10;
	v21 =	vnsel vm11, $0x0, v9;
	v19 =	vnsel vm12, $0x0, v19  }
0x4ed: {  	v9 =	vadd.s32 $0xFFFFFFFF, v25;
	v21 =	vmin.u32 v21, $0x3EF;
	v24 =	vsel vm9, $0x1, v1  }
0x4ee: {  	v23 =	vadd.s32 $0xFFFFFFFF, v23;
	(xrf0) =	vadd.scan.msk.s32 $0xffff, v24  }
0x4ef: {  	s2 =	sadd.s32 $0x10, s0;
	v23 =	vbroadcast v23, $0x0  }
0x4f0: {  	v24 =	vor.u32 s2, v0;
	[tilespmem:v16+s11+$0x0] =	vst.idx.msk vm1, v13  }
0x4f1: {  	v13 =	vadd.s32 v22, v23;
	[tilespmem:v16+s12+$0x0] =	vst.idx.msk vm1, v24  }
0x4f2: {  	vm1 =	vgt.s32 v13, $0x0;
	[tilespmem:v21+s13+$0x0] =	vst.idx.msk vm9, v24  }
0x4f3: {  	v21 =	vnsel vm1, $0x0, v13  }
0x4f4: {  	s2 =	sadd.s32 $0x70, s0;
	v16, _, _ =	vpop (xrf0)  }
0x4f5: {  	v13 =	vor.u32 s2, v0;
	[tilespmem:v19+s11+$0x0] =	vst.idx.msk vm7, v5;
	(v2sf) =	vpush v16, $0xF  }
0x4f6: {  	[tilespmem:v19+s12+$0x0] =	vst.idx.msk vm7, v13  }
0x4f7: {  	s2 =	sadd.s32 $0x60, s0  }
0x4f8: {  	v16 =	vor.u32 s2, v0;
	[tilespmem:v21+s11+$0x0] =	vst.idx.msk vm8, v12  }
0x4f9: {  	[tilespmem:v21+s12+$0x0] =	vst.idx.msk vm8, v16;
	_ =	sdelay $0x9  }
0x4fa: {  	vm1 =	veq.s32 v10, v4  }
0x4fb: {  	v12 =	vsel vm1, $0x1, v1;
	s2 =	spop (v2sf)  }
0x4fc: {  	s2 =	sadd.s32 s5, s2;
	(xrf0) =	vadd.scan.msk.s32 $0xffff, v12  }
0x4fd: {  	p0 =	slt.s32 s2, $0x3F0  }
0x4fe: {  	s2 =	simm.s32 @!p0 $0x3F0  }
0x4ff: {  	v12 =	vmov s2  }
0x500: {  	v12 =	vadd.s32 $0xFFFFFFFF, v12  }
0x501: {  	v12 =	vbroadcast v12, $0x0  }
0x502: {  	v19, _, _ =	vpop (xrf0)  }
0x503: {  	v12 =	vadd.s32 v19, v12  }
0x504: {  	v19 =	vnsel vm4, $0x0, v20;
	vm4 =	vlt.s32 v12, $0x3F0;
	vm7 =	vgt.s32 v12, $0x0  }
0x505: {  	vm1 =	vmand vm1, vm4;
	v12 =	vnsel vm7, $0x0, v12  }
0x506: {  	v12 =	vmin.u32 v12, $0x3EF;
	v20 =	vsel vm1, $0x1, v1  }
0x507: {  	(xrf0) =	vadd.scan.msk.s32 $0xffff, v20  }
0x508: {  	s5 =	sadd.s32 $0x20, s0  }
0x509: {  	v20 =	vor.u32 s5, v0;
	[tilespmem:v19+s11+$0x0] =	vst.idx.msk vm6, v10  }
0x50a: {  	[tilespmem:v19+s12+$0x0] =	vst.idx.msk vm6, v20  }
0x50b: {  	[tilespmem:v12+s13+$0x0] =	vst.idx.msk vm1, v20;
	_ =	sdelay $0x1  }
0x50c: {  	v10, _, _ =	vpop (xrf0)  }
0x50d: {  	(v2sf) =	vpush v10, $0xF;
	_ =	sdelay $0xd  }
0x50e: {  	vm1 =	veq.s32 v8, v4  }
0x50f: {  	v10 =	vsel vm1, $0x1, v1;
	s5 =	spop (v2sf)  }
0x510: {  	s2 =	sadd.s32 s2, s5;
	(xrf0) =	vadd.scan.msk.s32 $0xffff, v10  }
0x511: {  	p0 =	slt.s32 s2, $0x3F0  }
0x512: {  	s2 =	simm.s32 @!p0 $0x3F0  }
0x513: {  	v10 =	vmov s2  }
0x514: {  	v10 =	vadd.s32 $0xFFFFFFFF, v10  }
0x515: {  	v10 =	vbroadcast v10, $0x0  }
0x516: {  	v12, _, _ =	vpop (xrf0)  }
0x517: {  	v10 =	vadd.s32 v12, v10  }
0x518: {  	vm4 =	vlt.s32 v10, $0x3F0;
	vm6 =	vgt.s32 v10, $0x0  }
0x519: {  	vm1 =	vmand vm1, vm4;
	v10 =	vnsel vm6, $0x0, v10  }
0x51a: {  	v10 =	vmin.u32 v10, $0x3EF;
	v12 =	vsel vm1, $0x1, v1  }
0x51b: {  	(xrf0) =	vadd.scan.msk.s32 $0xffff, v12  }
0x51c: {  	s5 =	sadd.s32 $0x30, s0  }
0x51d: {  	v12 =	vor.u32 s5, v0;
	[tilespmem:v18+s11+$0x0] =	vst.idx.msk vm5, v8  }
0x51e: {  	[tilespmem:v18+s12+$0x0] =	vst.idx.msk vm5, v12  }
0x51f: {  	[tilespmem:v10+s13+$0x0] =	vst.idx.msk vm1, v12;
	_ =	sdelay $0x1  }
0x520: {  	v8, _, _ =	vpop (xrf0)  }
0x521: {  	(v2sf) =	vpush v8, $0xF;
	_ =	sdelay $0xd  }
0x522: {  	vm1 =	veq.s32 v6, v4  }
0x523: {  	v8 =	vsel vm1, $0x1, v1;
	s5 =	spop (v2sf)  }
0x524: {  	s2 =	sadd.s32 s2, s5;
	(xrf0) =	vadd.scan.msk.s32 $0xffff, v8  }
0x525: {  	p0 =	slt.s32 s2, $0x3F0  }
0x526: {  	s2 =	simm.s32 @!p0 $0x3F0  }
0x527: {  	v8 =	vmov s2  }
0x528: {  	v8 =	vadd.s32 $0xFFFFFFFF, v8  }
0x529: {  	v8 =	vbroadcast v8, $0x0  }
0x52a: {  	v10, _, _ =	vpop (xrf0)  }
0x52b: {  	v8 =	vadd.s32 v10, v8  }
0x52c: {  	vm4 =	vlt.s32 v8, $0x3F0;
	vm5 =	vgt.s32 v8, $0x0  }
0x52d: {  	vm1 =	vmand vm1, vm4;
	v8 =	vnsel vm5, $0x0, v8  }
0x52e: {  	v8 =	vmin.u32 v8, $0x3EF;
	v10 =	vsel vm1, $0x1, v1  }
0x52f: {  	(xrf0) =	vadd.scan.msk.s32 $0xffff, v10  }
0x530: {  	s5 =	sadd.s32 $0x40, s0  }
0x531: {  	v10 =	vor.u32 s5, v0;
	[tilespmem:v17+s11+$0x0] =	vst.idx.msk vm3, v6  }
0x532: {  	[tilespmem:v17+s12+$0x0] =	vst.idx.msk vm3, v10  }
0x533: {  	[tilespmem:v8+s13+$0x0] =	vst.idx.msk vm1, v10;
	_ =	sdelay $0x1  }
0x534: {  	v6, _, _ =	vpop (xrf0)  }
0x535: {  	(v2sf) =	vpush v6, $0xF;
	_ =	sdelay $0xd  }
0x536: {  	vm1 =	veq.s32 v7, v4  }
0x537: {  	v6 =	vsel vm1, $0x1, v1;
	s5 =	spop (v2sf)  }
0x538: {  	s2 =	sadd.s32 s2, s5;
	(xrf0) =	vadd.scan.msk.s32 $0xffff, v6  }
0x539: {  	p0 =	slt.s32 s2, $0x3F0  }
0x53a: {  	s2 =	simm.s32 @!p0 $0x3F0  }
0x53b: {  	v6 =	vmov s2  }
0x53c: {  	v6 =	vadd.s32 $0xFFFFFFFF, v6  }
0x53d: {  	v6 =	vbroadcast v6, $0x0  }
0x53e: {  	v7, _, _ =	vpop (xrf0)  }
0x53f: {  	v6 =	vadd.s32 v7, v6  }
0x540: {  	vm3 =	vlt.s32 v6, $0x3F0;
	vm4 =	vgt.s32 v6, $0x0  }
0x541: {  	vm1 =	vmand vm1, vm3;
	v6 =	vnsel vm4, $0x0, v6  }
0x542: {  	v6 =	vmin.u32 v6, $0x3EF;
	v7 =	vsel vm1, $0x1, v1  }
0x543: {  	(xrf0) =	vadd.scan.msk.s32 $0xffff, v7;
	_ =	sdelay $0x1  }
0x544: {  	v7 =	vor.u32 s4, v0  }
0x545: {  	[tilespmem:v15+s12+$0x0] =	vst.idx.msk vm2, v7  }
0x546: {  	[tilespmem:v6+s13+$0x0] =	vst.idx.msk vm1, v7;
	_ =	sdelay $0x1  }
0x547: {  	v6, _, _ =	vpop (xrf0)  }
0x548: {  	(v2sf) =	vpush v6, $0xF;
	_ =	sdelay $0xe  }
0x549: {  	s4 =	spop (v2sf)  }
0x54a: {  	s2 =	sadd.s32 s2, s4;
	(xrf0) =	vadd.scan.msk.s32 $0xffff, v14  }
0x54b: {  	p0 =	slt.s32 s2, $0x3F0  }
0x54c: {  	s2 =	simm.s32 @!p0 $0x3F0  }
0x54d: {  	v6 =	vmov s2  }
0x54e: {  	v6 =	vadd.s32 $0xFFFFFFFF, v6  }
0x54f: {  	v6 =	vbroadcast v6, $0x0  }
0x550: {  	v7, _, _ =	vpop (xrf0)  }
0x551: {  	v6 =	vadd.s32 v7, v6  }
0x552: {  	vm1 =	vlt.s32 v6, $0x3F0;
	vm2 =	vgt.s32 v6, $0x0  }
0x553: {  	vm0 =	vmand vm0, vm1;
	v6 =	vnsel vm2, $0x0, v6  }
0x554: {  	v6 =	vmin.u32 v6, $0x3EF;
	v7 =	vsel vm0, $0x1, v1  }
0x555: {  	(xrf0) =	vadd.scan.msk.s32 $0xffff, v7;
	_ =	sdelay $0x3  }
0x556: {  	[tilespmem:v6+s13+$0x0] =	vst.idx.msk vm0, v16;
	_ =	sdelay $0x1  }
0x557: {  	v6, _, _ =	vpop (xrf0)  }
0x558: {  	(v2sf) =	vpush v6, $0xF;
	_ =	sdelay $0xd  }
0x559: {  	vm0 =	veq.s32 v5, v4;
	v5 =	vmov v11  }
0x55a: {  	v6 =	vsel vm0, $0x1, v1;
	s4 =	spop (v2sf)  }
0x55b: {  	s4 =	sadd.s32 s2, s4;
	(xrf0) =	vadd.scan.msk.s32 $0xffff, v6  }
0x55c: {  	p0 =	slt.s32 s4, $0x3F0  }
0x55d: {  	s4 =	simm.s32 @!p0 $0x3F0  }
0x55e: {  	v6 =	vmov s4  }
0x55f: {  	v6 =	vadd.s32 $0xFFFFFFFF, v6  }
0x560: {  	v6 =	vbroadcast v6, $0x0  }
0x561: {  	v7, _, _ =	vpop (xrf0)  }
0x562: {  	v6 =	vadd.s32 v7, v6  }
0x563: {  	vm1 =	vlt.s32 v6, $0x3F0;
	vm2 =	vgt.s32 v6, $0x0  }
0x564: {  	vm0 =	vmand vm0, vm1;
	v6 =	vnsel vm2, $0x0, v6  }
0x565: {  	v6 =	vmin.u32 v6, $0x3EF;
	v7 =	vsel vm0, $0x1, v1  }
0x566: {  	(xrf0) =	vadd.scan.msk.s32 $0xffff, v7;
	_ =	sdelay $0x3  }
0x567: {  	[tilespmem:v6+s13+$0x0] =	vst.idx.msk vm0, v13;
	_ =	sdelay $0x1  }
0x568: {  	v6, _, _ =	vpop (xrf0)  }
0x569: {  	(v2sf) =	vpush v6, $0xF;
	_ =	sdelay $0x8  }
0x56a: {  	v15 =	vld [tilespmem:s8+$0xFFFFFFC0];
	_ =	sdelay $0x1  }
0x56b: {  	v13 =	vld [tilespmem:s8+$0xFFFFFFD0];
	_ =	sdelay $0x1  }
.Ltmp17:
0x56c: {  	v10 =	vld [tilespmem:s8+$0xFFFFFFE0];
	(pc) =	sbr.rel @p1 .LBB2_33-.Ltmp17, $4  }
0x56d: {  	vm4 =	vlt.s32 v15, v4;
	vm9 =	veq.s32 v15, v4;
	v8 =	vld [tilespmem:s8+$0xFFFFFFF0]  }
0x56e: {  	v11 =	vsel vm9, $0x1, v1;
	v6 =	vld [tilespmem:s8+$0x0];
	s2 =	spop (v2sf)  }
0x56f: {  	v16 =	vsel vm4, $0x1, v1;
	vm1 =	vlt.s32 v13, v4;
	v7 =	vld [tilespmem:s8+$0x10];
	(xrf0) =	vadd.scan.msk.s32 $0xffff, v11;
	s4 =	sadd.s32 s4, s2  }
0x570: {  	v14 =	vsel vm1, $0x1, v1;
	v12 =	vld [tilespmem:s8+$0x20];
	s8 =	sadd.s32 $0x80, s8;
	(xrf0) =	vadd.scan.msk.s32 $0xffff, v16;
	p0 =	slt.s32 s4, $0x3F0  }
0x571: {  	s4 =	simm.s32 @!p0 $0x3F0  }
0x572: {  	v11 =	vmov s4  }
0x573: {  	vm3 =	vlt.s32 v10, v4;
	v11 =	vadd.s32 $0xFFFFFFFF, v11  }
0x574: {  	(xrf0) =	vadd.scan.msk.s32 $0xffff, v14;
	v36 =	vsel vm3, $0x1, v1;
	vm8 =	vlt.s32 v8, v4;
	v11 =	vbroadcast v11, $0x0  }
0x575: {  	v16 =	vsel vm8, $0x1, v1;
	vm0 =	vlt.s32 v6, v4;
	(xrf0) =	vadd.scan.msk.s32 $0xffff, v36;
	v37, _, _ =	vpop (xrf0)  }
0x576: {  	vm7 =	vlt.s32 v5, v4;
	v38 =	vsel vm0, $0x1, v1;
	(xrf0) =	vadd.scan.msk.s32 $0xffff, v16;
	v18 =	vadd.s32 v37, v11  }
0x577: {  	v39 =	vsel vm7, $0x1, v1;
	vm6 =	vlt.s32 v12, v4;
	(xrf0) =	vadd.scan.msk.s32 $0xffff, v38;
	vm5 =	vlt.s32 v18, $0x3F0  }
0x578: {  	v40 =	vsel vm6, $0x1, v1;
	(xrf0) =	vadd.scan.msk.s32 $0xffff, v39;
	vm12 =	vmand vm9, vm5  }
0x579: {  	v41 =	vimm.s32 $0x0;
	v23, _, _ =	vpop (xrf0);
	(xrf0) =	vadd.scan.msk.s32 $0xffff, v40;
	v42 =	vsel vm12, $0x1, v1  }
0x57a: {  	v24, _, _ =	vpop (xrf0);
	v11 =	vsel vm12, $0xFFFFFFFF, v41;
	(xrf0) =	vadd.scan.msk.s32 $0xffff, v42  }
0x57b: {  	v17 =	vimm.s32 $0x0;
	(v2sf) =	vpush v23, $0xF;
	v16, _, _ =	vpop (xrf0)  }
0x57c: {  	v17 =	vsel vm0, $0xFFFFFFFF, v17;
	(v2sf) =	vpush v24, $0xF;
	v14, _, _ =	vpop (xrf0)  }
0x57d: {  	[tilespmem:$0x1FFC0] =	vst v11;
	(v2sf) =	vpush v16, $0xF;
	v11, _, _ =	vpop (xrf0)  }
0x57e: {  	(v2sf) =	vpush v14, $0xF;
	v19, _, _ =	vpop (xrf0)  }
0x57f: {  	[tilespmem:$0x1FFD0] =	vst v17;
	(v2sf) =	vpush v11, $0xF;
	v17, _, _ =	vpop (xrf0)  }
0x580: {  	(v2sf) =	vpush v17, $0xF;
	v20, _, _ =	vpop (xrf0)  }
0x581: {  	(v2sf) =	vpush v20, $0xF;
	_ =	sdelay $0x8  }
0x582: {  	s15 =	spop (v2sf)  }
0x583: {  	s9 =	spop (v2sf)  }
0x584: {  	s8 =	spop (v2sf)  }
0x585: {  	s7 =	spop (v2sf)  }
0x586: {  	vm5 =	vlt.s32 v7, v4;
	s6 =	spop (v2sf)  }
0x587: {  	vm13 =	veq.s32 v13, v4;
	v43 =	vsel vm5, $0x1, v1;
	s5 =	spop (v2sf)  }
0x588: {  	v44 =	vsel vm13, $0x1, v1;
	(xrf0) =	vadd.scan.msk.s32 $0xffff, v43;
	s2 =	spop (v2sf)  }
0x589: {  	(xrf0) =	vadd.scan.msk.s32 $0xffff, v44;
	s2 =	sadd.s32 s4, s2  }
0x58a: {  	p0 =	slt.s32 s2, $0x3F0  }
0x58b: {  	s2 =	simm.s32 @!p0 $0x3F0  }
0x58c: {  	v45 =	vmov s2  }
0x58d: {  	v20 =	vadd.s32 $0xFFFFFFFF, v45  }
0x58e: {  	v22, _, _ =	vpop (xrf0);
	v20 =	vbroadcast v20, $0x0  }
0x58f: {  	v21, _, _ =	vpop (xrf0)  }
0x590: {  	v27 =	vadd.s32 v21, v20  }
0x591: {  	vm10 =	vlt.s32 v27, $0x3F0  }
0x592: {  	vm11 =	vmand vm13, vm10  }
0x593: {  	v46 =	vsel vm11, $0x1, v1  }
0x594: {  	(xrf0) =	vadd.scan.msk.s32 $0xffff, v46;
	_ =	sdelay $0x4  }
0x595: {  	(v2sf) =	vpush v22, $0xF  }
0x596: {  	(v2sf) =	vpush v19, $0xF;
	v20, _, _ =	vpop (xrf0)  }
0x597: {  	(v2sf) =	vpush v20, $0xF;
	_ =	sdelay $0xc  }
0x598: {  	s29 =	spop (v2sf)  }
0x599: {  	vm14 =	veq.s32 v10, v4;
	s3 =	spop (v2sf)  }
0x59a: {  	v47 =	vsel vm14, $0x1, v1;
	s16 =	spop (v2sf)  }
0x59b: {  	(xrf0) =	vadd.scan.msk.s32 $0xffff, v47;
	s2 =	sadd.s32 s2, s16  }
0x59c: {  	p0 =	slt.s32 s2, $0x3F0  }
0x59d: {  	s2 =	simm.s32 @!p0 $0x3F0  }
0x59e: {  	v48 =	vmov s2  }
0x59f: {  	v20 =	vadd.s32 $0xFFFFFFFF, v48  }
0x5a0: {  	v20 =	vbroadcast v20, $0x0  }
0x5a1: {  	v49, _, _ =	vpop (xrf0)  }
0x5a2: {  	v20 =	vadd.s32 v49, v20  }
0x5a3: {  	vm15 =	vlt.s32 v20, $0x3F0  }
0x5a4: {  	vm9 =	vmand vm14, vm15  }
0x5a5: {  	v50 =	vsel vm9, $0x1, v1  }
0x5a6: {  	(xrf0) =	vadd.scan.msk.s32 $0xffff, v50;
	_ =	sdelay $0x5  }
0x5a7: {  	v21, _, _ =	vpop (xrf0)  }
0x5a8: {  	(v2sf) =	vpush v21, $0xF;
	_ =	sdelay $0xd  }
0x5a9: {  	vm0 =	veq.s32 v8, v4  }
0x5aa: {  	v51 =	vsel vm0, $0x1, v1;
	s30 =	spop (v2sf)  }
0x5ab: {  	(xrf0) =	vadd.scan.msk.s32 $0xffff, v51;
	s2 =	sadd.s32 s2, s30  }
0x5ac: {  	p0 =	slt.s32 s2, $0x3F0  }
0x5ad: {  	s2 =	simm.s32 @!p0 $0x3F0  }
0x5ae: {  	v52 =	vmov s2  }
0x5af: {  	v21 =	vadd.s32 $0xFFFFFFFF, v52  }
0x5b0: {  	v21 =	vbroadcast v21, $0x0  }
0x5b1: {  	v25, _, _ =	vpop (xrf0)  }
0x5b2: {  	v21 =	vadd.s32 v25, v21  }
0x5b3: {  	vm12 =	vlt.s32 v21, $0x3F0  }
0x5b4: {  	vm10 =	vmand vm0, vm12  }
0x5b5: {  	v53 =	vsel vm10, $0x1, v1  }
0x5b6: {  	(xrf0) =	vadd.scan.msk.s32 $0xffff, v53;
	_ =	sdelay $0x5  }
0x5b7: {  	v25, _, _ =	vpop (xrf0)  }
0x5b8: {  	(v2sf) =	vpush v25, $0xF;
	_ =	sdelay $0xd  }
0x5b9: {  	vm2 =	veq.s32 v6, v4  }
0x5ba: {  	v54 =	vsel vm2, $0x1, v1;
	s31 =	spop (v2sf)  }
0x5bb: {  	(xrf0) =	vadd.scan.msk.s32 $0xffff, v54;
	s2 =	sadd.s32 s2, s31  }
0x5bc: {  	p0 =	slt.s32 s2, $0x3F0  }
0x5bd: {  	s2 =	simm.s32 @!p0 $0x3F0  }
0x5be: {  	v55 =	vmov s2  }
0x5bf: {  	v25 =	vadd.s32 $0xFFFFFFFF, v55  }
0x5c0: {  	v25 =	vbroadcast v25, $0x0  }
0x5c1: {  	v26, _, _ =	vpop (xrf0)  }
0x5c2: {  	v25 =	vadd.s32 v26, v25  }
0x5c3: {  	vm13 =	vlt.s32 v25, $0x3F0  }
0x5c4: {  	vm12 =	vmand vm2, vm13  }
0x5c5: {  	v56 =	vsel vm12, $0x1, v1  }
0x5c6: {  	(xrf0) =	vadd.scan.msk.s32 $0xffff, v56;
	_ =	sdelay $0x5  }
0x5c7: {  	v26, _, _ =	vpop (xrf0)  }
0x5c8: {  	(v2sf) =	vpush v26, $0xF;
	_ =	sdelay $0xd  }
0x5c9: {  	vm0 =	veq.s32 v7, v4  }
0x5ca: {  	v57 =	vsel vm0, $0x1, v1;
	s19 =	spop (v2sf)  }
0x5cb: {  	(xrf0) =	vadd.scan.msk.s32 $0xffff, v57;
	s2 =	sadd.s32 s2, s19  }
0x5cc: {  	p0 =	slt.s32 s2, $0x3F0  }
0x5cd: {  	s2 =	simm.s32 @!p0 $0x3F0  }
0x5ce: {  	v58 =	vmov s2  }
0x5cf: {  	v26 =	vadd.s32 $0xFFFFFFFF, v58  }
0x5d0: {  	v26 =	vbroadcast v26, $0x0  }
0x5d1: {  	v28, _, _ =	vpop (xrf0)  }
0x5d2: {  	v26 =	vadd.s32 v28, v26  }
0x5d3: {  	vm14 =	vlt.s32 v26, $0x3F0  }
0x5d4: {  	vm13 =	vmand vm0, vm14  }
0x5d5: {  	v59 =	vsel vm13, $0x1, v1  }
0x5d6: {  	(xrf0) =	vadd.scan.msk.s32 $0xffff, v59;
	_ =	sdelay $0x5  }
0x5d7: {  	v28, _, _ =	vpop (xrf0)  }
0x5d8: {  	(v2sf) =	vpush v28, $0xF;
	_ =	sdelay $0xd  }
0x5d9: {  	vm2 =	veq.s32 v12, v4  }
0x5da: {  	v60 =	vsel vm2, $0x1, v1;
	s20 =	spop (v2sf)  }
0x5db: {  	(xrf0) =	vadd.scan.msk.s32 $0xffff, v60;
	s2 =	sadd.s32 s2, s20  }
0x5dc: {  	p0 =	slt.s32 s2, $0x3F0  }
0x5dd: {  	s2 =	simm.s32 @!p0 $0x3F0  }
0x5de: {  	v61 =	vmov s2  }
0x5df: {  	v28 =	vadd.s32 $0xFFFFFFFF, v61  }
0x5e0: {  	v28 =	vbroadcast v28, $0x0  }
0x5e1: {  	v29, _, _ =	vpop (xrf0)  }
0x5e2: {  	v28 =	vadd.s32 v29, v28  }
0x5e3: {  	vm15 =	vlt.s32 v28, $0x3F0  }
0x5e4: {  	vm14 =	vmand vm2, vm15  }
0x5e5: {  	v62 =	vsel vm14, $0x1, v1  }
0x5e6: {  	(xrf0) =	vadd.scan.msk.s32 $0xffff, v62;
	_ =	sdelay $0x3  }
0x5e7: {  	v9 =	vbroadcast v9, $0x0;
	_ =	sdelay $0x1  }
0x5e8: {  	v9 =	vadd.s32 v23, v9;
	v29, _, _ =	vpop (xrf0)  }
0x5e9: {  	vm0 =	vgt.s32 v9, $0x0;
	(v2sf) =	vpush v29, $0xF  }
0x5ea: {  	v9 =	vnsel vm0, $0x0, v9;
	_ =	sdelay $0x2  }
0x5eb: {  	s15 =	sadd.s32 s1, s15  }
0x5ec: {  	s0 =	sadd.s32 $0x80, s0;
	s22 =	sadd.s32 s15, s9  }
0x5ed: {  	v44 =	vor.u32 s0, v0;
	s8 =	sadd.s32 s22, s8;
	[tilespmem:v9+s11+$0x0] =	vst.idx.msk vm4, v15  }
0x5ee: {  	s7 =	sadd.s32 s8, s7;
	[tilespmem:v9+s12+$0x0] =	vst.idx.msk vm4, v44  }
0x5ef: {  	v30 =	vmov s15;
	s6 =	sadd.s32 s7, s6;
	v47 =	vld [tilespmem:$0x1FFC0]  }
0x5f0: {  	v32 =	vadd.s32 $0xFFFFFFFF, v30;
	v39 =	vmov s6;
	s23 =	sadd.s32 s6, s29  }
0x5f1: {  	v42 =	vmov s22;
	v40 =	vadd.s32 $0xFFFFFFFF, v39;
	s4 =	sadd.s32 s23, s5;
	v31 =	vmov s23  }
0x5f2: {  	v45 =	vadd.s32 $0xFFFFFFFF, v42;
	v37 =	vmov s4;
	v41 =	vadd.s32 $0xFFFFFFFF, v31  }
0x5f3: {  	v38 =	vadd.s32 $0xFFFFFFFF, v37;
	v30 =	vbroadcast v41, $0x0;
	v29 =	vbroadcast v32, $0x0  }
0x5f4: {  	vm4 =	vnez.u8 v47;
	vm15 =	veq.s32 v5, v4;
	vm2 =	vgt.s32 v18, $0x0  }
0x5f5: {  	v63 =	vsel vm15, $0x1, v1;
	v18 =	vnsel vm2, $0x0, v18;
	v34 =	vadd.s32 v24, v29  }
0x5f6: {  	v18 =	vmin.u32 v18, $0x3EF;
	v29 =	vbroadcast v38, $0x0;
	vm0 =	vgt.s32 v34, $0x0;
	s21 =	spop (v2sf)  }
0x5f7: {  	v17 =	vadd.s32 v17, v30;
	(xrf0) =	vadd.scan.msk.s32 $0xffff, v63;
	v23 =	vnsel vm0, $0x0, v34;
	vm0 =	vgt.s32 v27, $0x0;
	s1 =	sadd.s32 s2, s21  }
0x5f8: {  	s24 =	sadd.s32 $0x10, s0;
	v46 =	vmov s8;
	v19 =	vadd.s32 v19, v29;
	v27 =	vnsel vm0, $0x0, v27;
	p0 =	slt.s32 s1, $0x3F0  }
0x5f9: {  	v48 =	vor.u32 s24, v0;
	vm0 =	vgt.s32 v19, $0x0;
	v27 =	vmin.u32 v27, $0x3EF;
	s1 =	simm.s32 @!p0 $0x3F0  }
0x5fa: {  	v29 =	vbroadcast v40, $0x0;
	v19 =	vnsel vm0, $0x0, v19;
	v33 =	vmov s1  }
0x5fb: {  	v50 =	vadd.s32 $0xFFFFFFFF, v46;
	v9 =	vbroadcast v45, $0x0;
	[tilespmem:v18+s13+$0x0] =	vst.idx.msk vm4, v44;
	v35 =	vadd.s32 $0xFFFFFFFF, v33  }
0x5fc: {  	vm4 =	vgt.s32 v17, $0x0;
	v43 =	vadd.s32 v22, v29;
	[tilespmem:v23+s11+$0x0] =	vst.idx.msk vm1, v13;
	v24 =	vbroadcast v35, $0x0  }
0x5fd: {  	v9 =	vadd.s32 v16, v9;
	v17 =	vnsel vm4, $0x0, v17;
	v36, _, _ =	vpop (xrf0);
	vm0 =	vgt.s32 v43, $0x0;
	[tilespmem:v23+s12+$0x0] =	vst.idx.msk vm1, v48  }
0x5fe: {  	s25 =	sadd.s32 $0x70, s0;
	v15 =	vnsel vm0, $0x0, v43;
	v13 =	vbroadcast v50, $0x0;
	[tilespmem:v27+s13+$0x0] =	vst.idx.msk vm11, v48;
	v24 =	vadd.s32 v36, v24  }
0x5ff: {  	vm11 =	vgt.s32 v9, $0x0;
	[tilespmem:v19+s11+$0x0] =	vst.idx.msk vm7, v5;
	v5 =	vor.u32 s25, v0;
	vm2 =	vlt.s32 v24, $0x3F0  }
0x600: {  	v13 =	vadd.s32 v14, v13;
	v9 =	vnsel vm11, $0x0, v9;
	vm15 =	vmand vm15, vm2  }
0x601: {  	vm4 =	vgt.s32 v20, $0x0;
	[tilespmem:v19+s12+$0x0] =	vst.idx.msk vm7, v5;
	vm7 =	vgt.s32 v13, $0x0;
	v32 =	vsel vm15, $0x1, v1  }
0x602: {  	s26 =	sadd.s32 $0x60, s0;
	v53 =	vnsel vm4, $0x0, v20;
	[tilespmem:v17+s11+$0x0] =	vst.idx.msk vm6, v12;
	v13 =	vnsel vm7, $0x0, v13;
	(xrf0) =	vadd.scan.msk.s32 $0xffff, v32  }
0x603: {  	v54 =	vor.u32 s26, v0;
	vm11 =	vgt.s32 v21, $0x0;
	[tilespmem:v15+s11+$0x0] =	vst.idx.msk vm5, v7;
	v7 =	vmin.u32 v53, $0x3EF  }
0x604: {  	s28 =	sadd.s32 $0x20, s0;
	[tilespmem:v17+s12+$0x0] =	vst.idx.msk vm6, v54;
	v55 =	vnsel vm11, $0x0, v21  }
0x605: {  	v56 =	vor.u32 s28, v0;
	v57 =	vmin.u32 v55, $0x3EF;
	[tilespmem:v9+s11+$0x0] =	vst.idx.msk vm3, v10  }
0x606: {  	[tilespmem:v9+s12+$0x0] =	vst.idx.msk vm3, v56  }
0x607: {  	s29 =	sadd.s32 $0x30, s0;
	[tilespmem:v13+s11+$0x0] =	vst.idx.msk vm8, v8  }
0x608: {  	v58 =	vor.u32 s29, v0;
	[tilespmem:v7+s13+$0x0] =	vst.idx.msk vm9, v56;
	v49, _, _ =	vpop (xrf0)  }
0x609: {  	[tilespmem:v13+s12+$0x0] =	vst.idx.msk vm8, v58;
	(v2sf) =	vpush v49, $0xF  }
0x60a: {  	[tilespmem:v57+s13+$0x0] =	vst.idx.msk vm10, v58  }
0x60b: {  	v51 =	vmov s7;
	v62 =	vld [tilespmem:$0x1FFD0]  }
0x60c: {  	v52 =	vadd.s32 $0xFFFFFFFF, v51  }
0x60d: {  	v14 =	vbroadcast v52, $0x0  }
0x60e: {  	vm10 =	vgt.s32 v24, $0x0  }
0x60f: {  	v11 =	vadd.s32 v11, v14;
	v63 =	vnsel vm10, $0x0, v24  }
0x610: {  	vm4 =	vgt.s32 v11, $0x0;
	vm11 =	vnez.u8 v62;
	v9 =	vmin.u32 v63, $0x3EF  }
0x611: {  	vm6 =	vgt.s32 v25, $0x0;
	v11 =	vnsel vm4, $0x0, v11  }
0x612: {  	v7 =	vnsel vm6, $0x0, v25  }
0x613: {  	vm7 =	vgt.s32 v26, $0x0;
	v7 =	vmin.u32 v7, $0x3EF  }
0x614: {  	v59 =	vnsel vm7, $0x0, v26;
	vm9 =	vgt.s32 v28, $0x0  }
0x615: {  	s30 =	sadd.s32 $0x40, s0;
	v8 =	vmin.u32 v59, $0x3EF;
	v60 =	vnsel vm9, $0x0, v28;
	[tilespmem:v9+s13+$0x0] =	vst.idx.msk vm15, v5  }
0x616: {  	v61 =	vor.u32 s30, v0;
	[tilespmem:v11+s11+$0x0] =	vst.idx.msk vm11, v6;
	v6 =	vmin.u32 v60, $0x3EF  }
0x617: {  	s0 =	sadd.s32 $0x50, s0;
	[tilespmem:v11+s12+$0x0] =	vst.idx.msk vm11, v61  }
0x618: {  	[tilespmem:v7+s13+$0x0] =	vst.idx.msk vm12, v61;
	v7 =	vor.u32 s0, v0;
	s31 =	spop (v2sf)  }
0x619: {  	[tilespmem:v15+s12+$0x0] =	vst.idx.msk vm5, v7;
	s1 =	sadd.s32 s1, s31  }
0x61a: {  	s0 =	sadd.s32 s4, s3;
	[tilespmem:v8+s13+$0x0] =	vst.idx.msk vm13, v7;
	p0 =	slt.s32 s1, $0x3F0  }
0x61b: {  	s3 =	simm.s32 $0x9C20;
	s4 =	simm.s32 $0x4E00;
	[tilespmem:v6+s13+$0x0] =	vst.idx.msk vm14, v54;
	s1 =	simm.s32 @!p0 $0x3F0  }
.LBB2_35:
0x61c: {  	v5 =	vld [tilespmem:s3+$0x0];
	_ =	sdelay $0x4  }
0x61d: {  	vm0 =	vlt.s32 v5, v4  }
0x61e: {  	vm1 =	veq.s32 v5, v4;
	v6 =	vsel vm0, $0x1, v1  }
0x61f: {  	(xrf0) =	vadd.scan.msk.s32 $0xffff, v6;
	v6 =	vsel vm1, $0x1, v1  }
0x620: {  	(xrf0) =	vadd.scan.msk.s32 $0xffff, v6;
	_ =	sdelay $0x2  }
0x621: {  	v6 =	vmov s1  }
0x622: {  	v6 =	vadd.s32 $0xFFFFFFFF, v6  }
0x623: {  	v6 =	vbroadcast v6, $0x0;
	v7, _, _ =	vpop (xrf0)  }
0x624: {  	v8, _, _ =	vpop (xrf0)  }
0x625: {  	v6 =	vadd.s32 v8, v6  }
0x626: {  	vm2 =	vlt.s32 v6, $0x3F0  }
0x627: {  	vm1 =	vmand vm1, vm2  }
0x628: {  	v61 =	vsel vm1, $0x1, v1  }
0x629: {  	(xrf0) =	vadd.scan.msk.s32 $0xffff, v61;
	_ =	sdelay $0x5  }
0x62a: {  	(v2sf) =	vpush v7, $0xF;
	v8, _, _ =	vpop (xrf0)  }
0x62b: {  	(v2sf) =	vpush v8, $0xF;
	_ =	sdelay $0x9  }
0x62c: {  	v62 =	vmov s0  }
0x62d: {  	v8 =	vadd.s32 $0xFFFFFFFF, v62  }
0x62e: {  	v8 =	vbroadcast v8, $0x0;
	_ =	sdelay $0x1  }
0x62f: {  	v7 =	vadd.s32 v7, v8;
	s2 =	spop (v2sf)  }
0x630: {  	vm14 =	vgt.s32 v7, $0x0;
	s5 =	spop (v2sf)  }
0x631: {  	vm15 =	vgt.s32 v6, $0x0;
	v7 =	vnsel vm14, $0x0, v7;
	s1 =	sadd.s32 s1, s5  }
0x632: {  	v6 =	vnsel vm15, $0x0, v6;
	p0 =	slt.s32 s1, $0x3F0  }
0x633: {  	v6 =	vmin.u32 v6, $0x3EF;
	s1 =	simm.s32 @!p0 $0x3F0;
	p0 =	seq.s32 s4, $0x4E10  }
.Ltmp18:
0x634: {  	_ = 	snop;
	(pc) =	sbr.rel @!p0 .LBB2_35-.Ltmp18, $4  }
0x635: {  	_ = 	snop  }
0x636: {  	v63 =	vor.u32 s4, v0;
	[tilespmem:v7+s11+$0x0] =	vst.idx.msk vm0, v5  }
0x637: {  	[tilespmem:v7+s12+$0x0] =	vst.idx.msk vm0, v63  }
0x638: {  	s3 =	sadd.s32 $0x10, s3;
	s0 =	sadd.s32 s0, s2;
	[tilespmem:v6+s13+$0x0] =	vst.idx.msk vm1, v63;
	s4 =	sadd.s32 $0x10, s4  }
0x639: {  	s1 =	simm.s32 $0x9C60  }
0x63a: {  	[tilespmem:s1+$0xFFFFFFE0] =	vst v1  }
0x63b: {  	[tilespmem:s1+$0x10] =	vst v1  }
0x63c: {  	s16 =	simm.s32 $0x0;
	s3 =	simm.s32 $0x0;
	[tilespmem:s1+$0x0] =	vst v1  }
.LBB2_37:
0x63d: {  	s3 =	sadd.s32 $0x4, s3  }
0x63e: {  	[tilespmem:s1+$0xFFFFFFF0] =	vst v1;
	s1 =	sadd.s32 $0x40, s1;
	p0 =	slt.u32 s3, $0x7C  }
.Ltmp19:
0x63f: {  	[tilespmem:s1+$0xFFFFFFE0] =	vst v1;
	(pc) =	sbr.rel @p0 .LBB2_37-.Ltmp19, $3  }
0x640: {  	_ =	sdelay $0x1  }
0x641: {  	[tilespmem:s1+$0x10] =	vst v1  }
0x642: {  	[tilespmem:s1+$0x0] =	vst v1  }
0x643: {  	s30 =	sadd.s32 $0xF, s0  }
0x644: {  	s2 =	sand.u32 $0xF, s30  }
0x645: {  	s3 =	sshra.s32 s30, $0x1F;
	p0 =	slt.s32 s30, $0x1;
	p1 =	sne.s32 s2, $0x0  }
0x646: {  	s31 =	sshrl.u32 s3, $0x1C;
	p0 =	por !p0, !p1  }
0x647: {  	[tilespmem:s1+$0xFFFFFFF0] =	vst v1;
	s2 =	simm.s32 $0x1;
	s1 =	sadd.s32 s31, s30;
	p0 =	por !p0, !p0  }
0x648: {  	s1 =	sshra.s32 s1, $0x4;
	s2 =	simm.s32 @!p0 $0x0  }
0x649: {  	s1 =	ssub.s32 s1, s2  }
0x64a: {  	p1 =	sgt.s32 s1, $0x0  }
.Ltmp20:
0x64b: {  	_ = 	snop;
	(pc) =	sbr.rel @!p1 .LBB2_39-.Ltmp20, $2  }
0x64c: {  	_ =	sdelay $0x2  }
0x64d: {  	s3 =	simm.s32 $0xE440  }
0x64e: {  	p0 =	seq.s32 s1, $0x1  }
.Ltmp21:
0x64f: {  	_ = 	snop;
	(pc) =	sbr.rel @p0 .LBB2_70-.Ltmp21, $2  }
0x650: {  	_ =	sdelay $0x2  }
0x651: {  	v4 =	vld [tilespmem:s3+$0x0];
	s4 =	sadd.s32 $0xFFFFFFFF, s1  }
.LBB2_69:
0x652: {  	p0 =	seq.s32 s4, $0x1;
	_ =	sdelay $0x3  }
0x653: {  	v4 =	vand.u32 $0x7FF, v4  }
0x654: {  	(xrf1) =	vunique.msk.u32 $0xffff, v4;
	_ =	sdelay $0xd  }
0x655: {  	_, v5, vm0 =	vpop (xrf1);
	_ =	sdelay $0x2  }
.Ltmp22:
0x656: {  	(pc) =	sbr.rel @!p0 .LBB2_69-.Ltmp22, $3  }
0x657: {  	_ =	sdelay $0x1  }
0x658: {  	s3 =	sadd.s32 $0x10, s3;
	[tilespmem:v4+s14+$0x0] =	vst.idx.add.s32.msk vm0, v5  }
0x659: {  	s4 =	sadd.s32 $0xFFFFFFFF, s4;
	v4 =	vld [tilespmem:s3+$0x0]  }
.LBB2_70:
0x65a: {  	_ =	sdelay $0x3  }
0x65b: {  	v4 =	vand.u32 $0x7FF, v4  }
0x65c: {  	(xrf1) =	vunique.msk.u32 $0xffff, v4;
	_ =	sdelay $0xd  }
0x65d: {  	_, v5, vm0 =	vpop (xrf1);
	_ =	sdelay $0x5  }
0x65e: {  	[tilespmem:v4+s14+$0x0] =	vst.idx.add.s32.msk vm0, v5  }
.LBB2_39:
0x65f: {  	s2 =	simm.s32 $0x0  }
0x660: {  	v4 =	vld [tilespmem:s2+$0x9C40];
	_ =	sdelay $0x4  }
0x661: {  	(xrf0) =	vadd.scan.msk.s32 $0xffff, v4;
	_ =	sdelay $0x5  }
0x662: {  	v5, _, _ =	vpop (xrf0)  }
0x663: {  	s3 =	simm.s32 $0x0;
	(v2sf) =	vpush v5, $0xF  }
0x664: {  	v4 =	vsub.s32 s3, v4  }
0x665: {  	v4 =	vadd.s32 v5, v4  }
0x666: {  	s4 =	simm.s32 $0x10;
	s5 =	simm.s32 $0x80;
	[tilespmem:s2+$0x9C40] =	vst v4  }
.LBB2_40:
0x667: {  	p0 =	seq.s32 s5, $0x1FC0;
	v4 =	vld [tilespmem:s4+$0x9C40];
	_ =	sdelay $0x4  }
0x668: {  	(xrf0) =	vadd.scan.msk.s32 $0xffff, v4;
	_ =	sdelay $0x5  }
.Ltmp23:
0x669: {  	v5, _, _ =	vpop (xrf0);
	s2 =	spop (v2sf);
	(pc) =	sbr.rel @!p0 .LBB2_40-.Ltmp23, $4  }
0x66a: {  	(v2sf) =	vpush v5, $0xF;
	s3 =	sadd.s32 s3, s2  }
0x66b: {  	v4 =	vsub.s32 s3, v4  }
0x66c: {  	v4 =	vadd.s32 v5, v4  }
0x66d: {  	[tilespmem:s4+$0x9C40] =	vst v4;
	s4 =	sshra.s32 s5, $0x2;
	s5 =	sadd.s32 $0x40, s5  }
0x66e: {  	v4 =	vld [tilespmem:s4+$0x9C40];
	_ =	sdelay $0x4  }
0x66f: {  	(xrf0) =	vadd.scan.msk.s32 $0xffff, v4;
	_ =	sdelay $0x5  }
0x670: {  	v5, _, _ =	vpop (xrf0)  }
0x671: {  	(v2sf) =	vpush v5, $0xF;
	_ =	sdelay $0xa  }
.Ltmp24:
0x672: {  	s2 =	spop (v2sf);
	(pc) =	sbr.rel @!p1 .LBB2_45-.Ltmp24, $4  }
0x673: {  	s2 =	sadd.s32 s3, s2  }
0x674: {  	v4 =	vsub.s32 s2, v4  }
0x675: {  	v4 =	vadd.s32 v5, v4  }
0x676: {  	[tilespmem:s4+$0x9C40] =	vst v4;
	s31 =	spop (v2sf)  }
0x677: {  	p0 =	seq.s32 s1, $0x1  }
.Ltmp25:
0x678: {  	_ = 	snop;
	(pc) =	sbr.rel @p0 .LBB2_44-.Ltmp25, $4  }
0x679: {  	s3 =	simm.s32 $0xE440  }
0x67a: {  	v4 =	vld [tilespmem:s3+$0x0]  }
0x67b: {  	s4 =	simm.s32 $0xE830  }
0x67c: {  	s5 =	sadd.s32 $0xFFFFFFFF, s1;
	v5 =	vld [tilespmem:s4+$0x0]  }
.LBB2_43:
0x67d: {  	p0 =	seq.s32 s5, $0x1;
	_ =	sdelay $0x1  }
0x67e: {  	v6 =	vand.u32 $0x7FF, v4  }
0x67f: {  	(xrf1) =	vunique.msk.u32 $0xffff, v6;
	_ =	sdelay $0x8  }
0x680: {  	v7 =	vld.idx.msk [tilespmem:v6+s14+$0x0], $0xffff;
	_ =	sdelay $0x4  }
0x681: {  	_, v8, vm0 =	vpop (xrf1)  }
0x682: {  	v7 =	vadd.s32 v7, v8  }
0x683: {  	v8 =	vadd.s32 $0xFFFFFFFF, v7;
	_ =	sdelay $0x4  }
0x684: {  	[tilespmem:v8+s17+$0x0] =	vst.idx.msk $0xffff, v4  }
.Ltmp26:
0x685: {  	[tilespmem:v8+s18+$0x0] =	vst.idx.msk $0xffff, v5;
	(pc) =	sbr.rel @!p0 .LBB2_43-.Ltmp26, $4  }
0x686: {  	s3 =	sadd.s32 $0x10, s3;
	[tilespmem:v6+s14+$0x0] =	vst.idx.msk vm0, v7  }
0x687: {  	s4 =	sadd.s32 $0x10, s4;
	v4 =	vld [tilespmem:s3+$0x0]  }
0x688: {  	v5 =	vld [tilespmem:s4+$0x0]  }
0x689: {  	s5 =	sadd.s32 $0xFFFFFFFF, s5  }
.LBB2_44:
0x68a: {  	_ =	sdelay $0x1  }
0x68b: {  	v6 =	vand.u32 $0x7FF, v4  }
0x68c: {  	(xrf1) =	vunique.msk.u32 $0xffff, v6;
	_ =	sdelay $0x9  }
0x68d: {  	v7 =	vld.idx.msk [tilespmem:v6+s14+$0x0], $0xffff;
	_ =	sdelay $0x3  }
0x68e: {  	_, v8, vm0 =	vpop (xrf1)  }
0x68f: {  	v7 =	vadd.s32 v7, v8  }
0x690: {  	v8 =	vadd.s32 $0xFFFFFFFF, v7;
	_ =	sdelay $0x4  }
0x691: {  	[tilespmem:v8+s17+$0x0] =	vst.idx.msk $0xffff, v4  }
0x692: {  	[tilespmem:v8+s18+$0x0] =	vst.idx.msk $0xffff, v5  }
0x693: {  	[tilespmem:v6+s14+$0x0] =	vst.idx.msk vm0, v7  }
.LBB2_45:
0x694: {  	s3 =	simm.s32 $0x9C60  }
0x695: {  	[tilespmem:s3+$0xFFFFFFE0] =	vst v1  }
0x696: {  	[tilespmem:s3+$0x10] =	vst v1  }
0x697: {  	s4 =	simm.s32 $0x0;
	[tilespmem:s3+$0x0] =	vst v1  }
.LBB2_46:
0x698: {  	s4 =	sadd.s32 $0x4, s4  }
0x699: {  	[tilespmem:s3+$0xFFFFFFF0] =	vst v1;
	s3 =	sadd.s32 $0x40, s3;
	p0 =	slt.u32 s4, $0x7C  }
.Ltmp27:
0x69a: {  	[tilespmem:s3+$0xFFFFFFE0] =	vst v1;
	(pc) =	sbr.rel @p0 .LBB2_46-.Ltmp27, $3  }
0x69b: {  	_ =	sdelay $0x1  }
0x69c: {  	[tilespmem:s3+$0x10] =	vst v1  }
0x69d: {  	[tilespmem:s3+$0x0] =	vst v1  }
.Ltmp28:
0x69e: {  	(pc) =	sbr.rel @!p1 .LBB2_48-.Ltmp28, $2  }
0x69f: {  	_ =	sdelay $0x2  }
0x6a0: {  	[tilespmem:s3+$0xFFFFFFF0] =	vst v1;
	s3 =	simm.s32 $0xEC20  }
0x6a1: {  	p0 =	seq.s32 s1, $0x1  }
.Ltmp29:
0x6a2: {  	_ = 	snop;
	(pc) =	sbr.rel @p0 .LBB2_73-.Ltmp29, $2  }
0x6a3: {  	_ =	sdelay $0x2  }
0x6a4: {  	v4 =	vld [tilespmem:s3+$0x0];
	s4 =	sadd.s32 $0xFFFFFFFF, s1  }
.LBB2_72:
0x6a5: {  	p0 =	seq.s32 s4, $0x1;
	_ =	sdelay $0x3  }
0x6a6: {  	v4 =	vshrl.u32 v4, $0xB  }
0x6a7: {  	v4 =	vand.u32 $0x7FF, v4  }
0x6a8: {  	(xrf1) =	vunique.msk.u32 $0xffff, v4;
	_ =	sdelay $0xd  }
0x6a9: {  	_, v5, vm0 =	vpop (xrf1);
	_ =	sdelay $0x2  }
.Ltmp30:
0x6aa: {  	(pc) =	sbr.rel @!p0 .LBB2_72-.Ltmp30, $3  }
0x6ab: {  	_ =	sdelay $0x1  }
0x6ac: {  	s3 =	sadd.s32 $0x10, s3;
	[tilespmem:v4+s14+$0x0] =	vst.idx.add.s32.msk vm0, v5  }
0x6ad: {  	s4 =	sadd.s32 $0xFFFFFFFF, s4;
	v4 =	vld [tilespmem:s3+$0x0]  }
.LBB2_73:
0x6ae: {  	_ =	sdelay $0x3  }
0x6af: {  	v4 =	vshrl.u32 v4, $0xB  }
0x6b0: {  	v4 =	vand.u32 $0x7FF, v4  }
0x6b1: {  	(xrf1) =	vunique.msk.u32 $0xffff, v4;
	_ =	sdelay $0xd  }
0x6b2: {  	_, v5, vm0 =	vpop (xrf1);
	_ =	sdelay $0x5  }
0x6b3: {  	[tilespmem:v4+s14+$0x0] =	vst.idx.add.s32.msk vm0, v5  }
.LBB2_48:
0x6b4: {  	s2 =	simm.s32 $0x0  }
0x6b5: {  	v4 =	vld [tilespmem:s2+$0x9C40];
	_ =	sdelay $0x4  }
0x6b6: {  	(xrf0) =	vadd.scan.msk.s32 $0xffff, v4;
	_ =	sdelay $0x5  }
0x6b7: {  	v5, _, _ =	vpop (xrf0)  }
0x6b8: {  	s3 =	simm.s32 $0x0;
	(v2sf) =	vpush v5, $0xF  }
0x6b9: {  	v4 =	vsub.s32 s3, v4  }
0x6ba: {  	v4 =	vadd.s32 v5, v4  }
0x6bb: {  	s4 =	simm.s32 $0x10;
	s5 =	simm.s32 $0x80;
	[tilespmem:s2+$0x9C40] =	vst v4  }
.LBB2_49:
0x6bc: {  	p0 =	seq.s32 s5, $0x1FC0;
	v4 =	vld [tilespmem:s4+$0x9C40];
	_ =	sdelay $0x4  }
0x6bd: {  	(xrf0) =	vadd.scan.msk.s32 $0xffff, v4;
	_ =	sdelay $0x5  }
.Ltmp31:
0x6be: {  	v5, _, _ =	vpop (xrf0);
	s2 =	spop (v2sf);
	(pc) =	sbr.rel @!p0 .LBB2_49-.Ltmp31, $4  }
0x6bf: {  	(v2sf) =	vpush v5, $0xF;
	s3 =	sadd.s32 s3, s2  }
0x6c0: {  	v4 =	vsub.s32 s3, v4  }
0x6c1: {  	v4 =	vadd.s32 v5, v4  }
0x6c2: {  	[tilespmem:s4+$0x9C40] =	vst v4;
	s4 =	sshra.s32 s5, $0x2;
	s5 =	sadd.s32 $0x40, s5  }
0x6c3: {  	v4 =	vld [tilespmem:s4+$0x9C40];
	_ =	sdelay $0x4  }
0x6c4: {  	(xrf0) =	vadd.scan.msk.s32 $0xffff, v4;
	_ =	sdelay $0x5  }
0x6c5: {  	v5, _, _ =	vpop (xrf0)  }
0x6c6: {  	(v2sf) =	vpush v5, $0xF;
	_ =	sdelay $0xa  }
.Ltmp32:
0x6c7: {  	s2 =	spop (v2sf);
	(pc) =	sbr.rel @!p1 .LBB2_54-.Ltmp32, $4  }
0x6c8: {  	s2 =	sadd.s32 s3, s2  }
0x6c9: {  	v4 =	vsub.s32 s2, v4  }
0x6ca: {  	v4 =	vadd.s32 v5, v4  }
0x6cb: {  	[tilespmem:s4+$0x9C40] =	vst v4;
	s31 =	spop (v2sf)  }
0x6cc: {  	p0 =	seq.s32 s1, $0x1  }
.Ltmp33:
0x6cd: {  	_ = 	snop;
	(pc) =	sbr.rel @p0 .LBB2_53-.Ltmp33, $4  }
0x6ce: {  	s3 =	simm.s32 $0xEC20  }
0x6cf: {  	v4 =	vld [tilespmem:s3+$0x0]  }
0x6d0: {  	s4 =	simm.s32 $0xF010  }
0x6d1: {  	s5 =	sadd.s32 $0xFFFFFFFF, s1;
	v5 =	vld [tilespmem:s4+$0x0]  }
.LBB2_52:
0x6d2: {  	p0 =	seq.s32 s5, $0x1;
	_ =	sdelay $0x1  }
0x6d3: {  	v6 =	vshrl.u32 v4, $0xB  }
0x6d4: {  	v6 =	vand.u32 $0x7FF, v6  }
0x6d5: {  	(xrf1) =	vunique.msk.u32 $0xffff, v6;
	_ =	sdelay $0x8  }
0x6d6: {  	v7 =	vld.idx.msk [tilespmem:v6+s14+$0x0], $0xffff;
	_ =	sdelay $0x4  }
0x6d7: {  	_, v8, vm0 =	vpop (xrf1)  }
0x6d8: {  	v7 =	vadd.s32 v7, v8  }
0x6d9: {  	v8 =	vadd.s32 $0xFFFFFFFF, v7;
	_ =	sdelay $0x4  }
0x6da: {  	[tilespmem:v8+s11+$0x0] =	vst.idx.msk $0xffff, v4  }
.Ltmp34:
0x6db: {  	[tilespmem:v8+s12+$0x0] =	vst.idx.msk $0xffff, v5;
	(pc) =	sbr.rel @!p0 .LBB2_52-.Ltmp34, $4  }
0x6dc: {  	s3 =	sadd.s32 $0x10, s3;
	[tilespmem:v6+s14+$0x0] =	vst.idx.msk vm0, v7  }
0x6dd: {  	s4 =	sadd.s32 $0x10, s4;
	v4 =	vld [tilespmem:s3+$0x0]  }
0x6de: {  	v5 =	vld [tilespmem:s4+$0x0]  }
0x6df: {  	s5 =	sadd.s32 $0xFFFFFFFF, s5  }
.LBB2_53:
0x6e0: {  	_ =	sdelay $0x1  }
0x6e1: {  	v6 =	vshrl.u32 v4, $0xB  }
0x6e2: {  	v6 =	vand.u32 $0x7FF, v6  }
0x6e3: {  	(xrf1) =	vunique.msk.u32 $0xffff, v6;
	_ =	sdelay $0x9  }
0x6e4: {  	v7 =	vld.idx.msk [tilespmem:v6+s14+$0x0], $0xffff;
	_ =	sdelay $0x3  }
0x6e5: {  	_, v8, vm0 =	vpop (xrf1)  }
0x6e6: {  	v7 =	vadd.s32 v7, v8  }
0x6e7: {  	v8 =	vadd.s32 $0xFFFFFFFF, v7;
	_ =	sdelay $0x4  }
0x6e8: {  	[tilespmem:v8+s11+$0x0] =	vst.idx.msk $0xffff, v4  }
0x6e9: {  	[tilespmem:v8+s12+$0x0] =	vst.idx.msk $0xffff, v5  }
0x6ea: {  	[tilespmem:v6+s14+$0x0] =	vst.idx.msk vm0, v7  }
.LBB2_54:
0x6eb: {  	[tilespmem:$0x9C40] =	vst v1  }
0x6ec: {  	[tilespmem:$0x9C50] =	vst v1  }
0x6ed: {  	[tilespmem:$0x9C60] =	vst v1  }
0x6ee: {  	[tilespmem:$0x9C70] =	vst v1  }
0x6ef: {  	[tilespmem:$0x9C80] =	vst v1  }
0x6f0: {  	[tilespmem:$0x9C90] =	vst v1  }
0x6f1: {  	[tilespmem:$0x9CA0] =	vst v1  }
0x6f2: {  	[tilespmem:$0x9CB0] =	vst v1  }
0x6f3: {  	[tilespmem:$0x9CC0] =	vst v1  }
0x6f4: {  	[tilespmem:$0x9CD0] =	vst v1  }
0x6f5: {  	[tilespmem:$0x9CE0] =	vst v1  }
0x6f6: {  	[tilespmem:$0x9CF0] =	vst v1  }
0x6f7: {  	[tilespmem:$0x9D00] =	vst v1  }
0x6f8: {  	[tilespmem:$0x9D10] =	vst v1  }
0x6f9: {  	[tilespmem:$0x9D20] =	vst v1  }
0x6fa: {  	[tilespmem:$0x9D30] =	vst v1  }
0x6fb: {  	[tilespmem:$0x9D40] =	vst v1  }
0x6fc: {  	[tilespmem:$0x9D50] =	vst v1  }
0x6fd: {  	[tilespmem:$0x9D60] =	vst v1  }
0x6fe: {  	[tilespmem:$0x9D70] =	vst v1  }
0x6ff: {  	[tilespmem:$0x9D80] =	vst v1  }
0x700: {  	[tilespmem:$0x9D90] =	vst v1  }
0x701: {  	[tilespmem:$0x9DA0] =	vst v1  }
0x702: {  	[tilespmem:$0x9DB0] =	vst v1  }
0x703: {  	[tilespmem:$0x9DC0] =	vst v1  }
0x704: {  	[tilespmem:$0x9DD0] =	vst v1  }
0x705: {  	[tilespmem:$0x9DE0] =	vst v1  }
0x706: {  	[tilespmem:$0x9DF0] =	vst v1  }
0x707: {  	[tilespmem:$0x9E00] =	vst v1  }
0x708: {  	[tilespmem:$0x9E10] =	vst v1  }
0x709: {  	[tilespmem:$0x9E20] =	vst v1  }
0x70a: {  	[tilespmem:$0x9E30] =	vst v1  }
0x70b: {  	[tilespmem:$0x9E40] =	vst v1  }
0x70c: {  	[tilespmem:$0x9E50] =	vst v1  }
0x70d: {  	[tilespmem:$0x9E60] =	vst v1  }
0x70e: {  	[tilespmem:$0x9E70] =	vst v1  }
0x70f: {  	[tilespmem:$0x9E80] =	vst v1  }
0x710: {  	[tilespmem:$0x9E90] =	vst v1  }
0x711: {  	[tilespmem:$0x9EA0] =	vst v1  }
0x712: {  	[tilespmem:$0x9EB0] =	vst v1  }
0x713: {  	[tilespmem:$0x9EC0] =	vst v1  }
0x714: {  	[tilespmem:$0x9ED0] =	vst v1  }
0x715: {  	[tilespmem:$0x9EE0] =	vst v1  }
0x716: {  	[tilespmem:$0x9EF0] =	vst v1  }
0x717: {  	[tilespmem:$0x9F00] =	vst v1  }
0x718: {  	[tilespmem:$0x9F10] =	vst v1  }
0x719: {  	[tilespmem:$0x9F20] =	vst v1  }
0x71a: {  	[tilespmem:$0x9F30] =	vst v1  }
0x71b: {  	[tilespmem:$0x9F40] =	vst v1  }
0x71c: {  	[tilespmem:$0x9F50] =	vst v1  }
0x71d: {  	[tilespmem:$0x9F60] =	vst v1  }
0x71e: {  	[tilespmem:$0x9F70] =	vst v1  }
0x71f: {  	[tilespmem:$0x9F80] =	vst v1  }
0x720: {  	[tilespmem:$0x9F90] =	vst v1  }
0x721: {  	[tilespmem:$0x9FA0] =	vst v1  }
0x722: {  	[tilespmem:$0x9FB0] =	vst v1  }
0x723: {  	[tilespmem:$0x9FC0] =	vst v1  }
0x724: {  	[tilespmem:$0x9FD0] =	vst v1  }
0x725: {  	[tilespmem:$0x9FE0] =	vst v1  }
.Ltmp35:
0x726: {  	[tilespmem:$0x9FF0] =	vst v1;
	(pc) =	sbr.rel @!p1 .LBB2_55-.Ltmp35, $4  }
0x727: {  	[tilespmem:$0xA000] =	vst v1  }
0x728: {  	[tilespmem:$0xA010] =	vst v1  }
0x729: {  	[tilespmem:$0xA020] =	vst v1  }
0x72a: {  	[tilespmem:$0xA030] =	vst v1;
	s3 =	simm.s32 $0xE440  }
0x72b: {  	p0 =	seq.s32 s1, $0x1  }
.Ltmp36:
0x72c: {  	_ = 	snop;
	(pc) =	sbr.rel @p0 .LBB2_76-.Ltmp36, $2  }
0x72d: {  	_ =	sdelay $0x2  }
0x72e: {  	v4 =	vld [tilespmem:s3+$0x0];
	s4 =	sadd.s32 $0xFFFFFFFF, s1  }
.LBB2_75:
0x72f: {  	p0 =	seq.s32 s4, $0x1;
	_ =	sdelay $0x3  }
0x730: {  	v4 =	vshrl.u32 v4, $0x16  }
0x731: {  	v5 =	vxor.u32 $0x200, v4  }
0x732: {  	(xrf1) =	vunique.msk.u32 $0xffff, v5;
	_ =	sdelay $0xd  }
0x733: {  	v4 =	vand.u32 $0x7, v4;
	v5 =	vand.u32 $0x3F8, v5;
	_, v6, vm0 =	vpop (xrf1)  }
0x734: {  	v4 =	vor.u32 v4, v5;
	_ =	sdelay $0x1  }
.Ltmp37:
0x735: {  	(pc) =	sbr.rel @!p0 .LBB2_75-.Ltmp37, $3  }
0x736: {  	_ =	sdelay $0x1  }
0x737: {  	s3 =	sadd.s32 $0x10, s3;
	[tilespmem:v4+s14+$0x0] =	vst.idx.add.s32.msk vm0, v6  }
0x738: {  	s4 =	sadd.s32 $0xFFFFFFFF, s4;
	v4 =	vld [tilespmem:s3+$0x0]  }
.LBB2_76:
0x739: {  	_ =	sdelay $0x3  }
0x73a: {  	v4 =	vshrl.u32 v4, $0x16  }
0x73b: {  	v5 =	vxor.u32 $0x200, v4  }
0x73c: {  	(xrf1) =	vunique.msk.u32 $0xffff, v5;
	_ =	sdelay $0xd  }
0x73d: {  	v4 =	vand.u32 $0x7, v4;
	v5 =	vand.u32 $0x3F8, v5;
	_, v6, vm0 =	vpop (xrf1)  }
0x73e: {  	v4 =	vor.u32 v4, v5;
	_ =	sdelay $0x4  }
0x73f: {  	[tilespmem:v4+s14+$0x0] =	vst.idx.add.s32.msk vm0, v6  }
.LBB2_55:
0x740: {  	s2 =	simm.s32 $0x0  }
0x741: {  	v4 =	vld [tilespmem:s2+$0x9C40];
	_ =	sdelay $0x4  }
0x742: {  	(xrf0) =	vadd.scan.msk.s32 $0xffff, v4;
	_ =	sdelay $0x5  }
0x743: {  	v5, _, _ =	vpop (xrf0)  }
0x744: {  	s3 =	simm.s32 $0x0;
	(v2sf) =	vpush v5, $0xF  }
0x745: {  	v4 =	vsub.s32 s3, v4  }
0x746: {  	v4 =	vadd.s32 v5, v4  }
0x747: {  	s4 =	simm.s32 $0x10;
	s5 =	simm.s32 $0x80;
	[tilespmem:s2+$0x9C40] =	vst v4  }
.LBB2_56:
0x748: {  	p0 =	seq.s32 s5, $0xFC0;
	v4 =	vld [tilespmem:s4+$0x9C40];
	_ =	sdelay $0x4  }
0x749: {  	(xrf0) =	vadd.scan.msk.s32 $0xffff, v4;
	_ =	sdelay $0x5  }
.Ltmp38:
0x74a: {  	v5, _, _ =	vpop (xrf0);
	s2 =	spop (v2sf);
	(pc) =	sbr.rel @!p0 .LBB2_56-.Ltmp38, $4  }
0x74b: {  	(v2sf) =	vpush v5, $0xF;
	s3 =	sadd.s32 s3, s2  }
0x74c: {  	v4 =	vsub.s32 s3, v4  }
0x74d: {  	v4 =	vadd.s32 v5, v4  }
0x74e: {  	[tilespmem:s4+$0x9C40] =	vst v4;
	s4 =	sshra.s32 s5, $0x2;
	s5 =	sadd.s32 $0x40, s5  }
0x74f: {  	v4 =	vld [tilespmem:s4+$0x9C40];
	_ =	sdelay $0x4  }
0x750: {  	(xrf0) =	vadd.scan.msk.s32 $0xffff, v4;
	_ =	sdelay $0x5  }
0x751: {  	v5, _, _ =	vpop (xrf0)  }
0x752: {  	(v2sf) =	vpush v5, $0xF;
	_ =	sdelay $0xa  }
.Ltmp39:
0x753: {  	s2 =	spop (v2sf);
	(pc) =	sbr.rel @!p1 .LBB2_61-.Ltmp39, $4  }
0x754: {  	s2 =	sadd.s32 s3, s2  }
0x755: {  	v4 =	vsub.s32 s2, v4  }
0x756: {  	v4 =	vadd.s32 v5, v4  }
0x757: {  	[tilespmem:s4+$0x9C40] =	vst v4;
	s31 =	spop (v2sf)  }
0x758: {  	p0 =	seq.s32 s1, $0x1  }
.Ltmp40:
0x759: {  	_ = 	snop;
	(pc) =	sbr.rel @p0 .LBB2_60-.Ltmp40, $4  }
0x75a: {  	s3 =	simm.s32 $0xE440  }
0x75b: {  	v4 =	vld [tilespmem:s3+$0x0]  }
0x75c: {  	s4 =	simm.s32 $0xE830  }
0x75d: {  	s1 =	sadd.s32 $0xFFFFFFFF, s1;
	v5 =	vld [tilespmem:s4+$0x0]  }
.LBB2_59:
0x75e: {  	p0 =	seq.s32 s1, $0x1;
	_ =	sdelay $0x1  }
0x75f: {  	v6 =	vshrl.u32 v4, $0x16  }
0x760: {  	v7 =	vxor.u32 $0x200, v6  }
0x761: {  	(xrf1) =	vunique.msk.u32 $0xffff, v7;
	_ =	sdelay $0x2  }
0x762: {  	v6 =	vand.u32 $0x7, v6;
	v7 =	vand.u32 $0x3F8, v7  }
0x763: {  	v6 =	vor.u32 v6, v7;
	_ =	sdelay $0x4  }
0x764: {  	v7 =	vld.idx.msk [tilespmem:v6+s14+$0x0], $0xffff;
	_ =	sdelay $0x4  }
0x765: {  	_, v8, vm0 =	vpop (xrf1)  }
0x766: {  	v7 =	vadd.s32 v7, v8  }
0x767: {  	v8 =	vadd.s32 $0xFFFFFFFF, v7;
	_ =	sdelay $0x4  }
0x768: {  	[tilespmem:v8+s17+$0x0] =	vst.idx.msk $0xffff, v4  }
.Ltmp41:
0x769: {  	[tilespmem:v8+s18+$0x0] =	vst.idx.msk $0xffff, v5;
	(pc) =	sbr.rel @!p0 .LBB2_59-.Ltmp41, $4  }
0x76a: {  	s3 =	sadd.s32 $0x10, s3;
	[tilespmem:v6+s14+$0x0] =	vst.idx.msk vm0, v7  }
0x76b: {  	s4 =	sadd.s32 $0x10, s4;
	v4 =	vld [tilespmem:s3+$0x0]  }
0x76c: {  	v5 =	vld [tilespmem:s4+$0x0]  }
0x76d: {  	s1 =	sadd.s32 $0xFFFFFFFF, s1  }
.LBB2_60:
0x76e: {  	_ =	sdelay $0x1  }
0x76f: {  	v6 =	vshrl.u32 v4, $0x16  }
0x770: {  	v7 =	vxor.u32 $0x200, v6  }
0x771: {  	(xrf1) =	vunique.msk.u32 $0xffff, v7;
	_ =	sdelay $0x3  }
0x772: {  	v6 =	vand.u32 $0x7, v6;
	v7 =	vand.u32 $0x3F8, v7  }
0x773: {  	v6 =	vor.u32 v6, v7;
	_ =	sdelay $0x4  }
0x774: {  	v7 =	vld.idx.msk [tilespmem:v6+s14+$0x0], $0xffff;
	_ =	sdelay $0x3  }
0x775: {  	_, v8, vm0 =	vpop (xrf1)  }
0x776: {  	v7 =	vadd.s32 v7, v8  }
0x777: {  	v8 =	vadd.s32 $0xFFFFFFFF, v7;
	_ =	sdelay $0x4  }
0x778: {  	[tilespmem:v8+s17+$0x0] =	vst.idx.msk $0xffff, v4  }
0x779: {  	[tilespmem:v8+s18+$0x0] =	vst.idx.msk $0xffff, v5  }
0x77a: {  	[tilespmem:v6+s14+$0x0] =	vst.idx.msk vm0, v7  }
.LBB2_61:
0x77b: {  	s2 =	simm.s32 $0x20  }
0x77c: {  	v4 =	vmov s0;
	s5 =	simm.s32 $0x30;
	v7 =	vor.u32 s2, v0  }
0x77d: {  	s21 =	simm.s32 $0x10;
	v5 =	vor.u32 s5, v0;
	v6 =	vsub.s32 v7, v4  }
0x77e: {  	v8 =	vor.u32 s21, v0;
	v9 =	vsub.s32 v5, v4;
	vm0 =	vgt.s32 v6, $0x0  }
0x77f: {  	v10 =	vsub.s32 v8, v4;
	vm1 =	vgt.s32 v9, $0x0;
	v6 =	vnsel vm0, $0x0, v6  }
0x780: {  	s4 =	simm.s32 $0x0;
	vm0 =	vgt.s32 v10, $0x0;
	v9 =	vnsel vm1, $0x0, v9;
	v6 =	vmin.u32 v6, $0x3EF  }
0x781: {  	s3 =	simm.s32 $0xF030;
	s23 =	simm.s32 $0x60;
	s25 =	simm.s32 $0x40;
	v12 =	vor.u32 s4, v0;
	v10 =	vnsel vm0, $0x0, v10;
	v9 =	vmin.u32 v9, $0x3EF  }
0x782: {  	s28 =	simm.s32 $0x90;
	s30 =	simm.s32 $0xB0;
	v11 =	vld [tilespmem:s3+$0x0];
	v17 =	vor.u32 s23, v0;
	v21 =	vor.u32 s25, v0;
	v10 =	vmin.u32 v10, $0x3EF  }
0x783: {  	v13 =	vld [tilespmem:s3+$0x10];
	v23 =	vor.u32 s28, v0;
	v24 =	vor.u32 s30, v0;
	v14 =	vsub.s32 v12, v4  }
0x784: {  	v15 =	vld [tilespmem:s3+$0xFFFFFFF0];
	vm3 =	vlt.s32 v5, v4;
	vm4 =	vlt.s32 v7, v4;
	vm2 =	vgt.s32 v14, $0x0  }
0x785: {  	v18 =	vsub.s32 v17, v4;
	vm1 =	vlt.u32 v5, $0x3E8;
	v14 =	vnsel vm2, $0x0, v14;
	v6 =	vld.idx.msk [tilespmem:v6+s13+$0x0], $0xffff  }
0x786: {  	s22 =	simm.s32 $0x50;
	s24 =	simm.s32 $0x70;
	vm2 =	vlt.s32 v8, v4;
	vm0 =	vlt.u32 v8, $0x3E8;
	v5 =	vmin.u32 v14, $0x3EF;
	v8 =	vld.idx.msk [tilespmem:v9+s13+$0x0], $0xffff  }
0x787: {  	vm6 =	vgt.s32 v18, $0x0;
	v14 =	vor.u32 s24, v0;
	v9 =	vld.idx.msk [tilespmem:v10+s13+$0x0], $0xffff;
	v10 =	vor.u32 s22, v0  }
0x788: {  	v18 =	vnsel vm6, $0x0, v18;
	v19 =	vsub.s32 v14, v4;
	v16 =	vsub.s32 v10, v4  }
0x789: {  	s26 =	simm.s32 $0xF070;
	vm6 =	vlt.s32 v17, v4;
	vm7 =	vgt.s32 v19, $0x0;
	vm5 =	vgt.s32 v16, $0x0  }
0x78a: {  	v22 =	vld [tilespmem:s26+$0xFFFFFFF0];
	v18 =	vmin.u32 v18, $0x3EF;
	v19 =	vnsel vm7, $0x0, v19;
	v16 =	vnsel vm5, $0x0, v16  }
0x78b: {  	v20 =	vld.idx.msk [tilespmem:v5+s13+$0x0], $0xffff;
	vm5 =	vlt.s32 v12, v4;
	v16 =	vmin.u32 v16, $0x3EF;
	v11 =	vsel vm4, v11, v6  }
0x78c: {  	v8 =	vsel vm3, v13, v8;
	v13 =	vld [tilespmem:s3+$0xFFFFFFE0];
	vm3 =	vlt.u32 v7, $0x3E8;
	v5 =	vsel vm2, v15, v9  }
0x78d: {  	v9 =	vmin.u32 v19, $0x3EF;
	v15 =	vld [tilespmem:s26+$0x0];
	vm2 =	vlt.u32 v14, $0x3E8;
	v7 =	vnsel vm3, $0x0, v11  }
0x78e: {  	v19 =	vld [tilespmem:s26+$0x10];
	v6 =	vnsel vm0, $0x0, v5;
	v5 =	vnsel vm1, $0x0, v8;
	v8 =	vsub.s32 v21, v4  }
0x78f: {  	s3 =	simm.s32 $0xF0B0;
	vm3 =	vlt.s32 v10, v4;
	vm0 =	vlt.u32 v12, $0x3E8;
	v12 =	vld.idx.msk [tilespmem:v18+s13+$0x0], $0xffff;
	vm4 =	vgt.s32 v8, $0x0  }
0x790: {  	s29 =	simm.s32 $0xA0;
	v11 =	vld [tilespmem:s3+$0x0];
	vm1 =	vlt.u32 v10, $0x3E8;
	v8 =	vnsel vm4, $0x0, v8;
	vm4 =	vlt.s32 v14, v4  }
0x791: {  	v10 =	vmin.u32 v8, $0x3EF;
	v14 =	vsel vm5, v13, v20;
	v13 =	vld.idx.msk [tilespmem:v16+s13+$0x0], $0xffff;
	v8 =	vor.u32 s29, v0  }
0x792: {  	v16 =	vsub.s32 v23, v4;
	v20 =	vsub.s32 v24, v4;
	v9 =	vld.idx.msk [tilespmem:v9+s13+$0x0], $0xffff;
	v18 =	vsub.s32 v8, v4  }
0x793: {  	vm5 =	vgt.s32 v16, $0x0;
	vm8 =	vgt.s32 v20, $0x0;
	v25 =	vld.idx.msk [tilespmem:v7+s16+$0x0], $0xffff;
	vm7 =	vgt.s32 v18, $0x0  }
0x794: {  	v16 =	vnsel vm5, $0x0, v16;
	v20 =	vnsel vm8, $0x0, v20;
	v26 =	vld.idx.msk [tilespmem:v5+s16+$0x0], $0xffff;
	v28 =	vsel vm6, v15, v12  }
0x795: {  	v29 =	vld.idx.msk [tilespmem:v6+s16+$0x0], $0xffff;
	v12 =	vnsel vm0, $0x0, v14;
	v18 =	vnsel vm7, $0x0, v18;
	v30 =	vmin.u32 v20, $0x3EF  }
0x796: {  	vm0 =	vlt.u32 v21, $0x3E8;
	vm5 =	vlt.s32 v21, v4;
	v20 =	vld [tilespmem:s26+$0xFFFFFFE0];
	v27 =	vmin.u32 v18, $0x3EF  }
0x797: {  	s31 =	simm.s32 $0x80;
	v16 =	vmin.u32 v16, $0x3EF;
	v18 =	vld.idx.msk [tilespmem:v10+s13+$0x0], $0xffff;
	v10 =	vsel vm3, v22, v13;
	v9 =	vsel vm4, v19, v9  }
0x798: {  	s1 =	simm.s32 $0x10810;
	v14 =	vld [tilespmem:s3+$0x10];
	vm3 =	vlt.u32 v17, $0x3E8;
	v13 =	vnsel vm2, $0x0, v9;
	v9 =	vor.u32 s31, v0  }
0x799: {  	v15 =	vld [tilespmem:s3+$0xFFFFFFF0];
	v10 =	vnsel vm1, $0x0, v10;
	vm1 =	vlt.u32 v23, $0x3E8;
	[tilespmem:s1+$0x0] =	vst v25;
	v22 =	vsub.s32 v9, v4  }
0x79a: {  	s0 =	simm.s32 $0x10C10;
	s6 =	simm.s32 $0x8;
	s8 =	simm.s32 $0xC0;
	v17 =	vnsel vm3, $0x0, v28;
	vm3 =	vlt.s32 v23, v4;
	[tilespmem:s1+$0x10] =	vst v26;
	v21 =	vld.idx.msk [tilespmem:v30+s13+$0x0], $0xffff;
	vm4 =	vgt.s32 v22, $0x0  }
0x79b: {  	s7 =	simm.s32 $0xF0B0;
	s5 =	simm.s32 $0x10850;
	s4 =	simm.s32 $0x10C50;
	vm2 =	vlt.u32 v24, $0x3E8;
	[tilespmem:s1+$0xFFFFFFF0] =	vst v29;
	v19 =	vld.idx.msk [tilespmem:v27+s13+$0x0], $0xffff;
	v22 =	vnsel vm4, $0x0, v22;
	vm4 =	vlt.s32 v24, v4  }
.LBB2_62:
0x79c: {  	s2 =	sadd.s32 $0x10, s8;
	s9 =	sadd.s32 $0x20, s8;
	s15 =	sadd.s32 $0x30, s8;
	v22 =	vmin.u32 v22, $0x3EF;
	v23 =	vld.idx.msk [tilespmem:v16+s13+$0x0], $0xffff;
	vm6 =	vlt.s32 v8, v4;
	v24 =	vsel vm5, v20, v18;
	[tilespmem:s0+$0xFFFFFFF0] =	vst v6  }
0x79d: {  	s6 =	sadd.s32 $0x4, s6;
	s3 =	sadd.s32 $0x40, s3;
	v6 =	vmovc v10;
	v25 =	vor.u32 s2, v0;
	v26 =	vor.u32 s9, v0;
	v27 =	vor.u32 s15, v0;
	v28 =	vld.idx.msk [tilespmem:v12+s16+$0x0], $0xffff  }
0x79e: {  	p0 =	slt.u32 s6, $0x3C;
	v16 =	vsub.s32 v25, v4;
	v29 =	vld [tilespmem:s3+$0x0];
	v18 =	vsub.s32 v26, v4;
	v20 =	vsub.s32 v27, v4;
	[tilespmem:s0+$0x10] =	vst v5  }
0x79f: {  	v5 =	vmovc v13;
	vm5 =	vgt.s32 v16, $0x0;
	vm7 =	vgt.s32 v18, $0x0;
	vm8 =	vgt.s32 v20, $0x0;
	v30 =	vld.idx.msk [tilespmem:v17+s16+$0x0], $0xffff;
	[tilespmem:s0+$0x0] =	vst v7;
	v7 =	vmovc v17  }
0x7a0: {  	v16 =	vnsel vm5, $0x0, v16;
	v17 =	vnsel vm7, $0x0, v18;
	v18 =	vnsel vm8, $0x0, v20;
	v31 =	vld.idx.msk [tilespmem:v13+s16+$0x0], $0xffff  }
0x7a1: {  	v32 =	vsel vm6, v11, v19;
	v16 =	vmin.u32 v16, $0x3EF;
	v17 =	vmin.u32 v17, $0x3EF;
	v33 =	vld.idx.msk [tilespmem:v10+s16+$0x0], $0xffff  }
0x7a2: {  	v14 =	vsel vm4, v14, v21;
	v34 =	vmin.u32 v18, $0x3EF;
	v10 =	vsel vm3, v15, v23;
	v18 =	vld.idx.msk [tilespmem:v22+s13+$0x0], $0xffff  }
.Ltmp42:
0x7a3: {  	v13 =	vnsel vm2, $0x0, v14;
	v15 =	vnsel vm0, $0x0, v24;
	v10 =	vnsel vm1, $0x0, v10;
	v20 =	vld [tilespmem:s7+$0xFFFFFFE0];
	[tilespmem:s1+$0xFFFFFFE0] =	vst v28;
	v11 =	vmovc v29;
	s7 =	smov.u32 s3;
	s1 =	smov.u32 s5;
	(pc) =	sbr.rel @p0 .LBB2_62-.Ltmp42, $4  }
0x7a4: {  	v21 =	vor.u32 s8, v0;
	vm0 =	vlt.u32 v9, $0x3E8;
	vm3 =	vlt.u32 v8, $0x3E8;
	v8 =	vmovc v26;
	v14 =	vld [tilespmem:s3+$0x10];
	[tilespmem:s0+$0xFFFFFFE0] =	vst v12;
	v12 =	vmovc v15;
	s0 =	smov.u32 s4  }
0x7a5: {  	vm2 =	vlt.u32 v27, $0x3E8;
	v22 =	vsub.s32 v21, v4;
	vm1 =	vlt.u32 v25, $0x3E8;
	v15 =	vld [tilespmem:s3+$0xFFFFFFF0];
	[tilespmem:s5+$0x0] =	vst v30  }
0x7a6: {  	vm5 =	vlt.s32 v9, v4;
	v9 =	vmovc v21;
	vm4 =	vgt.s32 v22, $0x0;
	v19 =	vld.idx.msk [tilespmem:v17+s13+$0x0], $0xffff;
	v17 =	vnsel vm3, $0x0, v32;
	[tilespmem:s5+$0x10] =	vst v31  }
0x7a7: {  	s8 =	sadd.s32 $0x40, s8;
	v22 =	vnsel vm4, $0x0, v22;
	vm4 =	vlt.s32 v27, v4;
	s4 =	sadd.s32 $0x40, s4;
	vm3 =	vlt.s32 v25, v4;
	s5 =	sadd.s32 $0x40, s5;
	v21 =	vld.idx.msk [tilespmem:v34+s13+$0x0], $0xffff;
	[tilespmem:s1+$0xFFFFFFF0] =	vst v33  }
0x7a8: {  	_ =	sdelay $0x3  }
0x7a9: {  	v16 =	vld.idx.msk [tilespmem:v16+s13+$0x0], $0xffff  }
0x7aa: {  	v22 =	vmin.u32 v22, $0x3EF;
	v23 =	vld.idx.msk [tilespmem:v12+s16+$0x0], $0xffff  }
0x7ab: {  	v24 =	vld.idx.msk [tilespmem:v17+s16+$0x0], $0xffff  }
0x7ac: {  	[tilespmem:s0+$0xFFFFFFF0] =	vst v6;
	v6 =	vld.idx.msk [tilespmem:v13+s16+$0x0], $0xffff  }
0x7ad: {  	v18 =	vsel vm5, v20, v18;
	vm15 =	vlt.s32 v8, v4;
	[tilespmem:s0+$0x10] =	vst v5;
	v5 =	vld.idx.msk [tilespmem:v10+s16+$0x0], $0xffff  }
0x7ae: {  	v18 =	vnsel vm0, $0x0, v18;
	vm0 =	vlt.u32 v8, $0x3E8;
	v8 =	vsel vm4, v14, v21;
	v14 =	vld [tilespmem:s7+$0xFFFFFFE0]  }
0x7af: {  	[tilespmem:s0+$0x0] =	vst v7;
	v7 =	vsel vm15, v11, v19;
	v11 =	vld.idx.msk [tilespmem:v22+s13+$0x0], $0xffff  }
0x7b0: {  	v7 =	vnsel vm0, $0x0, v7;
	[tilespmem:s1+$0xFFFFFFE0] =	vst v23  }
0x7b1: {  	v15 =	vsel vm3, v15, v16;
	[tilespmem:s5+$0x0] =	vst v24  }
0x7b2: {  	[tilespmem:s0+$0xFFFFFFE0] =	vst v12;
	v12 =	vnsel vm1, $0x0, v15  }
0x7b3: {  	vm0 =	vlt.s32 v9, v4;
	[tilespmem:s5+$0x10] =	vst v6;
	v6 =	vld.idx.msk [tilespmem:v18+s16+$0x0], $0xffff  }
0x7b4: {  	v8 =	vnsel vm2, $0x0, v8;
	[tilespmem:s5+$0xFFFFFFF0] =	vst v5;
	vm1 =	vlt.u32 v9, $0x3E8;
	v4 =	vsel vm0, v14, v11  }
0x7b5: {  	[tilespmem:s4+$0xFFFFFFF0] =	vst v10;
	v5 =	vld.idx.msk [tilespmem:v7+s16+$0x0], $0xffff;
	v4 =	vnsel vm1, $0x0, v4  }
0x7b6: {  	[tilespmem:s4+$0x10] =	vst v13  }
0x7b7: {  	[tilespmem:s4+$0x0] =	vst v17;
	v10 =	vld.idx.msk [tilespmem:v12+s16+$0x0], $0xffff  }
0x7b8: {  	[tilespmem:s5+$0xFFFFFFE0] =	vst v6  }
0x7b9: {  	s23 =	sadd.s32 $0x40, s5;
	v9 =	vld.idx.msk [tilespmem:v8+s16+$0x0], $0xffff;
	[tilespmem:s4+$0xFFFFFFE0] =	vst v18  }
0x7ba: {  	s24 =	sadd.s32 $0x40, s4;
	[tilespmem:s23+$0x0] =	vst v5;
	v5 =	vld.idx.msk [tilespmem:v4+s16+$0x0], $0xffff  }
0x7bb: {  	[tilespmem:s24+$0x0] =	vst v7  }
0x7bc: {  	s28 =	simm.s32 $0x10;
	[tilespmem:s23+$0xFFFFFFF0] =	vst v10  }
0x7bd: {  	s26 =	simm.s32 $0x0;
	v7 =	vor.u32 $0x3D8, v0;
	[tilespmem:s24+$0xFFFFFFF0] =	vst v12;
	v12 =	vor.u32 s28, v0  }
0x7be: {  	s2 =	simm.s32 $0x30;
	v11 =	vor.u32 s26, v0;
	v6 =	vor.u32 $0x3C8, v0;
	[tilespmem:s23+$0x10] =	vst v9;
	v12 =	vand.u32 v7, v12  }
0x7bf: {  	s29 =	simm.s32 $0x70;
	v11 =	vand.u32 v6, v11;
	v9 =	vor.u32 s2, v0;
	[tilespmem:s23+$0xFFFFFFE0] =	vst v5;
	v5 =	vor.u32 $0x3F8, v0  }
0x7c0: {  	s3 =	simm.s32 $0x20;
	v63 =	vmov s29;
	[tilespmem:s24+$0x10] =	vst v8;
	v10 =	vand.u32 v5, v9  }
0x7c1: {  	v16 =	vmov s28;
	v13 =	vor.u32 s3, v0;
	v15 =	vmov s26;
	[tilespmem:s24+$0xFFFFFFE0] =	vst v4  }
0x7c2: {  	s6 =	simm.s32 $0x10BF0;
	v17 =	vmov s3;
	v16 =	vshrl.u32 v16, $0xA;
	v8 =	vor.u32 $0x3E8, v0;
	s9 =	rddreg [dreg:$0x9]  }
0x7c3: {  	s1 =	simm.s32 $0x40;
	v15 =	vshrl.u32 v15, $0xA;
	v17 =	vshrl.u32 v17, $0xA;
	v14 =	vand.u32 v8, v13;
	v25 =	vld.idx.msk [tilespmem:v12+s6+$0x0], $0xffff;
	s25 =	sshll.u32 s9, $0x2  }
0x7c4: {  	v18 =	vmov s2;
	v12 =	vmov s1;
	v26 =	vld.idx.msk [tilespmem:v11+s6+$0x0], $0xffff;
	v4 =	vmov s25  }
0x7c5: {  	v18 =	vshrl.u32 v18, $0xA;
	v11 =	vshrl.u32 v12, $0xA;
	v15 =	vadd.s32 v4, v15;
	v10 =	vld.idx.msk [tilespmem:v10+s6+$0x0], $0xffff  }
0x7c6: {  	v16 =	vadd.s32 v4, v16;
	v17 =	vadd.s32 v4, v17;
	v18 =	vadd.s32 v4, v18  }
0x7c7: {  	v20 =	vmul.u32 $0x4E20, v15;
	v22 =	vmul.u32 $0x4E20, v16;
	v15 =	vmul.u32 $0x4E20, v18  }
0x7c8: {  	v14 =	vld.idx.msk [tilespmem:v14+s6+$0x0], $0xffff;
	v18 =	vmul.u32 $0x4E20, v17;
	v16 =	vand.u32 $0x3E8, v13;
	v17 =	vand.u32 $0x3F8, v9  }
0x7c9: {  	vm1 =	veq.s32 v16, $0x3E8;
	vm0 =	vlt.u32 v17, $0x3E8;
	v16 =	vor.u32 s1, v0  }
0x7ca: {  	s31 =	simm.s32 $0x50;
	v21 =	vand.u32 v6, v16;
	v15 =	vadd.s32 v15, v10;
	v10 =	vor.u32 s29, v0  }
0x7cb: {  	s30 =	simm.s32 $0x60;
	v19 =	vsel vm0, v15, v9;
	v15 =	vor.u32 s31, v0;
	v17 =	vand.u32 v5, v10  }
0x7cc: {  	v11 =	vadd.s32 v4, v11;
	v9 =	vor.u32 s30, v0;
	v23 =	vand.u32 v7, v15  }
0x7cd: {  	s0 =	simm.s32 $0xF810;
	v16 =	vmov s30;
	v18 =	vadd.s32 v18, v14;
	v61 =	vand.u32 v8, v9  }
0x7ce: {  	v15 =	vmov s31;
	v62 =	vand.u32 $0x3E8, v9;
	[tilespmem:s0+$0x10] =	vst v19;
	v19 =	vsel vm1, v13, v18  }
0x7cf: {  	v13 =	vld.idx.msk [tilespmem:v21+s6+$0x0], $0xffff;
	v18 =	vadd.s32 v20, v26;
	v12 =	vshrl.u32 v15, $0xA;
	v15 =	vshrl.u32 v16, $0xA  }
0x7d0: {  	v20 =	vadd.s32 v22, v25;
	v12 =	vadd.s32 v4, v12;
	v27 =	vadd.s32 v4, v15;
	v17 =	vld.idx.msk [tilespmem:v17+s6+$0x0], $0xffff  }
0x7d1: {  	v15 =	vmul.u32 $0x4E20, v11;
	v16 =	vmul.u32 $0x4E20, v12;
	v14 =	vld.idx.msk [tilespmem:v23+s6+$0x0], $0xffff;
	v23 =	vshrl.u32 v63, $0xA  }
0x7d2: {  	s3 =	simm.s32 $0x4;
	vm0 =	veq.s32 v62, $0x3E8;
	v12 =	vmul.u32 $0x4E20, v27;
	v11 =	vld.idx.msk [tilespmem:v61+s6+$0x0], $0xffff;
	v21 =	vadd.s32 v4, v23  }
.LBB2_64:
0x7d3: {  	v21 =	vmul.u32 $0x4E20, v21;
	[tilespmem:s0+$0x0] =	vst v19;
	v22 =	vmov v15;
	v23 =	vmov v16  }
0x7d4: {  	v15 =	vand.u32 $0x3F8, v10;
	s1 =	sadd.s32 $0x40, s1;
	[tilespmem:s0+$0xFFFFFFF0] =	vst v20  }
0x7d5: {  	s3 =	sadd.s32 $0x4, s3;
	v16 =	vor.u32 s1, v0;
	s2 =	sadd.s32 $0x20, s1;
	s4 =	sadd.s32 $0x30, s1;
	vm1 =	vlt.u32 v15, $0x3E8;
	v17 =	vadd.s32 v21, v17;
	[tilespmem:s0+$0xFFFFFFE0] =	vst v18  }
0x7d6: {  	s5 =	sadd.s32 $0x10, s1;
	p0 =	slt.u32 s3, $0xFC;
	s0 =	sadd.s32 $0x40, s0;
	v15 =	vsel vm1, v17, v10;
	v10 =	vor.u32 s4, v0  }
0x7d7: {  	v18 =	vor.u32 s2, v0;
	v17 =	vor.u32 s5, v0;
	v20 =	vmovc v14;
	v19 =	vand.u32 v5, v10;
	[tilespmem:s0+$0x10] =	vst v15  }
0x7d8: {  	v24 =	vand.u32 v6, v16;
	v21 =	vand.u32 v8, v18;
	v14 =	vand.u32 v7, v17  }
0x7d9: {  	v16 =	vmov s5;
	v15 =	vmov s1;
	v17 =	vmov s2  }
0x7da: {  	v16 =	vshrl.u32 v16, $0xA;
	v15 =	vshrl.u32 v15, $0xA;
	v17 =	vshrl.u32 v17, $0xA  }
.Ltmp43:
0x7db: {  	v16 =	vadd.s32 v4, v16;
	v15 =	vadd.s32 v4, v15;
	v17 =	vadd.s32 v4, v17;
	(pc) =	sbr.rel @p0 .LBB2_64-.Ltmp43, $4  }
0x7dc: {  	v16 =	vmul.u32 $0x4E20, v16;
	v15 =	vmul.u32 $0x4E20, v15;
	v25 =	vmul.u32 $0x4E20, v17;
	v17 =	vld.idx.msk [tilespmem:v19+s6+$0x0], $0xffff  }
0x7dd: {  	v27 =	vadd.s32 v12, v11;
	v26 =	vand.u32 $0x3E8, v18;
	v19 =	vmov s4;
	v11 =	vld.idx.msk [tilespmem:v21+s6+$0x0], $0xffff  }
0x7de: {  	v12 =	vmovc v25;
	v21 =	vshrl.u32 v19, $0xA;
	v19 =	vsel vm0, v9, v27;
	vm0 =	veq.s32 v26, $0x3E8;
	v9 =	vmovc v18;
	v14 =	vld.idx.msk [tilespmem:v14+s6+$0x0], $0xffff  }
0x7df: {  	v20 =	vadd.s32 v23, v20;
	v18 =	vadd.s32 v22, v13;
	v21 =	vadd.s32 v4, v21;
	v13 =	vld.idx.msk [tilespmem:v24+s6+$0x0], $0xffff  }
0x7e0: {  	v4 =	vmul.u32 $0x4E20, v21  }
0x7e1: {  	[tilespmem:s0+$0x0] =	vst v19;
	v5 =	vand.u32 $0x3F8, v10  }
0x7e2: {  	[tilespmem:s0+$0xFFFFFFF0] =	vst v20;
	vm1 =	vlt.u32 v5, $0x3E8;
	v4 =	vadd.s32 v4, v17  }
0x7e3: {  	[tilespmem:s0+$0xFFFFFFE0] =	vst v18;
	s15 =	sadd.s32 $0x40, s0;
	v5 =	vadd.s32 v12, v11;
	v4 =	vsel vm1, v4, v10  }
0x7e4: {  	[tilespmem:s15+$0x10] =	vst v4;
	v4 =	vsel vm0, v9, v5  }
0x7e5: {  	v5 =	vadd.s32 v16, v14;
	[tilespmem:s15+$0x0] =	vst v4  }
0x7e6: {  	v4 =	vadd.s32 v15, v13;
	[tilespmem:s15+$0xFFFFFFF0] =	vst v5  }
0x7e7: {  	s1 =	simm.s32 $0x80;
	[tilespmem:s15+$0xFFFFFFE0] =	vst v4  }
0x7e8: {  	s2 =	simm.s32 $0xF7F0;
	s3 =	simm.s32 $0x10FF0;
	s0 =	rddreg [dreg:$0x4]  }
0x7e9: {  	[tilespmem:s3], [sflag:$0x1] =	stream.indirect.gather [hbm4b:s0+s1], $0x1, s2, s1, $0xb8;
	[tilespmem:$0x11FF0] =	vst v63  }
0x7ea: {  	s17 =	simm.s32 $0xF870;
	s4 =	simm.s32 $0x11070  }
0x7eb: {  	[tilespmem:s4], [sflag:$0x1] =	stream.indirect.gather [hbm4b:s0+s1], $0x1, s17, s1, $0xb8;
	[tilespmem:$0x11FF0] =	vst v63  }
0x7ec: {  	s18 =	simm.s32 $0xF8F0;
	s19 =	simm.s32 $0x110F0  }
0x7ed: {  	[tilespmem:s19], [sflag:$0x1] =	stream.indirect.gather [hbm4b:s0+s1], $0x1, s18, s1, $0xb8;
	[tilespmem:$0x11FF0] =	vst v63  }
0x7ee: {  	s20 =	simm.s32 $0xF970;
	s21 =	simm.s32 $0x11170  }
0x7ef: {  	[tilespmem:s21], [sflag:$0x1] =	stream.indirect.gather [hbm4b:s0+s1], $0x1, s20, s1, $0xb8;
	[tilespmem:$0x11FF0] =	vst v63  }
0x7f0: {  	s22 =	simm.s32 $0xF9F0;
	s23 =	simm.s32 $0x111F0  }
0x7f1: {  	[tilespmem:s23], [sflag:$0x1] =	stream.indirect.gather [hbm4b:s0+s1], $0x1, s22, s1, $0xb8;
	[tilespmem:$0x11FF0] =	vst v63  }
0x7f2: {  	s24 =	simm.s32 $0xFA70;
	s25 =	simm.s32 $0x11270  }
0x7f3: {  	[tilespmem:s25], [sflag:$0x1] =	stream.indirect.gather [hbm4b:s0+s1], $0x1, s24, s1, $0xb8;
	[tilespmem:$0x11FF0] =	vst v63  }
0x7f4: {  	s26 =	simm.s32 $0xFAF0;
	s28 =	simm.s32 $0x112F0  }
0x7f5: {  	[tilespmem:s28], [sflag:$0x1] =	stream.indirect.gather [hbm4b:s0+s1], $0x1, s26, s1, $0xb8;
	[tilespmem:$0x11FF0] =	vst v63  }
0x7f6: {  	s29 =	simm.s32 $0xFB70;
	s30 =	simm.s32 $0x11370  }
0x7f7: {  	[tilespmem:s30], [sflag:$0x1] =	stream.indirect.gather [hbm4b:s0+s1], $0x1, s29, s1, $0xb8;
	[tilespmem:$0x11FF0] =	vst v63  }
0x7f8: {  	s31 =	simm.s32 $0xFBF0;
	s6 =	simm.s32 $0x113F0  }
0x7f9: {  	[tilespmem:s6], [sflag:$0x1] =	stream.indirect.gather [hbm4b:s0+s1], $0x1, s31, s1, $0xb8;
	[tilespmem:$0x11FF0] =	vst v63  }
0x7fa: {  	s5 =	simm.s32 $0x11470;
	s4 =	simm.s32 $0xFC70  }
0x7fb: {  	[tilespmem:s5], [sflag:$0x1] =	stream.indirect.gather [hbm4b:s0+s1], $0x1, s4, s1, $0xb8;
	[tilespmem:$0x11FF0] =	vst v63  }
0x7fc: {  	s7 =	simm.s32 $0xFCF0;
	s8 =	simm.s32 $0x114F0  }
0x7fd: {  	[tilespmem:s8], [sflag:$0x1] =	stream.indirect.gather [hbm4b:s0+s1], $0x1, s7, s1, $0xb8;
	[tilespmem:$0x11FF0] =	vst v63  }
0x7fe: {  	s15 =	simm.s32 $0xFD70;
	s17 =	simm.s32 $0x11570  }
0x7ff: {  	[tilespmem:s17], [sflag:$0x1] =	stream.indirect.gather [hbm4b:s0+s1], $0x1, s15, s1, $0xb8;
	[tilespmem:$0x11FF0] =	vst v63  }
0x800: {  	s18 =	simm.s32 $0xFDF0;
	s19 =	simm.s32 $0x115F0  }
0x801: {  	[tilespmem:s19], [sflag:$0x1] =	stream.indirect.gather [hbm4b:s0+s1], $0x1, s18, s1, $0xb8;
	[tilespmem:$0x11FF0] =	vst v63  }
0x802: {  	s20 =	simm.s32 $0xFE70;
	s21 =	simm.s32 $0x11670  }
0x803: {  	[tilespmem:s21], [sflag:$0x1] =	stream.indirect.gather [hbm4b:s0+s1], $0x1, s20, s1, $0xb8;
	[tilespmem:$0x11FF0] =	vst v63  }
0x804: {  	s22 =	simm.s32 $0xFEF0;
	s23 =	simm.s32 $0x116F0  }
0x805: {  	[tilespmem:s23], [sflag:$0x1] =	stream.indirect.gather [hbm4b:s0+s1], $0x1, s22, s1, $0xb8;
	[tilespmem:$0x11FF0] =	vst v63  }
0x806: {  	s24 =	simm.s32 $0xFF70;
	s25 =	simm.s32 $0x11770  }
0x807: {  	[tilespmem:s25], [sflag:$0x1] =	stream.indirect.gather [hbm4b:s0+s1], $0x1, s24, s1, $0xb8;
	[tilespmem:$0x11FF0] =	vst v63  }
0x808: {  	s26 =	simm.s32 $0xFFF0;
	s7 =	simm.s32 $0x117F0  }
0x809: {  	[tilespmem:s7], [sflag:$0x1] =	stream.indirect.gather [hbm4b:s0+s1], $0x1, s26, s1, $0xb8;
	[tilespmem:$0x11FF0] =	vst v63  }
0x80a: {  	s28 =	simm.s32 $0x10070;
	s29 =	simm.s32 $0x11870  }
0x80b: {  	[tilespmem:s29], [sflag:$0x1] =	stream.indirect.gather [hbm4b:s0+s1], $0x1, s28, s1, $0xb8;
	[tilespmem:$0x11FF0] =	vst v63  }
0x80c: {  	s30 =	simm.s32 $0x100F0;
	s31 =	simm.s32 $0x118F0  }
0x80d: {  	[tilespmem:s31], [sflag:$0x1] =	stream.indirect.gather [hbm4b:s0+s1], $0x1, s30, s1, $0xb8;
	[tilespmem:$0x11FF0] =	vst v63  }
0x80e: {  	s5 =	simm.s32 $0x10170;
	s8 =	simm.s32 $0x11970  }
0x80f: {  	[tilespmem:s8], [sflag:$0x1] =	stream.indirect.gather [hbm4b:s0+s1], $0x1, s5, s1, $0xb8;
	[tilespmem:$0x11FF0] =	vst v63  }
0x810: {  	s15 =	simm.s32 $0x101F0;
	s17 =	simm.s32 $0x119F0  }
0x811: {  	[tilespmem:s17], [sflag:$0x1] =	stream.indirect.gather [hbm4b:s0+s1], $0x1, s15, s1, $0xb8;
	[tilespmem:$0x11FF0] =	vst v63  }
0x812: {  	s18 =	simm.s32 $0x10270;
	s19 =	simm.s32 $0x11A70  }
0x813: {  	[tilespmem:s19], [sflag:$0x1] =	stream.indirect.gather [hbm4b:s0+s1], $0x1, s18, s1, $0xb8;
	[tilespmem:$0x11FF0] =	vst v63  }
0x814: {  	s20 =	simm.s32 $0x102F0;
	s21 =	simm.s32 $0x11AF0  }
0x815: {  	[tilespmem:s21], [sflag:$0x1] =	stream.indirect.gather [hbm4b:s0+s1], $0x1, s20, s1, $0xb8;
	[tilespmem:$0x11FF0] =	vst v63  }
0x816: {  	s22 =	simm.s32 $0x10370;
	s23 =	simm.s32 $0x11B70  }
0x817: {  	[tilespmem:s23], [sflag:$0x1] =	stream.indirect.gather [hbm4b:s0+s1], $0x1, s22, s1, $0xb8;
	[tilespmem:$0x11FF0] =	vst v63  }
0x818: {  	s24 =	simm.s32 $0x103F0;
	s8 =	simm.s32 $0x11BF0  }
0x819: {  	[tilespmem:s8], [sflag:$0x1] =	stream.indirect.gather [hbm4b:s0+s1], $0x1, s24, s1, $0xb8;
	[tilespmem:$0x11FF0] =	vst v63  }
0x81a: {  	s25 =	simm.s32 $0x10470;
	s26 =	simm.s32 $0x11C70  }
0x81b: {  	[tilespmem:s26], [sflag:$0x1] =	stream.indirect.gather [hbm4b:s0+s1], $0x1, s25, s1, $0xb8;
	[tilespmem:$0x11FF0] =	vst v63  }
0x81c: {  	s28 =	simm.s32 $0x104F0;
	s29 =	simm.s32 $0x11CF0  }
0x81d: {  	[tilespmem:s29], [sflag:$0x1] =	stream.indirect.gather [hbm4b:s0+s1], $0x1, s28, s1, $0xb8;
	[tilespmem:$0x11FF0] =	vst v63  }
0x81e: {  	s30 =	simm.s32 $0x10570;
	s31 =	simm.s32 $0x11D70  }
0x81f: {  	[tilespmem:s31], [sflag:$0x1] =	stream.indirect.gather [hbm4b:s0+s1], $0x1, s30, s1, $0xb8;
	[tilespmem:$0x11FF0] =	vst v63  }
0x820: {  	s5 =	simm.s32 $0x105F0;
	s15 =	simm.s32 $0x11DF0  }
0x821: {  	[tilespmem:s15], [sflag:$0x1] =	stream.indirect.gather [hbm4b:s0+s1], $0x1, s5, s1, $0xb8;
	[tilespmem:$0x11FF0] =	vst v63  }
0x822: {  	s17 =	simm.s32 $0x10670;
	s18 =	simm.s32 $0x11E70  }
0x823: {  	[tilespmem:s18], [sflag:$0x1] =	stream.indirect.gather [hbm4b:s0+s1], $0x1, s17, s1, $0xb8;
	[tilespmem:$0x11FF0] =	vst v63  }
0x824: {  	s19 =	simm.s32 $0x106F0;
	s20 =	simm.s32 $0x11EF0  }
0x825: {  	[tilespmem:s20], [sflag:$0x1] =	stream.indirect.gather [hbm4b:s0+s1], $0x1, s19, s1, $0xb8;
	[tilespmem:$0x11FF0] =	vst v63  }
0x826: {  	s21 =	simm.s32 $0x10770;
	s22 =	simm.s32 $0x11F70  }
0x827: {  	[tilespmem:s22], [sflag:$0x1] =	stream.indirect.gather [hbm4b:s0+s1], $0x1, s21, s1, $0xb8;
	[tilespmem:$0x11FF0] =	vst v63  }
0x828: {  	s0 =	simm.s32 $0x1  }
0x829: {  	_ =	swait.ge [sflag:s0], $0x80  }
0x82a: {  	[sflag:s0] =	ssyncset.done $0x0  }
0x82b: {  	[sflag:s0] =	ssyncadd.s32 $0xFFFFFF80  }
0x82c: {  	_ =	swait.ge [sflag:s0], $0x80  }
0x82d: {  	[sflag:s0] =	ssyncset.done $0x0  }
0x82e: {  	[sflag:s0] =	ssyncadd.s32 $0xFFFFFF80  }
0x82f: {  	_ =	swait.ge [sflag:s0], $0x80  }
0x830: {  	[sflag:s0] =	ssyncset.done $0x0  }
0x831: {  	[sflag:s0] =	ssyncadd.s32 $0xFFFFFF80  }
0x832: {  	_ =	swait.ge [sflag:s0], $0x80  }
0x833: {  	[sflag:s0] =	ssyncset.done $0x0  }
0x834: {  	[sflag:s0] =	ssyncadd.s32 $0xFFFFFF80  }
0x835: {  	_ =	swait.ge [sflag:s0], $0x80  }
0x836: {  	[sflag:s0] =	ssyncset.done $0x0  }
0x837: {  	[sflag:s0] =	ssyncadd.s32 $0xFFFFFF80  }
0x838: {  	_ =	swait.ge [sflag:s0], $0x80  }
0x839: {  	[sflag:s0] =	ssyncset.done $0x0  }
0x83a: {  	[sflag:s0] =	ssyncadd.s32 $0xFFFFFF80  }
0x83b: {  	_ =	swait.ge [sflag:s0], $0x80  }
0x83c: {  	[sflag:s0] =	ssyncset.done $0x0  }
0x83d: {  	[sflag:s0] =	ssyncadd.s32 $0xFFFFFF80  }
0x83e: {  	_ =	swait.ge [sflag:s0], $0x80  }
0x83f: {  	[sflag:s0] =	ssyncset.done $0x0  }
0x840: {  	[sflag:s0] =	ssyncadd.s32 $0xFFFFFF80  }
0x841: {  	_ =	swait.ge [sflag:s0], $0x80  }
0x842: {  	[sflag:s0] =	ssyncset.done $0x0  }
0x843: {  	[sflag:s0] =	ssyncadd.s32 $0xFFFFFF80  }
0x844: {  	_ =	swait.ge [sflag:s0], $0x80  }
0x845: {  	[sflag:s0] =	ssyncset.done $0x0  }
0x846: {  	[sflag:s0] =	ssyncadd.s32 $0xFFFFFF80  }
0x847: {  	_ =	swait.ge [sflag:s0], $0x80  }
0x848: {  	[sflag:s0] =	ssyncset.done $0x0  }
0x849: {  	[sflag:s0] =	ssyncadd.s32 $0xFFFFFF80  }
0x84a: {  	_ =	swait.ge [sflag:s0], $0x80  }
0x84b: {  	[sflag:s0] =	ssyncset.done $0x0  }
0x84c: {  	[sflag:s0] =	ssyncadd.s32 $0xFFFFFF80  }
0x84d: {  	_ =	swait.ge [sflag:s0], $0x80  }
0x84e: {  	[sflag:s0] =	ssyncset.done $0x0  }
0x84f: {  	[sflag:s0] =	ssyncadd.s32 $0xFFFFFF80  }
0x850: {  	_ =	swait.ge [sflag:s0], $0x80  }
0x851: {  	[sflag:s0] =	ssyncset.done $0x0  }
0x852: {  	[sflag:s0] =	ssyncadd.s32 $0xFFFFFF80  }
0x853: {  	_ =	swait.ge [sflag:s0], $0x80  }
0x854: {  	[sflag:s0] =	ssyncset.done $0x0  }
0x855: {  	[sflag:s0] =	ssyncadd.s32 $0xFFFFFF80  }
0x856: {  	_ =	swait.ge [sflag:s0], $0x80  }
0x857: {  	[sflag:s0] =	ssyncset.done $0x0  }
0x858: {  	[sflag:s0] =	ssyncadd.s32 $0xFFFFFF80  }
0x859: {  	_ =	swait.ge [sflag:s0], $0x80  }
0x85a: {  	[sflag:s0] =	ssyncset.done $0x0  }
0x85b: {  	[sflag:s0] =	ssyncadd.s32 $0xFFFFFF80  }
0x85c: {  	_ =	swait.ge [sflag:s0], $0x80  }
0x85d: {  	[sflag:s0] =	ssyncset.done $0x0  }
0x85e: {  	[sflag:s0] =	ssyncadd.s32 $0xFFFFFF80  }
0x85f: {  	_ =	swait.ge [sflag:s0], $0x80  }
0x860: {  	[sflag:s0] =	ssyncset.done $0x0  }
0x861: {  	[sflag:s0] =	ssyncadd.s32 $0xFFFFFF80  }
0x862: {  	_ =	swait.ge [sflag:s0], $0x80  }
0x863: {  	[sflag:s0] =	ssyncset.done $0x0  }
0x864: {  	[sflag:s0] =	ssyncadd.s32 $0xFFFFFF80  }
0x865: {  	_ =	swait.ge [sflag:s0], $0x80  }
0x866: {  	[sflag:s0] =	ssyncset.done $0x0  }
0x867: {  	[sflag:s0] =	ssyncadd.s32 $0xFFFFFF80  }
0x868: {  	_ =	swait.ge [sflag:s0], $0x80  }
0x869: {  	[sflag:s0] =	ssyncset.done $0x0  }
0x86a: {  	[sflag:s0] =	ssyncadd.s32 $0xFFFFFF80  }
0x86b: {  	_ =	swait.ge [sflag:s0], $0x80  }
0x86c: {  	[sflag:s0] =	ssyncset.done $0x0  }
0x86d: {  	[sflag:s0] =	ssyncadd.s32 $0xFFFFFF80  }
0x86e: {  	_ =	swait.ge [sflag:s0], $0x80  }
0x86f: {  	[sflag:s0] =	ssyncset.done $0x0  }
0x870: {  	[sflag:s0] =	ssyncadd.s32 $0xFFFFFF80  }
0x871: {  	_ =	swait.ge [sflag:s0], $0x80  }
0x872: {  	[sflag:s0] =	ssyncset.done $0x0  }
0x873: {  	[sflag:s0] =	ssyncadd.s32 $0xFFFFFF80  }
0x874: {  	_ =	swait.ge [sflag:s0], $0x80  }
0x875: {  	[sflag:s0] =	ssyncset.done $0x0  }
0x876: {  	[sflag:s0] =	ssyncadd.s32 $0xFFFFFF80  }
0x877: {  	_ =	swait.ge [sflag:s0], $0x80  }
0x878: {  	[sflag:s0] =	ssyncset.done $0x0  }
0x879: {  	[sflag:s0] =	ssyncadd.s32 $0xFFFFFF80  }
0x87a: {  	_ =	swait.ge [sflag:s0], $0x80  }
0x87b: {  	[sflag:s0] =	ssyncset.done $0x0  }
0x87c: {  	[sflag:s0] =	ssyncadd.s32 $0xFFFFFF80  }
0x87d: {  	_ =	swait.ge [sflag:s0], $0x80  }
0x87e: {  	[sflag:s0] =	ssyncset.done $0x0  }
0x87f: {  	[sflag:s0] =	ssyncadd.s32 $0xFFFFFF80  }
0x880: {  	_ =	swait.ge [sflag:s0], $0x80  }
0x881: {  	[sflag:s0] =	ssyncset.done $0x0  }
0x882: {  	[sflag:s0] =	ssyncadd.s32 $0xFFFFFF80  }
0x883: {  	_ =	swait.ge [sflag:s0], $0x80  }
0x884: {  	[sflag:s0] =	ssyncset.done $0x0  }
0x885: {  	s23 =	smul.u32 $0xFA0, s9;
	[sflag:s0] =	ssyncadd.s32 $0xFFFFFF80  }
0x886: {  	_ =	swait.ge [sflag:s0], $0x80  }
0x887: {  	s24 =	sshrl.u32 s23, $0x3;
	[sflag:s0] =	ssyncset.done $0x0;
	s25 =	rddreg [dreg:$0x5]  }
0x888: {  	s5 =	simm.s32 $0x2;
	[sflag:s0] =	ssyncadd.s32 $0xFFFFFF80;
	s2 =	sadd.s32 s25, s24  }
0x889: {  	[hbm4b:s2+s16] =	stream.linear.scatter [tilespmem:s3], [sflag:$0x2], $0x3E8, $0x38;
	[tilespmem:$0x11FF0] =	vst v63  }
0x88a: {  	s26 =	sadd.s32 $0x3E8, s23;
	_ =	swait.ge [sflag:s5], $0x3E8  }
0x88b: {  	s3 =	sshrl.u32 s26, $0x3;
	[sflag:s5] =	ssyncset.done $0x0  }
0x88c: {  	s3 =	sadd.s32 s25, s3;
	[sflag:s5] =	ssyncadd.s32 $0xFFFFFC18  }
0x88d: {  	[hbm4b:s3+s16] =	stream.linear.scatter [tilespmem:s6], [sflag:$0x2], $0x3E8, $0x38;
	[tilespmem:$0x11FF0] =	vst v63  }
0x88e: {  	_ =	swait.ge [sflag:s5], $0x3E8  }
0x88f: {  	[sflag:s5] =	ssyncset.done $0x0  }
0x890: {  	s2 =	sadd.s32 $0xFA, s2;
	[sflag:s5] =	ssyncadd.s32 $0xFFFFFC18  }
0x891: {  	[hbm4b:s2+s16] =	stream.linear.scatter [tilespmem:s7], [sflag:$0x2], $0x3E8, $0x38;
	[tilespmem:$0x11FF0] =	vst v63  }
0x892: {  	s1 =	sadd.s32 $0xBB8, s23;
	_ =	swait.ge [sflag:s5], $0x3E8  }
0x893: {  	s1 =	sshrl.u32 s1, $0x3;
	[sflag:s5] =	ssyncset.done $0x0  }
0x894: {  	s1 =	sadd.s32 s25, s1;
	[sflag:s5] =	ssyncadd.s32 $0xFFFFFC18  }
0x895: {  	[hbm4b:s1+s16] =	stream.linear.scatter [tilespmem:s8], [sflag:$0x2], $0x3E8, $0x38;
	[tilespmem:$0x11FF0] =	vst v63  }
0x896: {  	_ =	swait.ge [sflag:s5], $0x3E8  }
0x897: {  	[sflag:s5] =	ssyncset.done $0x0  }
0x898: {  	s28 =	smul.u32 $0x7D, s9;
	[sflag:s5] =	ssyncadd.s32 $0xFFFFFC18  }
0x899: {  	s29 =	rddreg [dreg:$0x1]  }
0x89a: {  	s30 =	simm.s32 $0x107F0;
	s1 =	sadd.s32 s29, s28  }
0x89b: {  	[hbm4b:s1+s16] =	stream.linear.scatter [tilespmem:s30], [sflag:$0x2], $0x3E8, $0x38;
	[tilespmem:$0x11FF0] =	vst v63  }
0x89c: {  	_ =	swait.ge [sflag:s5], $0x3E8  }
0x89d: {  	s31 =	sld [smem:$0x7FD];
	_ =	sdelay $0x2  }
0x89e: {  	p1 =	seq.s32 s31, $0x1  }
.Ltmp44:
0x89f: {  	_ = 	snop;
	(pc) =	sbr.rel @p1 .LBB2_2-.Ltmp44, $3  }
0x8a0: {  	_ =	sdelay $0x1  }
0x8a1: {  	[sflag:s5] =	ssyncset.done $0x0  }
0x8a2: {  	p0 =	por $0x0, $0x0;
	[sflag:s5] =	ssyncadd.s32 $0xFFFFFC18  }
0x8a3: {  	s1 =	rddreg [dreg:$0x8]  }
0x8a4: {  	s0 =	rddreg [dreg:$0x7];
	s1 =	sadd.s32 $0x1, s1  }
0x8a5: {  	p0 =	sne.s32 s1, s0  }
.Ltmp45:
0x8a6: {  	_ = 	snop;
	(pc) =	sbr.rel @p0 .LBB2_1-.Ltmp45, $1  }
0x8a7: {  	_ =	sdelay $0x3  }
0x8a8: {  	_ =	sfence.sel $0x180000  }
0x8a9: {  	[bflag:$0x0] =	sbarrier.arrive $0xFFFF  }
0x8aa: {  	_ =	strace $0x90000047  }
0x8ab: {  	s0 =	stileid.u32;
	[bflag:$0x2] =	sbarrier.arrive $0xFFFF  }
0x8ac: {  	p0 =	sne.s32 s0, $0x0;
	s0 =	rddreg [dreg:$0x2]  }
0x8ad: {  	s0 =	sadd.s32 @!p0 $0x100000, s0  }
0x8ae: {  	[sflag:s0] =	ssyncadd.tile.s32 @!p0 $0x1;
	_ =	shalt  }
.Lfunc_end2:
_tile_overlayer_lowered:
.L_overlay_start_2:
0x8af: {  	(tag) =	ssettag $0x2  }
0x8b0: {  	s0 =	rddreg [dreg:$0x0];
	s2 =	stileid.u32  }
0x8b1: {  	s1 =	rddreg [dreg:$0x1];
	p0 =	sne.s32 s2, $0x0  }
0x8b2: {  	s3 =	rddreg [dreg:$0x2];
	[bflag:$0x3] =	sbarrier.arrive $0xFFFF;
	s2 =	simm.s32 @!p0 $0x1C02  }
0x8b3: {  	[timem:s3], [sflag:s2] =	dma.local @!p0 [hbm:s0], s1  }
0x8b4: {  	s0 =	simm.s32 @!p0 $0x2  }
0x8b5: {  	_ =	swait.ge @!p0 [sflag:s0], s1  }
0x8b6: {  	s1 =	ssub.s32 @!p0 $0x0, s1;
	[sflag:s0] =	ssyncset.done @!p0 $0x0  }
0x8b7: {  	[sflag:s0] =	ssyncadd.s32 @!p0 s1  }
0x8b8: {  	[bflag:$0x3] =	sbarrier.arrive $0xFFFF  }
0x8b9: {  	_ =	shalt  }

</sc_bundles>
